<compile_context>
chip_gen: v7x
topology: tpu7x:2x2x1
jax: 0.10.2.dev20260603
libtpu: 0.0.44.dev20260713+nightly
codegen_flags: <defaults>
</compile_context>

<pallas_src>
import functools

import jax
import jax.numpy as jnp
import numpy as np
from jax import lax
from jax.experimental import pallas as pl
from jax.experimental.pallas import tpu as pltpu
from jax.experimental.pallas import tpu_sc as plsc

N = 10000
E = 160000
D_IN = 256
D_H = 256
D_OUT = 128
BN_EPS = 1e-5

NC = 2
NS = 16
STRIPE = 1000
NSTRIPES = N // STRIPE
CHUNK = 128
NB = 2
N_PAD = N + 8

EPT = 10240
EP = NS * EPT
EPW = 5120



def _sc_mesh():
  return plsc.VectorSubcoreMesh(
      core_axis_name="c", subcore_axis_name="s", num_cores=NC, num_subcores=NS
  )


def _agg_pipeline(src_hbm, dst_hbm, hs_hbm, acc, idx_s, idx_d, rows, sems,
                  sem_s0, sem_s1, src_base, dst_base, n_chunks):
  assert n_chunks % 4 == 0
  del sem_s1
  sem_s = sem_s0

  def load_idx(j, q):
    pltpu.sync_copy(src_hbm.at[pl.ds(src_base + j * CHUNK, CHUNK)], idx_s.at[q])
    pltpu.sync_copy(dst_hbm.at[pl.ds(dst_base + j * CHUNK, CHUNK)], idx_d.at[q])

  def start_gather(q4, q2):
    pltpu.async_copy(hs_hbm.at[idx_s.at[q4]], rows.at[q2], sems[q2])

  def wait_gather(q4, q2):
    pltpu.make_async_copy(hs_hbm.at[idx_s.at[q4]], rows.at[q2], sems[q2]).wait()

  load_idx(0, 0)
  load_idx(1, 1)
  start_gather(0, 0)
  start_gather(1, 1)

  def body(jj, carry):
    for b4 in range(4):
      j = 4 * jj + b4
      b2 = b4 % 2
      wait_gather(b4, b2)
      desc = pltpu.async_copy(rows.at[b2], acc.at[idx_d.at[b4]], sem_s, add=True)

      @pl.when(j + 2 < n_chunks)
      def _prefetch_idx():
        load_idx(j + 2, (b4 + 2) % 4)

      desc.wait()

      @pl.when(j + 2 < n_chunks)
      def _next_gather():
        start_gather((b4 + 2) % 4, b2)

    return carry

  lax.fori_loop(0, n_chunks // 4, body, 0)


@functools.lru_cache(maxsize=None)
def _make_deg_kernel():
  n_chunks = EPW // CHUNK

  @functools.partial(
      pl.kernel,
      out_type=jax.ShapeDtypeStruct((NC, N, 128), jnp.float32),
      mesh=_sc_mesh(),
      scratch_types=[
          pltpu.VMEM((2, CHUNK), jnp.int32),
          pltpu.VMEM((CHUNK, 128), jnp.float32),
          pltpu.VMEM_SHARED((N_PAD, 128), jnp.float32),
          pltpu.SemaphoreType.DMA,
      ],
  )
  def deg_kernel(dst_hbm, zeros_hbm, ones_hbm, out_hbm, idx_d, ones_v, acc, sem_s):
    c = lax.axis_index("c")
    s = lax.axis_index("s")
    pltpu.sync_copy(ones_hbm, ones_v)

    @pl.when(s < NSTRIPES)
    def _init():
      pltpu.sync_copy(
          zeros_hbm.at[pl.ds(s * STRIPE, STRIPE)],
          acc.at[pl.ds(s * STRIPE, STRIPE)],
      )

    plsc.subcore_barrier()
    base = (c * NS + s) * EPW

    def load_idx(j, q):
      pltpu.sync_copy(dst_hbm.at[pl.ds(base + j * CHUNK, CHUNK)], idx_d.at[q])

    load_idx(0, 0)

    def body(jj, carry):
      for b in range(2):
        j = 2 * jj + b
        desc = pltpu.async_copy(ones_v, acc.at[idx_d.at[b]], sem_s, add=True)

        @pl.when(j + 1 < n_chunks)
        def _prefetch():
          load_idx(j + 1, (b + 1) % 2)

        desc.wait()
      return carry

    lax.fori_loop(0, n_chunks // 2, body, 0)
    plsc.subcore_barrier()

    @pl.when(s < NSTRIPES)
    def _out():
      pltpu.sync_copy(
          acc.at[pl.ds(s * STRIPE, STRIPE)],
          out_hbm.at[c, pl.ds(s * STRIPE, STRIPE)],
      )

  return deg_kernel


def _agg_scratch(half):
  return [
      pltpu.VMEM((4, CHUNK), jnp.int32),
      pltpu.VMEM((4, CHUNK), jnp.int32),
      pltpu.VMEM((NB, CHUNK, half), jnp.float32),
      pltpu.VMEM_SHARED((N_PAD, half), jnp.float32),
      pltpu.SemaphoreType.DMA,
      pltpu.SemaphoreType.DMA,
      pltpu.SemaphoreType.DMA,
      pltpu.SemaphoreType.DMA,
  ]


@functools.lru_cache(maxsize=None)
def _make_agg_kernel(half):
  n_chunks = EPT // CHUNK

  @functools.partial(
      pl.kernel,
      out_type=jax.ShapeDtypeStruct((NC, N, half), jnp.float32),
      mesh=_sc_mesh(),
      scratch_types=_agg_scratch(half),
  )
  def agg_kernel(srcc_hbm, dst_hbm, hs_hbm, out_hbm, idx_s, idx_d, rows, acc,
                 sg0, sg1, ss0, ss1):
    c = lax.axis_index("c")
    s = lax.axis_index("s")
    @pl.when(s < NSTRIPES)
    def _init():
      pltpu.sync_copy(
          hs_hbm.at[pl.ds(c * N + s * STRIPE, STRIPE)],
          acc.at[pl.ds(s * STRIPE, STRIPE)],
      )

    plsc.subcore_barrier()
    _agg_pipeline(srcc_hbm, dst_hbm, hs_hbm, acc, idx_s, idx_d, rows,
                  (sg0, sg1), ss0, ss1,
                  src_base=c * EP + s * EPT, dst_base=s * EPT,
                  n_chunks=n_chunks)
    plsc.subcore_barrier()

    @pl.when(s < NSTRIPES)
    def _out():
      pltpu.sync_copy(
          acc.at[pl.ds(s * STRIPE, STRIPE)],
          out_hbm.at[c, pl.ds(s * STRIPE, STRIPE)],
      )

  return agg_kernel


@functools.lru_cache(maxsize=None)
def _make_agg3_kernel():
  n_chunks = EPW // CHUNK

  @functools.partial(
      pl.kernel,
      out_type=jax.ShapeDtypeStruct((NC, N, D_OUT), jnp.float32),
      mesh=_sc_mesh(),
      scratch_types=_agg_scratch(D_OUT),
  )
  def agg3_kernel(src_hbm, dst_hbm, hs_hbm, out_hbm, idx_s, idx_d, rows, acc,
                  sg0, sg1, ss0, ss1):
    c = lax.axis_index("c")
    s = lax.axis_index("s")

    @pl.when(s < NSTRIPES)
    def _init():
      pltpu.sync_copy(
          hs_hbm.at[pl.ds(s * STRIPE, STRIPE)],
          acc.at[pl.ds(s * STRIPE, STRIPE)],
      )

    plsc.subcore_barrier()
    base = (c * NS + s) * EPW
    _agg_pipeline(src_hbm, dst_hbm, hs_hbm, acc, idx_s, idx_d, rows,
                  (sg0, sg1), ss0, ss1,
                  src_base=base, dst_base=base, n_chunks=n_chunks)
    plsc.subcore_barrier()

    @pl.when(s < NSTRIPES)
    def _out():
      pltpu.sync_copy(
          acc.at[pl.ds(s * STRIPE, STRIPE)],
          out_hbm.at[c, pl.ds(s * STRIPE, STRIPE)],
      )

  return agg3_kernel



_BN_ROWS = 1000


def _k1_body(x_ref, w_ref, parts_ref, hs_ref, dinv_ref):
  deg = parts_ref[0, :, 0:1] + parts_ref[1, :, 0:1] + 1.0
  dv = lax.rsqrt(jnp.maximum(deg, 1.0))
  h = lax.dot_general(
      x_ref[...], w_ref[...], (((1,), (0,)), ((), ())),
      preferred_element_type=jnp.float32,
  )
  hs = h * dv
  hs_ref[0] = hs[:, :128]
  hs_ref[1] = hs[:, 128:]
  dinv_ref[...] = dv


def _k1(x, w1, parts):
  g = N // _BN_ROWS
  return pl.pallas_call(
      _k1_body,
      grid=(g,),
      in_specs=[
          pl.BlockSpec((_BN_ROWS, D_IN), lambda i: (i, 0)),
          pl.BlockSpec((D_IN, D_H), lambda i: (0, 0)),
          pl.BlockSpec((NC, _BN_ROWS, 128), lambda i: (0, i, 0)),
      ],
      out_specs=[
          pl.BlockSpec((NC, _BN_ROWS, D_H // 2), lambda i: (0, i, 0)),
          pl.BlockSpec((_BN_ROWS, 1), lambda i: (i, 0)),
      ],
      out_shape=[
          jax.ShapeDtypeStruct((NC, N, D_H // 2), jnp.float32),
          jax.ShapeDtypeStruct((N, 1), jnp.float32),
      ],
  )(x, w1, parts)


def _make_mid_body(d_out, split):
  half = d_out // 2
  bn_c = float(1.0 / np.sqrt(np.float32(1.0 + BN_EPS), dtype=np.float32))

  def body(agg_ref, dinv_ref, b_ref, g_ref, be_ref, w_ref, hs_ref):
    dv = dinv_ref[...]
    a = jnp.concatenate([agg_ref[0], agg_ref[1]], axis=1)
    prev = a * dv + b_ref[...]
    t = prev * (g_ref[...] * bn_c) + be_ref[...]
    h = jnp.maximum(t, 0.0)
    hs = lax.dot_general(
        h, w_ref[...], (((1,), (0,)), ((), ())),
        preferred_element_type=jnp.float32,
    ) * dv
    if split:
      hs_ref[0] = hs[:, :half]
      hs_ref[1] = hs[:, half:]
    else:
      hs_ref[...] = hs

  return body


def _mid_layer(agg, dinv, b, gm, be, w, d_out, split=True):
  g = N // _BN_ROWS
  half = d_out // 2
  if split:
    out_specs = pl.BlockSpec((NC, _BN_ROWS, half), lambda i: (0, i, 0))
    out_shape = jax.ShapeDtypeStruct((NC, N, half), jnp.float32)
  else:
    out_specs = pl.BlockSpec((_BN_ROWS, d_out), lambda i: (i, 0))
    out_shape = jax.ShapeDtypeStruct((N, d_out), jnp.float32)
  return pl.pallas_call(
      _make_mid_body(d_out, split),
      grid=(g,),
      in_specs=[
          pl.BlockSpec((NC, _BN_ROWS, D_H // 2), lambda i: (0, i, 0)),
          pl.BlockSpec((_BN_ROWS, 1), lambda i: (i, 0)),
          pl.BlockSpec((1, D_H), lambda i: (0, 0)),
          pl.BlockSpec((1, D_H), lambda i: (0, 0)),
          pl.BlockSpec((1, D_H), lambda i: (0, 0)),
          pl.BlockSpec((D_H, d_out), lambda i: (0, 0)),
      ],
      out_specs=out_specs,
      out_shape=out_shape,
  )(agg, dinv, b.reshape(1, -1), gm.reshape(1, -1), be.reshape(1, -1), w)


def _k4_body(agg_ref, hs3_ref, dinv_ref, b_ref, out_ref):
  a = agg_ref[0] + agg_ref[1] - hs3_ref[...]
  out_ref[...] = a * dinv_ref[...] + b_ref[...]


def _k4(agg, hs3, dinv, b3):
  g = N // _BN_ROWS
  return pl.pallas_call(
      _k4_body,
      grid=(g,),
      in_specs=[
          pl.BlockSpec((NC, _BN_ROWS, D_OUT), lambda i: (0, i, 0)),
          pl.BlockSpec((_BN_ROWS, D_OUT), lambda i: (i, 0)),
          pl.BlockSpec((_BN_ROWS, 1), lambda i: (i, 0)),
          pl.BlockSpec((1, D_OUT), lambda i: (0, 0)),
      ],
      out_specs=pl.BlockSpec((_BN_ROWS, D_OUT), lambda i: (i, 0)),
      out_shape=jax.ShapeDtypeStruct((N, D_OUT), jnp.float32),
  )(agg, hs3, dinv, b3.reshape(1, -1))




def kernel(x, edge_index, W1, b1, g1, be1, W2, b2, g2, be2, W3, b3):
  src = edge_index[0]
  dst = edge_index[1]
  ept0 = E // NS
  epw0 = E // (NC * NS)
  src_p = jnp.pad(src.reshape(NS, ept0), ((0, 0), (0, EPT - ept0))).reshape(-1)
  dst_p = jnp.pad(dst.reshape(NS, ept0), ((0, 0), (0, EPT - ept0)),
                  constant_values=N).reshape(-1)
  srcc_p = jnp.concatenate([src_p, src_p + N])
  src3_p = jnp.pad(src.reshape(NC * NS, epw0),
                   ((0, 0), (0, EPW - epw0))).reshape(-1)
  dst3_p = jnp.pad(dst.reshape(NC * NS, epw0), ((0, 0), (0, EPW - epw0)),
                   constant_values=N).reshape(-1)
  zeros128 = jnp.zeros((N, 128), jnp.float32)
  ones128 = jnp.ones((CHUNK, 128), jnp.float32)

  parts = _make_deg_kernel()(dst3_p, zeros128, ones128)
  hs1, dinv = _k1(x, W1, parts)
  agg1 = _make_agg_kernel(D_H // 2)(srcc_p, dst_p, hs1.reshape(NC * N, D_H // 2))
  hs2 = _mid_layer(agg1, dinv, b1, g1, be1, W2, D_H)
  agg2 = _make_agg_kernel(D_H // 2)(srcc_p, dst_p, hs2.reshape(NC * N, D_H // 2))
  hs3 = _mid_layer(agg2, dinv, b2, g2, be2, W3, D_OUT, split=False)
  agg3 = _make_agg3_kernel()(src3_p, dst3_p, hs3)
  return _k4(agg3, hs3, dinv, b3)

# --- scband reference (transcript-rebuilt; emitter-appended) ---
"""Pipeline reference for scband-gcn-34419867910940 (READ-ONLY COPY).

The authoritative reference and input builder live on the scoring server;
editing this copy changes nothing except your own understanding.
"""

import jax, jax.numpy as jnp
import numpy as np

N = 10000
E = 160000
D_IN = 256
D_H = 256
D_OUT = 128
BN_EPS = 1e-5


def setup_inputs(seed: int = 0) -> dict:
    key = jax.random.key(seed)
    ks = jax.random.split(key, 12)
    x = jax.random.normal(ks[0], (N, D_IN), dtype=jnp.float32)
    edge_index = jax.random.randint(ks[1], (2, E), 0, N, dtype=jnp.int32)
    s1 = 1.0 / np.sqrt(D_IN)
    s2 = 1.0 / np.sqrt(D_H)
    W1 = jax.random.uniform(ks[2], (D_IN, D_H), jnp.float32, -s1, s1)
    b1 = jnp.zeros((D_H,), jnp.float32)
    g1 = jnp.ones((D_H,), jnp.float32)
    be1 = jnp.zeros((D_H,), jnp.float32)
    W2 = jax.random.uniform(ks[3], (D_H, D_H), jnp.float32, -s2, s2)
    b2 = jnp.zeros((D_H,), jnp.float32)
    g2 = jnp.ones((D_H,), jnp.float32)
    be2 = jnp.zeros((D_H,), jnp.float32)
    W3 = jax.random.uniform(ks[4], (D_H, D_OUT), jnp.float32, -s2, s2)
    b3 = jnp.zeros((D_OUT,), jnp.float32)
    return {"x": x, "edge_index": edge_index, "W1": W1, "b1": b1, "g1": g1, "be1": be1,
            "W2": W2, "b2": b2, "g2": g2, "be2": be2, "W3": W3, "b3": b3}


def _gcn_conv(x, edge_index, W, b):
    n = x.shape[0]
    loops = jnp.arange(n, dtype=edge_index.dtype)
    src = jnp.concatenate([edge_index[0], loops])
    dst = jnp.concatenate([edge_index[1], loops])
    deg = jax.ops.segment_sum(jnp.ones(src.shape[0], x.dtype), dst, num_segments=n)
    dinv = jax.lax.rsqrt(jnp.maximum(deg, 1.0))
    norm = dinv[src] * dinv[dst]
    h = x @ W
    msg = h[src] * norm[:, None]
    out = jax.ops.segment_sum(msg, dst, num_segments=n)
    return out + b


def _bn_eval(x, g, b):
    # eval-mode BatchNorm1d: running_mean=0, running_var=1
    return x * (g * jax.lax.rsqrt(jnp.asarray(1.0 + BN_EPS, x.dtype))) + b


def reference(x, edge_index, W1, b1, g1, be1, W2, b2, g2, be2, W3, b3):
    h = _gcn_conv(x, edge_index, W1, b1)
    h = jax.nn.relu(_bn_eval(h, g1, be1))
    h = _gcn_conv(h, edge_index, W2, b2)
    h = jax.nn.relu(_bn_eval(h, g2, be2))
    out = _gcn_conv(h, edge_index, W3, b3)
    return out

if __name__ == "__main__":
    import jax
    _d = setup_inputs()
    print(jax.jit(kernel)(*tuple(_d.values())))

</pallas_src>

<mosaic_0001>
#map = affine_map<(d0, d1) -> (0)>
#map1 = affine_map<(d0, d1) -> (0, 0)>
#map2 = affine_map<(d0, d1) -> (0, 0, 0)>
module attributes {stable_mosaic.version = 14 : i64} {
  func.func @deg_kernel(%arg0: i32, %arg1: i32, %arg2: memref<163840xi32, #tpu.memory_space<hbm>>, %arg3: memref<10000x128xf32, #tpu.memory_space<hbm>>, %arg4: memref<128x128xf32, #tpu.memory_space<hbm>>, %arg5: memref<2x10000x128xf32, #tpu.memory_space<hbm>>, %arg6: memref<2x128xi32, #tpu.memory_space<vmem>>, %arg7: memref<128x128xf32, #tpu.memory_space<vmem>>, %arg8: memref<10008x128xf32, #tpu.memory_space<vmem_shared>>, %arg9: memref<!tpu.dma_semaphore, #tpu.memory_space<semaphore_mem>>) attributes {dimension_semantics = [#tpu.dimension_semantics<core_parallel>, #tpu.dimension_semantics<subcore_parallel>], iteration_bounds = array<i64: 2, 16>, scalar_prefetch = 0 : i64, scratch_operands = 4 : i64, tpu.core_type = #tpu.core_type<sc_vector_subcore>, window_params = [{transform_indices = #map}, {transform_indices = #map1}, {transform_indices = #map1}, {transform_indices = #map2}]} {
    "tpu.region"() ({
      %run_scoped3A_18 = tpu.sem_alloc : memref<!tpu.dma_semaphore, #tpu.memory_space<semaphore_mem>>
      tpu.enqueue_dma source(%arg4 : memref<128x128xf32, #tpu.memory_space<hbm>>) target(%arg7 : memref<128x128xf32, #tpu.memory_space<vmem>>) target_semaphore(%run_scoped3A_18 : memref<!tpu.dma_semaphore, #tpu.memory_space<semaphore_mem>>)
      tpu.wait_dma2 semaphore(%run_scoped3A_18 : memref<!tpu.dma_semaphore, #tpu.memory_space<semaphore_mem>>) src(%arg4 : memref<128x128xf32, #tpu.memory_space<hbm>>) dst(%arg7 : memref<128x128xf32, #tpu.memory_space<vmem>>)
      tpu.yield
    }) : () -> ()
    %lt3A = arith.constant 10 : i32
    %lt3A_0 = arith.cmpi slt, %arg1, %lt3A : i32
    %convert_element_type3A = arith.extui %lt3A_0 : i1 to i32
    %cond3A = arith.constant 0 : i32
    %cond3A_1 = arith.cmpi ne, %convert_element_type3A, %cond3A : i32
    scf.if %cond3A_1 {
      %mul3A_18 = arith.constant 1000 : i32
      %mul3A_19 = arith.muli %arg1, %mul3A_18 : i32
      %mul3A_20 = arith.constant 1000 : i32
      %mul3A_21 = arith.muli %arg1, %mul3A_20 : i32
      "tpu.region"() ({
        %run_scoped3A_22 = tpu.sem_alloc : memref<!tpu.dma_semaphore, #tpu.memory_space<semaphore_mem>>
        %dma_start3A = arith.constant 0 : i32
        %dma_start3A_23 = tpu.memref_slice %arg8[%mul3A_21, %dma_start3A] : memref<10008x128xf32, #tpu.memory_space<vmem_shared>> -> memref<1000x128xf32, #tpu.memory_space<vmem_shared>>
        %dma_start3A_24 = arith.constant 0 : i32
        %dma_start3A_25 = tpu.memref_slice %arg3[%mul3A_19, %dma_start3A_24] : memref<10000x128xf32, #tpu.memory_space<hbm>> -> memref<1000x128xf32, #tpu.memory_space<hbm>>
        tpu.enqueue_dma source(%dma_start3A_25 : memref<1000x128xf32, #tpu.memory_space<hbm>>) target(%dma_start3A_23 : memref<1000x128xf32, #tpu.memory_space<vmem_shared>>) target_semaphore(%run_scoped3A_22 : memref<!tpu.dma_semaphore, #tpu.memory_space<semaphore_mem>>)
        %dma_wait3A = arith.constant 0 : i32
        %dma_wait3A_26 = tpu.memref_slice %arg8[%mul3A_21, %dma_wait3A] : memref<10008x128xf32, #tpu.memory_space<vmem_shared>> -> memref<1000x128xf32, #tpu.memory_space<vmem_shared>>
        %dma_wait3A_27 = arith.constant 0 : i32
        %dma_wait3A_28 = tpu.memref_slice %arg3[%mul3A_19, %dma_wait3A_27] : memref<10000x128xf32, #tpu.memory_space<hbm>> -> memref<1000x128xf32, #tpu.memory_space<hbm>>
        tpu.wait_dma2 semaphore(%run_scoped3A_22 : memref<!tpu.dma_semaphore, #tpu.memory_space<semaphore_mem>>) src(%dma_wait3A_28 : memref<1000x128xf32, #tpu.memory_space<hbm>>) dst(%dma_wait3A_26 : memref<1000x128xf32, #tpu.memory_space<vmem_shared>>)
        tpu.yield
      }) : () -> ()
    } else {
    }
    %barrier3A = arith.constant 0 : index
    tpu.barrier barrier_id(%barrier3A)
    %mul3A = arith.constant 16 : i32
    %mul3A_2 = arith.muli %arg0, %mul3A : i32
    %add3A = arith.addi %mul3A_2, %arg1 : i32
    %mul3A_3 = arith.constant 5120 : i32
    %mul3A_4 = arith.muli %add3A, %mul3A_3 : i32
    %add3A_5 = arith.constant 0 : i32
    %add3A_6 = arith.addi %mul3A_4, %add3A_5 : i32
    %run_scoped3A = arith.constant 0 : i32
    "tpu.region"() ({
      %run_scoped3A_18 = tpu.sem_alloc : memref<!tpu.dma_semaphore, #tpu.memory_space<semaphore_mem>>
      %dma_start3A = arith.constant 0 : i32
      %dma_start3A_19 = tpu.memref_slice %arg6[%run_scoped3A, %dma_start3A] : memref<2x128xi32, #tpu.memory_space<vmem>> -> memref<1x128xi32, #tpu.memory_space<vmem>>
      %dma_start3A_20 = tpu.memref_squeeze %dma_start3A_19 : memref<1x128xi32, #tpu.memory_space<vmem>> -> memref<128xi32, #tpu.memory_space<vmem>>
      %dma_start3A_21 = tpu.memref_slice %arg2[%add3A_6] : memref<163840xi32, #tpu.memory_space<hbm>> -> memref<128xi32, #tpu.memory_space<hbm>>
      %dma_start3A_22 = arith.constant 0 : i32
      %dma_start3A_23 = tpu.memref_slice %arg6[%run_scoped3A, %dma_start3A_22] : memref<2x128xi32, #tpu.memory_space<vmem>> -> memref<1x128xi32, #tpu.memory_space<vmem>>
      %dma_start3A_24 = tpu.memref_squeeze %dma_start3A_23 : memref<1x128xi32, #tpu.memory_space<vmem>> -> memref<128xi32, #tpu.memory_space<vmem>>
      %dma_start3A_25 = tpu.memref_slice %arg2[%add3A_6] : memref<163840xi32, #tpu.memory_space<hbm>> -> memref<128xi32, #tpu.memory_space<hbm>>
      tpu.enqueue_dma source(%dma_start3A_25 : memref<128xi32, #tpu.memory_space<hbm>>) target(%dma_start3A_24 : memref<128xi32, #tpu.memory_space<vmem>>) target_semaphore(%run_scoped3A_18 : memref<!tpu.dma_semaphore, #tpu.memory_space<semaphore_mem>>)
      %dma_wait3A = arith.constant 0 : i32
      %dma_wait3A_26 = tpu.memref_slice %arg6[%run_scoped3A, %dma_wait3A] : memref<2x128xi32, #tpu.memory_space<vmem>> -> memref<1x128xi32, #tpu.memory_space<vmem>>
      %dma_wait3A_27 = tpu.memref_squeeze %dma_wait3A_26 : memref<1x128xi32, #tpu.memory_space<vmem>> -> memref<128xi32, #tpu.memory_space<vmem>>
      %dma_wait3A_28 = tpu.memref_slice %arg2[%add3A_6] : memref<163840xi32, #tpu.memory_space<hbm>> -> memref<128xi32, #tpu.memory_space<hbm>>
      %dma_wait3A_29 = arith.constant 0 : i32
      %dma_wait3A_30 = tpu.memref_slice %arg6[%run_scoped3A, %dma_wait3A_29] : memref<2x128xi32, #tpu.memory_space<vmem>> -> memref<1x128xi32, #tpu.memory_space<vmem>>
      %dma_wait3A_31 = tpu.memref_squeeze %dma_wait3A_30 : memref<1x128xi32, #tpu.memory_space<vmem>> -> memref<128xi32, #tpu.memory_space<vmem>>
      %dma_wait3A_32 = tpu.memref_slice %arg2[%add3A_6] : memref<163840xi32, #tpu.memory_space<hbm>> -> memref<128xi32, #tpu.memory_space<hbm>>
      tpu.wait_dma2 semaphore(%run_scoped3A_18 : memref<!tpu.dma_semaphore, #tpu.memory_space<semaphore_mem>>) src(%dma_wait3A_32 : memref<128xi32, #tpu.memory_space<hbm>>) dst(%dma_wait3A_31 : memref<128xi32, #tpu.memory_space<vmem>>)
      tpu.yield
    }) : () -> ()
    %scan3A = arith.constant 0 : i32
    %scan3A_7 = arith.constant 0 : i32
    %scan3A_8 = arith.constant 20 : i32
    %scan3A_9 = arith.addi %scan3A_7, %scan3A_8 : i32
    %scan3A_10 = arith.constant 1 : i32
    scf.for %scan3A_18 = %scan3A_7 to %scan3A_9 step %scan3A_10  : i32 {
      %mul3A_19 = arith.constant 2 : i32
      %mul3A_20 = arith.muli %mul3A_19, %scan3A_18 : i32
      %add3A_21 = arith.constant 0 : i32
      %add3A_22 = arith.addi %mul3A_20, %add3A_21 : i32
      %dma_start3A = arith.constant 0 : i32
      %dma_start3A_23 = arith.constant 0 : i32
      %dma_start3A_24 = tpu.memref_slice %arg6[%dma_start3A, %dma_start3A_23] : memref<2x128xi32, #tpu.memory_space<vmem>> -> memref<1x128xi32, #tpu.memory_space<vmem>>
      %dma_start3A_25 = tpu.memref_squeeze %dma_start3A_24 : memref<1x128xi32, #tpu.memory_space<vmem>> -> memref<128xi32, #tpu.memory_space<vmem>>
      %dma_start3A_26 = arith.constant 0 : i32
      %dma_start3A_27 = arith.constant 0 : i32
      %dma_start3A_28 = tpu.memref_slice %arg8[%dma_start3A_26, %dma_start3A_27] : memref<10008x128xf32, #tpu.memory_space<vmem_shared>> -> memref<10008x128xf32, #tpu.memory_space<vmem_shared>>
      tpu.enqueue_indirect_dma source(%arg7 : memref<128x128xf32, #tpu.memory_space<vmem>>) target(%dma_start3A_28 : memref<10008x128xf32, #tpu.memory_space<vmem_shared>>) offsets(%dma_start3A_25 : memref<128xi32, #tpu.memory_space<vmem>>) semaphore(%arg9 : memref<!tpu.dma_semaphore, #tpu.memory_space<semaphore_mem>>) {add = true}
      %add3A_29 = arith.constant 1 : i32
      %add3A_30 = arith.addi %add3A_22, %add3A_29 : i32
      %lt3A_31 = arith.constant 40 : i32
      %lt3A_32 = arith.cmpi slt, %add3A_30, %lt3A_31 : i32
      %convert_element_type3A_33 = arith.extui %lt3A_32 : i1 to i32
      %cond3A_34 = arith.constant 0 : i32
      %cond3A_35 = arith.cmpi ne, %convert_element_type3A_33, %cond3A_34 : i32
      scf.if %cond3A_35 {
        %add3A_67 = arith.constant 1 : i32
        %add3A_68 = arith.addi %add3A_22, %add3A_67 : i32
        %mul3A_69 = arith.constant 128 : i32
        %mul3A_70 = arith.muli %add3A_68, %mul3A_69 : i32
        %add3A_71 = arith.addi %mul3A_4, %mul3A_70 : i32
        %run_scoped3A_72 = arith.constant 1 : i32
        "tpu.region"() ({
          %run_scoped3A_73 = tpu.sem_alloc : memref<!tpu.dma_semaphore, #tpu.memory_space<semaphore_mem>>
          %dma_start3A_74 = arith.constant 0 : i32
          %dma_start3A_75 = tpu.memref_slice %arg6[%run_scoped3A_72, %dma_start3A_74] : memref<2x128xi32, #tpu.memory_space<vmem>> -> memref<1x128xi32, #tpu.memory_space<vmem>>
          %dma_start3A_76 = tpu.memref_squeeze %dma_start3A_75 : memref<1x128xi32, #tpu.memory_space<vmem>> -> memref<128xi32, #tpu.memory_space<vmem>>
          %dma_start3A_77 = tpu.memref_slice %arg2[%add3A_71] : memref<163840xi32, #tpu.memory_space<hbm>> -> memref<128xi32, #tpu.memory_space<hbm>>
          %dma_start3A_78 = arith.constant 0 : i32
          %dma_start3A_79 = tpu.memref_slice %arg6[%run_scoped3A_72, %dma_start3A_78] : memref<2x128xi32, #tpu.memory_space<vmem>> -> memref<1x128xi32, #tpu.memory_space<vmem>>
          %dma_start3A_80 = tpu.memref_squeeze %dma_start3A_79 : memref<1x128xi32, #tpu.memory_space<vmem>> -> memref<128xi32, #tpu.memory_space<vmem>>
          %dma_start3A_81 = tpu.memref_slice %arg2[%add3A_71] : memref<163840xi32, #tpu.memory_space<hbm>> -> memref<128xi32, #tpu.memory_space<hbm>>
          tpu.enqueue_dma source(%dma_start3A_81 : memref<128xi32, #tpu.memory_space<hbm>>) target(%dma_start3A_80 : memref<128xi32, #tpu.memory_space<vmem>>) target_semaphore(%run_scoped3A_73 : memref<!tpu.dma_semaphore, #tpu.memory_space<semaphore_mem>>)
          %dma_wait3A_82 = arith.constant 0 : i32
          %dma_wait3A_83 = tpu.memref_slice %arg6[%run_scoped3A_72, %dma_wait3A_82] : memref<2x128xi32, #tpu.memory_space<vmem>> -> memref<1x128xi32, #tpu.memory_space<vmem>>
          %dma_wait3A_84 = tpu.memref_squeeze %dma_wait3A_83 : memref<1x128xi32, #tpu.memory_space<vmem>> -> memref<128xi32, #tpu.memory_space<vmem>>
          %dma_wait3A_85 = tpu.memref_slice %arg2[%add3A_71] : memref<163840xi32, #tpu.memory_space<hbm>> -> memref<128xi32, #tpu.memory_space<hbm>>
          %dma_wait3A_86 = arith.constant 0 : i32
          %dma_wait3A_87 = tpu.memref_slice %arg6[%run_scoped3A_72, %dma_wait3A_86] : memref<2x128xi32, #tpu.memory_space<vmem>> -> memref<1x128xi32, #tpu.memory_space<vmem>>
          %dma_wait3A_88 = tpu.memref_squeeze %dma_wait3A_87 : memref<1x128xi32, #tpu.memory_space<vmem>> -> memref<128xi32, #tpu.memory_space<vmem>>
          %dma_wait3A_89 = tpu.memref_slice %arg2[%add3A_71] : memref<163840xi32, #tpu.memory_space<hbm>> -> memref<128xi32, #tpu.memory_space<hbm>>
          tpu.wait_dma2 semaphore(%run_scoped3A_73 : memref<!tpu.dma_semaphore, #tpu.memory_space<semaphore_mem>>) src(%dma_wait3A_89 : memref<128xi32, #tpu.memory_space<hbm>>) dst(%dma_wait3A_88 : memref<128xi32, #tpu.memory_space<vmem>>)
          tpu.yield
        }) : () -> ()
      } else {
      }
      %dma_wait3A = arith.constant 0 : i32
      %dma_wait3A_36 = arith.constant 0 : i32
      %dma_wait3A_37 = tpu.memref_slice %arg6[%dma_wait3A, %dma_wait3A_36] : memref<2x128xi32, #tpu.memory_space<vmem>> -> memref<1x128xi32, #tpu.memory_space<vmem>>
      %dma_wait3A_38 = tpu.memref_squeeze %dma_wait3A_37 : memref<1x128xi32, #tpu.memory_space<vmem>> -> memref<128xi32, #tpu.memory_space<vmem>>
      %dma_wait3A_39 = arith.constant 0 : i32
      %dma_wait3A_40 = arith.constant 0 : i32
      %dma_wait3A_41 = tpu.memref_slice %arg8[%dma_wait3A_39, %dma_wait3A_40] : memref<10008x128xf32, #tpu.memory_space<vmem_shared>> -> memref<10008x128xf32, #tpu.memory_space<vmem_shared>>
      tpu.wait_indirect_dma semaphore(%arg9 : memref<!tpu.dma_semaphore, #tpu.memory_space<semaphore_mem>>) src(%arg7 : memref<128x128xf32, #tpu.memory_space<vmem>>) dst(%dma_wait3A_41 : memref<10008x128xf32, #tpu.memory_space<vmem_shared>>)
      %mul3A_42 = arith.constant 2 : i32
      %mul3A_43 = arith.muli %mul3A_42, %scan3A_18 : i32
      %add3A_44 = arith.constant 1 : i32
      %add3A_45 = arith.addi %mul3A_43, %add3A_44 : i32
      %dma_start3A_46 = arith.constant 1 : i32
      %dma_start3A_47 = arith.constant 0 : i32
      %dma_start3A_48 = tpu.memref_slice %arg6[%dma_start3A_46, %dma_start3A_47] : memref<2x128xi32, #tpu.memory_space<vmem>> -> memref<1x128xi32, #tpu.memory_space<vmem>>
      %dma_start3A_49 = tpu.memref_squeeze %dma_start3A_48 : memref<1x128xi32, #tpu.memory_space<vmem>> -> memref<128xi32, #tpu.memory_space<vmem>>
      %dma_start3A_50 = arith.constant 0 : i32
      %dma_start3A_51 = arith.constant 0 : i32
      %dma_start3A_52 = tpu.memref_slice %arg8[%dma_start3A_50, %dma_start3A_51] : memref<10008x128xf32, #tpu.memory_space<vmem_shared>> -> memref<10008x128xf32, #tpu.memory_space<vmem_shared>>
      tpu.enqueue_indirect_dma source(%arg7 : memref<128x128xf32, #tpu.memory_space<vmem>>) target(%dma_start3A_52 : memref<10008x128xf32, #tpu.memory_space<vmem_shared>>) offsets(%dma_start3A_49 : memref<128xi32, #tpu.memory_space<vmem>>) semaphore(%arg9 : memref<!tpu.dma_semaphore, #tpu.memory_space<semaphore_mem>>) {add = true}
      %add3A_53 = arith.constant 1 : i32
      %add3A_54 = arith.addi %add3A_45, %add3A_53 : i32
      %lt3A_55 = arith.constant 40 : i32
      %lt3A_56 = arith.cmpi slt, %add3A_54, %lt3A_55 : i32
      %convert_element_type3A_57 = arith.extui %lt3A_56 : i1 to i32
      %cond3A_58 = arith.constant 0 : i32
      %cond3A_59 = arith.cmpi ne, %convert_element_type3A_57, %cond3A_58 : i32
      scf.if %cond3A_59 {
        %add3A_67 = arith.constant 1 : i32
        %add3A_68 = arith.addi %add3A_45, %add3A_67 : i32
        %mul3A_69 = arith.constant 128 : i32
        %mul3A_70 = arith.muli %add3A_68, %mul3A_69 : i32
        %add3A_71 = arith.addi %mul3A_4, %mul3A_70 : i32
        %run_scoped3A_72 = arith.constant 0 : i32
        "tpu.region"() ({
          %run_scoped3A_73 = tpu.sem_alloc : memref<!tpu.dma_semaphore, #tpu.memory_space<semaphore_mem>>
          %dma_start3A_74 = arith.constant 0 : i32
          %dma_start3A_75 = tpu.memref_slice %arg6[%run_scoped3A_72, %dma_start3A_74] : memref<2x128xi32, #tpu.memory_space<vmem>> -> memref<1x128xi32, #tpu.memory_space<vmem>>
          %dma_start3A_76 = tpu.memref_squeeze %dma_start3A_75 : memref<1x128xi32, #tpu.memory_space<vmem>> -> memref<128xi32, #tpu.memory_space<vmem>>
          %dma_start3A_77 = tpu.memref_slice %arg2[%add3A_71] : memref<163840xi32, #tpu.memory_space<hbm>> -> memref<128xi32, #tpu.memory_space<hbm>>
          %dma_start3A_78 = arith.constant 0 : i32
          %dma_start3A_79 = tpu.memref_slice %arg6[%run_scoped3A_72, %dma_start3A_78] : memref<2x128xi32, #tpu.memory_space<vmem>> -> memref<1x128xi32, #tpu.memory_space<vmem>>
          %dma_start3A_80 = tpu.memref_squeeze %dma_start3A_79 : memref<1x128xi32, #tpu.memory_space<vmem>> -> memref<128xi32, #tpu.memory_space<vmem>>
          %dma_start3A_81 = tpu.memref_slice %arg2[%add3A_71] : memref<163840xi32, #tpu.memory_space<hbm>> -> memref<128xi32, #tpu.memory_space<hbm>>
          tpu.enqueue_dma source(%dma_start3A_81 : memref<128xi32, #tpu.memory_space<hbm>>) target(%dma_start3A_80 : memref<128xi32, #tpu.memory_space<vmem>>) target_semaphore(%run_scoped3A_73 : memref<!tpu.dma_semaphore, #tpu.memory_space<semaphore_mem>>)
          %dma_wait3A_82 = arith.constant 0 : i32
          %dma_wait3A_83 = tpu.memref_slice %arg6[%run_scoped3A_72, %dma_wait3A_82] : memref<2x128xi32, #tpu.memory_space<vmem>> -> memref<1x128xi32, #tpu.memory_space<vmem>>
          %dma_wait3A_84 = tpu.memref_squeeze %dma_wait3A_83 : memref<1x128xi32, #tpu.memory_space<vmem>> -> memref<128xi32, #tpu.memory_space<vmem>>
          %dma_wait3A_85 = tpu.memref_slice %arg2[%add3A_71] : memref<163840xi32, #tpu.memory_space<hbm>> -> memref<128xi32, #tpu.memory_space<hbm>>
          %dma_wait3A_86 = arith.constant 0 : i32
          %dma_wait3A_87 = tpu.memref_slice %arg6[%run_scoped3A_72, %dma_wait3A_86] : memref<2x128xi32, #tpu.memory_space<vmem>> -> memref<1x128xi32, #tpu.memory_space<vmem>>
          %dma_wait3A_88 = tpu.memref_squeeze %dma_wait3A_87 : memref<1x128xi32, #tpu.memory_space<vmem>> -> memref<128xi32, #tpu.memory_space<vmem>>
          %dma_wait3A_89 = tpu.memref_slice %arg2[%add3A_71] : memref<163840xi32, #tpu.memory_space<hbm>> -> memref<128xi32, #tpu.memory_space<hbm>>
          tpu.wait_dma2 semaphore(%run_scoped3A_73 : memref<!tpu.dma_semaphore, #tpu.memory_space<semaphore_mem>>) src(%dma_wait3A_89 : memref<128xi32, #tpu.memory_space<hbm>>) dst(%dma_wait3A_88 : memref<128xi32, #tpu.memory_space<vmem>>)
          tpu.yield
        }) : () -> ()
      } else {
      }
      %dma_wait3A_60 = arith.constant 1 : i32
      %dma_wait3A_61 = arith.constant 0 : i32
      %dma_wait3A_62 = tpu.memref_slice %arg6[%dma_wait3A_60, %dma_wait3A_61] : memref<2x128xi32, #tpu.memory_space<vmem>> -> memref<1x128xi32, #tpu.memory_space<vmem>>
      %dma_wait3A_63 = tpu.memref_squeeze %dma_wait3A_62 : memref<1x128xi32, #tpu.memory_space<vmem>> -> memref<128xi32, #tpu.memory_space<vmem>>
      %dma_wait3A_64 = arith.constant 0 : i32
      %dma_wait3A_65 = arith.constant 0 : i32
      %dma_wait3A_66 = tpu.memref_slice %arg8[%dma_wait3A_64, %dma_wait3A_65] : memref<10008x128xf32, #tpu.memory_space<vmem_shared>> -> memref<10008x128xf32, #tpu.memory_space<vmem_shared>>
      tpu.wait_indirect_dma semaphore(%arg9 : memref<!tpu.dma_semaphore, #tpu.memory_space<semaphore_mem>>) src(%arg7 : memref<128x128xf32, #tpu.memory_space<vmem>>) dst(%dma_wait3A_66 : memref<10008x128xf32, #tpu.memory_space<vmem_shared>>)
    }
    %scan3A_11 = arith.constant 20 : i32
    %barrier3A_12 = arith.constant 0 : index
    tpu.barrier barrier_id(%barrier3A_12)
    %lt3A_13 = arith.constant 10 : i32
    %lt3A_14 = arith.cmpi slt, %arg1, %lt3A_13 : i32
    %convert_element_type3A_15 = arith.extui %lt3A_14 : i1 to i32
    %cond3A_16 = arith.constant 0 : i32
    %cond3A_17 = arith.cmpi ne, %convert_element_type3A_15, %cond3A_16 : i32
    scf.if %cond3A_17 {
      %mul3A_18 = arith.constant 1000 : i32
      %mul3A_19 = arith.muli %arg1, %mul3A_18 : i32
      %mul3A_20 = arith.constant 1000 : i32
      %mul3A_21 = arith.muli %arg1, %mul3A_20 : i32
      "tpu.region"() ({
        %run_scoped3A_22 = tpu.sem_alloc : memref<!tpu.dma_semaphore, #tpu.memory_space<semaphore_mem>>
        %dma_start3A = arith.constant 0 : i32
        %dma_start3A_23 = tpu.memref_slice %arg5[%arg0, %mul3A_21, %dma_start3A] : memref<2x10000x128xf32, #tpu.memory_space<hbm>> -> memref<1x1000x128xf32, #tpu.memory_space<hbm>>
        %dma_start3A_24 = tpu.memref_squeeze %dma_start3A_23 : memref<1x1000x128xf32, #tpu.memory_space<hbm>> -> memref<1000x128xf32, #tpu.memory_space<hbm>>
        %dma_start3A_25 = arith.constant 0 : i32
        %dma_start3A_26 = tpu.memref_slice %arg8[%mul3A_19, %dma_start3A_25] : memref<10008x128xf32, #tpu.memory_space<vmem_shared>> -> memref<1000x128xf32, #tpu.memory_space<vmem_shared>>
        tpu.enqueue_dma source(%dma_start3A_26 : memref<1000x128xf32, #tpu.memory_space<vmem_shared>>) target(%dma_start3A_24 : memref<1000x128xf32, #tpu.memory_space<hbm>>) target_semaphore(%run_scoped3A_22 : memref<!tpu.dma_semaphore, #tpu.memory_space<semaphore_mem>>)
        %dma_wait3A = arith.constant 0 : i32
        %dma_wait3A_27 = tpu.memref_slice %arg5[%arg0, %mul3A_21, %dma_wait3A] : memref<2x10000x128xf32, #tpu.memory_space<hbm>> -> memref<1x1000x128xf32, #tpu.memory_space<hbm>>
        %dma_wait3A_28 = tpu.memref_squeeze %dma_wait3A_27 : memref<1x1000x128xf32, #tpu.memory_space<hbm>> -> memref<1000x128xf32, #tpu.memory_space<hbm>>
        %dma_wait3A_29 = arith.constant 0 : i32
        %dma_wait3A_30 = tpu.memref_slice %arg8[%mul3A_19, %dma_wait3A_29] : memref<10008x128xf32, #tpu.memory_space<vmem_shared>> -> memref<1000x128xf32, #tpu.memory_space<vmem_shared>>
        tpu.wait_dma2 semaphore(%run_scoped3A_22 : memref<!tpu.dma_semaphore, #tpu.memory_space<semaphore_mem>>) src(%dma_wait3A_30 : memref<1000x128xf32, #tpu.memory_space<vmem_shared>>) dst(%dma_wait3A_28 : memref<1000x128xf32, #tpu.memory_space<hbm>>)
        tpu.yield
      }) : () -> ()
    } else {
    }
    return
  }
}

#map = affine_map<(d0, d1) -> (0)>
#map1 = affine_map<(d0, d1) -> (0, 0)>
#map2 = affine_map<(d0, d1) -> (0, 0, 0)>
module attributes {stable_mosaic.version = 14 : i64} {
  func.func @agg_kernel(%arg0: i32, %arg1: i32, %arg2: memref<327680xi32, #tpu.memory_space<hbm>>, %arg3: memref<163840xi32, #tpu.memory_space<hbm>>, %arg4: memref<20000x128xf32, #tpu.memory_space<hbm>>, %arg5: memref<2x10000x128xf32, #tpu.memory_space<hbm>>, %arg6: memref<4x128xi32, #tpu.memory_space<vmem>>, %arg7: memref<4x128xi32, #tpu.memory_space<vmem>>, %arg8: memref<2x128x128xf32, #tpu.memory_space<vmem>>, %arg9: memref<10008x128xf32, #tpu.memory_space<vmem_shared>>, %arg10: memref<!tpu.dma_semaphore, #tpu.memory_space<semaphore_mem>>, %arg11: memref<!tpu.dma_semaphore, #tpu.memory_space<semaphore_mem>>, %arg12: memref<!tpu.dma_semaphore, #tpu.memory_space<semaphore_mem>>, %arg13: memref<!tpu.dma_semaphore, #tpu.memory_space<semaphore_mem>>) attributes {dimension_semantics = [#tpu.dimension_semantics<core_parallel>, #tpu.dimension_semantics<subcore_parallel>], iteration_bounds = array<i64: 2, 16>, scalar_prefetch = 0 : i64, scratch_operands = 8 : i64, tpu.core_type = #tpu.core_type<sc_vector_subcore>, window_params = [{transform_indices = #map}, {transform_indices = #map}, {transform_indices = #map1}, {transform_indices = #map2}]} {
    %lt3A = arith.constant 10 : i32
    %lt3A_0 = arith.cmpi slt, %arg1, %lt3A : i32
    %convert_element_type3A = arith.extui %lt3A_0 : i1 to i32
    %cond3A = arith.constant 0 : i32
    %cond3A_1 = arith.cmpi ne, %convert_element_type3A, %cond3A : i32
    scf.if %cond3A_1 {
      %mul3A_52 = arith.constant 10000 : i32
      %mul3A_53 = arith.muli %arg0, %mul3A_52 : i32
      %mul3A_54 = arith.constant 1000 : i32
      %mul3A_55 = arith.muli %arg1, %mul3A_54 : i32
      %add3A_56 = arith.addi %mul3A_53, %mul3A_55 : i32
      %mul3A_57 = arith.constant 1000 : i32
      %mul3A_58 = arith.muli %arg1, %mul3A_57 : i32
      "tpu.region"() ({
        %run_scoped3A_59 = tpu.sem_alloc : memref<!tpu.dma_semaphore, #tpu.memory_space<semaphore_mem>>
        %dma_start3A_60 = arith.constant 0 : i32
        %dma_start3A_61 = tpu.memref_slice %arg9[%mul3A_58, %dma_start3A_60] : memref<10008x128xf32, #tpu.memory_space<vmem_shared>> -> memref<1000x128xf32, #tpu.memory_space<vmem_shared>>
        %dma_start3A_62 = arith.constant 0 : i32
        %dma_start3A_63 = tpu.memref_slice %arg4[%add3A_56, %dma_start3A_62] : memref<20000x128xf32, #tpu.memory_space<hbm>> -> memref<1000x128xf32, #tpu.memory_space<hbm>>
        tpu.enqueue_dma source(%dma_start3A_63 : memref<1000x128xf32, #tpu.memory_space<hbm>>) target(%dma_start3A_61 : memref<1000x128xf32, #tpu.memory_space<vmem_shared>>) target_semaphore(%run_scoped3A_59 : memref<!tpu.dma_semaphore, #tpu.memory_space<semaphore_mem>>)
        %dma_wait3A = arith.constant 0 : i32
        %dma_wait3A_64 = tpu.memref_slice %arg9[%mul3A_58, %dma_wait3A] : memref<10008x128xf32, #tpu.memory_space<vmem_shared>> -> memref<1000x128xf32, #tpu.memory_space<vmem_shared>>
        %dma_wait3A_65 = arith.constant 0 : i32
        %dma_wait3A_66 = tpu.memref_slice %arg4[%add3A_56, %dma_wait3A_65] : memref<20000x128xf32, #tpu.memory_space<hbm>> -> memref<1000x128xf32, #tpu.memory_space<hbm>>
        tpu.wait_dma2 semaphore(%run_scoped3A_59 : memref<!tpu.dma_semaphore, #tpu.memory_space<semaphore_mem>>) src(%dma_wait3A_66 : memref<1000x128xf32, #tpu.memory_space<hbm>>) dst(%dma_wait3A_64 : memref<1000x128xf32, #tpu.memory_space<vmem_shared>>)
        tpu.yield
      }) : () -> ()
    } else {
    }
    %barrier3A = arith.constant 0 : index
    tpu.barrier barrier_id(%barrier3A)
    %mul3A = arith.constant 163840 : i32
    %mul3A_2 = arith.muli %arg0, %mul3A : i32
    %mul3A_3 = arith.constant 10240 : i32
    %mul3A_4 = arith.muli %arg1, %mul3A_3 : i32
    %add3A = arith.addi %mul3A_2, %mul3A_4 : i32
    %mul3A_5 = arith.constant 10240 : i32
    %mul3A_6 = arith.muli %arg1, %mul3A_5 : i32
    %add3A_7 = arith.constant 0 : i32
    %add3A_8 = arith.addi %add3A, %add3A_7 : i32
    %run_scoped3A = arith.constant 0 : i32
    "tpu.region"() ({
      %run_scoped3A_52 = tpu.sem_alloc : memref<!tpu.dma_semaphore, #tpu.memory_space<semaphore_mem>>
      %dma_start3A_53 = arith.constant 0 : i32
      %dma_start3A_54 = tpu.memref_slice %arg6[%run_scoped3A, %dma_start3A_53] : memref<4x128xi32, #tpu.memory_space<vmem>> -> memref<1x128xi32, #tpu.memory_space<vmem>>
      %dma_start3A_55 = tpu.memref_squeeze %dma_start3A_54 : memref<1x128xi32, #tpu.memory_space<vmem>> -> memref<128xi32, #tpu.memory_space<vmem>>
      %dma_start3A_56 = tpu.memref_slice %arg2[%add3A_8] : memref<327680xi32, #tpu.memory_space<hbm>> -> memref<128xi32, #tpu.memory_space<hbm>>
      %dma_start3A_57 = arith.constant 0 : i32
      %dma_start3A_58 = tpu.memref_slice %arg6[%run_scoped3A, %dma_start3A_57] : memref<4x128xi32, #tpu.memory_space<vmem>> -> memref<1x128xi32, #tpu.memory_space<vmem>>
      %dma_start3A_59 = tpu.memref_squeeze %dma_start3A_58 : memref<1x128xi32, #tpu.memory_space<vmem>> -> memref<128xi32, #tpu.memory_space<vmem>>
      %dma_start3A_60 = tpu.memref_slice %arg2[%add3A_8] : memref<327680xi32, #tpu.memory_space<hbm>> -> memref<128xi32, #tpu.memory_space<hbm>>
      tpu.enqueue_dma source(%dma_start3A_60 : memref<128xi32, #tpu.memory_space<hbm>>) target(%dma_start3A_59 : memref<128xi32, #tpu.memory_space<vmem>>) target_semaphore(%run_scoped3A_52 : memref<!tpu.dma_semaphore, #tpu.memory_space<semaphore_mem>>)
      %dma_wait3A = arith.constant 0 : i32
      %dma_wait3A_61 = tpu.memref_slice %arg6[%run_scoped3A, %dma_wait3A] : memref<4x128xi32, #tpu.memory_space<vmem>> -> memref<1x128xi32, #tpu.memory_space<vmem>>
      %dma_wait3A_62 = tpu.memref_squeeze %dma_wait3A_61 : memref<1x128xi32, #tpu.memory_space<vmem>> -> memref<128xi32, #tpu.memory_space<vmem>>
      %dma_wait3A_63 = tpu.memref_slice %arg2[%add3A_8] : memref<327680xi32, #tpu.memory_space<hbm>> -> memref<128xi32, #tpu.memory_space<hbm>>
      %dma_wait3A_64 = arith.constant 0 : i32
      %dma_wait3A_65 = tpu.memref_slice %arg6[%run_scoped3A, %dma_wait3A_64] : memref<4x128xi32, #tpu.memory_space<vmem>> -> memref<1x128xi32, #tpu.memory_space<vmem>>
      %dma_wait3A_66 = tpu.memref_squeeze %dma_wait3A_65 : memref<1x128xi32, #tpu.memory_space<vmem>> -> memref<128xi32, #tpu.memory_space<vmem>>
      %dma_wait3A_67 = tpu.memref_slice %arg2[%add3A_8] : memref<327680xi32, #tpu.memory_space<hbm>> -> memref<128xi32, #tpu.memory_space<hbm>>
      tpu.wait_dma2 semaphore(%run_scoped3A_52 : memref<!tpu.dma_semaphore, #tpu.memory_space<semaphore_mem>>) src(%dma_wait3A_67 : memref<128xi32, #tpu.memory_space<hbm>>) dst(%dma_wait3A_66 : memref<128xi32, #tpu.memory_space<vmem>>)
      tpu.yield
    }) : () -> ()
    %add3A_9 = arith.constant 0 : i32
    %add3A_10 = arith.addi %mul3A_6, %add3A_9 : i32
    %run_scoped3A_11 = arith.constant 0 : i32
    "tpu.region"() ({
      %run_scoped3A_52 = tpu.sem_alloc : memref<!tpu.dma_semaphore, #tpu.memory_space<semaphore_mem>>
      %dma_start3A_53 = arith.constant 0 : i32
      %dma_start3A_54 = tpu.memref_slice %arg7[%run_scoped3A_11, %dma_start3A_53] : memref<4x128xi32, #tpu.memory_space<vmem>> -> memref<1x128xi32, #tpu.memory_space<vmem>>
      %dma_start3A_55 = tpu.memref_squeeze %dma_start3A_54 : memref<1x128xi32, #tpu.memory_space<vmem>> -> memref<128xi32, #tpu.memory_space<vmem>>
      %dma_start3A_56 = tpu.memref_slice %arg3[%add3A_10] : memref<163840xi32, #tpu.memory_space<hbm>> -> memref<128xi32, #tpu.memory_space<hbm>>
      %dma_start3A_57 = arith.constant 0 : i32
      %dma_start3A_58 = tpu.memref_slice %arg7[%run_scoped3A_11, %dma_start3A_57] : memref<4x128xi32, #tpu.memory_space<vmem>> -> memref<1x128xi32, #tpu.memory_space<vmem>>
      %dma_start3A_59 = tpu.memref_squeeze %dma_start3A_58 : memref<1x128xi32, #tpu.memory_space<vmem>> -> memref<128xi32, #tpu.memory_space<vmem>>
      %dma_start3A_60 = tpu.memref_slice %arg3[%add3A_10] : memref<163840xi32, #tpu.memory_space<hbm>> -> memref<128xi32, #tpu.memory_space<hbm>>
      tpu.enqueue_dma source(%dma_start3A_60 : memref<128xi32, #tpu.memory_space<hbm>>) target(%dma_start3A_59 : memref<128xi32, #tpu.memory_space<vmem>>) target_semaphore(%run_scoped3A_52 : memref<!tpu.dma_semaphore, #tpu.memory_space<semaphore_mem>>)
      %dma_wait3A = arith.constant 0 : i32
      %dma_wait3A_61 = tpu.memref_slice %arg7[%run_scoped3A_11, %dma_wait3A] : memref<4x128xi32, #tpu.memory_space<vmem>> -> memref<1x128xi32, #tpu.memory_space<vmem>>
      %dma_wait3A_62 = tpu.memref_squeeze %dma_wait3A_61 : memref<1x128xi32, #tpu.memory_space<vmem>> -> memref<128xi32, #tpu.memory_space<vmem>>
      %dma_wait3A_63 = tpu.memref_slice %arg3[%add3A_10] : memref<163840xi32, #tpu.memory_space<hbm>> -> memref<128xi32, #tpu.memory_space<hbm>>
      %dma_wait3A_64 = arith.constant 0 : i32
      %dma_wait3A_65 = tpu.memref_slice %arg7[%run_scoped3A_11, %dma_wait3A_64] : memref<4x128xi32, #tpu.memory_space<vmem>> -> memref<1x128xi32, #tpu.memory_space<vmem>>
      %dma_wait3A_66 = tpu.memref_squeeze %dma_wait3A_65 : memref<1x128xi32, #tpu.memory_space<vmem>> -> memref<128xi32, #tpu.memory_space<vmem>>
      %dma_wait3A_67 = tpu.memref_slice %arg3[%add3A_10] : memref<163840xi32, #tpu.memory_space<hbm>> -> memref<128xi32, #tpu.memory_space<hbm>>
      tpu.wait_dma2 semaphore(%run_scoped3A_52 : memref<!tpu.dma_semaphore, #tpu.memory_space<semaphore_mem>>) src(%dma_wait3A_67 : memref<128xi32, #tpu.memory_space<hbm>>) dst(%dma_wait3A_66 : memref<128xi32, #tpu.memory_space<vmem>>)
      tpu.yield
    }) : () -> ()
    %add3A_12 = arith.constant 128 : i32
    %add3A_13 = arith.addi %add3A, %add3A_12 : i32
    %run_scoped3A_14 = arith.constant 1 : i32
    "tpu.region"() ({
      %run_scoped3A_52 = tpu.sem_alloc : memref<!tpu.dma_semaphore, #tpu.memory_space<semaphore_mem>>
      %dma_start3A_53 = arith.constant 0 : i32
      %dma_start3A_54 = tpu.memref_slice %arg6[%run_scoped3A_14, %dma_start3A_53] : memref<4x128xi32, #tpu.memory_space<vmem>> -> memref<1x128xi32, #tpu.memory_space<vmem>>
      %dma_start3A_55 = tpu.memref_squeeze %dma_start3A_54 : memref<1x128xi32, #tpu.memory_space<vmem>> -> memref<128xi32, #tpu.memory_space<vmem>>
      %dma_start3A_56 = tpu.memref_slice %arg2[%add3A_13] : memref<327680xi32, #tpu.memory_space<hbm>> -> memref<128xi32, #tpu.memory_space<hbm>>
      %dma_start3A_57 = arith.constant 0 : i32
      %dma_start3A_58 = tpu.memref_slice %arg6[%run_scoped3A_14, %dma_start3A_57] : memref<4x128xi32, #tpu.memory_space<vmem>> -> memref<1x128xi32, #tpu.memory_space<vmem>>
      %dma_start3A_59 = tpu.memref_squeeze %dma_start3A_58 : memref<1x128xi32, #tpu.memory_space<vmem>> -> memref<128xi32, #tpu.memory_space<vmem>>
      %dma_start3A_60 = tpu.memref_slice %arg2[%add3A_13] : memref<327680xi32, #tpu.memory_space<hbm>> -> memref<128xi32, #tpu.memory_space<hbm>>
      tpu.enqueue_dma source(%dma_start3A_60 : memref<128xi32, #tpu.memory_space<hbm>>) target(%dma_start3A_59 : memref<128xi32, #tpu.memory_space<vmem>>) target_semaphore(%run_scoped3A_52 : memref<!tpu.dma_semaphore, #tpu.memory_space<semaphore_mem>>)
      %dma_wait3A = arith.constant 0 : i32
      %dma_wait3A_61 = tpu.memref_slice %arg6[%run_scoped3A_14, %dma_wait3A] : memref<4x128xi32, #tpu.memory_space<vmem>> -> memref<1x128xi32, #tpu.memory_space<vmem>>
      %dma_wait3A_62 = tpu.memref_squeeze %dma_wait3A_61 : memref<1x128xi32, #tpu.memory_space<vmem>> -> memref<128xi32, #tpu.memory_space<vmem>>
      %dma_wait3A_63 = tpu.memref_slice %arg2[%add3A_13] : memref<327680xi32, #tpu.memory_space<hbm>> -> memref<128xi32, #tpu.memory_space<hbm>>
      %dma_wait3A_64 = arith.constant 0 : i32
      %dma_wait3A_65 = tpu.memref_slice %arg6[%run_scoped3A_14, %dma_wait3A_64] : memref<4x128xi32, #tpu.memory_space<vmem>> -> memref<1x128xi32, #tpu.memory_space<vmem>>
      %dma_wait3A_66 = tpu.memref_squeeze %dma_wait3A_65 : memref<1x128xi32, #tpu.memory_space<vmem>> -> memref<128xi32, #tpu.memory_space<vmem>>
      %dma_wait3A_67 = tpu.memref_slice %arg2[%add3A_13] : memref<327680xi32, #tpu.memory_space<hbm>> -> memref<128xi32, #tpu.memory_space<hbm>>
      tpu.wait_dma2 semaphore(%run_scoped3A_52 : memref<!tpu.dma_semaphore, #tpu.memory_space<semaphore_mem>>) src(%dma_wait3A_67 : memref<128xi32, #tpu.memory_space<hbm>>) dst(%dma_wait3A_66 : memref<128xi32, #tpu.memory_space<vmem>>)
      tpu.yield
    }) : () -> ()
    %add3A_15 = arith.constant 128 : i32
    %add3A_16 = arith.addi %mul3A_6, %add3A_15 : i32
    %run_scoped3A_17 = arith.constant 1 : i32
    "tpu.region"() ({
      %run_scoped3A_52 = tpu.sem_alloc : memref<!tpu.dma_semaphore, #tpu.memory_space<semaphore_mem>>
      %dma_start3A_53 = arith.constant 0 : i32
      %dma_start3A_54 = tpu.memref_slice %arg7[%run_scoped3A_17, %dma_start3A_53] : memref<4x128xi32, #tpu.memory_space<vmem>> -> memref<1x128xi32, #tpu.memory_space<vmem>>
      %dma_start3A_55 = tpu.memref_squeeze %dma_start3A_54 : memref<1x128xi32, #tpu.memory_space<vmem>> -> memref<128xi32, #tpu.memory_space<vmem>>
      %dma_start3A_56 = tpu.memref_slice %arg3[%add3A_16] : memref<163840xi32, #tpu.memory_space<hbm>> -> memref<128xi32, #tpu.memory_space<hbm>>
      %dma_start3A_57 = arith.constant 0 : i32
      %dma_start3A_58 = tpu.memref_slice %arg7[%run_scoped3A_17, %dma_start3A_57] : memref<4x128xi32, #tpu.memory_space<vmem>> -> memref<1x128xi32, #tpu.memory_space<vmem>>
      %dma_start3A_59 = tpu.memref_squeeze %dma_start3A_58 : memref<1x128xi32, #tpu.memory_space<vmem>> -> memref<128xi32, #tpu.memory_space<vmem>>
      %dma_start3A_60 = tpu.memref_slice %arg3[%add3A_16] : memref<163840xi32, #tpu.memory_space<hbm>> -> memref<128xi32, #tpu.memory_space<hbm>>
      tpu.enqueue_dma source(%dma_start3A_60 : memref<128xi32, #tpu.memory_space<hbm>>) target(%dma_start3A_59 : memref<128xi32, #tpu.memory_space<vmem>>) target_semaphore(%run_scoped3A_52 : memref<!tpu.dma_semaphore, #tpu.memory_space<semaphore_mem>>)
      %dma_wait3A = arith.constant 0 : i32
      %dma_wait3A_61 = tpu.memref_slice %arg7[%run_scoped3A_17, %dma_wait3A] : memref<4x128xi32, #tpu.memory_space<vmem>> -> memref<1x128xi32, #tpu.memory_space<vmem>>
      %dma_wait3A_62 = tpu.memref_squeeze %dma_wait3A_61 : memref<1x128xi32, #tpu.memory_space<vmem>> -> memref<128xi32, #tpu.memory_space<vmem>>
      %dma_wait3A_63 = tpu.memref_slice %arg3[%add3A_16] : memref<163840xi32, #tpu.memory_space<hbm>> -> memref<128xi32, #tpu.memory_space<hbm>>
      %dma_wait3A_64 = arith.constant 0 : i32
      %dma_wait3A_65 = tpu.memref_slice %arg7[%run_scoped3A_17, %dma_wait3A_64] : memref<4x128xi32, #tpu.memory_space<vmem>> -> memref<1x128xi32, #tpu.memory_space<vmem>>
      %dma_wait3A_66 = tpu.memref_squeeze %dma_wait3A_65 : memref<1x128xi32, #tpu.memory_space<vmem>> -> memref<128xi32, #tpu.memory_space<vmem>>
      %dma_wait3A_67 = tpu.memref_slice %arg3[%add3A_16] : memref<163840xi32, #tpu.memory_space<hbm>> -> memref<128xi32, #tpu.memory_space<hbm>>
      tpu.wait_dma2 semaphore(%run_scoped3A_52 : memref<!tpu.dma_semaphore, #tpu.memory_space<semaphore_mem>>) src(%dma_wait3A_67 : memref<128xi32, #tpu.memory_space<hbm>>) dst(%dma_wait3A_66 : memref<128xi32, #tpu.memory_space<vmem>>)
      tpu.yield
    }) : () -> ()
    %dma_start3A = arith.constant 0 : i32
    %dma_start3A_18 = arith.constant 0 : i32
    %dma_start3A_19 = arith.constant 0 : i32
    %dma_start3A_20 = arith.constant 0 : i32
    %dma_start3A_21 = tpu.memref_slice %arg8[%dma_start3A_18, %dma_start3A_19, %dma_start3A_20] : memref<2x128x128xf32, #tpu.memory_space<vmem>> -> memref<1x128x128xf32, #tpu.memory_space<vmem>>
    %dma_start3A_22 = tpu.memref_squeeze %dma_start3A_21 : memref<1x128x128xf32, #tpu.memory_space<vmem>> -> memref<128x128xf32, #tpu.memory_space<vmem>>
    %dma_start3A_23 = arith.constant 0 : i32
    %dma_start3A_24 = tpu.memref_slice %arg6[%dma_start3A, %dma_start3A_23] : memref<4x128xi32, #tpu.memory_space<vmem>> -> memref<1x128xi32, #tpu.memory_space<vmem>>
    %dma_start3A_25 = tpu.memref_squeeze %dma_start3A_24 : memref<1x128xi32, #tpu.memory_space<vmem>> -> memref<128xi32, #tpu.memory_space<vmem>>
    %dma_start3A_26 = arith.constant 0 : i32
    %dma_start3A_27 = arith.constant 0 : i32
    %dma_start3A_28 = tpu.memref_slice %arg4[%dma_start3A_26, %dma_start3A_27] : memref<20000x128xf32, #tpu.memory_space<hbm>> -> memref<20000x128xf32, #tpu.memory_space<hbm>>
    tpu.enqueue_indirect_dma source(%dma_start3A_28 : memref<20000x128xf32, #tpu.memory_space<hbm>>) target(%dma_start3A_22 : memref<128x128xf32, #tpu.memory_space<vmem>>) offsets(%dma_start3A_25 : memref<128xi32, #tpu.memory_space<vmem>>) semaphore(%arg10 : memref<!tpu.dma_semaphore, #tpu.memory_space<semaphore_mem>>)
    %dma_start3A_29 = arith.constant 1 : i32
    %dma_start3A_30 = arith.constant 1 : i32
    %dma_start3A_31 = arith.constant 0 : i32
    %dma_start3A_32 = arith.constant 0 : i32
    %dma_start3A_33 = tpu.memref_slice %arg8[%dma_start3A_30, %dma_start3A_31, %dma_start3A_32] : memref<2x128x128xf32, #tpu.memory_space<vmem>> -> memref<1x128x128xf32, #tpu.memory_space<vmem>>
    %dma_start3A_34 = tpu.memref_squeeze %dma_start3A_33 : memref<1x128x128xf32, #tpu.memory_space<vmem>> -> memref<128x128xf32, #tpu.memory_space<vmem>>
    %dma_start3A_35 = arith.constant 0 : i32
    %dma_start3A_36 = tpu.memref_slice %arg6[%dma_start3A_29, %dma_start3A_35] : memref<4x128xi32, #tpu.memory_space<vmem>> -> memref<1x128xi32, #tpu.memory_space<vmem>>
    %dma_start3A_37 = tpu.memref_squeeze %dma_start3A_36 : memref<1x128xi32, #tpu.memory_space<vmem>> -> memref<128xi32, #tpu.memory_space<vmem>>
    %dma_start3A_38 = arith.constant 0 : i32
    %dma_start3A_39 = arith.constant 0 : i32
    %dma_start3A_40 = tpu.memref_slice %arg4[%dma_start3A_38, %dma_start3A_39] : memref<20000x128xf32, #tpu.memory_space<hbm>> -> memref<20000x128xf32, #tpu.memory_space<hbm>>
    tpu.enqueue_indirect_dma source(%dma_start3A_40 : memref<20000x128xf32, #tpu.memory_space<hbm>>) target(%dma_start3A_34 : memref<128x128xf32, #tpu.memory_space<vmem>>) offsets(%dma_start3A_37 : memref<128xi32, #tpu.memory_space<vmem>>) semaphore(%arg11 : memref<!tpu.dma_semaphore, #tpu.memory_space<semaphore_mem>>)
    %scan3A = arith.constant 0 : i32
    %scan3A_41 = arith.constant 0 : i32
    %scan3A_42 = arith.constant 20 : i32
    %scan3A_43 = arith.addi %scan3A_41, %scan3A_42 : i32
    %scan3A_44 = arith.constant 1 : i32
    scf.for %scan3A_52 = %scan3A_41 to %scan3A_43 step %scan3A_44  : i32 {
      %mul3A_53 = arith.constant 4 : i32
      %mul3A_54 = arith.muli %mul3A_53, %scan3A_52 : i32
      %add3A_55 = arith.constant 0 : i32
      %add3A_56 = arith.addi %mul3A_54, %add3A_55 : i32
      %dma_wait3A = arith.constant 0 : i32
      %dma_wait3A_57 = arith.constant 0 : i32
      %dma_wait3A_58 = arith.constant 0 : i32
      %dma_wait3A_59 = arith.constant 0 : i32
      %dma_wait3A_60 = tpu.memref_slice %arg8[%dma_wait3A_57, %dma_wait3A_58, %dma_wait3A_59] : memref<2x128x128xf32, #tpu.memory_space<vmem>> -> memref<1x128x128xf32, #tpu.memory_space<vmem>>
      %dma_wait3A_61 = tpu.memref_squeeze %dma_wait3A_60 : memref<1x128x128xf32, #tpu.memory_space<vmem>> -> memref<128x128xf32, #tpu.memory_space<vmem>>
      %dma_wait3A_62 = arith.constant 0 : i32
      %dma_wait3A_63 = tpu.memref_slice %arg6[%dma_wait3A, %dma_wait3A_62] : memref<4x128xi32, #tpu.memory_space<vmem>> -> memref<1x128xi32, #tpu.memory_space<vmem>>
      %dma_wait3A_64 = tpu.memref_squeeze %dma_wait3A_63 : memref<1x128xi32, #tpu.memory_space<vmem>> -> memref<128xi32, #tpu.memory_space<vmem>>
      %dma_wait3A_65 = arith.constant 0 : i32
      %dma_wait3A_66 = arith.constant 0 : i32
      %dma_wait3A_67 = tpu.memref_slice %arg4[%dma_wait3A_65, %dma_wait3A_66] : memref<20000x128xf32, #tpu.memory_space<hbm>> -> memref<20000x128xf32, #tpu.memory_space<hbm>>
      tpu.wait_indirect_dma semaphore(%arg10 : memref<!tpu.dma_semaphore, #tpu.memory_space<semaphore_mem>>) src(%dma_wait3A_67 : memref<20000x128xf32, #tpu.memory_space<hbm>>) dst(%dma_wait3A_61 : memref<128x128xf32, #tpu.memory_space<vmem>>)
      %dma_start3A_68 = arith.constant 0 : i32
      %dma_start3A_69 = arith.constant 0 : i32
      %dma_start3A_70 = arith.constant 0 : i32
      %dma_start3A_71 = arith.constant 0 : i32
      %dma_start3A_72 = tpu.memref_slice %arg8[%dma_start3A_68, %dma_start3A_70, %dma_start3A_71] : memref<2x128x128xf32, #tpu.memory_space<vmem>> -> memref<1x128x128xf32, #tpu.memory_space<vmem>>
      %dma_start3A_73 = tpu.memref_squeeze %dma_start3A_72 : memref<1x128x128xf32, #tpu.memory_space<vmem>> -> memref<128x128xf32, #tpu.memory_space<vmem>>
      %dma_start3A_74 = arith.constant 0 : i32
      %dma_start3A_75 = tpu.memref_slice %arg7[%dma_start3A_69, %dma_start3A_74] : memref<4x128xi32, #tpu.memory_space<vmem>> -> memref<1x128xi32, #tpu.memory_space<vmem>>
      %dma_start3A_76 = tpu.memref_squeeze %dma_start3A_75 : memref<1x128xi32, #tpu.memory_space<vmem>> -> memref<128xi32, #tpu.memory_space<vmem>>
      %dma_start3A_77 = arith.constant 0 : i32
      %dma_start3A_78 = arith.constant 0 : i32
      %dma_start3A_79 = tpu.memref_slice %arg9[%dma_start3A_77, %dma_start3A_78] : memref<10008x128xf32, #tpu.memory_space<vmem_shared>> -> memref<10008x128xf32, #tpu.memory_space<vmem_shared>>
      tpu.enqueue_indirect_dma source(%dma_start3A_73 : memref<128x128xf32, #tpu.memory_space<vmem>>) target(%dma_start3A_79 : memref<10008x128xf32, #tpu.memory_space<vmem_shared>>) offsets(%dma_start3A_76 : memref<128xi32, #tpu.memory_space<vmem>>) semaphore(%arg12 : memref<!tpu.dma_semaphore, #tpu.memory_space<semaphore_mem>>) {add = true}
      %add3A_80 = arith.constant 2 : i32
      %add3A_81 = arith.addi %add3A_56, %add3A_80 : i32
      %lt3A_82 = arith.constant 80 : i32
      %lt3A_83 = arith.cmpi slt, %add3A_81, %lt3A_82 : i32
      %convert_element_type3A_84 = arith.extui %lt3A_83 : i1 to i32
      %cond3A_85 = arith.constant 0 : i32
      %cond3A_86 = arith.cmpi ne, %convert_element_type3A_84, %cond3A_85 : i32
      scf.if %cond3A_86 {
        %add3A_268 = arith.constant 2 : i32
        %add3A_269 = arith.addi %add3A_56, %add3A_268 : i32
        %mul3A_270 = arith.constant 128 : i32
        %mul3A_271 = arith.muli %add3A_269, %mul3A_270 : i32
        %add3A_272 = arith.addi %add3A, %mul3A_271 : i32
        %run_scoped3A_273 = arith.constant 2 : i32
        "tpu.region"() ({
          %run_scoped3A_278 = tpu.sem_alloc : memref<!tpu.dma_semaphore, #tpu.memory_space<semaphore_mem>>
          %dma_start3A_279 = arith.constant 0 : i32
          %dma_start3A_280 = tpu.memref_slice %arg6[%run_scoped3A_273, %dma_start3A_279] : memref<4x128xi32, #tpu.memory_space<vmem>> -> memref<1x128xi32, #tpu.memory_space<vmem>>
          %dma_start3A_281 = tpu.memref_squeeze %dma_start3A_280 : memref<1x128xi32, #tpu.memory_space<vmem>> -> memref<128xi32, #tpu.memory_space<vmem>>
          %dma_start3A_282 = tpu.memref_slice %arg2[%add3A_272] : memref<327680xi32, #tpu.memory_space<hbm>> -> memref<128xi32, #tpu.memory_space<hbm>>
          %dma_start3A_283 = arith.constant 0 : i32
          %dma_start3A_284 = tpu.memref_slice %arg6[%run_scoped3A_273, %dma_start3A_283] : memref<4x128xi32, #tpu.memory_space<vmem>> -> memref<1x128xi32, #tpu.memory_space<vmem>>
          %dma_start3A_285 = tpu.memref_squeeze %dma_start3A_284 : memref<1x128xi32, #tpu.memory_space<vmem>> -> memref<128xi32, #tpu.memory_space<vmem>>
          %dma_start3A_286 = tpu.memref_slice %arg2[%add3A_272] : memref<327680xi32, #tpu.memory_space<hbm>> -> memref<128xi32, #tpu.memory_space<hbm>>
          tpu.enqueue_dma source(%dma_start3A_286 : memref<128xi32, #tpu.memory_space<hbm>>) target(%dma_start3A_285 : memref<128xi32, #tpu.memory_space<vmem>>) target_semaphore(%run_scoped3A_278 : memref<!tpu.dma_semaphore, #tpu.memory_space<semaphore_mem>>)
          %dma_wait3A_287 = arith.constant 0 : i32
          %dma_wait3A_288 = tpu.memref_slice %arg6[%run_scoped3A_273, %dma_wait3A_287] : memref<4x128xi32, #tpu.memory_space<vmem>> -> memref<1x128xi32, #tpu.memory_space<vmem>>
          %dma_wait3A_289 = tpu.memref_squeeze %dma_wait3A_288 : memref<1x128xi32, #tpu.memory_space<vmem>> -> memref<128xi32, #tpu.memory_space<vmem>>
          %dma_wait3A_290 = tpu.memref_slice %arg2[%add3A_272] : memref<327680xi32, #tpu.memory_space<hbm>> -> memref<128xi32, #tpu.memory_space<hbm>>
          %dma_wait3A_291 = arith.constant 0 : i32
          %dma_wait3A_292 = tpu.memref_slice %arg6[%run_scoped3A_273, %dma_wait3A_291] : memref<4x128xi32, #tpu.memory_space<vmem>> -> memref<1x128xi32, #tpu.memory_space<vmem>>
          %dma_wait3A_293 = tpu.memref_squeeze %dma_wait3A_292 : memref<1x128xi32, #tpu.memory_space<vmem>> -> memref<128xi32, #tpu.memory_space<vmem>>
          %dma_wait3A_294 = tpu.memref_slice %arg2[%add3A_272] : memref<327680xi32, #tpu.memory_space<hbm>> -> memref<128xi32, #tpu.memory_space<hbm>>
          tpu.wait_dma2 semaphore(%run_scoped3A_278 : memref<!tpu.dma_semaphore, #tpu.memory_space<semaphore_mem>>) src(%dma_wait3A_294 : memref<128xi32, #tpu.memory_space<hbm>>) dst(%dma_wait3A_293 : memref<128xi32, #tpu.memory_space<vmem>>)
          tpu.yield
        }) : () -> ()
        %mul3A_274 = arith.constant 128 : i32
        %mul3A_275 = arith.muli %add3A_269, %mul3A_274 : i32
        %add3A_276 = arith.addi %mul3A_6, %mul3A_275 : i32
        %run_scoped3A_277 = arith.constant 2 : i32
        "tpu.region"() ({
          %run_scoped3A_278 = tpu.sem_alloc : memref<!tpu.dma_semaphore, #tpu.memory_space<semaphore_mem>>
          %dma_start3A_279 = arith.constant 0 : i32
          %dma_start3A_280 = tpu.memref_slice %arg7[%run_scoped3A_277, %dma_start3A_279] : memref<4x128xi32, #tpu.memory_space<vmem>> -> memref<1x128xi32, #tpu.memory_space<vmem>>
          %dma_start3A_281 = tpu.memref_squeeze %dma_start3A_280 : memref<1x128xi32, #tpu.memory_space<vmem>> -> memref<128xi32, #tpu.memory_space<vmem>>
          %dma_start3A_282 = tpu.memref_slice %arg3[%add3A_276] : memref<163840xi32, #tpu.memory_space<hbm>> -> memref<128xi32, #tpu.memory_space<hbm>>
          %dma_start3A_283 = arith.constant 0 : i32
          %dma_start3A_284 = tpu.memref_slice %arg7[%run_scoped3A_277, %dma_start3A_283] : memref<4x128xi32, #tpu.memory_space<vmem>> -> memref<1x128xi32, #tpu.memory_space<vmem>>
          %dma_start3A_285 = tpu.memref_squeeze %dma_start3A_284 : memref<1x128xi32, #tpu.memory_space<vmem>> -> memref<128xi32, #tpu.memory_space<vmem>>
          %dma_start3A_286 = tpu.memref_slice %arg3[%add3A_276] : memref<163840xi32, #tpu.memory_space<hbm>> -> memref<128xi32, #tpu.memory_space<hbm>>
          tpu.enqueue_dma source(%dma_start3A_286 : memref<128xi32, #tpu.memory_space<hbm>>) target(%dma_start3A_285 : memref<128xi32, #tpu.memory_space<vmem>>) target_semaphore(%run_scoped3A_278 : memref<!tpu.dma_semaphore, #tpu.memory_space<semaphore_mem>>)
          %dma_wait3A_287 = arith.constant 0 : i32
          %dma_wait3A_288 = tpu.memref_slice %arg7[%run_scoped3A_277, %dma_wait3A_287] : memref<4x128xi32, #tpu.memory_space<vmem>> -> memref<1x128xi32, #tpu.memory_space<vmem>>
          %dma_wait3A_289 = tpu.memref_squeeze %dma_wait3A_288 : memref<1x128xi32, #tpu.memory_space<vmem>> -> memref<128xi32, #tpu.memory_space<vmem>>
          %dma_wait3A_290 = tpu.memref_slice %arg3[%add3A_276] : memref<163840xi32, #tpu.memory_space<hbm>> -> memref<128xi32, #tpu.memory_space<hbm>>
          %dma_wait3A_291 = arith.constant 0 : i32
          %dma_wait3A_292 = tpu.memref_slice %arg7[%run_scoped3A_277, %dma_wait3A_291] : memref<4x128xi32, #tpu.memory_space<vmem>> -> memref<1x128xi32, #tpu.memory_space<vmem>>
          %dma_wait3A_293 = tpu.memref_squeeze %dma_wait3A_292 : memref<1x128xi32, #tpu.memory_space<vmem>> -> memref<128xi32, #tpu.memory_space<vmem>>
          %dma_wait3A_294 = tpu.memref_slice %arg3[%add3A_276] : memref<163840xi32, #tpu.memory_space<hbm>> -> memref<128xi32, #tpu.memory_space<hbm>>
          tpu.wait_dma2 semaphore(%run_scoped3A_278 : memref<!tpu.dma_semaphore, #tpu.memory_space<semaphore_mem>>) src(%dma_wait3A_294 : memref<128xi32, #tpu.memory_space<hbm>>) dst(%dma_wait3A_293 : memref<128xi32, #tpu.memory_space<vmem>>)
          tpu.yield
        }) : () -> ()
      } else {
      }
      %dma_wait3A_87 = arith.constant 0 : i32
      %dma_wait3A_88 = arith.constant 0 : i32
      %dma_wait3A_89 = arith.constant 0 : i32
      %dma_wait3A_90 = arith.constant 0 : i32
      %dma_wait3A_91 = tpu.memref_slice %arg8[%dma_wait3A_87, %dma_wait3A_89, %dma_wait3A_90] : memref<2x128x128xf32, #tpu.memory_space<vmem>> -> memref<1x128x128xf32, #tpu.memory_space<vmem>>
      %dma_wait3A_92 = tpu.memref_squeeze %dma_wait3A_91 : memref<1x128x128xf32, #tpu.memory_space<vmem>> -> memref<128x128xf32, #tpu.memory_space<vmem>>
      %dma_wait3A_93 = arith.constant 0 : i32
      %dma_wait3A_94 = tpu.memref_slice %arg7[%dma_wait3A_88, %dma_wait3A_93] : memref<4x128xi32, #tpu.memory_space<vmem>> -> memref<1x128xi32, #tpu.memory_space<vmem>>
      %dma_wait3A_95 = tpu.memref_squeeze %dma_wait3A_94 : memref<1x128xi32, #tpu.memory_space<vmem>> -> memref<128xi32, #tpu.memory_space<vmem>>
      %dma_wait3A_96 = arith.constant 0 : i32
      %dma_wait3A_97 = arith.constant 0 : i32
      %dma_wait3A_98 = tpu.memref_slice %arg9[%dma_wait3A_96, %dma_wait3A_97] : memref<10008x128xf32, #tpu.memory_space<vmem_shared>> -> memref<10008x128xf32, #tpu.memory_space<vmem_shared>>
      tpu.wait_indirect_dma semaphore(%arg12 : memref<!tpu.dma_semaphore, #tpu.memory_space<semaphore_mem>>) src(%dma_wait3A_92 : memref<128x128xf32, #tpu.memory_space<vmem>>) dst(%dma_wait3A_98 : memref<10008x128xf32, #tpu.memory_space<vmem_shared>>)
      %add3A_99 = arith.constant 2 : i32
      %add3A_100 = arith.addi %add3A_56, %add3A_99 : i32
      %lt3A_101 = arith.constant 80 : i32
      %lt3A_102 = arith.cmpi slt, %add3A_100, %lt3A_101 : i32
      %convert_element_type3A_103 = arith.extui %lt3A_102 : i1 to i32
      %cond3A_104 = arith.constant 0 : i32
      %cond3A_105 = arith.cmpi ne, %convert_element_type3A_103, %cond3A_104 : i32
      scf.if %cond3A_105 {
        %dma_start3A_268 = arith.constant 2 : i32
        %dma_start3A_269 = arith.constant 0 : i32
        %dma_start3A_270 = arith.constant 0 : i32
        %dma_start3A_271 = arith.constant 0 : i32
        %dma_start3A_272 = tpu.memref_slice %arg8[%dma_start3A_269, %dma_start3A_270, %dma_start3A_271] : memref<2x128x128xf32, #tpu.memory_space<vmem>> -> memref<1x128x128xf32, #tpu.memory_space<vmem>>
        %dma_start3A_273 = tpu.memref_squeeze %dma_start3A_272 : memref<1x128x128xf32, #tpu.memory_space<vmem>> -> memref<128x128xf32, #tpu.memory_space<vmem>>
        %dma_start3A_274 = arith.constant 0 : i32
        %dma_start3A_275 = tpu.memref_slice %arg6[%dma_start3A_268, %dma_start3A_274] : memref<4x128xi32, #tpu.memory_space<vmem>> -> memref<1x128xi32, #tpu.memory_space<vmem>>
        %dma_start3A_276 = tpu.memref_squeeze %dma_start3A_275 : memref<1x128xi32, #tpu.memory_space<vmem>> -> memref<128xi32, #tpu.memory_space<vmem>>
        %dma_start3A_277 = arith.constant 0 : i32
        %dma_start3A_278 = arith.constant 0 : i32
        %dma_start3A_279 = tpu.memref_slice %arg4[%dma_start3A_277, %dma_start3A_278] : memref<20000x128xf32, #tpu.memory_space<hbm>> -> memref<20000x128xf32, #tpu.memory_space<hbm>>
        tpu.enqueue_indirect_dma source(%dma_start3A_279 : memref<20000x128xf32, #tpu.memory_space<hbm>>) target(%dma_start3A_273 : memref<128x128xf32, #tpu.memory_space<vmem>>) offsets(%dma_start3A_276 : memref<128xi32, #tpu.memory_space<vmem>>) semaphore(%arg10 : memref<!tpu.dma_semaphore, #tpu.memory_space<semaphore_mem>>)
      } else {
      }
      %mul3A_106 = arith.constant 4 : i32
      %mul3A_107 = arith.muli %mul3A_106, %scan3A_52 : i32
      %add3A_108 = arith.constant 1 : i32
      %add3A_109 = arith.addi %mul3A_107, %add3A_108 : i32
      %dma_wait3A_110 = arith.constant 1 : i32
      %dma_wait3A_111 = arith.constant 1 : i32
      %dma_wait3A_112 = arith.constant 0 : i32
      %dma_wait3A_113 = arith.constant 0 : i32
      %dma_wait3A_114 = tpu.memref_slice %arg8[%dma_wait3A_111, %dma_wait3A_112, %dma_wait3A_113] : memref<2x128x128xf32, #tpu.memory_space<vmem>> -> memref<1x128x128xf32, #tpu.memory_space<vmem>>
      %dma_wait3A_115 = tpu.memref_squeeze %dma_wait3A_114 : memref<1x128x128xf32, #tpu.memory_space<vmem>> -> memref<128x128xf32, #tpu.memory_space<vmem>>
      %dma_wait3A_116 = arith.constant 0 : i32
      %dma_wait3A_117 = tpu.memref_slice %arg6[%dma_wait3A_110, %dma_wait3A_116] : memref<4x128xi32, #tpu.memory_space<vmem>> -> memref<1x128xi32, #tpu.memory_space<vmem>>
      %dma_wait3A_118 = tpu.memref_squeeze %dma_wait3A_117 : memref<1x128xi32, #tpu.memory_space<vmem>> -> memref<128xi32, #tpu.memory_space<vmem>>
      %dma_wait3A_119 = arith.constant 0 : i32
      %dma_wait3A_120 = arith.constant 0 : i32
      %dma_wait3A_121 = tpu.memref_slice %arg4[%dma_wait3A_119, %dma_wait3A_120] : memref<20000x128xf32, #tpu.memory_space<hbm>> -> memref<20000x128xf32, #tpu.memory_space<hbm>>
      tpu.wait_indirect_dma semaphore(%arg11 : memref<!tpu.dma_semaphore, #tpu.memory_space<semaphore_mem>>) src(%dma_wait3A_121 : memref<20000x128xf32, #tpu.memory_space<hbm>>) dst(%dma_wait3A_115 : memref<128x128xf32, #tpu.memory_space<vmem>>)
      %dma_start3A_122 = arith.constant 1 : i32
      %dma_start3A_123 = arith.constant 1 : i32
      %dma_start3A_124 = arith.constant 0 : i32
      %dma_start3A_125 = arith.constant 0 : i32
      %dma_start3A_126 = tpu.memref_slice %arg8[%dma_start3A_122, %dma_start3A_124, %dma_start3A_125] : memref<2x128x128xf32, #tpu.memory_space<vmem>> -> memref<1x128x128xf32, #tpu.memory_space<vmem>>
      %dma_start3A_127 = tpu.memref_squeeze %dma_start3A_126 : memref<1x128x128xf32, #tpu.memory_space<vmem>> -> memref<128x128xf32, #tpu.memory_space<vmem>>
      %dma_start3A_128 = arith.constant 0 : i32
      %dma_start3A_129 = tpu.memref_slice %arg7[%dma_start3A_123, %dma_start3A_128] : memref<4x128xi32, #tpu.memory_space<vmem>> -> memref<1x128xi32, #tpu.memory_space<vmem>>
      %dma_start3A_130 = tpu.memref_squeeze %dma_start3A_129 : memref<1x128xi32, #tpu.memory_space<vmem>> -> memref<128xi32, #tpu.memory_space<vmem>>
      %dma_start3A_131 = arith.constant 0 : i32
      %dma_start3A_132 = arith.constant 0 : i32
      %dma_start3A_133 = tpu.memref_slice %arg9[%dma_start3A_131, %dma_start3A_132] : memref<10008x128xf32, #tpu.memory_space<vmem_shared>> -> memref<10008x128xf32, #tpu.memory_space<vmem_shared>>
      tpu.enqueue_indirect_dma source(%dma_start3A_127 : memref<128x128xf32, #tpu.memory_space<vmem>>) target(%dma_start3A_133 : memref<10008x128xf32, #tpu.memory_space<vmem_shared>>) offsets(%dma_start3A_130 : memref<128xi32, #tpu.memory_space<vmem>>) semaphore(%arg12 : memref<!tpu.dma_semaphore, #tpu.memory_space<semaphore_mem>>) {add = true}
      %add3A_134 = arith.constant 2 : i32
      %add3A_135 = arith.addi %add3A_109, %add3A_134 : i32
      %lt3A_136 = arith.constant 80 : i32
      %lt3A_137 = arith.cmpi slt, %add3A_135, %lt3A_136 : i32
      %convert_element_type3A_138 = arith.extui %lt3A_137 : i1 to i32
      %cond3A_139 = arith.constant 0 : i32
      %cond3A_140 = arith.cmpi ne, %convert_element_type3A_138, %cond3A_139 : i32
      scf.if %cond3A_140 {
        %add3A_268 = arith.constant 2 : i32
        %add3A_269 = arith.addi %add3A_109, %add3A_268 : i32
        %mul3A_270 = arith.constant 128 : i32
        %mul3A_271 = arith.muli %add3A_269, %mul3A_270 : i32
        %add3A_272 = arith.addi %add3A, %mul3A_271 : i32
        %run_scoped3A_273 = arith.constant 3 : i32
        "tpu.region"() ({
          %run_scoped3A_278 = tpu.sem_alloc : memref<!tpu.dma_semaphore, #tpu.memory_space<semaphore_mem>>
          %dma_start3A_279 = arith.constant 0 : i32
          %dma_start3A_280 = tpu.memref_slice %arg6[%run_scoped3A_273, %dma_start3A_279] : memref<4x128xi32, #tpu.memory_space<vmem>> -> memref<1x128xi32, #tpu.memory_space<vmem>>
          %dma_start3A_281 = tpu.memref_squeeze %dma_start3A_280 : memref<1x128xi32, #tpu.memory_space<vmem>> -> memref<128xi32, #tpu.memory_space<vmem>>
          %dma_start3A_282 = tpu.memref_slice %arg2[%add3A_272] : memref<327680xi32, #tpu.memory_space<hbm>> -> memref<128xi32, #tpu.memory_space<hbm>>
          %dma_start3A_283 = arith.constant 0 : i32
          %dma_start3A_284 = tpu.memref_slice %arg6[%run_scoped3A_273, %dma_start3A_283] : memref<4x128xi32, #tpu.memory_space<vmem>> -> memref<1x128xi32, #tpu.memory_space<vmem>>
          %dma_start3A_285 = tpu.memref_squeeze %dma_start3A_284 : memref<1x128xi32, #tpu.memory_space<vmem>> -> memref<128xi32, #tpu.memory_space<vmem>>
          %dma_start3A_286 = tpu.memref_slice %arg2[%add3A_272] : memref<327680xi32, #tpu.memory_space<hbm>> -> memref<128xi32, #tpu.memory_space<hbm>>
          tpu.enqueue_dma source(%dma_start3A_286 : memref<128xi32, #tpu.memory_space<hbm>>) target(%dma_start3A_285 : memref<128xi32, #tpu.memory_space<vmem>>) target_semaphore(%run_scoped3A_278 : memref<!tpu.dma_semaphore, #tpu.memory_space<semaphore_mem>>)
          %dma_wait3A_287 = arith.constant 0 : i32
          %dma_wait3A_288 = tpu.memref_slice %arg6[%run_scoped3A_273, %dma_wait3A_287] : memref<4x128xi32, #tpu.memory_space<vmem>> -> memref<1x128xi32, #tpu.memory_space<vmem>>
          %dma_wait3A_289 = tpu.memref_squeeze %dma_wait3A_288 : memref<1x128xi32, #tpu.memory_space<vmem>> -> memref<128xi32, #tpu.memory_space<vmem>>
          %dma_wait3A_290 = tpu.memref_slice %arg2[%add3A_272] : memref<327680xi32, #tpu.memory_space<hbm>> -> memref<128xi32, #tpu.memory_space<hbm>>
          %dma_wait3A_291 = arith.constant 0 : i32
          %dma_wait3A_292 = tpu.memref_slice %arg6[%run_scoped3A_273, %dma_wait3A_291] : memref<4x128xi32, #tpu.memory_space<vmem>> -> memref<1x128xi32, #tpu.memory_space<vmem>>
          %dma_wait3A_293 = tpu.memref_squeeze %dma_wait3A_292 : memref<1x128xi32, #tpu.memory_space<vmem>> -> memref<128xi32, #tpu.memory_space<vmem>>
          %dma_wait3A_294 = tpu.memref_slice %arg2[%add3A_272] : memref<327680xi32, #tpu.memory_space<hbm>> -> memref<128xi32, #tpu.memory_space<hbm>>
          tpu.wait_dma2 semaphore(%run_scoped3A_278 : memref<!tpu.dma_semaphore, #tpu.memory_space<semaphore_mem>>) src(%dma_wait3A_294 : memref<128xi32, #tpu.memory_space<hbm>>) dst(%dma_wait3A_293 : memref<128xi32, #tpu.memory_space<vmem>>)
          tpu.yield
        }) : () -> ()
        %mul3A_274 = arith.constant 128 : i32
        %mul3A_275 = arith.muli %add3A_269, %mul3A_274 : i32
        %add3A_276 = arith.addi %mul3A_6, %mul3A_275 : i32
        %run_scoped3A_277 = arith.constant 3 : i32
        "tpu.region"() ({
          %run_scoped3A_278 = tpu.sem_alloc : memref<!tpu.dma_semaphore, #tpu.memory_space<semaphore_mem>>
          %dma_start3A_279 = arith.constant 0 : i32
          %dma_start3A_280 = tpu.memref_slice %arg7[%run_scoped3A_277, %dma_start3A_279] : memref<4x128xi32, #tpu.memory_space<vmem>> -> memref<1x128xi32, #tpu.memory_space<vmem>>
          %dma_start3A_281 = tpu.memref_squeeze %dma_start3A_280 : memref<1x128xi32, #tpu.memory_space<vmem>> -> memref<128xi32, #tpu.memory_space<vmem>>
          %dma_start3A_282 = tpu.memref_slice %arg3[%add3A_276] : memref<163840xi32, #tpu.memory_space<hbm>> -> memref<128xi32, #tpu.memory_space<hbm>>
          %dma_start3A_283 = arith.constant 0 : i32
          %dma_start3A_284 = tpu.memref_slice %arg7[%run_scoped3A_277, %dma_start3A_283] : memref<4x128xi32, #tpu.memory_space<vmem>> -> memref<1x128xi32, #tpu.memory_space<vmem>>
          %dma_start3A_285 = tpu.memref_squeeze %dma_start3A_284 : memref<1x128xi32, #tpu.memory_space<vmem>> -> memref<128xi32, #tpu.memory_space<vmem>>
          %dma_start3A_286 = tpu.memref_slice %arg3[%add3A_276] : memref<163840xi32, #tpu.memory_space<hbm>> -> memref<128xi32, #tpu.memory_space<hbm>>
          tpu.enqueue_dma source(%dma_start3A_286 : memref<128xi32, #tpu.memory_space<hbm>>) target(%dma_start3A_285 : memref<128xi32, #tpu.memory_space<vmem>>) target_semaphore(%run_scoped3A_278 : memref<!tpu.dma_semaphore, #tpu.memory_space<semaphore_mem>>)
          %dma_wait3A_287 = arith.constant 0 : i32
          %dma_wait3A_288 = tpu.memref_slice %arg7[%run_scoped3A_277, %dma_wait3A_287] : memref<4x128xi32, #tpu.memory_space<vmem>> -> memref<1x128xi32, #tpu.memory_space<vmem>>
          %dma_wait3A_289 = tpu.memref_squeeze %dma_wait3A_288 : memref<1x128xi32, #tpu.memory_space<vmem>> -> memref<128xi32, #tpu.memory_space<vmem>>
          %dma_wait3A_290 = tpu.memref_slice %arg3[%add3A_276] : memref<163840xi32, #tpu.memory_space<hbm>> -> memref<128xi32, #tpu.memory_space<hbm>>
          %dma_wait3A_291 = arith.constant 0 : i32
          %dma_wait3A_292 = tpu.memref_slice %arg7[%run_scoped3A_277, %dma_wait3A_291] : memref<4x128xi32, #tpu.memory_space<vmem>> -> memref<1x128xi32, #tpu.memory_space<vmem>>
          %dma_wait3A_293 = tpu.memref_squeeze %dma_wait3A_292 : memref<1x128xi32, #tpu.memory_space<vmem>> -> memref<128xi32, #tpu.memory_space<vmem>>
          %dma_wait3A_294 = tpu.memref_slice %arg3[%add3A_276] : memref<163840xi32, #tpu.memory_space<hbm>> -> memref<128xi32, #tpu.memory_space<hbm>>
          tpu.wait_dma2 semaphore(%run_scoped3A_278 : memref<!tpu.dma_semaphore, #tpu.memory_space<semaphore_mem>>) src(%dma_wait3A_294 : memref<128xi32, #tpu.memory_space<hbm>>) dst(%dma_wait3A_293 : memref<128xi32, #tpu.memory_space<vmem>>)
          tpu.yield
        }) : () -> ()
      } else {
      }
      %dma_wait3A_141 = arith.constant 1 : i32
      %dma_wait3A_142 = arith.constant 1 : i32
      %dma_wait3A_143 = arith.constant 0 : i32
      %dma_wait3A_144 = arith.constant 0 : i32
      %dma_wait3A_145 = tpu.memref_slice %arg8[%dma_wait3A_141, %dma_wait3A_143, %dma_wait3A_144] : memref<2x128x128xf32, #tpu.memory_space<vmem>> -> memref<1x128x128xf32, #tpu.memory_space<vmem>>
      %dma_wait3A_146 = tpu.memref_squeeze %dma_wait3A_145 : memref<1x128x128xf32, #tpu.memory_space<vmem>> -> memref<128x128xf32, #tpu.memory_space<vmem>>
      %dma_wait3A_147 = arith.constant 0 : i32
      %dma_wait3A_148 = tpu.memref_slice %arg7[%dma_wait3A_142, %dma_wait3A_147] : memref<4x128xi32, #tpu.memory_space<vmem>> -> memref<1x128xi32, #tpu.memory_space<vmem>>
      %dma_wait3A_149 = tpu.memref_squeeze %dma_wait3A_148 : memref<1x128xi32, #tpu.memory_space<vmem>> -> memref<128xi32, #tpu.memory_space<vmem>>
      %dma_wait3A_150 = arith.constant 0 : i32
      %dma_wait3A_151 = arith.constant 0 : i32
      %dma_wait3A_152 = tpu.memref_slice %arg9[%dma_wait3A_150, %dma_wait3A_151] : memref<10008x128xf32, #tpu.memory_space<vmem_shared>> -> memref<10008x128xf32, #tpu.memory_space<vmem_shared>>
      tpu.wait_indirect_dma semaphore(%arg12 : memref<!tpu.dma_semaphore, #tpu.memory_space<semaphore_mem>>) src(%dma_wait3A_146 : memref<128x128xf32, #tpu.memory_space<vmem>>) dst(%dma_wait3A_152 : memref<10008x128xf32, #tpu.memory_space<vmem_shared>>)
      %add3A_153 = arith.constant 2 : i32
      %add3A_154 = arith.addi %add3A_109, %add3A_153 : i32
      %lt3A_155 = arith.constant 80 : i32
      %lt3A_156 = arith.cmpi slt, %add3A_154, %lt3A_155 : i32
      %convert_element_type3A_157 = arith.extui %lt3A_156 : i1 to i32
      %cond3A_158 = arith.constant 0 : i32
      %cond3A_159 = arith.cmpi ne, %convert_element_type3A_157, %cond3A_158 : i32
      scf.if %cond3A_159 {
        %dma_start3A_268 = arith.constant 3 : i32
        %dma_start3A_269 = arith.constant 1 : i32
        %dma_start3A_270 = arith.constant 0 : i32
        %dma_start3A_271 = arith.constant 0 : i32
        %dma_start3A_272 = tpu.memref_slice %arg8[%dma_start3A_269, %dma_start3A_270, %dma_start3A_271] : memref<2x128x128xf32, #tpu.memory_space<vmem>> -> memref<1x128x128xf32, #tpu.memory_space<vmem>>
        %dma_start3A_273 = tpu.memref_squeeze %dma_start3A_272 : memref<1x128x128xf32, #tpu.memory_space<vmem>> -> memref<128x128xf32, #tpu.memory_space<vmem>>
        %dma_start3A_274 = arith.constant 0 : i32
        %dma_start3A_275 = tpu.memref_slice %arg6[%dma_start3A_268, %dma_start3A_274] : memref<4x128xi32, #tpu.memory_space<vmem>> -> memref<1x128xi32, #tpu.memory_space<vmem>>
        %dma_start3A_276 = tpu.memref_squeeze %dma_start3A_275 : memref<1x128xi32, #tpu.memory_space<vmem>> -> memref<128xi32, #tpu.memory_space<vmem>>
        %dma_start3A_277 = arith.constant 0 : i32
        %dma_start3A_278 = arith.constant 0 : i32
        %dma_start3A_279 = tpu.memref_slice %arg4[%dma_start3A_277, %dma_start3A_278] : memref<20000x128xf32, #tpu.memory_space<hbm>> -> memref<20000x128xf32, #tpu.memory_space<hbm>>
        tpu.enqueue_indirect_dma source(%dma_start3A_279 : memref<20000x128xf32, #tpu.memory_space<hbm>>) target(%dma_start3A_273 : memref<128x128xf32, #tpu.memory_space<vmem>>) offsets(%dma_start3A_276 : memref<128xi32, #tpu.memory_space<vmem>>) semaphore(%arg11 : memref<!tpu.dma_semaphore, #tpu.memory_space<semaphore_mem>>)
      } else {
      }
      %mul3A_160 = arith.constant 4 : i32
      %mul3A_161 = arith.muli %mul3A_160, %scan3A_52 : i32
      %add3A_162 = arith.constant 2 : i32
      %add3A_163 = arith.addi %mul3A_161, %add3A_162 : i32
      %dma_wait3A_164 = arith.constant 2 : i32
      %dma_wait3A_165 = arith.constant 0 : i32
      %dma_wait3A_166 = arith.constant 0 : i32
      %dma_wait3A_167 = arith.constant 0 : i32
      %dma_wait3A_168 = tpu.memref_slice %arg8[%dma_wait3A_165, %dma_wait3A_166, %dma_wait3A_167] : memref<2x128x128xf32, #tpu.memory_space<vmem>> -> memref<1x128x128xf32, #tpu.memory_space<vmem>>
      %dma_wait3A_169 = tpu.memref_squeeze %dma_wait3A_168 : memref<1x128x128xf32, #tpu.memory_space<vmem>> -> memref<128x128xf32, #tpu.memory_space<vmem>>
      %dma_wait3A_170 = arith.constant 0 : i32
      %dma_wait3A_171 = tpu.memref_slice %arg6[%dma_wait3A_164, %dma_wait3A_170] : memref<4x128xi32, #tpu.memory_space<vmem>> -> memref<1x128xi32, #tpu.memory_space<vmem>>
      %dma_wait3A_172 = tpu.memref_squeeze %dma_wait3A_171 : memref<1x128xi32, #tpu.memory_space<vmem>> -> memref<128xi32, #tpu.memory_space<vmem>>
      %dma_wait3A_173 = arith.constant 0 : i32
      %dma_wait3A_174 = arith.constant 0 : i32
      %dma_wait3A_175 = tpu.memref_slice %arg4[%dma_wait3A_173, %dma_wait3A_174] : memref<20000x128xf32, #tpu.memory_space<hbm>> -> memref<20000x128xf32, #tpu.memory_space<hbm>>
      tpu.wait_indirect_dma semaphore(%arg10 : memref<!tpu.dma_semaphore, #tpu.memory_space<semaphore_mem>>) src(%dma_wait3A_175 : memref<20000x128xf32, #tpu.memory_space<hbm>>) dst(%dma_wait3A_169 : memref<128x128xf32, #tpu.memory_space<vmem>>)
      %dma_start3A_176 = arith.constant 0 : i32
      %dma_start3A_177 = arith.constant 2 : i32
      %dma_start3A_178 = arith.constant 0 : i32
      %dma_start3A_179 = arith.constant 0 : i32
      %dma_start3A_180 = tpu.memref_slice %arg8[%dma_start3A_176, %dma_start3A_178, %dma_start3A_179] : memref<2x128x128xf32, #tpu.memory_space<vmem>> -> memref<1x128x128xf32, #tpu.memory_space<vmem>>
      %dma_start3A_181 = tpu.memref_squeeze %dma_start3A_180 : memref<1x128x128xf32, #tpu.memory_space<vmem>> -> memref<128x128xf32, #tpu.memory_space<vmem>>
      %dma_start3A_182 = arith.constant 0 : i32
      %dma_start3A_183 = tpu.memref_slice %arg7[%dma_start3A_177, %dma_start3A_182] : memref<4x128xi32, #tpu.memory_space<vmem>> -> memref<1x128xi32, #tpu.memory_space<vmem>>
      %dma_start3A_184 = tpu.memref_squeeze %dma_start3A_183 : memref<1x128xi32, #tpu.memory_space<vmem>> -> memref<128xi32, #tpu.memory_space<vmem>>
      %dma_start3A_185 = arith.constant 0 : i32
      %dma_start3A_186 = arith.constant 0 : i32
      %dma_start3A_187 = tpu.memref_slice %arg9[%dma_start3A_185, %dma_start3A_186] : memref<10008x128xf32, #tpu.memory_space<vmem_shared>> -> memref<10008x128xf32, #tpu.memory_space<vmem_shared>>
      tpu.enqueue_indirect_dma source(%dma_start3A_181 : memref<128x128xf32, #tpu.memory_space<vmem>>) target(%dma_start3A_187 : memref<10008x128xf32, #tpu.memory_space<vmem_shared>>) offsets(%dma_start3A_184 : memref<128xi32, #tpu.memory_space<vmem>>) semaphore(%arg12 : memref<!tpu.dma_semaphore, #tpu.memory_space<semaphore_mem>>) {add = true}
      %add3A_188 = arith.constant 2 : i32
      %add3A_189 = arith.addi %add3A_163, %add3A_188 : i32
      %lt3A_190 = arith.constant 80 : i32
      %lt3A_191 = arith.cmpi slt, %add3A_189, %lt3A_190 : i32
      %convert_element_type3A_192 = arith.extui %lt3A_191 : i1 to i32
      %cond3A_193 = arith.constant 0 : i32
      %cond3A_194 = arith.cmpi ne, %convert_element_type3A_192, %cond3A_193 : i32
      scf.if %cond3A_194 {
        %add3A_268 = arith.constant 2 : i32
        %add3A_269 = arith.addi %add3A_163, %add3A_268 : i32
        %mul3A_270 = arith.constant 128 : i32
        %mul3A_271 = arith.muli %add3A_269, %mul3A_270 : i32
        %add3A_272 = arith.addi %add3A, %mul3A_271 : i32
        %run_scoped3A_273 = arith.constant 0 : i32
        "tpu.region"() ({
          %run_scoped3A_278 = tpu.sem_alloc : memref<!tpu.dma_semaphore, #tpu.memory_space<semaphore_mem>>
          %dma_start3A_279 = arith.constant 0 : i32
          %dma_start3A_280 = tpu.memref_slice %arg6[%run_scoped3A_273, %dma_start3A_279] : memref<4x128xi32, #tpu.memory_space<vmem>> -> memref<1x128xi32, #tpu.memory_space<vmem>>
          %dma_start3A_281 = tpu.memref_squeeze %dma_start3A_280 : memref<1x128xi32, #tpu.memory_space<vmem>> -> memref<128xi32, #tpu.memory_space<vmem>>
          %dma_start3A_282 = tpu.memref_slice %arg2[%add3A_272] : memref<327680xi32, #tpu.memory_space<hbm>> -> memref<128xi32, #tpu.memory_space<hbm>>
          %dma_start3A_283 = arith.constant 0 : i32
          %dma_start3A_284 = tpu.memref_slice %arg6[%run_scoped3A_273, %dma_start3A_283] : memref<4x128xi32, #tpu.memory_space<vmem>> -> memref<1x128xi32, #tpu.memory_space<vmem>>
          %dma_start3A_285 = tpu.memref_squeeze %dma_start3A_284 : memref<1x128xi32, #tpu.memory_space<vmem>> -> memref<128xi32, #tpu.memory_space<vmem>>
          %dma_start3A_286 = tpu.memref_slice %arg2[%add3A_272] : memref<327680xi32, #tpu.memory_space<hbm>> -> memref<128xi32, #tpu.memory_space<hbm>>
          tpu.enqueue_dma source(%dma_start3A_286 : memref<128xi32, #tpu.memory_space<hbm>>) target(%dma_start3A_285 : memref<128xi32, #tpu.memory_space<vmem>>) target_semaphore(%run_scoped3A_278 : memref<!tpu.dma_semaphore, #tpu.memory_space<semaphore_mem>>)
          %dma_wait3A_287 = arith.constant 0 : i32
          %dma_wait3A_288 = tpu.memref_slice %arg6[%run_scoped3A_273, %dma_wait3A_287] : memref<4x128xi32, #tpu.memory_space<vmem>> -> memref<1x128xi32, #tpu.memory_space<vmem>>
          %dma_wait3A_289 = tpu.memref_squeeze %dma_wait3A_288 : memref<1x128xi32, #tpu.memory_space<vmem>> -> memref<128xi32, #tpu.memory_space<vmem>>
          %dma_wait3A_290 = tpu.memref_slice %arg2[%add3A_272] : memref<327680xi32, #tpu.memory_space<hbm>> -> memref<128xi32, #tpu.memory_space<hbm>>
          %dma_wait3A_291 = arith.constant 0 : i32
          %dma_wait3A_292 = tpu.memref_slice %arg6[%run_scoped3A_273, %dma_wait3A_291] : memref<4x128xi32, #tpu.memory_space<vmem>> -> memref<1x128xi32, #tpu.memory_space<vmem>>
          %dma_wait3A_293 = tpu.memref_squeeze %dma_wait3A_292 : memref<1x128xi32, #tpu.memory_space<vmem>> -> memref<128xi32, #tpu.memory_space<vmem>>
          %dma_wait3A_294 = tpu.memref_slice %arg2[%add3A_272] : memref<327680xi32, #tpu.memory_space<hbm>> -> memref<128xi32, #tpu.memory_space<hbm>>
          tpu.wait_dma2 semaphore(%run_scoped3A_278 : memref<!tpu.dma_semaphore, #tpu.memory_space<semaphore_mem>>) src(%dma_wait3A_294 : memref<128xi32, #tpu.memory_space<hbm>>) dst(%dma_wait3A_293 : memref<128xi32, #tpu.memory_space<vmem>>)
          tpu.yield
        }) : () -> ()
        %mul3A_274 = arith.constant 128 : i32
        %mul3A_275 = arith.muli %add3A_269, %mul3A_274 : i32
        %add3A_276 = arith.addi %mul3A_6, %mul3A_275 : i32
        %run_scoped3A_277 = arith.constant 0 : i32
        "tpu.region"() ({
          %run_scoped3A_278 = tpu.sem_alloc : memref<!tpu.dma_semaphore, #tpu.memory_space<semaphore_mem>>
          %dma_start3A_279 = arith.constant 0 : i32
          %dma_start3A_280 = tpu.memref_slice %arg7[%run_scoped3A_277, %dma_start3A_279] : memref<4x128xi32, #tpu.memory_space<vmem>> -> memref<1x128xi32, #tpu.memory_space<vmem>>
          %dma_start3A_281 = tpu.memref_squeeze %dma_start3A_280 : memref<1x128xi32, #tpu.memory_space<vmem>> -> memref<128xi32, #tpu.memory_space<vmem>>
          %dma_start3A_282 = tpu.memref_slice %arg3[%add3A_276] : memref<163840xi32, #tpu.memory_space<hbm>> -> memref<128xi32, #tpu.memory_space<hbm>>
          %dma_start3A_283 = arith.constant 0 : i32
          %dma_start3A_284 = tpu.memref_slice %arg7[%run_scoped3A_277, %dma_start3A_283] : memref<4x128xi32, #tpu.memory_space<vmem>> -> memref<1x128xi32, #tpu.memory_space<vmem>>
          %dma_start3A_285 = tpu.memref_squeeze %dma_start3A_284 : memref<1x128xi32, #tpu.memory_space<vmem>> -> memref<128xi32, #tpu.memory_space<vmem>>
          %dma_start3A_286 = tpu.memref_slice %arg3[%add3A_276] : memref<163840xi32, #tpu.memory_space<hbm>> -> memref<128xi32, #tpu.memory_space<hbm>>
          tpu.enqueue_dma source(%dma_start3A_286 : memref<128xi32, #tpu.memory_space<hbm>>) target(%dma_start3A_285 : memref<128xi32, #tpu.memory_space<vmem>>) target_semaphore(%run_scoped3A_278 : memref<!tpu.dma_semaphore, #tpu.memory_space<semaphore_mem>>)
          %dma_wait3A_287 = arith.constant 0 : i32
          %dma_wait3A_288 = tpu.memref_slice %arg7[%run_scoped3A_277, %dma_wait3A_287] : memref<4x128xi32, #tpu.memory_space<vmem>> -> memref<1x128xi32, #tpu.memory_space<vmem>>
          %dma_wait3A_289 = tpu.memref_squeeze %dma_wait3A_288 : memref<1x128xi32, #tpu.memory_space<vmem>> -> memref<128xi32, #tpu.memory_space<vmem>>
          %dma_wait3A_290 = tpu.memref_slice %arg3[%add3A_276] : memref<163840xi32, #tpu.memory_space<hbm>> -> memref<128xi32, #tpu.memory_space<hbm>>
          %dma_wait3A_291 = arith.constant 0 : i32
          %dma_wait3A_292 = tpu.memref_slice %arg7[%run_scoped3A_277, %dma_wait3A_291] : memref<4x128xi32, #tpu.memory_space<vmem>> -> memref<1x128xi32, #tpu.memory_space<vmem>>
          %dma_wait3A_293 = tpu.memref_squeeze %dma_wait3A_292 : memref<1x128xi32, #tpu.memory_space<vmem>> -> memref<128xi32, #tpu.memory_space<vmem>>
          %dma_wait3A_294 = tpu.memref_slice %arg3[%add3A_276] : memref<163840xi32, #tpu.memory_space<hbm>> -> memref<128xi32, #tpu.memory_space<hbm>>
          tpu.wait_dma2 semaphore(%run_scoped3A_278 : memref<!tpu.dma_semaphore, #tpu.memory_space<semaphore_mem>>) src(%dma_wait3A_294 : memref<128xi32, #tpu.memory_space<hbm>>) dst(%dma_wait3A_293 : memref<128xi32, #tpu.memory_space<vmem>>)
          tpu.yield
        }) : () -> ()
      } else {
      }
      %dma_wait3A_195 = arith.constant 0 : i32
      %dma_wait3A_196 = arith.constant 2 : i32
      %dma_wait3A_197 = arith.constant 0 : i32
      %dma_wait3A_198 = arith.constant 0 : i32
      %dma_wait3A_199 = tpu.memref_slice %arg8[%dma_wait3A_195, %dma_wait3A_197, %dma_wait3A_198] : memref<2x128x128xf32, #tpu.memory_space<vmem>> -> memref<1x128x128xf32, #tpu.memory_space<vmem>>
      %dma_wait3A_200 = tpu.memref_squeeze %dma_wait3A_199 : memref<1x128x128xf32, #tpu.memory_space<vmem>> -> memref<128x128xf32, #tpu.memory_space<vmem>>
      %dma_wait3A_201 = arith.constant 0 : i32
      %dma_wait3A_202 = tpu.memref_slice %arg7[%dma_wait3A_196, %dma_wait3A_201] : memref<4x128xi32, #tpu.memory_space<vmem>> -> memref<1x128xi32, #tpu.memory_space<vmem>>
      %dma_wait3A_203 = tpu.memref_squeeze %dma_wait3A_202 : memref<1x128xi32, #tpu.memory_space<vmem>> -> memref<128xi32, #tpu.memory_space<vmem>>
      %dma_wait3A_204 = arith.constant 0 : i32
      %dma_wait3A_205 = arith.constant 0 : i32
      %dma_wait3A_206 = tpu.memref_slice %arg9[%dma_wait3A_204, %dma_wait3A_205] : memref<10008x128xf32, #tpu.memory_space<vmem_shared>> -> memref<10008x128xf32, #tpu.memory_space<vmem_shared>>
      tpu.wait_indirect_dma semaphore(%arg12 : memref<!tpu.dma_semaphore, #tpu.memory_space<semaphore_mem>>) src(%dma_wait3A_200 : memref<128x128xf32, #tpu.memory_space<vmem>>) dst(%dma_wait3A_206 : memref<10008x128xf32, #tpu.memory_space<vmem_shared>>)
      %add3A_207 = arith.constant 2 : i32
      %add3A_208 = arith.addi %add3A_163, %add3A_207 : i32
      %lt3A_209 = arith.constant 80 : i32
      %lt3A_210 = arith.cmpi slt, %add3A_208, %lt3A_209 : i32
      %convert_element_type3A_211 = arith.extui %lt3A_210 : i1 to i32
      %cond3A_212 = arith.constant 0 : i32
      %cond3A_213 = arith.cmpi ne, %convert_element_type3A_211, %cond3A_212 : i32
      scf.if %cond3A_213 {
        %dma_start3A_268 = arith.constant 0 : i32
        %dma_start3A_269 = arith.constant 0 : i32
        %dma_start3A_270 = arith.constant 0 : i32
        %dma_start3A_271 = arith.constant 0 : i32
        %dma_start3A_272 = tpu.memref_slice %arg8[%dma_start3A_269, %dma_start3A_270, %dma_start3A_271] : memref<2x128x128xf32, #tpu.memory_space<vmem>> -> memref<1x128x128xf32, #tpu.memory_space<vmem>>
        %dma_start3A_273 = tpu.memref_squeeze %dma_start3A_272 : memref<1x128x128xf32, #tpu.memory_space<vmem>> -> memref<128x128xf32, #tpu.memory_space<vmem>>
        %dma_start3A_274 = arith.constant 0 : i32
        %dma_start3A_275 = tpu.memref_slice %arg6[%dma_start3A_268, %dma_start3A_274] : memref<4x128xi32, #tpu.memory_space<vmem>> -> memref<1x128xi32, #tpu.memory_space<vmem>>
        %dma_start3A_276 = tpu.memref_squeeze %dma_start3A_275 : memref<1x128xi32, #tpu.memory_space<vmem>> -> memref<128xi32, #tpu.memory_space<vmem>>
        %dma_start3A_277 = arith.constant 0 : i32
        %dma_start3A_278 = arith.constant 0 : i32
        %dma_start3A_279 = tpu.memref_slice %arg4[%dma_start3A_277, %dma_start3A_278] : memref<20000x128xf32, #tpu.memory_space<hbm>> -> memref<20000x128xf32, #tpu.memory_space<hbm>>
        tpu.enqueue_indirect_dma source(%dma_start3A_279 : memref<20000x128xf32, #tpu.memory_space<hbm>>) target(%dma_start3A_273 : memref<128x128xf32, #tpu.memory_space<vmem>>) offsets(%dma_start3A_276 : memref<128xi32, #tpu.memory_space<vmem>>) semaphore(%arg10 : memref<!tpu.dma_semaphore, #tpu.memory_space<semaphore_mem>>)
      } else {
      }
      %mul3A_214 = arith.constant 4 : i32
      %mul3A_215 = arith.muli %mul3A_214, %scan3A_52 : i32
      %add3A_216 = arith.constant 3 : i32
      %add3A_217 = arith.addi %mul3A_215, %add3A_216 : i32
      %dma_wait3A_218 = arith.constant 3 : i32
      %dma_wait3A_219 = arith.constant 1 : i32
      %dma_wait3A_220 = arith.constant 0 : i32
      %dma_wait3A_221 = arith.constant 0 : i32
      %dma_wait3A_222 = tpu.memref_slice %arg8[%dma_wait3A_219, %dma_wait3A_220, %dma_wait3A_221] : memref<2x128x128xf32, #tpu.memory_space<vmem>> -> memref<1x128x128xf32, #tpu.memory_space<vmem>>
      %dma_wait3A_223 = tpu.memref_squeeze %dma_wait3A_222 : memref<1x128x128xf32, #tpu.memory_space<vmem>> -> memref<128x128xf32, #tpu.memory_space<vmem>>
      %dma_wait3A_224 = arith.constant 0 : i32
      %dma_wait3A_225 = tpu.memref_slice %arg6[%dma_wait3A_218, %dma_wait3A_224] : memref<4x128xi32, #tpu.memory_space<vmem>> -> memref<1x128xi32, #tpu.memory_space<vmem>>
      %dma_wait3A_226 = tpu.memref_squeeze %dma_wait3A_225 : memref<1x128xi32, #tpu.memory_space<vmem>> -> memref<128xi32, #tpu.memory_space<vmem>>
      %dma_wait3A_227 = arith.constant 0 : i32
      %dma_wait3A_228 = arith.constant 0 : i32
      %dma_wait3A_229 = tpu.memref_slice %arg4[%dma_wait3A_227, %dma_wait3A_228] : memref<20000x128xf32, #tpu.memory_space<hbm>> -> memref<20000x128xf32, #tpu.memory_space<hbm>>
      tpu.wait_indirect_dma semaphore(%arg11 : memref<!tpu.dma_semaphore, #tpu.memory_space<semaphore_mem>>) src(%dma_wait3A_229 : memref<20000x128xf32, #tpu.memory_space<hbm>>) dst(%dma_wait3A_223 : memref<128x128xf32, #tpu.memory_space<vmem>>)
      %dma_start3A_230 = arith.constant 1 : i32
      %dma_start3A_231 = arith.constant 3 : i32
      %dma_start3A_232 = arith.constant 0 : i32
      %dma_start3A_233 = arith.constant 0 : i32
      %dma_start3A_234 = tpu.memref_slice %arg8[%dma_start3A_230, %dma_start3A_232, %dma_start3A_233] : memref<2x128x128xf32, #tpu.memory_space<vmem>> -> memref<1x128x128xf32, #tpu.memory_space<vmem>>
      %dma_start3A_235 = tpu.memref_squeeze %dma_start3A_234 : memref<1x128x128xf32, #tpu.memory_space<vmem>> -> memref<128x128xf32, #tpu.memory_space<vmem>>
      %dma_start3A_236 = arith.constant 0 : i32
      %dma_start3A_237 = tpu.memref_slice %arg7[%dma_start3A_231, %dma_start3A_236] : memref<4x128xi32, #tpu.memory_space<vmem>> -> memref<1x128xi32, #tpu.memory_space<vmem>>
      %dma_start3A_238 = tpu.memref_squeeze %dma_start3A_237 : memref<1x128xi32, #tpu.memory_space<vmem>> -> memref<128xi32, #tpu.memory_space<vmem>>
      %dma_start3A_239 = arith.constant 0 : i32
      %dma_start3A_240 = arith.constant 0 : i32
      %dma_start3A_241 = tpu.memref_slice %arg9[%dma_start3A_239, %dma_start3A_240] : memref<10008x128xf32, #tpu.memory_space<vmem_shared>> -> memref<10008x128xf32, #tpu.memory_space<vmem_shared>>
      tpu.enqueue_indirect_dma source(%dma_start3A_235 : memref<128x128xf32, #tpu.memory_space<vmem>>) target(%dma_start3A_241 : memref<10008x128xf32, #tpu.memory_space<vmem_shared>>) offsets(%dma_start3A_238 : memref<128xi32, #tpu.memory_space<vmem>>) semaphore(%arg12 : memref<!tpu.dma_semaphore, #tpu.memory_space<semaphore_mem>>) {add = true}
      %add3A_242 = arith.constant 2 : i32
      %add3A_243 = arith.addi %add3A_217, %add3A_242 : i32
      %lt3A_244 = arith.constant 80 : i32
      %lt3A_245 = arith.cmpi slt, %add3A_243, %lt3A_244 : i32
      %convert_element_type3A_246 = arith.extui %lt3A_245 : i1 to i32
      %cond3A_247 = arith.constant 0 : i32
      %cond3A_248 = arith.cmpi ne, %convert_element_type3A_246, %cond3A_247 : i32
      scf.if %cond3A_248 {
        %add3A_268 = arith.constant 2 : i32
        %add3A_269 = arith.addi %add3A_217, %add3A_268 : i32
        %mul3A_270 = arith.constant 128 : i32
        %mul3A_271 = arith.muli %add3A_269, %mul3A_270 : i32
        %add3A_272 = arith.addi %add3A, %mul3A_271 : i32
        %run_scoped3A_273 = arith.constant 1 : i32
        "tpu.region"() ({
          %run_scoped3A_278 = tpu.sem_alloc : memref<!tpu.dma_semaphore, #tpu.memory_space<semaphore_mem>>
          %dma_start3A_279 = arith.constant 0 : i32
          %dma_start3A_280 = tpu.memref_slice %arg6[%run_scoped3A_273, %dma_start3A_279] : memref<4x128xi32, #tpu.memory_space<vmem>> -> memref<1x128xi32, #tpu.memory_space<vmem>>
          %dma_start3A_281 = tpu.memref_squeeze %dma_start3A_280 : memref<1x128xi32, #tpu.memory_space<vmem>> -> memref<128xi32, #tpu.memory_space<vmem>>
          %dma_start3A_282 = tpu.memref_slice %arg2[%add3A_272] : memref<327680xi32, #tpu.memory_space<hbm>> -> memref<128xi32, #tpu.memory_space<hbm>>
          %dma_start3A_283 = arith.constant 0 : i32
          %dma_start3A_284 = tpu.memref_slice %arg6[%run_scoped3A_273, %dma_start3A_283] : memref<4x128xi32, #tpu.memory_space<vmem>> -> memref<1x128xi32, #tpu.memory_space<vmem>>
          %dma_start3A_285 = tpu.memref_squeeze %dma_start3A_284 : memref<1x128xi32, #tpu.memory_space<vmem>> -> memref<128xi32, #tpu.memory_space<vmem>>
          %dma_start3A_286 = tpu.memref_slice %arg2[%add3A_272] : memref<327680xi32, #tpu.memory_space<hbm>> -> memref<128xi32, #tpu.memory_space<hbm>>
          tpu.enqueue_dma source(%dma_start3A_286 : memref<128xi32, #tpu.memory_space<hbm>>) target(%dma_start3A_285 : memref<128xi32, #tpu.memory_space<vmem>>) target_semaphore(%run_scoped3A_278 : memref<!tpu.dma_semaphore, #tpu.memory_space<semaphore_mem>>)
          %dma_wait3A_287 = arith.constant 0 : i32
          %dma_wait3A_288 = tpu.memref_slice %arg6[%run_scoped3A_273, %dma_wait3A_287] : memref<4x128xi32, #tpu.memory_space<vmem>> -> memref<1x128xi32, #tpu.memory_space<vmem>>
          %dma_wait3A_289 = tpu.memref_squeeze %dma_wait3A_288 : memref<1x128xi32, #tpu.memory_space<vmem>> -> memref<128xi32, #tpu.memory_space<vmem>>
          %dma_wait3A_290 = tpu.memref_slice %arg2[%add3A_272] : memref<327680xi32, #tpu.memory_space<hbm>> -> memref<128xi32, #tpu.memory_space<hbm>>
          %dma_wait3A_291 = arith.constant 0 : i32
          %dma_wait3A_292 = tpu.memref_slice %arg6[%run_scoped3A_273, %dma_wait3A_291] : memref<4x128xi32, #tpu.memory_space<vmem>> -> memref<1x128xi32, #tpu.memory_space<vmem>>
          %dma_wait3A_293 = tpu.memref_squeeze %dma_wait3A_292 : memref<1x128xi32, #tpu.memory_space<vmem>> -> memref<128xi32, #tpu.memory_space<vmem>>
          %dma_wait3A_294 = tpu.memref_slice %arg2[%add3A_272] : memref<327680xi32, #tpu.memory_space<hbm>> -> memref<128xi32, #tpu.memory_space<hbm>>
          tpu.wait_dma2 semaphore(%run_scoped3A_278 : memref<!tpu.dma_semaphore, #tpu.memory_space<semaphore_mem>>) src(%dma_wait3A_294 : memref<128xi32, #tpu.memory_space<hbm>>) dst(%dma_wait3A_293 : memref<128xi32, #tpu.memory_space<vmem>>)
          tpu.yield
        }) : () -> ()
        %mul3A_274 = arith.constant 128 : i32
        %mul3A_275 = arith.muli %add3A_269, %mul3A_274 : i32
        %add3A_276 = arith.addi %mul3A_6, %mul3A_275 : i32
        %run_scoped3A_277 = arith.constant 1 : i32
        "tpu.region"() ({
          %run_scoped3A_278 = tpu.sem_alloc : memref<!tpu.dma_semaphore, #tpu.memory_space<semaphore_mem>>
          %dma_start3A_279 = arith.constant 0 : i32
          %dma_start3A_280 = tpu.memref_slice %arg7[%run_scoped3A_277, %dma_start3A_279] : memref<4x128xi32, #tpu.memory_space<vmem>> -> memref<1x128xi32, #tpu.memory_space<vmem>>
          %dma_start3A_281 = tpu.memref_squeeze %dma_start3A_280 : memref<1x128xi32, #tpu.memory_space<vmem>> -> memref<128xi32, #tpu.memory_space<vmem>>
          %dma_start3A_282 = tpu.memref_slice %arg3[%add3A_276] : memref<163840xi32, #tpu.memory_space<hbm>> -> memref<128xi32, #tpu.memory_space<hbm>>
          %dma_start3A_283 = arith.constant 0 : i32
          %dma_start3A_284 = tpu.memref_slice %arg7[%run_scoped3A_277, %dma_start3A_283] : memref<4x128xi32, #tpu.memory_space<vmem>> -> memref<1x128xi32, #tpu.memory_space<vmem>>
          %dma_start3A_285 = tpu.memref_squeeze %dma_start3A_284 : memref<1x128xi32, #tpu.memory_space<vmem>> -> memref<128xi32, #tpu.memory_space<vmem>>
          %dma_start3A_286 = tpu.memref_slice %arg3[%add3A_276] : memref<163840xi32, #tpu.memory_space<hbm>> -> memref<128xi32, #tpu.memory_space<hbm>>
          tpu.enqueue_dma source(%dma_start3A_286 : memref<128xi32, #tpu.memory_space<hbm>>) target(%dma_start3A_285 : memref<128xi32, #tpu.memory_space<vmem>>) target_semaphore(%run_scoped3A_278 : memref<!tpu.dma_semaphore, #tpu.memory_space<semaphore_mem>>)
          %dma_wait3A_287 = arith.constant 0 : i32
          %dma_wait3A_288 = tpu.memref_slice %arg7[%run_scoped3A_277, %dma_wait3A_287] : memref<4x128xi32, #tpu.memory_space<vmem>> -> memref<1x128xi32, #tpu.memory_space<vmem>>
          %dma_wait3A_289 = tpu.memref_squeeze %dma_wait3A_288 : memref<1x128xi32, #tpu.memory_space<vmem>> -> memref<128xi32, #tpu.memory_space<vmem>>
          %dma_wait3A_290 = tpu.memref_slice %arg3[%add3A_276] : memref<163840xi32, #tpu.memory_space<hbm>> -> memref<128xi32, #tpu.memory_space<hbm>>
          %dma_wait3A_291 = arith.constant 0 : i32
          %dma_wait3A_292 = tpu.memref_slice %arg7[%run_scoped3A_277, %dma_wait3A_291] : memref<4x128xi32, #tpu.memory_space<vmem>> -> memref<1x128xi32, #tpu.memory_space<vmem>>
          %dma_wait3A_293 = tpu.memref_squeeze %dma_wait3A_292 : memref<1x128xi32, #tpu.memory_space<vmem>> -> memref<128xi32, #tpu.memory_space<vmem>>
          %dma_wait3A_294 = tpu.memref_slice %arg3[%add3A_276] : memref<163840xi32, #tpu.memory_space<hbm>> -> memref<128xi32, #tpu.memory_space<hbm>>
          tpu.wait_dma2 semaphore(%run_scoped3A_278 : memref<!tpu.dma_semaphore, #tpu.memory_space<semaphore_mem>>) src(%dma_wait3A_294 : memref<128xi32, #tpu.memory_space<hbm>>) dst(%dma_wait3A_293 : memref<128xi32, #tpu.memory_space<vmem>>)
          tpu.yield
        }) : () -> ()
      } else {
      }
      %dma_wait3A_249 = arith.constant 1 : i32
      %dma_wait3A_250 = arith.constant 3 : i32
      %dma_wait3A_251 = arith.constant 0 : i32
      %dma_wait3A_252 = arith.constant 0 : i32
      %dma_wait3A_253 = tpu.memref_slice %arg8[%dma_wait3A_249, %dma_wait3A_251, %dma_wait3A_252] : memref<2x128x128xf32, #tpu.memory_space<vmem>> -> memref<1x128x128xf32, #tpu.memory_space<vmem>>
      %dma_wait3A_254 = tpu.memref_squeeze %dma_wait3A_253 : memref<1x128x128xf32, #tpu.memory_space<vmem>> -> memref<128x128xf32, #tpu.memory_space<vmem>>
      %dma_wait3A_255 = arith.constant 0 : i32
      %dma_wait3A_256 = tpu.memref_slice %arg7[%dma_wait3A_250, %dma_wait3A_255] : memref<4x128xi32, #tpu.memory_space<vmem>> -> memref<1x128xi32, #tpu.memory_space<vmem>>
      %dma_wait3A_257 = tpu.memref_squeeze %dma_wait3A_256 : memref<1x128xi32, #tpu.memory_space<vmem>> -> memref<128xi32, #tpu.memory_space<vmem>>
      %dma_wait3A_258 = arith.constant 0 : i32
      %dma_wait3A_259 = arith.constant 0 : i32
      %dma_wait3A_260 = tpu.memref_slice %arg9[%dma_wait3A_258, %dma_wait3A_259] : memref<10008x128xf32, #tpu.memory_space<vmem_shared>> -> memref<10008x128xf32, #tpu.memory_space<vmem_shared>>
      tpu.wait_indirect_dma semaphore(%arg12 : memref<!tpu.dma_semaphore, #tpu.memory_space<semaphore_mem>>) src(%dma_wait3A_254 : memref<128x128xf32, #tpu.memory_space<vmem>>) dst(%dma_wait3A_260 : memref<10008x128xf32, #tpu.memory_space<vmem_shared>>)
      %add3A_261 = arith.constant 2 : i32
      %add3A_262 = arith.addi %add3A_217, %add3A_261 : i32
      %lt3A_263 = arith.constant 80 : i32
      %lt3A_264 = arith.cmpi slt, %add3A_262, %lt3A_263 : i32
      %convert_element_type3A_265 = arith.extui %lt3A_264 : i1 to i32
      %cond3A_266 = arith.constant 0 : i32
      %cond3A_267 = arith.cmpi ne, %convert_element_type3A_265, %cond3A_266 : i32
      scf.if %cond3A_267 {
        %dma_start3A_268 = arith.constant 1 : i32
        %dma_start3A_269 = arith.constant 1 : i32
        %dma_start3A_270 = arith.constant 0 : i32
        %dma_start3A_271 = arith.constant 0 : i32
        %dma_start3A_272 = tpu.memref_slice %arg8[%dma_start3A_269, %dma_start3A_270, %dma_start3A_271] : memref<2x128x128xf32, #tpu.memory_space<vmem>> -> memref<1x128x128xf32, #tpu.memory_space<vmem>>
        %dma_start3A_273 = tpu.memref_squeeze %dma_start3A_272 : memref<1x128x128xf32, #tpu.memory_space<vmem>> -> memref<128x128xf32, #tpu.memory_space<vmem>>
        %dma_start3A_274 = arith.constant 0 : i32
        %dma_start3A_275 = tpu.memref_slice %arg6[%dma_start3A_268, %dma_start3A_274] : memref<4x128xi32, #tpu.memory_space<vmem>> -> memref<1x128xi32, #tpu.memory_space<vmem>>
        %dma_start3A_276 = tpu.memref_squeeze %dma_start3A_275 : memref<1x128xi32, #tpu.memory_space<vmem>> -> memref<128xi32, #tpu.memory_space<vmem>>
        %dma_start3A_277 = arith.constant 0 : i32
        %dma_start3A_278 = arith.constant 0 : i32
        %dma_start3A_279 = tpu.memref_slice %arg4[%dma_start3A_277, %dma_start3A_278] : memref<20000x128xf32, #tpu.memory_space<hbm>> -> memref<20000x128xf32, #tpu.memory_space<hbm>>
        tpu.enqueue_indirect_dma source(%dma_start3A_279 : memref<20000x128xf32, #tpu.memory_space<hbm>>) target(%dma_start3A_273 : memref<128x128xf32, #tpu.memory_space<vmem>>) offsets(%dma_start3A_276 : memref<128xi32, #tpu.memory_space<vmem>>) semaphore(%arg11 : memref<!tpu.dma_semaphore, #tpu.memory_space<semaphore_mem>>)
      } else {
      }
    }
    %scan3A_45 = arith.constant 20 : i32
    %barrier3A_46 = arith.constant 0 : index
    tpu.barrier barrier_id(%barrier3A_46)
    %lt3A_47 = arith.constant 10 : i32
    %lt3A_48 = arith.cmpi slt, %arg1, %lt3A_47 : i32
    %convert_element_type3A_49 = arith.extui %lt3A_48 : i1 to i32
    %cond3A_50 = arith.constant 0 : i32
    %cond3A_51 = arith.cmpi ne, %convert_element_type3A_49, %cond3A_50 : i32
    scf.if %cond3A_51 {
      %mul3A_52 = arith.constant 1000 : i32
      %mul3A_53 = arith.muli %arg1, %mul3A_52 : i32
      %mul3A_54 = arith.constant 1000 : i32
      %mul3A_55 = arith.muli %arg1, %mul3A_54 : i32
      "tpu.region"() ({
        %run_scoped3A_56 = tpu.sem_alloc : memref<!tpu.dma_semaphore, #tpu.memory_space<semaphore_mem>>
        %dma_start3A_57 = arith.constant 0 : i32
        %dma_start3A_58 = tpu.memref_slice %arg5[%arg0, %mul3A_55, %dma_start3A_57] : memref<2x10000x128xf32, #tpu.memory_space<hbm>> -> memref<1x1000x128xf32, #tpu.memory_space<hbm>>
        %dma_start3A_59 = tpu.memref_squeeze %dma_start3A_58 : memref<1x1000x128xf32, #tpu.memory_space<hbm>> -> memref<1000x128xf32, #tpu.memory_space<hbm>>
        %dma_start3A_60 = arith.constant 0 : i32
        %dma_start3A_61 = tpu.memref_slice %arg9[%mul3A_53, %dma_start3A_60] : memref<10008x128xf32, #tpu.memory_space<vmem_shared>> -> memref<1000x128xf32, #tpu.memory_space<vmem_shared>>
        tpu.enqueue_dma source(%dma_start3A_61 : memref<1000x128xf32, #tpu.memory_space<vmem_shared>>) target(%dma_start3A_59 : memref<1000x128xf32, #tpu.memory_space<hbm>>) target_semaphore(%run_scoped3A_56 : memref<!tpu.dma_semaphore, #tpu.memory_space<semaphore_mem>>)
        %dma_wait3A = arith.constant 0 : i32
        %dma_wait3A_62 = tpu.memref_slice %arg5[%arg0, %mul3A_55, %dma_wait3A] : memref<2x10000x128xf32, #tpu.memory_space<hbm>> -> memref<1x1000x128xf32, #tpu.memory_space<hbm>>
        %dma_wait3A_63 = tpu.memref_squeeze %dma_wait3A_62 : memref<1x1000x128xf32, #tpu.memory_space<hbm>> -> memref<1000x128xf32, #tpu.memory_space<hbm>>
        %dma_wait3A_64 = arith.constant 0 : i32
        %dma_wait3A_65 = tpu.memref_slice %arg9[%mul3A_53, %dma_wait3A_64] : memref<10008x128xf32, #tpu.memory_space<vmem_shared>> -> memref<1000x128xf32, #tpu.memory_space<vmem_shared>>
        tpu.wait_dma2 semaphore(%run_scoped3A_56 : memref<!tpu.dma_semaphore, #tpu.memory_space<semaphore_mem>>) src(%dma_wait3A_65 : memref<1000x128xf32, #tpu.memory_space<vmem_shared>>) dst(%dma_wait3A_63 : memref<1000x128xf32, #tpu.memory_space<hbm>>)
        tpu.yield
      }) : () -> ()
    } else {
    }
    return
  }
}

#map = affine_map<(d0, d1) -> (0)>
#map1 = affine_map<(d0, d1) -> (0, 0)>
#map2 = affine_map<(d0, d1) -> (0, 0, 0)>
module attributes {stable_mosaic.version = 14 : i64} {
  func.func @agg3_kernel(%arg0: i32, %arg1: i32, %arg2: memref<163840xi32, #tpu.memory_space<hbm>>, %arg3: memref<163840xi32, #tpu.memory_space<hbm>>, %arg4: memref<10000x128xf32, #tpu.memory_space<hbm>>, %arg5: memref<2x10000x128xf32, #tpu.memory_space<hbm>>, %arg6: memref<4x128xi32, #tpu.memory_space<vmem>>, %arg7: memref<4x128xi32, #tpu.memory_space<vmem>>, %arg8: memref<2x128x128xf32, #tpu.memory_space<vmem>>, %arg9: memref<10008x128xf32, #tpu.memory_space<vmem_shared>>, %arg10: memref<!tpu.dma_semaphore, #tpu.memory_space<semaphore_mem>>, %arg11: memref<!tpu.dma_semaphore, #tpu.memory_space<semaphore_mem>>, %arg12: memref<!tpu.dma_semaphore, #tpu.memory_space<semaphore_mem>>, %arg13: memref<!tpu.dma_semaphore, #tpu.memory_space<semaphore_mem>>) attributes {dimension_semantics = [#tpu.dimension_semantics<core_parallel>, #tpu.dimension_semantics<subcore_parallel>], iteration_bounds = array<i64: 2, 16>, scalar_prefetch = 0 : i64, scratch_operands = 8 : i64, tpu.core_type = #tpu.core_type<sc_vector_subcore>, window_params = [{transform_indices = #map}, {transform_indices = #map}, {transform_indices = #map1}, {transform_indices = #map2}]} {
    %lt3A = arith.constant 10 : i32
    %lt3A_0 = arith.cmpi slt, %arg1, %lt3A : i32
    %convert_element_type3A = arith.extui %lt3A_0 : i1 to i32
    %cond3A = arith.constant 0 : i32
    %cond3A_1 = arith.cmpi ne, %convert_element_type3A, %cond3A : i32
    scf.if %cond3A_1 {
      %mul3A_50 = arith.constant 1000 : i32
      %mul3A_51 = arith.muli %arg1, %mul3A_50 : i32
      %mul3A_52 = arith.constant 1000 : i32
      %mul3A_53 = arith.muli %arg1, %mul3A_52 : i32
      "tpu.region"() ({
        %run_scoped3A_54 = tpu.sem_alloc : memref<!tpu.dma_semaphore, #tpu.memory_space<semaphore_mem>>
        %dma_start3A_55 = arith.constant 0 : i32
        %dma_start3A_56 = tpu.memref_slice %arg9[%mul3A_53, %dma_start3A_55] : memref<10008x128xf32, #tpu.memory_space<vmem_shared>> -> memref<1000x128xf32, #tpu.memory_space<vmem_shared>>
        %dma_start3A_57 = arith.constant 0 : i32
        %dma_start3A_58 = tpu.memref_slice %arg4[%mul3A_51, %dma_start3A_57] : memref<10000x128xf32, #tpu.memory_space<hbm>> -> memref<1000x128xf32, #tpu.memory_space<hbm>>
        tpu.enqueue_dma source(%dma_start3A_58 : memref<1000x128xf32, #tpu.memory_space<hbm>>) target(%dma_start3A_56 : memref<1000x128xf32, #tpu.memory_space<vmem_shared>>) target_semaphore(%run_scoped3A_54 : memref<!tpu.dma_semaphore, #tpu.memory_space<semaphore_mem>>)
        %dma_wait3A = arith.constant 0 : i32
        %dma_wait3A_59 = tpu.memref_slice %arg9[%mul3A_53, %dma_wait3A] : memref<10008x128xf32, #tpu.memory_space<vmem_shared>> -> memref<1000x128xf32, #tpu.memory_space<vmem_shared>>
        %dma_wait3A_60 = arith.constant 0 : i32
        %dma_wait3A_61 = tpu.memref_slice %arg4[%mul3A_51, %dma_wait3A_60] : memref<10000x128xf32, #tpu.memory_space<hbm>> -> memref<1000x128xf32, #tpu.memory_space<hbm>>
        tpu.wait_dma2 semaphore(%run_scoped3A_54 : memref<!tpu.dma_semaphore, #tpu.memory_space<semaphore_mem>>) src(%dma_wait3A_61 : memref<1000x128xf32, #tpu.memory_space<hbm>>) dst(%dma_wait3A_59 : memref<1000x128xf32, #tpu.memory_space<vmem_shared>>)
        tpu.yield
      }) : () -> ()
    } else {
    }
    %barrier3A = arith.constant 0 : index
    tpu.barrier barrier_id(%barrier3A)
    %mul3A = arith.constant 16 : i32
    %mul3A_2 = arith.muli %arg0, %mul3A : i32
    %add3A = arith.addi %mul3A_2, %arg1 : i32
    %mul3A_3 = arith.constant 5120 : i32
    %mul3A_4 = arith.muli %add3A, %mul3A_3 : i32
    %add3A_5 = arith.constant 0 : i32
    %add3A_6 = arith.addi %mul3A_4, %add3A_5 : i32
    %run_scoped3A = arith.constant 0 : i32
    "tpu.region"() ({
      %run_scoped3A_50 = tpu.sem_alloc : memref<!tpu.dma_semaphore, #tpu.memory_space<semaphore_mem>>
      %dma_start3A_51 = arith.constant 0 : i32
      %dma_start3A_52 = tpu.memref_slice %arg6[%run_scoped3A, %dma_start3A_51] : memref<4x128xi32, #tpu.memory_space<vmem>> -> memref<1x128xi32, #tpu.memory_space<vmem>>
      %dma_start3A_53 = tpu.memref_squeeze %dma_start3A_52 : memref<1x128xi32, #tpu.memory_space<vmem>> -> memref<128xi32, #tpu.memory_space<vmem>>
      %dma_start3A_54 = tpu.memref_slice %arg2[%add3A_6] : memref<163840xi32, #tpu.memory_space<hbm>> -> memref<128xi32, #tpu.memory_space<hbm>>
      %dma_start3A_55 = arith.constant 0 : i32
      %dma_start3A_56 = tpu.memref_slice %arg6[%run_scoped3A, %dma_start3A_55] : memref<4x128xi32, #tpu.memory_space<vmem>> -> memref<1x128xi32, #tpu.memory_space<vmem>>
      %dma_start3A_57 = tpu.memref_squeeze %dma_start3A_56 : memref<1x128xi32, #tpu.memory_space<vmem>> -> memref<128xi32, #tpu.memory_space<vmem>>
      %dma_start3A_58 = tpu.memref_slice %arg2[%add3A_6] : memref<163840xi32, #tpu.memory_space<hbm>> -> memref<128xi32, #tpu.memory_space<hbm>>
      tpu.enqueue_dma source(%dma_start3A_58 : memref<128xi32, #tpu.memory_space<hbm>>) target(%dma_start3A_57 : memref<128xi32, #tpu.memory_space<vmem>>) target_semaphore(%run_scoped3A_50 : memref<!tpu.dma_semaphore, #tpu.memory_space<semaphore_mem>>)
      %dma_wait3A = arith.constant 0 : i32
      %dma_wait3A_59 = tpu.memref_slice %arg6[%run_scoped3A, %dma_wait3A] : memref<4x128xi32, #tpu.memory_space<vmem>> -> memref<1x128xi32, #tpu.memory_space<vmem>>
      %dma_wait3A_60 = tpu.memref_squeeze %dma_wait3A_59 : memref<1x128xi32, #tpu.memory_space<vmem>> -> memref<128xi32, #tpu.memory_space<vmem>>
      %dma_wait3A_61 = tpu.memref_slice %arg2[%add3A_6] : memref<163840xi32, #tpu.memory_space<hbm>> -> memref<128xi32, #tpu.memory_space<hbm>>
      %dma_wait3A_62 = arith.constant 0 : i32
      %dma_wait3A_63 = tpu.memref_slice %arg6[%run_scoped3A, %dma_wait3A_62] : memref<4x128xi32, #tpu.memory_space<vmem>> -> memref<1x128xi32, #tpu.memory_space<vmem>>
      %dma_wait3A_64 = tpu.memref_squeeze %dma_wait3A_63 : memref<1x128xi32, #tpu.memory_space<vmem>> -> memref<128xi32, #tpu.memory_space<vmem>>
      %dma_wait3A_65 = tpu.memref_slice %arg2[%add3A_6] : memref<163840xi32, #tpu.memory_space<hbm>> -> memref<128xi32, #tpu.memory_space<hbm>>
      tpu.wait_dma2 semaphore(%run_scoped3A_50 : memref<!tpu.dma_semaphore, #tpu.memory_space<semaphore_mem>>) src(%dma_wait3A_65 : memref<128xi32, #tpu.memory_space<hbm>>) dst(%dma_wait3A_64 : memref<128xi32, #tpu.memory_space<vmem>>)
      tpu.yield
    }) : () -> ()
    %add3A_7 = arith.constant 0 : i32
    %add3A_8 = arith.addi %mul3A_4, %add3A_7 : i32
    %run_scoped3A_9 = arith.constant 0 : i32
    "tpu.region"() ({
      %run_scoped3A_50 = tpu.sem_alloc : memref<!tpu.dma_semaphore, #tpu.memory_space<semaphore_mem>>
      %dma_start3A_51 = arith.constant 0 : i32
      %dma_start3A_52 = tpu.memref_slice %arg7[%run_scoped3A_9, %dma_start3A_51] : memref<4x128xi32, #tpu.memory_space<vmem>> -> memref<1x128xi32, #tpu.memory_space<vmem>>
      %dma_start3A_53 = tpu.memref_squeeze %dma_start3A_52 : memref<1x128xi32, #tpu.memory_space<vmem>> -> memref<128xi32, #tpu.memory_space<vmem>>
      %dma_start3A_54 = tpu.memref_slice %arg3[%add3A_8] : memref<163840xi32, #tpu.memory_space<hbm>> -> memref<128xi32, #tpu.memory_space<hbm>>
      %dma_start3A_55 = arith.constant 0 : i32
      %dma_start3A_56 = tpu.memref_slice %arg7[%run_scoped3A_9, %dma_start3A_55] : memref<4x128xi32, #tpu.memory_space<vmem>> -> memref<1x128xi32, #tpu.memory_space<vmem>>
      %dma_start3A_57 = tpu.memref_squeeze %dma_start3A_56 : memref<1x128xi32, #tpu.memory_space<vmem>> -> memref<128xi32, #tpu.memory_space<vmem>>
      %dma_start3A_58 = tpu.memref_slice %arg3[%add3A_8] : memref<163840xi32, #tpu.memory_space<hbm>> -> memref<128xi32, #tpu.memory_space<hbm>>
      tpu.enqueue_dma source(%dma_start3A_58 : memref<128xi32, #tpu.memory_space<hbm>>) target(%dma_start3A_57 : memref<128xi32, #tpu.memory_space<vmem>>) target_semaphore(%run_scoped3A_50 : memref<!tpu.dma_semaphore, #tpu.memory_space<semaphore_mem>>)
      %dma_wait3A = arith.constant 0 : i32
      %dma_wait3A_59 = tpu.memref_slice %arg7[%run_scoped3A_9, %dma_wait3A] : memref<4x128xi32, #tpu.memory_space<vmem>> -> memref<1x128xi32, #tpu.memory_space<vmem>>
      %dma_wait3A_60 = tpu.memref_squeeze %dma_wait3A_59 : memref<1x128xi32, #tpu.memory_space<vmem>> -> memref<128xi32, #tpu.memory_space<vmem>>
      %dma_wait3A_61 = tpu.memref_slice %arg3[%add3A_8] : memref<163840xi32, #tpu.memory_space<hbm>> -> memref<128xi32, #tpu.memory_space<hbm>>
      %dma_wait3A_62 = arith.constant 0 : i32
      %dma_wait3A_63 = tpu.memref_slice %arg7[%run_scoped3A_9, %dma_wait3A_62] : memref<4x128xi32, #tpu.memory_space<vmem>> -> memref<1x128xi32, #tpu.memory_space<vmem>>
      %dma_wait3A_64 = tpu.memref_squeeze %dma_wait3A_63 : memref<1x128xi32, #tpu.memory_space<vmem>> -> memref<128xi32, #tpu.memory_space<vmem>>
      %dma_wait3A_65 = tpu.memref_slice %arg3[%add3A_8] : memref<163840xi32, #tpu.memory_space<hbm>> -> memref<128xi32, #tpu.memory_space<hbm>>
      tpu.wait_dma2 semaphore(%run_scoped3A_50 : memref<!tpu.dma_semaphore, #tpu.memory_space<semaphore_mem>>) src(%dma_wait3A_65 : memref<128xi32, #tpu.memory_space<hbm>>) dst(%dma_wait3A_64 : memref<128xi32, #tpu.memory_space<vmem>>)
      tpu.yield
    }) : () -> ()
    %add3A_10 = arith.constant 128 : i32
    %add3A_11 = arith.addi %mul3A_4, %add3A_10 : i32
    %run_scoped3A_12 = arith.constant 1 : i32
    "tpu.region"() ({
      %run_scoped3A_50 = tpu.sem_alloc : memref<!tpu.dma_semaphore, #tpu.memory_space<semaphore_mem>>
      %dma_start3A_51 = arith.constant 0 : i32
      %dma_start3A_52 = tpu.memref_slice %arg6[%run_scoped3A_12, %dma_start3A_51] : memref<4x128xi32, #tpu.memory_space<vmem>> -> memref<1x128xi32, #tpu.memory_space<vmem>>
      %dma_start3A_53 = tpu.memref_squeeze %dma_start3A_52 : memref<1x128xi32, #tpu.memory_space<vmem>> -> memref<128xi32, #tpu.memory_space<vmem>>
      %dma_start3A_54 = tpu.memref_slice %arg2[%add3A_11] : memref<163840xi32, #tpu.memory_space<hbm>> -> memref<128xi32, #tpu.memory_space<hbm>>
      %dma_start3A_55 = arith.constant 0 : i32
      %dma_start3A_56 = tpu.memref_slice %arg6[%run_scoped3A_12, %dma_start3A_55] : memref<4x128xi32, #tpu.memory_space<vmem>> -> memref<1x128xi32, #tpu.memory_space<vmem>>
      %dma_start3A_57 = tpu.memref_squeeze %dma_start3A_56 : memref<1x128xi32, #tpu.memory_space<vmem>> -> memref<128xi32, #tpu.memory_space<vmem>>
      %dma_start3A_58 = tpu.memref_slice %arg2[%add3A_11] : memref<163840xi32, #tpu.memory_space<hbm>> -> memref<128xi32, #tpu.memory_space<hbm>>
      tpu.enqueue_dma source(%dma_start3A_58 : memref<128xi32, #tpu.memory_space<hbm>>) target(%dma_start3A_57 : memref<128xi32, #tpu.memory_space<vmem>>) target_semaphore(%run_scoped3A_50 : memref<!tpu.dma_semaphore, #tpu.memory_space<semaphore_mem>>)
      %dma_wait3A = arith.constant 0 : i32
      %dma_wait3A_59 = tpu.memref_slice %arg6[%run_scoped3A_12, %dma_wait3A] : memref<4x128xi32, #tpu.memory_space<vmem>> -> memref<1x128xi32, #tpu.memory_space<vmem>>
      %dma_wait3A_60 = tpu.memref_squeeze %dma_wait3A_59 : memref<1x128xi32, #tpu.memory_space<vmem>> -> memref<128xi32, #tpu.memory_space<vmem>>
      %dma_wait3A_61 = tpu.memref_slice %arg2[%add3A_11] : memref<163840xi32, #tpu.memory_space<hbm>> -> memref<128xi32, #tpu.memory_space<hbm>>
      %dma_wait3A_62 = arith.constant 0 : i32
      %dma_wait3A_63 = tpu.memref_slice %arg6[%run_scoped3A_12, %dma_wait3A_62] : memref<4x128xi32, #tpu.memory_space<vmem>> -> memref<1x128xi32, #tpu.memory_space<vmem>>
      %dma_wait3A_64 = tpu.memref_squeeze %dma_wait3A_63 : memref<1x128xi32, #tpu.memory_space<vmem>> -> memref<128xi32, #tpu.memory_space<vmem>>
      %dma_wait3A_65 = tpu.memref_slice %arg2[%add3A_11] : memref<163840xi32, #tpu.memory_space<hbm>> -> memref<128xi32, #tpu.memory_space<hbm>>
      tpu.wait_dma2 semaphore(%run_scoped3A_50 : memref<!tpu.dma_semaphore, #tpu.memory_space<semaphore_mem>>) src(%dma_wait3A_65 : memref<128xi32, #tpu.memory_space<hbm>>) dst(%dma_wait3A_64 : memref<128xi32, #tpu.memory_space<vmem>>)
      tpu.yield
    }) : () -> ()
    %add3A_13 = arith.constant 128 : i32
    %add3A_14 = arith.addi %mul3A_4, %add3A_13 : i32
    %run_scoped3A_15 = arith.constant 1 : i32
    "tpu.region"() ({
      %run_scoped3A_50 = tpu.sem_alloc : memref<!tpu.dma_semaphore, #tpu.memory_space<semaphore_mem>>
      %dma_start3A_51 = arith.constant 0 : i32
      %dma_start3A_52 = tpu.memref_slice %arg7[%run_scoped3A_15, %dma_start3A_51] : memref<4x128xi32, #tpu.memory_space<vmem>> -> memref<1x128xi32, #tpu.memory_space<vmem>>
      %dma_start3A_53 = tpu.memref_squeeze %dma_start3A_52 : memref<1x128xi32, #tpu.memory_space<vmem>> -> memref<128xi32, #tpu.memory_space<vmem>>
      %dma_start3A_54 = tpu.memref_slice %arg3[%add3A_14] : memref<163840xi32, #tpu.memory_space<hbm>> -> memref<128xi32, #tpu.memory_space<hbm>>
      %dma_start3A_55 = arith.constant 0 : i32
      %dma_start3A_56 = tpu.memref_slice %arg7[%run_scoped3A_15, %dma_start3A_55] : memref<4x128xi32, #tpu.memory_space<vmem>> -> memref<1x128xi32, #tpu.memory_space<vmem>>
      %dma_start3A_57 = tpu.memref_squeeze %dma_start3A_56 : memref<1x128xi32, #tpu.memory_space<vmem>> -> memref<128xi32, #tpu.memory_space<vmem>>
      %dma_start3A_58 = tpu.memref_slice %arg3[%add3A_14] : memref<163840xi32, #tpu.memory_space<hbm>> -> memref<128xi32, #tpu.memory_space<hbm>>
      tpu.enqueue_dma source(%dma_start3A_58 : memref<128xi32, #tpu.memory_space<hbm>>) target(%dma_start3A_57 : memref<128xi32, #tpu.memory_space<vmem>>) target_semaphore(%run_scoped3A_50 : memref<!tpu.dma_semaphore, #tpu.memory_space<semaphore_mem>>)
      %dma_wait3A = arith.constant 0 : i32
      %dma_wait3A_59 = tpu.memref_slice %arg7[%run_scoped3A_15, %dma_wait3A] : memref<4x128xi32, #tpu.memory_space<vmem>> -> memref<1x128xi32, #tpu.memory_space<vmem>>
      %dma_wait3A_60 = tpu.memref_squeeze %dma_wait3A_59 : memref<1x128xi32, #tpu.memory_space<vmem>> -> memref<128xi32, #tpu.memory_space<vmem>>
      %dma_wait3A_61 = tpu.memref_slice %arg3[%add3A_14] : memref<163840xi32, #tpu.memory_space<hbm>> -> memref<128xi32, #tpu.memory_space<hbm>>
      %dma_wait3A_62 = arith.constant 0 : i32
      %dma_wait3A_63 = tpu.memref_slice %arg7[%run_scoped3A_15, %dma_wait3A_62] : memref<4x128xi32, #tpu.memory_space<vmem>> -> memref<1x128xi32, #tpu.memory_space<vmem>>
      %dma_wait3A_64 = tpu.memref_squeeze %dma_wait3A_63 : memref<1x128xi32, #tpu.memory_space<vmem>> -> memref<128xi32, #tpu.memory_space<vmem>>
      %dma_wait3A_65 = tpu.memref_slice %arg3[%add3A_14] : memref<163840xi32, #tpu.memory_space<hbm>> -> memref<128xi32, #tpu.memory_space<hbm>>
      tpu.wait_dma2 semaphore(%run_scoped3A_50 : memref<!tpu.dma_semaphore, #tpu.memory_space<semaphore_mem>>) src(%dma_wait3A_65 : memref<128xi32, #tpu.memory_space<hbm>>) dst(%dma_wait3A_64 : memref<128xi32, #tpu.memory_space<vmem>>)
      tpu.yield
    }) : () -> ()
    %dma_start3A = arith.constant 0 : i32
    %dma_start3A_16 = arith.constant 0 : i32
    %dma_start3A_17 = arith.constant 0 : i32
    %dma_start3A_18 = arith.constant 0 : i32
    %dma_start3A_19 = tpu.memref_slice %arg8[%dma_start3A_16, %dma_start3A_17, %dma_start3A_18] : memref<2x128x128xf32, #tpu.memory_space<vmem>> -> memref<1x128x128xf32, #tpu.memory_space<vmem>>
    %dma_start3A_20 = tpu.memref_squeeze %dma_start3A_19 : memref<1x128x128xf32, #tpu.memory_space<vmem>> -> memref<128x128xf32, #tpu.memory_space<vmem>>
    %dma_start3A_21 = arith.constant 0 : i32
    %dma_start3A_22 = tpu.memref_slice %arg6[%dma_start3A, %dma_start3A_21] : memref<4x128xi32, #tpu.memory_space<vmem>> -> memref<1x128xi32, #tpu.memory_space<vmem>>
    %dma_start3A_23 = tpu.memref_squeeze %dma_start3A_22 : memref<1x128xi32, #tpu.memory_space<vmem>> -> memref<128xi32, #tpu.memory_space<vmem>>
    %dma_start3A_24 = arith.constant 0 : i32
    %dma_start3A_25 = arith.constant 0 : i32
    %dma_start3A_26 = tpu.memref_slice %arg4[%dma_start3A_24, %dma_start3A_25] : memref<10000x128xf32, #tpu.memory_space<hbm>> -> memref<10000x128xf32, #tpu.memory_space<hbm>>
    tpu.enqueue_indirect_dma source(%dma_start3A_26 : memref<10000x128xf32, #tpu.memory_space<hbm>>) target(%dma_start3A_20 : memref<128x128xf32, #tpu.memory_space<vmem>>) offsets(%dma_start3A_23 : memref<128xi32, #tpu.memory_space<vmem>>) semaphore(%arg10 : memref<!tpu.dma_semaphore, #tpu.memory_space<semaphore_mem>>)
    %dma_start3A_27 = arith.constant 1 : i32
    %dma_start3A_28 = arith.constant 1 : i32
    %dma_start3A_29 = arith.constant 0 : i32
    %dma_start3A_30 = arith.constant 0 : i32
    %dma_start3A_31 = tpu.memref_slice %arg8[%dma_start3A_28, %dma_start3A_29, %dma_start3A_30] : memref<2x128x128xf32, #tpu.memory_space<vmem>> -> memref<1x128x128xf32, #tpu.memory_space<vmem>>
    %dma_start3A_32 = tpu.memref_squeeze %dma_start3A_31 : memref<1x128x128xf32, #tpu.memory_space<vmem>> -> memref<128x128xf32, #tpu.memory_space<vmem>>
    %dma_start3A_33 = arith.constant 0 : i32
    %dma_start3A_34 = tpu.memref_slice %arg6[%dma_start3A_27, %dma_start3A_33] : memref<4x128xi32, #tpu.memory_space<vmem>> -> memref<1x128xi32, #tpu.memory_space<vmem>>
    %dma_start3A_35 = tpu.memref_squeeze %dma_start3A_34 : memref<1x128xi32, #tpu.memory_space<vmem>> -> memref<128xi32, #tpu.memory_space<vmem>>
    %dma_start3A_36 = arith.constant 0 : i32
    %dma_start3A_37 = arith.constant 0 : i32
    %dma_start3A_38 = tpu.memref_slice %arg4[%dma_start3A_36, %dma_start3A_37] : memref<10000x128xf32, #tpu.memory_space<hbm>> -> memref<10000x128xf32, #tpu.memory_space<hbm>>
    tpu.enqueue_indirect_dma source(%dma_start3A_38 : memref<10000x128xf32, #tpu.memory_space<hbm>>) target(%dma_start3A_32 : memref<128x128xf32, #tpu.memory_space<vmem>>) offsets(%dma_start3A_35 : memref<128xi32, #tpu.memory_space<vmem>>) semaphore(%arg11 : memref<!tpu.dma_semaphore, #tpu.memory_space<semaphore_mem>>)
    %scan3A = arith.constant 0 : i32
    %scan3A_39 = arith.constant 0 : i32
    %scan3A_40 = arith.constant 10 : i32
    %scan3A_41 = arith.addi %scan3A_39, %scan3A_40 : i32
    %scan3A_42 = arith.constant 1 : i32
    scf.for %scan3A_50 = %scan3A_39 to %scan3A_41 step %scan3A_42  : i32 {
      %mul3A_51 = arith.constant 4 : i32
      %mul3A_52 = arith.muli %mul3A_51, %scan3A_50 : i32
      %add3A_53 = arith.constant 0 : i32
      %add3A_54 = arith.addi %mul3A_52, %add3A_53 : i32
      %dma_wait3A = arith.constant 0 : i32
      %dma_wait3A_55 = arith.constant 0 : i32
      %dma_wait3A_56 = arith.constant 0 : i32
      %dma_wait3A_57 = arith.constant 0 : i32
      %dma_wait3A_58 = tpu.memref_slice %arg8[%dma_wait3A_55, %dma_wait3A_56, %dma_wait3A_57] : memref<2x128x128xf32, #tpu.memory_space<vmem>> -> memref<1x128x128xf32, #tpu.memory_space<vmem>>
      %dma_wait3A_59 = tpu.memref_squeeze %dma_wait3A_58 : memref<1x128x128xf32, #tpu.memory_space<vmem>> -> memref<128x128xf32, #tpu.memory_space<vmem>>
      %dma_wait3A_60 = arith.constant 0 : i32
      %dma_wait3A_61 = tpu.memref_slice %arg6[%dma_wait3A, %dma_wait3A_60] : memref<4x128xi32, #tpu.memory_space<vmem>> -> memref<1x128xi32, #tpu.memory_space<vmem>>
      %dma_wait3A_62 = tpu.memref_squeeze %dma_wait3A_61 : memref<1x128xi32, #tpu.memory_space<vmem>> -> memref<128xi32, #tpu.memory_space<vmem>>
      %dma_wait3A_63 = arith.constant 0 : i32
      %dma_wait3A_64 = arith.constant 0 : i32
      %dma_wait3A_65 = tpu.memref_slice %arg4[%dma_wait3A_63, %dma_wait3A_64] : memref<10000x128xf32, #tpu.memory_space<hbm>> -> memref<10000x128xf32, #tpu.memory_space<hbm>>
      tpu.wait_indirect_dma semaphore(%arg10 : memref<!tpu.dma_semaphore, #tpu.memory_space<semaphore_mem>>) src(%dma_wait3A_65 : memref<10000x128xf32, #tpu.memory_space<hbm>>) dst(%dma_wait3A_59 : memref<128x128xf32, #tpu.memory_space<vmem>>)
      %dma_start3A_66 = arith.constant 0 : i32
      %dma_start3A_67 = arith.constant 0 : i32
      %dma_start3A_68 = arith.constant 0 : i32
      %dma_start3A_69 = arith.constant 0 : i32
      %dma_start3A_70 = tpu.memref_slice %arg8[%dma_start3A_66, %dma_start3A_68, %dma_start3A_69] : memref<2x128x128xf32, #tpu.memory_space<vmem>> -> memref<1x128x128xf32, #tpu.memory_space<vmem>>
      %dma_start3A_71 = tpu.memref_squeeze %dma_start3A_70 : memref<1x128x128xf32, #tpu.memory_space<vmem>> -> memref<128x128xf32, #tpu.memory_space<vmem>>
      %dma_start3A_72 = arith.constant 0 : i32
      %dma_start3A_73 = tpu.memref_slice %arg7[%dma_start3A_67, %dma_start3A_72] : memref<4x128xi32, #tpu.memory_space<vmem>> -> memref<1x128xi32, #tpu.memory_space<vmem>>
      %dma_start3A_74 = tpu.memref_squeeze %dma_start3A_73 : memref<1x128xi32, #tpu.memory_space<vmem>> -> memref<128xi32, #tpu.memory_space<vmem>>
      %dma_start3A_75 = arith.constant 0 : i32
      %dma_start3A_76 = arith.constant 0 : i32
      %dma_start3A_77 = tpu.memref_slice %arg9[%dma_start3A_75, %dma_start3A_76] : memref<10008x128xf32, #tpu.memory_space<vmem_shared>> -> memref<10008x128xf32, #tpu.memory_space<vmem_shared>>
      tpu.enqueue_indirect_dma source(%dma_start3A_71 : memref<128x128xf32, #tpu.memory_space<vmem>>) target(%dma_start3A_77 : memref<10008x128xf32, #tpu.memory_space<vmem_shared>>) offsets(%dma_start3A_74 : memref<128xi32, #tpu.memory_space<vmem>>) semaphore(%arg12 : memref<!tpu.dma_semaphore, #tpu.memory_space<semaphore_mem>>) {add = true}
      %add3A_78 = arith.constant 2 : i32
      %add3A_79 = arith.addi %add3A_54, %add3A_78 : i32
      %lt3A_80 = arith.constant 40 : i32
      %lt3A_81 = arith.cmpi slt, %add3A_79, %lt3A_80 : i32
      %convert_element_type3A_82 = arith.extui %lt3A_81 : i1 to i32
      %cond3A_83 = arith.constant 0 : i32
      %cond3A_84 = arith.cmpi ne, %convert_element_type3A_82, %cond3A_83 : i32
      scf.if %cond3A_84 {
        %add3A_266 = arith.constant 2 : i32
        %add3A_267 = arith.addi %add3A_54, %add3A_266 : i32
        %mul3A_268 = arith.constant 128 : i32
        %mul3A_269 = arith.muli %add3A_267, %mul3A_268 : i32
        %add3A_270 = arith.addi %mul3A_4, %mul3A_269 : i32
        %run_scoped3A_271 = arith.constant 2 : i32
        "tpu.region"() ({
          %run_scoped3A_276 = tpu.sem_alloc : memref<!tpu.dma_semaphore, #tpu.memory_space<semaphore_mem>>
          %dma_start3A_277 = arith.constant 0 : i32
          %dma_start3A_278 = tpu.memref_slice %arg6[%run_scoped3A_271, %dma_start3A_277] : memref<4x128xi32, #tpu.memory_space<vmem>> -> memref<1x128xi32, #tpu.memory_space<vmem>>
          %dma_start3A_279 = tpu.memref_squeeze %dma_start3A_278 : memref<1x128xi32, #tpu.memory_space<vmem>> -> memref<128xi32, #tpu.memory_space<vmem>>
          %dma_start3A_280 = tpu.memref_slice %arg2[%add3A_270] : memref<163840xi32, #tpu.memory_space<hbm>> -> memref<128xi32, #tpu.memory_space<hbm>>
          %dma_start3A_281 = arith.constant 0 : i32
          %dma_start3A_282 = tpu.memref_slice %arg6[%run_scoped3A_271, %dma_start3A_281] : memref<4x128xi32, #tpu.memory_space<vmem>> -> memref<1x128xi32, #tpu.memory_space<vmem>>
          %dma_start3A_283 = tpu.memref_squeeze %dma_start3A_282 : memref<1x128xi32, #tpu.memory_space<vmem>> -> memref<128xi32, #tpu.memory_space<vmem>>
          %dma_start3A_284 = tpu.memref_slice %arg2[%add3A_270] : memref<163840xi32, #tpu.memory_space<hbm>> -> memref<128xi32, #tpu.memory_space<hbm>>
          tpu.enqueue_dma source(%dma_start3A_284 : memref<128xi32, #tpu.memory_space<hbm>>) target(%dma_start3A_283 : memref<128xi32, #tpu.memory_space<vmem>>) target_semaphore(%run_scoped3A_276 : memref<!tpu.dma_semaphore, #tpu.memory_space<semaphore_mem>>)
          %dma_wait3A_285 = arith.constant 0 : i32
          %dma_wait3A_286 = tpu.memref_slice %arg6[%run_scoped3A_271, %dma_wait3A_285] : memref<4x128xi32, #tpu.memory_space<vmem>> -> memref<1x128xi32, #tpu.memory_space<vmem>>
          %dma_wait3A_287 = tpu.memref_squeeze %dma_wait3A_286 : memref<1x128xi32, #tpu.memory_space<vmem>> -> memref<128xi32, #tpu.memory_space<vmem>>
          %dma_wait3A_288 = tpu.memref_slice %arg2[%add3A_270] : memref<163840xi32, #tpu.memory_space<hbm>> -> memref<128xi32, #tpu.memory_space<hbm>>
          %dma_wait3A_289 = arith.constant 0 : i32
          %dma_wait3A_290 = tpu.memref_slice %arg6[%run_scoped3A_271, %dma_wait3A_289] : memref<4x128xi32, #tpu.memory_space<vmem>> -> memref<1x128xi32, #tpu.memory_space<vmem>>
          %dma_wait3A_291 = tpu.memref_squeeze %dma_wait3A_290 : memref<1x128xi32, #tpu.memory_space<vmem>> -> memref<128xi32, #tpu.memory_space<vmem>>
          %dma_wait3A_292 = tpu.memref_slice %arg2[%add3A_270] : memref<163840xi32, #tpu.memory_space<hbm>> -> memref<128xi32, #tpu.memory_space<hbm>>
          tpu.wait_dma2 semaphore(%run_scoped3A_276 : memref<!tpu.dma_semaphore, #tpu.memory_space<semaphore_mem>>) src(%dma_wait3A_292 : memref<128xi32, #tpu.memory_space<hbm>>) dst(%dma_wait3A_291 : memref<128xi32, #tpu.memory_space<vmem>>)
          tpu.yield
        }) : () -> ()
        %mul3A_272 = arith.constant 128 : i32
        %mul3A_273 = arith.muli %add3A_267, %mul3A_272 : i32
        %add3A_274 = arith.addi %mul3A_4, %mul3A_273 : i32
        %run_scoped3A_275 = arith.constant 2 : i32
        "tpu.region"() ({
          %run_scoped3A_276 = tpu.sem_alloc : memref<!tpu.dma_semaphore, #tpu.memory_space<semaphore_mem>>
          %dma_start3A_277 = arith.constant 0 : i32
          %dma_start3A_278 = tpu.memref_slice %arg7[%run_scoped3A_275, %dma_start3A_277] : memref<4x128xi32, #tpu.memory_space<vmem>> -> memref<1x128xi32, #tpu.memory_space<vmem>>
          %dma_start3A_279 = tpu.memref_squeeze %dma_start3A_278 : memref<1x128xi32, #tpu.memory_space<vmem>> -> memref<128xi32, #tpu.memory_space<vmem>>
          %dma_start3A_280 = tpu.memref_slice %arg3[%add3A_274] : memref<163840xi32, #tpu.memory_space<hbm>> -> memref<128xi32, #tpu.memory_space<hbm>>
          %dma_start3A_281 = arith.constant 0 : i32
          %dma_start3A_282 = tpu.memref_slice %arg7[%run_scoped3A_275, %dma_start3A_281] : memref<4x128xi32, #tpu.memory_space<vmem>> -> memref<1x128xi32, #tpu.memory_space<vmem>>
          %dma_start3A_283 = tpu.memref_squeeze %dma_start3A_282 : memref<1x128xi32, #tpu.memory_space<vmem>> -> memref<128xi32, #tpu.memory_space<vmem>>
          %dma_start3A_284 = tpu.memref_slice %arg3[%add3A_274] : memref<163840xi32, #tpu.memory_space<hbm>> -> memref<128xi32, #tpu.memory_space<hbm>>
          tpu.enqueue_dma source(%dma_start3A_284 : memref<128xi32, #tpu.memory_space<hbm>>) target(%dma_start3A_283 : memref<128xi32, #tpu.memory_space<vmem>>) target_semaphore(%run_scoped3A_276 : memref<!tpu.dma_semaphore, #tpu.memory_space<semaphore_mem>>)
          %dma_wait3A_285 = arith.constant 0 : i32
          %dma_wait3A_286 = tpu.memref_slice %arg7[%run_scoped3A_275, %dma_wait3A_285] : memref<4x128xi32, #tpu.memory_space<vmem>> -> memref<1x128xi32, #tpu.memory_space<vmem>>
          %dma_wait3A_287 = tpu.memref_squeeze %dma_wait3A_286 : memref<1x128xi32, #tpu.memory_space<vmem>> -> memref<128xi32, #tpu.memory_space<vmem>>
          %dma_wait3A_288 = tpu.memref_slice %arg3[%add3A_274] : memref<163840xi32, #tpu.memory_space<hbm>> -> memref<128xi32, #tpu.memory_space<hbm>>
          %dma_wait3A_289 = arith.constant 0 : i32
          %dma_wait3A_290 = tpu.memref_slice %arg7[%run_scoped3A_275, %dma_wait3A_289] : memref<4x128xi32, #tpu.memory_space<vmem>> -> memref<1x128xi32, #tpu.memory_space<vmem>>
          %dma_wait3A_291 = tpu.memref_squeeze %dma_wait3A_290 : memref<1x128xi32, #tpu.memory_space<vmem>> -> memref<128xi32, #tpu.memory_space<vmem>>
          %dma_wait3A_292 = tpu.memref_slice %arg3[%add3A_274] : memref<163840xi32, #tpu.memory_space<hbm>> -> memref<128xi32, #tpu.memory_space<hbm>>
          tpu.wait_dma2 semaphore(%run_scoped3A_276 : memref<!tpu.dma_semaphore, #tpu.memory_space<semaphore_mem>>) src(%dma_wait3A_292 : memref<128xi32, #tpu.memory_space<hbm>>) dst(%dma_wait3A_291 : memref<128xi32, #tpu.memory_space<vmem>>)
          tpu.yield
        }) : () -> ()
      } else {
      }
      %dma_wait3A_85 = arith.constant 0 : i32
      %dma_wait3A_86 = arith.constant 0 : i32
      %dma_wait3A_87 = arith.constant 0 : i32
      %dma_wait3A_88 = arith.constant 0 : i32
      %dma_wait3A_89 = tpu.memref_slice %arg8[%dma_wait3A_85, %dma_wait3A_87, %dma_wait3A_88] : memref<2x128x128xf32, #tpu.memory_space<vmem>> -> memref<1x128x128xf32, #tpu.memory_space<vmem>>
      %dma_wait3A_90 = tpu.memref_squeeze %dma_wait3A_89 : memref<1x128x128xf32, #tpu.memory_space<vmem>> -> memref<128x128xf32, #tpu.memory_space<vmem>>
      %dma_wait3A_91 = arith.constant 0 : i32
      %dma_wait3A_92 = tpu.memref_slice %arg7[%dma_wait3A_86, %dma_wait3A_91] : memref<4x128xi32, #tpu.memory_space<vmem>> -> memref<1x128xi32, #tpu.memory_space<vmem>>
      %dma_wait3A_93 = tpu.memref_squeeze %dma_wait3A_92 : memref<1x128xi32, #tpu.memory_space<vmem>> -> memref<128xi32, #tpu.memory_space<vmem>>
      %dma_wait3A_94 = arith.constant 0 : i32
      %dma_wait3A_95 = arith.constant 0 : i32
      %dma_wait3A_96 = tpu.memref_slice %arg9[%dma_wait3A_94, %dma_wait3A_95] : memref<10008x128xf32, #tpu.memory_space<vmem_shared>> -> memref<10008x128xf32, #tpu.memory_space<vmem_shared>>
      tpu.wait_indirect_dma semaphore(%arg12 : memref<!tpu.dma_semaphore, #tpu.memory_space<semaphore_mem>>) src(%dma_wait3A_90 : memref<128x128xf32, #tpu.memory_space<vmem>>) dst(%dma_wait3A_96 : memref<10008x128xf32, #tpu.memory_space<vmem_shared>>)
      %add3A_97 = arith.constant 2 : i32
      %add3A_98 = arith.addi %add3A_54, %add3A_97 : i32
      %lt3A_99 = arith.constant 40 : i32
      %lt3A_100 = arith.cmpi slt, %add3A_98, %lt3A_99 : i32
      %convert_element_type3A_101 = arith.extui %lt3A_100 : i1 to i32
      %cond3A_102 = arith.constant 0 : i32
      %cond3A_103 = arith.cmpi ne, %convert_element_type3A_101, %cond3A_102 : i32
      scf.if %cond3A_103 {
        %dma_start3A_266 = arith.constant 2 : i32
        %dma_start3A_267 = arith.constant 0 : i32
        %dma_start3A_268 = arith.constant 0 : i32
        %dma_start3A_269 = arith.constant 0 : i32
        %dma_start3A_270 = tpu.memref_slice %arg8[%dma_start3A_267, %dma_start3A_268, %dma_start3A_269] : memref<2x128x128xf32, #tpu.memory_space<vmem>> -> memref<1x128x128xf32, #tpu.memory_space<vmem>>
        %dma_start3A_271 = tpu.memref_squeeze %dma_start3A_270 : memref<1x128x128xf32, #tpu.memory_space<vmem>> -> memref<128x128xf32, #tpu.memory_space<vmem>>
        %dma_start3A_272 = arith.constant 0 : i32
        %dma_start3A_273 = tpu.memref_slice %arg6[%dma_start3A_266, %dma_start3A_272] : memref<4x128xi32, #tpu.memory_space<vmem>> -> memref<1x128xi32, #tpu.memory_space<vmem>>
        %dma_start3A_274 = tpu.memref_squeeze %dma_start3A_273 : memref<1x128xi32, #tpu.memory_space<vmem>> -> memref<128xi32, #tpu.memory_space<vmem>>
        %dma_start3A_275 = arith.constant 0 : i32
        %dma_start3A_276 = arith.constant 0 : i32
        %dma_start3A_277 = tpu.memref_slice %arg4[%dma_start3A_275, %dma_start3A_276] : memref<10000x128xf32, #tpu.memory_space<hbm>> -> memref<10000x128xf32, #tpu.memory_space<hbm>>
        tpu.enqueue_indirect_dma source(%dma_start3A_277 : memref<10000x128xf32, #tpu.memory_space<hbm>>) target(%dma_start3A_271 : memref<128x128xf32, #tpu.memory_space<vmem>>) offsets(%dma_start3A_274 : memref<128xi32, #tpu.memory_space<vmem>>) semaphore(%arg10 : memref<!tpu.dma_semaphore, #tpu.memory_space<semaphore_mem>>)
      } else {
      }
      %mul3A_104 = arith.constant 4 : i32
      %mul3A_105 = arith.muli %mul3A_104, %scan3A_50 : i32
      %add3A_106 = arith.constant 1 : i32
      %add3A_107 = arith.addi %mul3A_105, %add3A_106 : i32
      %dma_wait3A_108 = arith.constant 1 : i32
      %dma_wait3A_109 = arith.constant 1 : i32
      %dma_wait3A_110 = arith.constant 0 : i32
      %dma_wait3A_111 = arith.constant 0 : i32
      %dma_wait3A_112 = tpu.memref_slice %arg8[%dma_wait3A_109, %dma_wait3A_110, %dma_wait3A_111] : memref<2x128x128xf32, #tpu.memory_space<vmem>> -> memref<1x128x128xf32, #tpu.memory_space<vmem>>
      %dma_wait3A_113 = tpu.memref_squeeze %dma_wait3A_112 : memref<1x128x128xf32, #tpu.memory_space<vmem>> -> memref<128x128xf32, #tpu.memory_space<vmem>>
      %dma_wait3A_114 = arith.constant 0 : i32
      %dma_wait3A_115 = tpu.memref_slice %arg6[%dma_wait3A_108, %dma_wait3A_114] : memref<4x128xi32, #tpu.memory_space<vmem>> -> memref<1x128xi32, #tpu.memory_space<vmem>>
      %dma_wait3A_116 = tpu.memref_squeeze %dma_wait3A_115 : memref<1x128xi32, #tpu.memory_space<vmem>> -> memref<128xi32, #tpu.memory_space<vmem>>
      %dma_wait3A_117 = arith.constant 0 : i32
      %dma_wait3A_118 = arith.constant 0 : i32
      %dma_wait3A_119 = tpu.memref_slice %arg4[%dma_wait3A_117, %dma_wait3A_118] : memref<10000x128xf32, #tpu.memory_space<hbm>> -> memref<10000x128xf32, #tpu.memory_space<hbm>>
      tpu.wait_indirect_dma semaphore(%arg11 : memref<!tpu.dma_semaphore, #tpu.memory_space<semaphore_mem>>) src(%dma_wait3A_119 : memref<10000x128xf32, #tpu.memory_space<hbm>>) dst(%dma_wait3A_113 : memref<128x128xf32, #tpu.memory_space<vmem>>)
      %dma_start3A_120 = arith.constant 1 : i32
      %dma_start3A_121 = arith.constant 1 : i32
      %dma_start3A_122 = arith.constant 0 : i32
      %dma_start3A_123 = arith.constant 0 : i32
      %dma_start3A_124 = tpu.memref_slice %arg8[%dma_start3A_120, %dma_start3A_122, %dma_start3A_123] : memref<2x128x128xf32, #tpu.memory_space<vmem>> -> memref<1x128x128xf32, #tpu.memory_space<vmem>>
      %dma_start3A_125 = tpu.memref_squeeze %dma_start3A_124 : memref<1x128x128xf32, #tpu.memory_space<vmem>> -> memref<128x128xf32, #tpu.memory_space<vmem>>
      %dma_start3A_126 = arith.constant 0 : i32
      %dma_start3A_127 = tpu.memref_slice %arg7[%dma_start3A_121, %dma_start3A_126] : memref<4x128xi32, #tpu.memory_space<vmem>> -> memref<1x128xi32, #tpu.memory_space<vmem>>
      %dma_start3A_128 = tpu.memref_squeeze %dma_start3A_127 : memref<1x128xi32, #tpu.memory_space<vmem>> -> memref<128xi32, #tpu.memory_space<vmem>>
      %dma_start3A_129 = arith.constant 0 : i32
      %dma_start3A_130 = arith.constant 0 : i32
      %dma_start3A_131 = tpu.memref_slice %arg9[%dma_start3A_129, %dma_start3A_130] : memref<10008x128xf32, #tpu.memory_space<vmem_shared>> -> memref<10008x128xf32, #tpu.memory_space<vmem_shared>>
      tpu.enqueue_indirect_dma source(%dma_start3A_125 : memref<128x128xf32, #tpu.memory_space<vmem>>) target(%dma_start3A_131 : memref<10008x128xf32, #tpu.memory_space<vmem_shared>>) offsets(%dma_start3A_128 : memref<128xi32, #tpu.memory_space<vmem>>) semaphore(%arg12 : memref<!tpu.dma_semaphore, #tpu.memory_space<semaphore_mem>>) {add = true}
      %add3A_132 = arith.constant 2 : i32
      %add3A_133 = arith.addi %add3A_107, %add3A_132 : i32
      %lt3A_134 = arith.constant 40 : i32
      %lt3A_135 = arith.cmpi slt, %add3A_133, %lt3A_134 : i32
      %convert_element_type3A_136 = arith.extui %lt3A_135 : i1 to i32
      %cond3A_137 = arith.constant 0 : i32
      %cond3A_138 = arith.cmpi ne, %convert_element_type3A_136, %cond3A_137 : i32
      scf.if %cond3A_138 {
        %add3A_266 = arith.constant 2 : i32
        %add3A_267 = arith.addi %add3A_107, %add3A_266 : i32
        %mul3A_268 = arith.constant 128 : i32
        %mul3A_269 = arith.muli %add3A_267, %mul3A_268 : i32
        %add3A_270 = arith.addi %mul3A_4, %mul3A_269 : i32
        %run_scoped3A_271 = arith.constant 3 : i32
        "tpu.region"() ({
          %run_scoped3A_276 = tpu.sem_alloc : memref<!tpu.dma_semaphore, #tpu.memory_space<semaphore_mem>>
          %dma_start3A_277 = arith.constant 0 : i32
          %dma_start3A_278 = tpu.memref_slice %arg6[%run_scoped3A_271, %dma_start3A_277] : memref<4x128xi32, #tpu.memory_space<vmem>> -> memref<1x128xi32, #tpu.memory_space<vmem>>
          %dma_start3A_279 = tpu.memref_squeeze %dma_start3A_278 : memref<1x128xi32, #tpu.memory_space<vmem>> -> memref<128xi32, #tpu.memory_space<vmem>>
          %dma_start3A_280 = tpu.memref_slice %arg2[%add3A_270] : memref<163840xi32, #tpu.memory_space<hbm>> -> memref<128xi32, #tpu.memory_space<hbm>>
          %dma_start3A_281 = arith.constant 0 : i32
          %dma_start3A_282 = tpu.memref_slice %arg6[%run_scoped3A_271, %dma_start3A_281] : memref<4x128xi32, #tpu.memory_space<vmem>> -> memref<1x128xi32, #tpu.memory_space<vmem>>
          %dma_start3A_283 = tpu.memref_squeeze %dma_start3A_282 : memref<1x128xi32, #tpu.memory_space<vmem>> -> memref<128xi32, #tpu.memory_space<vmem>>
          %dma_start3A_284 = tpu.memref_slice %arg2[%add3A_270] : memref<163840xi32, #tpu.memory_space<hbm>> -> memref<128xi32, #tpu.memory_space<hbm>>
          tpu.enqueue_dma source(%dma_start3A_284 : memref<128xi32, #tpu.memory_space<hbm>>) target(%dma_start3A_283 : memref<128xi32, #tpu.memory_space<vmem>>) target_semaphore(%run_scoped3A_276 : memref<!tpu.dma_semaphore, #tpu.memory_space<semaphore_mem>>)
          %dma_wait3A_285 = arith.constant 0 : i32
          %dma_wait3A_286 = tpu.memref_slice %arg6[%run_scoped3A_271, %dma_wait3A_285] : memref<4x128xi32, #tpu.memory_space<vmem>> -> memref<1x128xi32, #tpu.memory_space<vmem>>
          %dma_wait3A_287 = tpu.memref_squeeze %dma_wait3A_286 : memref<1x128xi32, #tpu.memory_space<vmem>> -> memref<128xi32, #tpu.memory_space<vmem>>
          %dma_wait3A_288 = tpu.memref_slice %arg2[%add3A_270] : memref<163840xi32, #tpu.memory_space<hbm>> -> memref<128xi32, #tpu.memory_space<hbm>>
          %dma_wait3A_289 = arith.constant 0 : i32
          %dma_wait3A_290 = tpu.memref_slice %arg6[%run_scoped3A_271, %dma_wait3A_289] : memref<4x128xi32, #tpu.memory_space<vmem>> -> memref<1x128xi32, #tpu.memory_space<vmem>>
          %dma_wait3A_291 = tpu.memref_squeeze %dma_wait3A_290 : memref<1x128xi32, #tpu.memory_space<vmem>> -> memref<128xi32, #tpu.memory_space<vmem>>
          %dma_wait3A_292 = tpu.memref_slice %arg2[%add3A_270] : memref<163840xi32, #tpu.memory_space<hbm>> -> memref<128xi32, #tpu.memory_space<hbm>>
          tpu.wait_dma2 semaphore(%run_scoped3A_276 : memref<!tpu.dma_semaphore, #tpu.memory_space<semaphore_mem>>) src(%dma_wait3A_292 : memref<128xi32, #tpu.memory_space<hbm>>) dst(%dma_wait3A_291 : memref<128xi32, #tpu.memory_space<vmem>>)
          tpu.yield
        }) : () -> ()
        %mul3A_272 = arith.constant 128 : i32
        %mul3A_273 = arith.muli %add3A_267, %mul3A_272 : i32
        %add3A_274 = arith.addi %mul3A_4, %mul3A_273 : i32
        %run_scoped3A_275 = arith.constant 3 : i32
        "tpu.region"() ({
          %run_scoped3A_276 = tpu.sem_alloc : memref<!tpu.dma_semaphore, #tpu.memory_space<semaphore_mem>>
          %dma_start3A_277 = arith.constant 0 : i32
          %dma_start3A_278 = tpu.memref_slice %arg7[%run_scoped3A_275, %dma_start3A_277] : memref<4x128xi32, #tpu.memory_space<vmem>> -> memref<1x128xi32, #tpu.memory_space<vmem>>
          %dma_start3A_279 = tpu.memref_squeeze %dma_start3A_278 : memref<1x128xi32, #tpu.memory_space<vmem>> -> memref<128xi32, #tpu.memory_space<vmem>>
          %dma_start3A_280 = tpu.memref_slice %arg3[%add3A_274] : memref<163840xi32, #tpu.memory_space<hbm>> -> memref<128xi32, #tpu.memory_space<hbm>>
          %dma_start3A_281 = arith.constant 0 : i32
          %dma_start3A_282 = tpu.memref_slice %arg7[%run_scoped3A_275, %dma_start3A_281] : memref<4x128xi32, #tpu.memory_space<vmem>> -> memref<1x128xi32, #tpu.memory_space<vmem>>
          %dma_start3A_283 = tpu.memref_squeeze %dma_start3A_282 : memref<1x128xi32, #tpu.memory_space<vmem>> -> memref<128xi32, #tpu.memory_space<vmem>>
          %dma_start3A_284 = tpu.memref_slice %arg3[%add3A_274] : memref<163840xi32, #tpu.memory_space<hbm>> -> memref<128xi32, #tpu.memory_space<hbm>>
          tpu.enqueue_dma source(%dma_start3A_284 : memref<128xi32, #tpu.memory_space<hbm>>) target(%dma_start3A_283 : memref<128xi32, #tpu.memory_space<vmem>>) target_semaphore(%run_scoped3A_276 : memref<!tpu.dma_semaphore, #tpu.memory_space<semaphore_mem>>)
          %dma_wait3A_285 = arith.constant 0 : i32
          %dma_wait3A_286 = tpu.memref_slice %arg7[%run_scoped3A_275, %dma_wait3A_285] : memref<4x128xi32, #tpu.memory_space<vmem>> -> memref<1x128xi32, #tpu.memory_space<vmem>>
          %dma_wait3A_287 = tpu.memref_squeeze %dma_wait3A_286 : memref<1x128xi32, #tpu.memory_space<vmem>> -> memref<128xi32, #tpu.memory_space<vmem>>
          %dma_wait3A_288 = tpu.memref_slice %arg3[%add3A_274] : memref<163840xi32, #tpu.memory_space<hbm>> -> memref<128xi32, #tpu.memory_space<hbm>>
          %dma_wait3A_289 = arith.constant 0 : i32
          %dma_wait3A_290 = tpu.memref_slice %arg7[%run_scoped3A_275, %dma_wait3A_289] : memref<4x128xi32, #tpu.memory_space<vmem>> -> memref<1x128xi32, #tpu.memory_space<vmem>>
          %dma_wait3A_291 = tpu.memref_squeeze %dma_wait3A_290 : memref<1x128xi32, #tpu.memory_space<vmem>> -> memref<128xi32, #tpu.memory_space<vmem>>
          %dma_wait3A_292 = tpu.memref_slice %arg3[%add3A_274] : memref<163840xi32, #tpu.memory_space<hbm>> -> memref<128xi32, #tpu.memory_space<hbm>>
          tpu.wait_dma2 semaphore(%run_scoped3A_276 : memref<!tpu.dma_semaphore, #tpu.memory_space<semaphore_mem>>) src(%dma_wait3A_292 : memref<128xi32, #tpu.memory_space<hbm>>) dst(%dma_wait3A_291 : memref<128xi32, #tpu.memory_space<vmem>>)
          tpu.yield
        }) : () -> ()
      } else {
      }
      %dma_wait3A_139 = arith.constant 1 : i32
      %dma_wait3A_140 = arith.constant 1 : i32
      %dma_wait3A_141 = arith.constant 0 : i32
      %dma_wait3A_142 = arith.constant 0 : i32
      %dma_wait3A_143 = tpu.memref_slice %arg8[%dma_wait3A_139, %dma_wait3A_141, %dma_wait3A_142] : memref<2x128x128xf32, #tpu.memory_space<vmem>> -> memref<1x128x128xf32, #tpu.memory_space<vmem>>
      %dma_wait3A_144 = tpu.memref_squeeze %dma_wait3A_143 : memref<1x128x128xf32, #tpu.memory_space<vmem>> -> memref<128x128xf32, #tpu.memory_space<vmem>>
      %dma_wait3A_145 = arith.constant 0 : i32
      %dma_wait3A_146 = tpu.memref_slice %arg7[%dma_wait3A_140, %dma_wait3A_145] : memref<4x128xi32, #tpu.memory_space<vmem>> -> memref<1x128xi32, #tpu.memory_space<vmem>>
      %dma_wait3A_147 = tpu.memref_squeeze %dma_wait3A_146 : memref<1x128xi32, #tpu.memory_space<vmem>> -> memref<128xi32, #tpu.memory_space<vmem>>
      %dma_wait3A_148 = arith.constant 0 : i32
      %dma_wait3A_149 = arith.constant 0 : i32
      %dma_wait3A_150 = tpu.memref_slice %arg9[%dma_wait3A_148, %dma_wait3A_149] : memref<10008x128xf32, #tpu.memory_space<vmem_shared>> -> memref<10008x128xf32, #tpu.memory_space<vmem_shared>>
      tpu.wait_indirect_dma semaphore(%arg12 : memref<!tpu.dma_semaphore, #tpu.memory_space<semaphore_mem>>) src(%dma_wait3A_144 : memref<128x128xf32, #tpu.memory_space<vmem>>) dst(%dma_wait3A_150 : memref<10008x128xf32, #tpu.memory_space<vmem_shared>>)
      %add3A_151 = arith.constant 2 : i32
      %add3A_152 = arith.addi %add3A_107, %add3A_151 : i32
      %lt3A_153 = arith.constant 40 : i32
      %lt3A_154 = arith.cmpi slt, %add3A_152, %lt3A_153 : i32
      %convert_element_type3A_155 = arith.extui %lt3A_154 : i1 to i32
      %cond3A_156 = arith.constant 0 : i32
      %cond3A_157 = arith.cmpi ne, %convert_element_type3A_155, %cond3A_156 : i32
      scf.if %cond3A_157 {
        %dma_start3A_266 = arith.constant 3 : i32
        %dma_start3A_267 = arith.constant 1 : i32
        %dma_start3A_268 = arith.constant 0 : i32
        %dma_start3A_269 = arith.constant 0 : i32
        %dma_start3A_270 = tpu.memref_slice %arg8[%dma_start3A_267, %dma_start3A_268, %dma_start3A_269] : memref<2x128x128xf32, #tpu.memory_space<vmem>> -> memref<1x128x128xf32, #tpu.memory_space<vmem>>
        %dma_start3A_271 = tpu.memref_squeeze %dma_start3A_270 : memref<1x128x128xf32, #tpu.memory_space<vmem>> -> memref<128x128xf32, #tpu.memory_space<vmem>>
        %dma_start3A_272 = arith.constant 0 : i32
        %dma_start3A_273 = tpu.memref_slice %arg6[%dma_start3A_266, %dma_start3A_272] : memref<4x128xi32, #tpu.memory_space<vmem>> -> memref<1x128xi32, #tpu.memory_space<vmem>>
        %dma_start3A_274 = tpu.memref_squeeze %dma_start3A_273 : memref<1x128xi32, #tpu.memory_space<vmem>> -> memref<128xi32, #tpu.memory_space<vmem>>
        %dma_start3A_275 = arith.constant 0 : i32
        %dma_start3A_276 = arith.constant 0 : i32
        %dma_start3A_277 = tpu.memref_slice %arg4[%dma_start3A_275, %dma_start3A_276] : memref<10000x128xf32, #tpu.memory_space<hbm>> -> memref<10000x128xf32, #tpu.memory_space<hbm>>
        tpu.enqueue_indirect_dma source(%dma_start3A_277 : memref<10000x128xf32, #tpu.memory_space<hbm>>) target(%dma_start3A_271 : memref<128x128xf32, #tpu.memory_space<vmem>>) offsets(%dma_start3A_274 : memref<128xi32, #tpu.memory_space<vmem>>) semaphore(%arg11 : memref<!tpu.dma_semaphore, #tpu.memory_space<semaphore_mem>>)
      } else {
      }
      %mul3A_158 = arith.constant 4 : i32
      %mul3A_159 = arith.muli %mul3A_158, %scan3A_50 : i32
      %add3A_160 = arith.constant 2 : i32
      %add3A_161 = arith.addi %mul3A_159, %add3A_160 : i32
      %dma_wait3A_162 = arith.constant 2 : i32
      %dma_wait3A_163 = arith.constant 0 : i32
      %dma_wait3A_164 = arith.constant 0 : i32
      %dma_wait3A_165 = arith.constant 0 : i32
      %dma_wait3A_166 = tpu.memref_slice %arg8[%dma_wait3A_163, %dma_wait3A_164, %dma_wait3A_165] : memref<2x128x128xf32, #tpu.memory_space<vmem>> -> memref<1x128x128xf32, #tpu.memory_space<vmem>>
      %dma_wait3A_167 = tpu.memref_squeeze %dma_wait3A_166 : memref<1x128x128xf32, #tpu.memory_space<vmem>> -> memref<128x128xf32, #tpu.memory_space<vmem>>
      %dma_wait3A_168 = arith.constant 0 : i32
      %dma_wait3A_169 = tpu.memref_slice %arg6[%dma_wait3A_162, %dma_wait3A_168] : memref<4x128xi32, #tpu.memory_space<vmem>> -> memref<1x128xi32, #tpu.memory_space<vmem>>
      %dma_wait3A_170 = tpu.memref_squeeze %dma_wait3A_169 : memref<1x128xi32, #tpu.memory_space<vmem>> -> memref<128xi32, #tpu.memory_space<vmem>>
      %dma_wait3A_171 = arith.constant 0 : i32
      %dma_wait3A_172 = arith.constant 0 : i32
      %dma_wait3A_173 = tpu.memref_slice %arg4[%dma_wait3A_171, %dma_wait3A_172] : memref<10000x128xf32, #tpu.memory_space<hbm>> -> memref<10000x128xf32, #tpu.memory_space<hbm>>
      tpu.wait_indirect_dma semaphore(%arg10 : memref<!tpu.dma_semaphore, #tpu.memory_space<semaphore_mem>>) src(%dma_wait3A_173 : memref<10000x128xf32, #tpu.memory_space<hbm>>) dst(%dma_wait3A_167 : memref<128x128xf32, #tpu.memory_space<vmem>>)
      %dma_start3A_174 = arith.constant 0 : i32
      %dma_start3A_175 = arith.constant 2 : i32
      %dma_start3A_176 = arith.constant 0 : i32
      %dma_start3A_177 = arith.constant 0 : i32
      %dma_start3A_178 = tpu.memref_slice %arg8[%dma_start3A_174, %dma_start3A_176, %dma_start3A_177] : memref<2x128x128xf32, #tpu.memory_space<vmem>> -> memref<1x128x128xf32, #tpu.memory_space<vmem>>
      %dma_start3A_179 = tpu.memref_squeeze %dma_start3A_178 : memref<1x128x128xf32, #tpu.memory_space<vmem>> -> memref<128x128xf32, #tpu.memory_space<vmem>>
      %dma_start3A_180 = arith.constant 0 : i32
      %dma_start3A_181 = tpu.memref_slice %arg7[%dma_start3A_175, %dma_start3A_180] : memref<4x128xi32, #tpu.memory_space<vmem>> -> memref<1x128xi32, #tpu.memory_space<vmem>>
      %dma_start3A_182 = tpu.memref_squeeze %dma_start3A_181 : memref<1x128xi32, #tpu.memory_space<vmem>> -> memref<128xi32, #tpu.memory_space<vmem>>
      %dma_start3A_183 = arith.constant 0 : i32
      %dma_start3A_184 = arith.constant 0 : i32
      %dma_start3A_185 = tpu.memref_slice %arg9[%dma_start3A_183, %dma_start3A_184] : memref<10008x128xf32, #tpu.memory_space<vmem_shared>> -> memref<10008x128xf32, #tpu.memory_space<vmem_shared>>
      tpu.enqueue_indirect_dma source(%dma_start3A_179 : memref<128x128xf32, #tpu.memory_space<vmem>>) target(%dma_start3A_185 : memref<10008x128xf32, #tpu.memory_space<vmem_shared>>) offsets(%dma_start3A_182 : memref<128xi32, #tpu.memory_space<vmem>>) semaphore(%arg12 : memref<!tpu.dma_semaphore, #tpu.memory_space<semaphore_mem>>) {add = true}
      %add3A_186 = arith.constant 2 : i32
      %add3A_187 = arith.addi %add3A_161, %add3A_186 : i32
      %lt3A_188 = arith.constant 40 : i32
      %lt3A_189 = arith.cmpi slt, %add3A_187, %lt3A_188 : i32
      %convert_element_type3A_190 = arith.extui %lt3A_189 : i1 to i32
      %cond3A_191 = arith.constant 0 : i32
      %cond3A_192 = arith.cmpi ne, %convert_element_type3A_190, %cond3A_191 : i32
      scf.if %cond3A_192 {
        %add3A_266 = arith.constant 2 : i32
        %add3A_267 = arith.addi %add3A_161, %add3A_266 : i32
        %mul3A_268 = arith.constant 128 : i32
        %mul3A_269 = arith.muli %add3A_267, %mul3A_268 : i32
        %add3A_270 = arith.addi %mul3A_4, %mul3A_269 : i32
        %run_scoped3A_271 = arith.constant 0 : i32
        "tpu.region"() ({
          %run_scoped3A_276 = tpu.sem_alloc : memref<!tpu.dma_semaphore, #tpu.memory_space<semaphore_mem>>
          %dma_start3A_277 = arith.constant 0 : i32
          %dma_start3A_278 = tpu.memref_slice %arg6[%run_scoped3A_271, %dma_start3A_277] : memref<4x128xi32, #tpu.memory_space<vmem>> -> memref<1x128xi32, #tpu.memory_space<vmem>>
          %dma_start3A_279 = tpu.memref_squeeze %dma_start3A_278 : memref<1x128xi32, #tpu.memory_space<vmem>> -> memref<128xi32, #tpu.memory_space<vmem>>
          %dma_start3A_280 = tpu.memref_slice %arg2[%add3A_270] : memref<163840xi32, #tpu.memory_space<hbm>> -> memref<128xi32, #tpu.memory_space<hbm>>
          %dma_start3A_281 = arith.constant 0 : i32
          %dma_start3A_282 = tpu.memref_slice %arg6[%run_scoped3A_271, %dma_start3A_281] : memref<4x128xi32, #tpu.memory_space<vmem>> -> memref<1x128xi32, #tpu.memory_space<vmem>>
          %dma_start3A_283 = tpu.memref_squeeze %dma_start3A_282 : memref<1x128xi32, #tpu.memory_space<vmem>> -> memref<128xi32, #tpu.memory_space<vmem>>
          %dma_start3A_284 = tpu.memref_slice %arg2[%add3A_270] : memref<163840xi32, #tpu.memory_space<hbm>> -> memref<128xi32, #tpu.memory_space<hbm>>
          tpu.enqueue_dma source(%dma_start3A_284 : memref<128xi32, #tpu.memory_space<hbm>>) target(%dma_start3A_283 : memref<128xi32, #tpu.memory_space<vmem>>) target_semaphore(%run_scoped3A_276 : memref<!tpu.dma_semaphore, #tpu.memory_space<semaphore_mem>>)
          %dma_wait3A_285 = arith.constant 0 : i32
          %dma_wait3A_286 = tpu.memref_slice %arg6[%run_scoped3A_271, %dma_wait3A_285] : memref<4x128xi32, #tpu.memory_space<vmem>> -> memref<1x128xi32, #tpu.memory_space<vmem>>
          %dma_wait3A_287 = tpu.memref_squeeze %dma_wait3A_286 : memref<1x128xi32, #tpu.memory_space<vmem>> -> memref<128xi32, #tpu.memory_space<vmem>>
          %dma_wait3A_288 = tpu.memref_slice %arg2[%add3A_270] : memref<163840xi32, #tpu.memory_space<hbm>> -> memref<128xi32, #tpu.memory_space<hbm>>
          %dma_wait3A_289 = arith.constant 0 : i32
          %dma_wait3A_290 = tpu.memref_slice %arg6[%run_scoped3A_271, %dma_wait3A_289] : memref<4x128xi32, #tpu.memory_space<vmem>> -> memref<1x128xi32, #tpu.memory_space<vmem>>
          %dma_wait3A_291 = tpu.memref_squeeze %dma_wait3A_290 : memref<1x128xi32, #tpu.memory_space<vmem>> -> memref<128xi32, #tpu.memory_space<vmem>>
          %dma_wait3A_292 = tpu.memref_slice %arg2[%add3A_270] : memref<163840xi32, #tpu.memory_space<hbm>> -> memref<128xi32, #tpu.memory_space<hbm>>
          tpu.wait_dma2 semaphore(%run_scoped3A_276 : memref<!tpu.dma_semaphore, #tpu.memory_space<semaphore_mem>>) src(%dma_wait3A_292 : memref<128xi32, #tpu.memory_space<hbm>>) dst(%dma_wait3A_291 : memref<128xi32, #tpu.memory_space<vmem>>)
          tpu.yield
        }) : () -> ()
        %mul3A_272 = arith.constant 128 : i32
        %mul3A_273 = arith.muli %add3A_267, %mul3A_272 : i32
        %add3A_274 = arith.addi %mul3A_4, %mul3A_273 : i32
        %run_scoped3A_275 = arith.constant 0 : i32
        "tpu.region"() ({
          %run_scoped3A_276 = tpu.sem_alloc : memref<!tpu.dma_semaphore, #tpu.memory_space<semaphore_mem>>
          %dma_start3A_277 = arith.constant 0 : i32
          %dma_start3A_278 = tpu.memref_slice %arg7[%run_scoped3A_275, %dma_start3A_277] : memref<4x128xi32, #tpu.memory_space<vmem>> -> memref<1x128xi32, #tpu.memory_space<vmem>>
          %dma_start3A_279 = tpu.memref_squeeze %dma_start3A_278 : memref<1x128xi32, #tpu.memory_space<vmem>> -> memref<128xi32, #tpu.memory_space<vmem>>
          %dma_start3A_280 = tpu.memref_slice %arg3[%add3A_274] : memref<163840xi32, #tpu.memory_space<hbm>> -> memref<128xi32, #tpu.memory_space<hbm>>
          %dma_start3A_281 = arith.constant 0 : i32
          %dma_start3A_282 = tpu.memref_slice %arg7[%run_scoped3A_275, %dma_start3A_281] : memref<4x128xi32, #tpu.memory_space<vmem>> -> memref<1x128xi32, #tpu.memory_space<vmem>>
          %dma_start3A_283 = tpu.memref_squeeze %dma_start3A_282 : memref<1x128xi32, #tpu.memory_space<vmem>> -> memref<128xi32, #tpu.memory_space<vmem>>
          %dma_start3A_284 = tpu.memref_slice %arg3[%add3A_274] : memref<163840xi32, #tpu.memory_space<hbm>> -> memref<128xi32, #tpu.memory_space<hbm>>
          tpu.enqueue_dma source(%dma_start3A_284 : memref<128xi32, #tpu.memory_space<hbm>>) target(%dma_start3A_283 : memref<128xi32, #tpu.memory_space<vmem>>) target_semaphore(%run_scoped3A_276 : memref<!tpu.dma_semaphore, #tpu.memory_space<semaphore_mem>>)
          %dma_wait3A_285 = arith.constant 0 : i32
          %dma_wait3A_286 = tpu.memref_slice %arg7[%run_scoped3A_275, %dma_wait3A_285] : memref<4x128xi32, #tpu.memory_space<vmem>> -> memref<1x128xi32, #tpu.memory_space<vmem>>
          %dma_wait3A_287 = tpu.memref_squeeze %dma_wait3A_286 : memref<1x128xi32, #tpu.memory_space<vmem>> -> memref<128xi32, #tpu.memory_space<vmem>>
          %dma_wait3A_288 = tpu.memref_slice %arg3[%add3A_274] : memref<163840xi32, #tpu.memory_space<hbm>> -> memref<128xi32, #tpu.memory_space<hbm>>
          %dma_wait3A_289 = arith.constant 0 : i32
          %dma_wait3A_290 = tpu.memref_slice %arg7[%run_scoped3A_275, %dma_wait3A_289] : memref<4x128xi32, #tpu.memory_space<vmem>> -> memref<1x128xi32, #tpu.memory_space<vmem>>
          %dma_wait3A_291 = tpu.memref_squeeze %dma_wait3A_290 : memref<1x128xi32, #tpu.memory_space<vmem>> -> memref<128xi32, #tpu.memory_space<vmem>>
          %dma_wait3A_292 = tpu.memref_slice %arg3[%add3A_274] : memref<163840xi32, #tpu.memory_space<hbm>> -> memref<128xi32, #tpu.memory_space<hbm>>
          tpu.wait_dma2 semaphore(%run_scoped3A_276 : memref<!tpu.dma_semaphore, #tpu.memory_space<semaphore_mem>>) src(%dma_wait3A_292 : memref<128xi32, #tpu.memory_space<hbm>>) dst(%dma_wait3A_291 : memref<128xi32, #tpu.memory_space<vmem>>)
          tpu.yield
        }) : () -> ()
      } else {
      }
      %dma_wait3A_193 = arith.constant 0 : i32
      %dma_wait3A_194 = arith.constant 2 : i32
      %dma_wait3A_195 = arith.constant 0 : i32
      %dma_wait3A_196 = arith.constant 0 : i32
      %dma_wait3A_197 = tpu.memref_slice %arg8[%dma_wait3A_193, %dma_wait3A_195, %dma_wait3A_196] : memref<2x128x128xf32, #tpu.memory_space<vmem>> -> memref<1x128x128xf32, #tpu.memory_space<vmem>>
      %dma_wait3A_198 = tpu.memref_squeeze %dma_wait3A_197 : memref<1x128x128xf32, #tpu.memory_space<vmem>> -> memref<128x128xf32, #tpu.memory_space<vmem>>
      %dma_wait3A_199 = arith.constant 0 : i32
      %dma_wait3A_200 = tpu.memref_slice %arg7[%dma_wait3A_194, %dma_wait3A_199] : memref<4x128xi32, #tpu.memory_space<vmem>> -> memref<1x128xi32, #tpu.memory_space<vmem>>
      %dma_wait3A_201 = tpu.memref_squeeze %dma_wait3A_200 : memref<1x128xi32, #tpu.memory_space<vmem>> -> memref<128xi32, #tpu.memory_space<vmem>>
      %dma_wait3A_202 = arith.constant 0 : i32
      %dma_wait3A_203 = arith.constant 0 : i32
      %dma_wait3A_204 = tpu.memref_slice %arg9[%dma_wait3A_202, %dma_wait3A_203] : memref<10008x128xf32, #tpu.memory_space<vmem_shared>> -> memref<10008x128xf32, #tpu.memory_space<vmem_shared>>
      tpu.wait_indirect_dma semaphore(%arg12 : memref<!tpu.dma_semaphore, #tpu.memory_space<semaphore_mem>>) src(%dma_wait3A_198 : memref<128x128xf32, #tpu.memory_space<vmem>>) dst(%dma_wait3A_204 : memref<10008x128xf32, #tpu.memory_space<vmem_shared>>)
      %add3A_205 = arith.constant 2 : i32
      %add3A_206 = arith.addi %add3A_161, %add3A_205 : i32
      %lt3A_207 = arith.constant 40 : i32
      %lt3A_208 = arith.cmpi slt, %add3A_206, %lt3A_207 : i32
      %convert_element_type3A_209 = arith.extui %lt3A_208 : i1 to i32
      %cond3A_210 = arith.constant 0 : i32
      %cond3A_211 = arith.cmpi ne, %convert_element_type3A_209, %cond3A_210 : i32
      scf.if %cond3A_211 {
        %dma_start3A_266 = arith.constant 0 : i32
        %dma_start3A_267 = arith.constant 0 : i32
        %dma_start3A_268 = arith.constant 0 : i32
        %dma_start3A_269 = arith.constant 0 : i32
        %dma_start3A_270 = tpu.memref_slice %arg8[%dma_start3A_267, %dma_start3A_268, %dma_start3A_269] : memref<2x128x128xf32, #tpu.memory_space<vmem>> -> memref<1x128x128xf32, #tpu.memory_space<vmem>>
        %dma_start3A_271 = tpu.memref_squeeze %dma_start3A_270 : memref<1x128x128xf32, #tpu.memory_space<vmem>> -> memref<128x128xf32, #tpu.memory_space<vmem>>
        %dma_start3A_272 = arith.constant 0 : i32
        %dma_start3A_273 = tpu.memref_slice %arg6[%dma_start3A_266, %dma_start3A_272] : memref<4x128xi32, #tpu.memory_space<vmem>> -> memref<1x128xi32, #tpu.memory_space<vmem>>
        %dma_start3A_274 = tpu.memref_squeeze %dma_start3A_273 : memref<1x128xi32, #tpu.memory_space<vmem>> -> memref<128xi32, #tpu.memory_space<vmem>>
        %dma_start3A_275 = arith.constant 0 : i32
        %dma_start3A_276 = arith.constant 0 : i32
        %dma_start3A_277 = tpu.memref_slice %arg4[%dma_start3A_275, %dma_start3A_276] : memref<10000x128xf32, #tpu.memory_space<hbm>> -> memref<10000x128xf32, #tpu.memory_space<hbm>>
        tpu.enqueue_indirect_dma source(%dma_start3A_277 : memref<10000x128xf32, #tpu.memory_space<hbm>>) target(%dma_start3A_271 : memref<128x128xf32, #tpu.memory_space<vmem>>) offsets(%dma_start3A_274 : memref<128xi32, #tpu.memory_space<vmem>>) semaphore(%arg10 : memref<!tpu.dma_semaphore, #tpu.memory_space<semaphore_mem>>)
      } else {
      }
      %mul3A_212 = arith.constant 4 : i32
      %mul3A_213 = arith.muli %mul3A_212, %scan3A_50 : i32
      %add3A_214 = arith.constant 3 : i32
      %add3A_215 = arith.addi %mul3A_213, %add3A_214 : i32
      %dma_wait3A_216 = arith.constant 3 : i32
      %dma_wait3A_217 = arith.constant 1 : i32
      %dma_wait3A_218 = arith.constant 0 : i32
      %dma_wait3A_219 = arith.constant 0 : i32
      %dma_wait3A_220 = tpu.memref_slice %arg8[%dma_wait3A_217, %dma_wait3A_218, %dma_wait3A_219] : memref<2x128x128xf32, #tpu.memory_space<vmem>> -> memref<1x128x128xf32, #tpu.memory_space<vmem>>
      %dma_wait3A_221 = tpu.memref_squeeze %dma_wait3A_220 : memref<1x128x128xf32, #tpu.memory_space<vmem>> -> memref<128x128xf32, #tpu.memory_space<vmem>>
      %dma_wait3A_222 = arith.constant 0 : i32
      %dma_wait3A_223 = tpu.memref_slice %arg6[%dma_wait3A_216, %dma_wait3A_222] : memref<4x128xi32, #tpu.memory_space<vmem>> -> memref<1x128xi32, #tpu.memory_space<vmem>>
      %dma_wait3A_224 = tpu.memref_squeeze %dma_wait3A_223 : memref<1x128xi32, #tpu.memory_space<vmem>> -> memref<128xi32, #tpu.memory_space<vmem>>
      %dma_wait3A_225 = arith.constant 0 : i32
      %dma_wait3A_226 = arith.constant 0 : i32
      %dma_wait3A_227 = tpu.memref_slice %arg4[%dma_wait3A_225, %dma_wait3A_226] : memref<10000x128xf32, #tpu.memory_space<hbm>> -> memref<10000x128xf32, #tpu.memory_space<hbm>>
      tpu.wait_indirect_dma semaphore(%arg11 : memref<!tpu.dma_semaphore, #tpu.memory_space<semaphore_mem>>) src(%dma_wait3A_227 : memref<10000x128xf32, #tpu.memory_space<hbm>>) dst(%dma_wait3A_221 : memref<128x128xf32, #tpu.memory_space<vmem>>)
      %dma_start3A_228 = arith.constant 1 : i32
      %dma_start3A_229 = arith.constant 3 : i32
      %dma_start3A_230 = arith.constant 0 : i32
      %dma_start3A_231 = arith.constant 0 : i32
      %dma_start3A_232 = tpu.memref_slice %arg8[%dma_start3A_228, %dma_start3A_230, %dma_start3A_231] : memref<2x128x128xf32, #tpu.memory_space<vmem>> -> memref<1x128x128xf32, #tpu.memory_space<vmem>>
      %dma_start3A_233 = tpu.memref_squeeze %dma_start3A_232 : memref<1x128x128xf32, #tpu.memory_space<vmem>> -> memref<128x128xf32, #tpu.memory_space<vmem>>
      %dma_start3A_234 = arith.constant 0 : i32
      %dma_start3A_235 = tpu.memref_slice %arg7[%dma_start3A_229, %dma_start3A_234] : memref<4x128xi32, #tpu.memory_space<vmem>> -> memref<1x128xi32, #tpu.memory_space<vmem>>
      %dma_start3A_236 = tpu.memref_squeeze %dma_start3A_235 : memref<1x128xi32, #tpu.memory_space<vmem>> -> memref<128xi32, #tpu.memory_space<vmem>>
      %dma_start3A_237 = arith.constant 0 : i32
      %dma_start3A_238 = arith.constant 0 : i32
      %dma_start3A_239 = tpu.memref_slice %arg9[%dma_start3A_237, %dma_start3A_238] : memref<10008x128xf32, #tpu.memory_space<vmem_shared>> -> memref<10008x128xf32, #tpu.memory_space<vmem_shared>>
      tpu.enqueue_indirect_dma source(%dma_start3A_233 : memref<128x128xf32, #tpu.memory_space<vmem>>) target(%dma_start3A_239 : memref<10008x128xf32, #tpu.memory_space<vmem_shared>>) offsets(%dma_start3A_236 : memref<128xi32, #tpu.memory_space<vmem>>) semaphore(%arg12 : memref<!tpu.dma_semaphore, #tpu.memory_space<semaphore_mem>>) {add = true}
      %add3A_240 = arith.constant 2 : i32
      %add3A_241 = arith.addi %add3A_215, %add3A_240 : i32
      %lt3A_242 = arith.constant 40 : i32
      %lt3A_243 = arith.cmpi slt, %add3A_241, %lt3A_242 : i32
      %convert_element_type3A_244 = arith.extui %lt3A_243 : i1 to i32
      %cond3A_245 = arith.constant 0 : i32
      %cond3A_246 = arith.cmpi ne, %convert_element_type3A_244, %cond3A_245 : i32
      scf.if %cond3A_246 {
        %add3A_266 = arith.constant 2 : i32
        %add3A_267 = arith.addi %add3A_215, %add3A_266 : i32
        %mul3A_268 = arith.constant 128 : i32
        %mul3A_269 = arith.muli %add3A_267, %mul3A_268 : i32
        %add3A_270 = arith.addi %mul3A_4, %mul3A_269 : i32
        %run_scoped3A_271 = arith.constant 1 : i32
        "tpu.region"() ({
          %run_scoped3A_276 = tpu.sem_alloc : memref<!tpu.dma_semaphore, #tpu.memory_space<semaphore_mem>>
          %dma_start3A_277 = arith.constant 0 : i32
          %dma_start3A_278 = tpu.memref_slice %arg6[%run_scoped3A_271, %dma_start3A_277] : memref<4x128xi32, #tpu.memory_space<vmem>> -> memref<1x128xi32, #tpu.memory_space<vmem>>
          %dma_start3A_279 = tpu.memref_squeeze %dma_start3A_278 : memref<1x128xi32, #tpu.memory_space<vmem>> -> memref<128xi32, #tpu.memory_space<vmem>>
          %dma_start3A_280 = tpu.memref_slice %arg2[%add3A_270] : memref<163840xi32, #tpu.memory_space<hbm>> -> memref<128xi32, #tpu.memory_space<hbm>>
          %dma_start3A_281 = arith.constant 0 : i32
          %dma_start3A_282 = tpu.memref_slice %arg6[%run_scoped3A_271, %dma_start3A_281] : memref<4x128xi32, #tpu.memory_space<vmem>> -> memref<1x128xi32, #tpu.memory_space<vmem>>
          %dma_start3A_283 = tpu.memref_squeeze %dma_start3A_282 : memref<1x128xi32, #tpu.memory_space<vmem>> -> memref<128xi32, #tpu.memory_space<vmem>>
          %dma_start3A_284 = tpu.memref_slice %arg2[%add3A_270] : memref<163840xi32, #tpu.memory_space<hbm>> -> memref<128xi32, #tpu.memory_space<hbm>>
          tpu.enqueue_dma source(%dma_start3A_284 : memref<128xi32, #tpu.memory_space<hbm>>) target(%dma_start3A_283 : memref<128xi32, #tpu.memory_space<vmem>>) target_semaphore(%run_scoped3A_276 : memref<!tpu.dma_semaphore, #tpu.memory_space<semaphore_mem>>)
          %dma_wait3A_285 = arith.constant 0 : i32
          %dma_wait3A_286 = tpu.memref_slice %arg6[%run_scoped3A_271, %dma_wait3A_285] : memref<4x128xi32, #tpu.memory_space<vmem>> -> memref<1x128xi32, #tpu.memory_space<vmem>>
          %dma_wait3A_287 = tpu.memref_squeeze %dma_wait3A_286 : memref<1x128xi32, #tpu.memory_space<vmem>> -> memref<128xi32, #tpu.memory_space<vmem>>
          %dma_wait3A_288 = tpu.memref_slice %arg2[%add3A_270] : memref<163840xi32, #tpu.memory_space<hbm>> -> memref<128xi32, #tpu.memory_space<hbm>>
          %dma_wait3A_289 = arith.constant 0 : i32
          %dma_wait3A_290 = tpu.memref_slice %arg6[%run_scoped3A_271, %dma_wait3A_289] : memref<4x128xi32, #tpu.memory_space<vmem>> -> memref<1x128xi32, #tpu.memory_space<vmem>>
          %dma_wait3A_291 = tpu.memref_squeeze %dma_wait3A_290 : memref<1x128xi32, #tpu.memory_space<vmem>> -> memref<128xi32, #tpu.memory_space<vmem>>
          %dma_wait3A_292 = tpu.memref_slice %arg2[%add3A_270] : memref<163840xi32, #tpu.memory_space<hbm>> -> memref<128xi32, #tpu.memory_space<hbm>>
          tpu.wait_dma2 semaphore(%run_scoped3A_276 : memref<!tpu.dma_semaphore, #tpu.memory_space<semaphore_mem>>) src(%dma_wait3A_292 : memref<128xi32, #tpu.memory_space<hbm>>) dst(%dma_wait3A_291 : memref<128xi32, #tpu.memory_space<vmem>>)
          tpu.yield
        }) : () -> ()
        %mul3A_272 = arith.constant 128 : i32
        %mul3A_273 = arith.muli %add3A_267, %mul3A_272 : i32
        %add3A_274 = arith.addi %mul3A_4, %mul3A_273 : i32
        %run_scoped3A_275 = arith.constant 1 : i32
        "tpu.region"() ({
          %run_scoped3A_276 = tpu.sem_alloc : memref<!tpu.dma_semaphore, #tpu.memory_space<semaphore_mem>>
          %dma_start3A_277 = arith.constant 0 : i32
          %dma_start3A_278 = tpu.memref_slice %arg7[%run_scoped3A_275, %dma_start3A_277] : memref<4x128xi32, #tpu.memory_space<vmem>> -> memref<1x128xi32, #tpu.memory_space<vmem>>
          %dma_start3A_279 = tpu.memref_squeeze %dma_start3A_278 : memref<1x128xi32, #tpu.memory_space<vmem>> -> memref<128xi32, #tpu.memory_space<vmem>>
          %dma_start3A_280 = tpu.memref_slice %arg3[%add3A_274] : memref<163840xi32, #tpu.memory_space<hbm>> -> memref<128xi32, #tpu.memory_space<hbm>>
          %dma_start3A_281 = arith.constant 0 : i32
          %dma_start3A_282 = tpu.memref_slice %arg7[%run_scoped3A_275, %dma_start3A_281] : memref<4x128xi32, #tpu.memory_space<vmem>> -> memref<1x128xi32, #tpu.memory_space<vmem>>
          %dma_start3A_283 = tpu.memref_squeeze %dma_start3A_282 : memref<1x128xi32, #tpu.memory_space<vmem>> -> memref<128xi32, #tpu.memory_space<vmem>>
          %dma_start3A_284 = tpu.memref_slice %arg3[%add3A_274] : memref<163840xi32, #tpu.memory_space<hbm>> -> memref<128xi32, #tpu.memory_space<hbm>>
          tpu.enqueue_dma source(%dma_start3A_284 : memref<128xi32, #tpu.memory_space<hbm>>) target(%dma_start3A_283 : memref<128xi32, #tpu.memory_space<vmem>>) target_semaphore(%run_scoped3A_276 : memref<!tpu.dma_semaphore, #tpu.memory_space<semaphore_mem>>)
          %dma_wait3A_285 = arith.constant 0 : i32
          %dma_wait3A_286 = tpu.memref_slice %arg7[%run_scoped3A_275, %dma_wait3A_285] : memref<4x128xi32, #tpu.memory_space<vmem>> -> memref<1x128xi32, #tpu.memory_space<vmem>>
          %dma_wait3A_287 = tpu.memref_squeeze %dma_wait3A_286 : memref<1x128xi32, #tpu.memory_space<vmem>> -> memref<128xi32, #tpu.memory_space<vmem>>
          %dma_wait3A_288 = tpu.memref_slice %arg3[%add3A_274] : memref<163840xi32, #tpu.memory_space<hbm>> -> memref<128xi32, #tpu.memory_space<hbm>>
          %dma_wait3A_289 = arith.constant 0 : i32
          %dma_wait3A_290 = tpu.memref_slice %arg7[%run_scoped3A_275, %dma_wait3A_289] : memref<4x128xi32, #tpu.memory_space<vmem>> -> memref<1x128xi32, #tpu.memory_space<vmem>>
          %dma_wait3A_291 = tpu.memref_squeeze %dma_wait3A_290 : memref<1x128xi32, #tpu.memory_space<vmem>> -> memref<128xi32, #tpu.memory_space<vmem>>
          %dma_wait3A_292 = tpu.memref_slice %arg3[%add3A_274] : memref<163840xi32, #tpu.memory_space<hbm>> -> memref<128xi32, #tpu.memory_space<hbm>>
          tpu.wait_dma2 semaphore(%run_scoped3A_276 : memref<!tpu.dma_semaphore, #tpu.memory_space<semaphore_mem>>) src(%dma_wait3A_292 : memref<128xi32, #tpu.memory_space<hbm>>) dst(%dma_wait3A_291 : memref<128xi32, #tpu.memory_space<vmem>>)
          tpu.yield
        }) : () -> ()
      } else {
      }
      %dma_wait3A_247 = arith.constant 1 : i32
      %dma_wait3A_248 = arith.constant 3 : i32
      %dma_wait3A_249 = arith.constant 0 : i32
      %dma_wait3A_250 = arith.constant 0 : i32
      %dma_wait3A_251 = tpu.memref_slice %arg8[%dma_wait3A_247, %dma_wait3A_249, %dma_wait3A_250] : memref<2x128x128xf32, #tpu.memory_space<vmem>> -> memref<1x128x128xf32, #tpu.memory_space<vmem>>
      %dma_wait3A_252 = tpu.memref_squeeze %dma_wait3A_251 : memref<1x128x128xf32, #tpu.memory_space<vmem>> -> memref<128x128xf32, #tpu.memory_space<vmem>>
      %dma_wait3A_253 = arith.constant 0 : i32
      %dma_wait3A_254 = tpu.memref_slice %arg7[%dma_wait3A_248, %dma_wait3A_253] : memref<4x128xi32, #tpu.memory_space<vmem>> -> memref<1x128xi32, #tpu.memory_space<vmem>>
      %dma_wait3A_255 = tpu.memref_squeeze %dma_wait3A_254 : memref<1x128xi32, #tpu.memory_space<vmem>> -> memref<128xi32, #tpu.memory_space<vmem>>
      %dma_wait3A_256 = arith.constant 0 : i32
      %dma_wait3A_257 = arith.constant 0 : i32
      %dma_wait3A_258 = tpu.memref_slice %arg9[%dma_wait3A_256, %dma_wait3A_257] : memref<10008x128xf32, #tpu.memory_space<vmem_shared>> -> memref<10008x128xf32, #tpu.memory_space<vmem_shared>>
      tpu.wait_indirect_dma semaphore(%arg12 : memref<!tpu.dma_semaphore, #tpu.memory_space<semaphore_mem>>) src(%dma_wait3A_252 : memref<128x128xf32, #tpu.memory_space<vmem>>) dst(%dma_wait3A_258 : memref<10008x128xf32, #tpu.memory_space<vmem_shared>>)
      %add3A_259 = arith.constant 2 : i32
      %add3A_260 = arith.addi %add3A_215, %add3A_259 : i32
      %lt3A_261 = arith.constant 40 : i32
      %lt3A_262 = arith.cmpi slt, %add3A_260, %lt3A_261 : i32
      %convert_element_type3A_263 = arith.extui %lt3A_262 : i1 to i32
      %cond3A_264 = arith.constant 0 : i32
      %cond3A_265 = arith.cmpi ne, %convert_element_type3A_263, %cond3A_264 : i32
      scf.if %cond3A_265 {
        %dma_start3A_266 = arith.constant 1 : i32
        %dma_start3A_267 = arith.constant 1 : i32
        %dma_start3A_268 = arith.constant 0 : i32
        %dma_start3A_269 = arith.constant 0 : i32
        %dma_start3A_270 = tpu.memref_slice %arg8[%dma_start3A_267, %dma_start3A_268, %dma_start3A_269] : memref<2x128x128xf32, #tpu.memory_space<vmem>> -> memref<1x128x128xf32, #tpu.memory_space<vmem>>
        %dma_start3A_271 = tpu.memref_squeeze %dma_start3A_270 : memref<1x128x128xf32, #tpu.memory_space<vmem>> -> memref<128x128xf32, #tpu.memory_space<vmem>>
        %dma_start3A_272 = arith.constant 0 : i32
        %dma_start3A_273 = tpu.memref_slice %arg6[%dma_start3A_266, %dma_start3A_272] : memref<4x128xi32, #tpu.memory_space<vmem>> -> memref<1x128xi32, #tpu.memory_space<vmem>>
        %dma_start3A_274 = tpu.memref_squeeze %dma_start3A_273 : memref<1x128xi32, #tpu.memory_space<vmem>> -> memref<128xi32, #tpu.memory_space<vmem>>
        %dma_start3A_275 = arith.constant 0 : i32
        %dma_start3A_276 = arith.constant 0 : i32
        %dma_start3A_277 = tpu.memref_slice %arg4[%dma_start3A_275, %dma_start3A_276] : memref<10000x128xf32, #tpu.memory_space<hbm>> -> memref<10000x128xf32, #tpu.memory_space<hbm>>
        tpu.enqueue_indirect_dma source(%dma_start3A_277 : memref<10000x128xf32, #tpu.memory_space<hbm>>) target(%dma_start3A_271 : memref<128x128xf32, #tpu.memory_space<vmem>>) offsets(%dma_start3A_274 : memref<128xi32, #tpu.memory_space<vmem>>) semaphore(%arg11 : memref<!tpu.dma_semaphore, #tpu.memory_space<semaphore_mem>>)
      } else {
      }
    }
    %scan3A_43 = arith.constant 10 : i32
    %barrier3A_44 = arith.constant 0 : index
    tpu.barrier barrier_id(%barrier3A_44)
    %lt3A_45 = arith.constant 10 : i32
    %lt3A_46 = arith.cmpi slt, %arg1, %lt3A_45 : i32
    %convert_element_type3A_47 = arith.extui %lt3A_46 : i1 to i32
    %cond3A_48 = arith.constant 0 : i32
    %cond3A_49 = arith.cmpi ne, %convert_element_type3A_47, %cond3A_48 : i32
    scf.if %cond3A_49 {
      %mul3A_50 = arith.constant 1000 : i32
      %mul3A_51 = arith.muli %arg1, %mul3A_50 : i32
      %mul3A_52 = arith.constant 1000 : i32
      %mul3A_53 = arith.muli %arg1, %mul3A_52 : i32
      "tpu.region"() ({
        %run_scoped3A_54 = tpu.sem_alloc : memref<!tpu.dma_semaphore, #tpu.memory_space<semaphore_mem>>
        %dma_start3A_55 = arith.constant 0 : i32
        %dma_start3A_56 = tpu.memref_slice %arg5[%arg0, %mul3A_53, %dma_start3A_55] : memref<2x10000x128xf32, #tpu.memory_space<hbm>> -> memref<1x1000x128xf32, #tpu.memory_space<hbm>>
        %dma_start3A_57 = tpu.memref_squeeze %dma_start3A_56 : memref<1x1000x128xf32, #tpu.memory_space<hbm>> -> memref<1000x128xf32, #tpu.memory_space<hbm>>
        %dma_start3A_58 = arith.constant 0 : i32
        %dma_start3A_59 = tpu.memref_slice %arg9[%mul3A_51, %dma_start3A_58] : memref<10008x128xf32, #tpu.memory_space<vmem_shared>> -> memref<1000x128xf32, #tpu.memory_space<vmem_shared>>
        tpu.enqueue_dma source(%dma_start3A_59 : memref<1000x128xf32, #tpu.memory_space<vmem_shared>>) target(%dma_start3A_57 : memref<1000x128xf32, #tpu.memory_space<hbm>>) target_semaphore(%run_scoped3A_54 : memref<!tpu.dma_semaphore, #tpu.memory_space<semaphore_mem>>)
        %dma_wait3A = arith.constant 0 : i32
        %dma_wait3A_60 = tpu.memref_slice %arg5[%arg0, %mul3A_53, %dma_wait3A] : memref<2x10000x128xf32, #tpu.memory_space<hbm>> -> memref<1x1000x128xf32, #tpu.memory_space<hbm>>
        %dma_wait3A_61 = tpu.memref_squeeze %dma_wait3A_60 : memref<1x1000x128xf32, #tpu.memory_space<hbm>> -> memref<1000x128xf32, #tpu.memory_space<hbm>>
        %dma_wait3A_62 = arith.constant 0 : i32
        %dma_wait3A_63 = tpu.memref_slice %arg9[%mul3A_51, %dma_wait3A_62] : memref<10008x128xf32, #tpu.memory_space<vmem_shared>> -> memref<1000x128xf32, #tpu.memory_space<vmem_shared>>
        tpu.wait_dma2 semaphore(%run_scoped3A_54 : memref<!tpu.dma_semaphore, #tpu.memory_space<semaphore_mem>>) src(%dma_wait3A_63 : memref<1000x128xf32, #tpu.memory_space<vmem_shared>>) dst(%dma_wait3A_61 : memref<1000x128xf32, #tpu.memory_space<hbm>>)
        tpu.yield
      }) : () -> ()
    } else {
    }
    return
  }
}

#map = affine_map<(d0, d1) -> (0)>
#map1 = affine_map<(d0, d1) -> (0, 0)>
#map2 = affine_map<(d0, d1) -> (0, 0, 0)>
module attributes {stable_mosaic.version = 14 : i64} {
  func.func @agg_kernel(%arg0: i32, %arg1: i32, %arg2: memref<327680xi32, #tpu.memory_space<hbm>>, %arg3: memref<163840xi32, #tpu.memory_space<hbm>>, %arg4: memref<20000x128xf32, #tpu.memory_space<hbm>>, %arg5: memref<2x10000x128xf32, #tpu.memory_space<hbm>>, %arg6: memref<4x128xi32, #tpu.memory_space<vmem>>, %arg7: memref<4x128xi32, #tpu.memory_space<vmem>>, %arg8: memref<2x128x128xf32, #tpu.memory_space<vmem>>, %arg9: memref<10008x128xf32, #tpu.memory_space<vmem_shared>>, %arg10: memref<!tpu.dma_semaphore, #tpu.memory_space<semaphore_mem>>, %arg11: memref<!tpu.dma_semaphore, #tpu.memory_space<semaphore_mem>>, %arg12: memref<!tpu.dma_semaphore, #tpu.memory_space<semaphore_mem>>, %arg13: memref<!tpu.dma_semaphore, #tpu.memory_space<semaphore_mem>>) attributes {dimension_semantics = [#tpu.dimension_semantics<core_parallel>, #tpu.dimension_semantics<subcore_parallel>], iteration_bounds = array<i64: 2, 16>, scalar_prefetch = 0 : i64, scratch_operands = 8 : i64, tpu.core_type = #tpu.core_type<sc_vector_subcore>, window_params = [{transform_indices = #map}, {transform_indices = #map}, {transform_indices = #map1}, {transform_indices = #map2}]} {
    %lt3A = arith.constant 10 : i32
    %lt3A_0 = arith.cmpi slt, %arg1, %lt3A : i32
    %convert_element_type3A = arith.extui %lt3A_0 : i1 to i32
    %cond3A = arith.constant 0 : i32
    %cond3A_1 = arith.cmpi ne, %convert_element_type3A, %cond3A : i32
    scf.if %cond3A_1 {
      %mul3A_52 = arith.constant 10000 : i32
      %mul3A_53 = arith.muli %arg0, %mul3A_52 : i32
      %mul3A_54 = arith.constant 1000 : i32
      %mul3A_55 = arith.muli %arg1, %mul3A_54 : i32
      %add3A_56 = arith.addi %mul3A_53, %mul3A_55 : i32
      %mul3A_57 = arith.constant 1000 : i32
      %mul3A_58 = arith.muli %arg1, %mul3A_57 : i32
      "tpu.region"() ({
        %run_scoped3A_59 = tpu.sem_alloc : memref<!tpu.dma_semaphore, #tpu.memory_space<semaphore_mem>>
        %dma_start3A_60 = arith.constant 0 : i32
        %dma_start3A_61 = tpu.memref_slice %arg9[%mul3A_58, %dma_start3A_60] : memref<10008x128xf32, #tpu.memory_space<vmem_shared>> -> memref<1000x128xf32, #tpu.memory_space<vmem_shared>>
        %dma_start3A_62 = arith.constant 0 : i32
        %dma_start3A_63 = tpu.memref_slice %arg4[%add3A_56, %dma_start3A_62] : memref<20000x128xf32, #tpu.memory_space<hbm>> -> memref<1000x128xf32, #tpu.memory_space<hbm>>
        tpu.enqueue_dma source(%dma_start3A_63 : memref<1000x128xf32, #tpu.memory_space<hbm>>) target(%dma_start3A_61 : memref<1000x128xf32, #tpu.memory_space<vmem_shared>>) target_semaphore(%run_scoped3A_59 : memref<!tpu.dma_semaphore, #tpu.memory_space<semaphore_mem>>)
        %dma_wait3A = arith.constant 0 : i32
        %dma_wait3A_64 = tpu.memref_slice %arg9[%mul3A_58, %dma_wait3A] : memref<10008x128xf32, #tpu.memory_space<vmem_shared>> -> memref<1000x128xf32, #tpu.memory_space<vmem_shared>>
        %dma_wait3A_65 = arith.constant 0 : i32
        %dma_wait3A_66 = tpu.memref_slice %arg4[%add3A_56, %dma_wait3A_65] : memref<20000x128xf32, #tpu.memory_space<hbm>> -> memref<1000x128xf32, #tpu.memory_space<hbm>>
        tpu.wait_dma2 semaphore(%run_scoped3A_59 : memref<!tpu.dma_semaphore, #tpu.memory_space<semaphore_mem>>) src(%dma_wait3A_66 : memref<1000x128xf32, #tpu.memory_space<hbm>>) dst(%dma_wait3A_64 : memref<1000x128xf32, #tpu.memory_space<vmem_shared>>)
        tpu.yield
      }) : () -> ()
    } else {
    }
    %barrier3A = arith.constant 0 : index
    tpu.barrier barrier_id(%barrier3A)
    %mul3A = arith.constant 163840 : i32
    %mul3A_2 = arith.muli %arg0, %mul3A : i32
    %mul3A_3 = arith.constant 10240 : i32
    %mul3A_4 = arith.muli %arg1, %mul3A_3 : i32
    %add3A = arith.addi %mul3A_2, %mul3A_4 : i32
    %mul3A_5 = arith.constant 10240 : i32
    %mul3A_6 = arith.muli %arg1, %mul3A_5 : i32
    %add3A_7 = arith.constant 0 : i32
    %add3A_8 = arith.addi %add3A, %add3A_7 : i32
    %run_scoped3A = arith.constant 0 : i32
    "tpu.region"() ({
      %run_scoped3A_52 = tpu.sem_alloc : memref<!tpu.dma_semaphore, #tpu.memory_space<semaphore_mem>>
      %dma_start3A_53 = arith.constant 0 : i32
      %dma_start3A_54 = tpu.memref_slice %arg6[%run_scoped3A, %dma_start3A_53] : memref<4x128xi32, #tpu.memory_space<vmem>> -> memref<1x128xi32, #tpu.memory_space<vmem>>
      %dma_start3A_55 = tpu.memref_squeeze %dma_start3A_54 : memref<1x128xi32, #tpu.memory_space<vmem>> -> memref<128xi32, #tpu.memory_space<vmem>>
      %dma_start3A_56 = tpu.memref_slice %arg2[%add3A_8] : memref<327680xi32, #tpu.memory_space<hbm>> -> memref<128xi32, #tpu.memory_space<hbm>>
      %dma_start3A_57 = arith.constant 0 : i32
      %dma_start3A_58 = tpu.memref_slice %arg6[%run_scoped3A, %dma_start3A_57] : memref<4x128xi32, #tpu.memory_space<vmem>> -> memref<1x128xi32, #tpu.memory_space<vmem>>
      %dma_start3A_59 = tpu.memref_squeeze %dma_start3A_58 : memref<1x128xi32, #tpu.memory_space<vmem>> -> memref<128xi32, #tpu.memory_space<vmem>>
      %dma_start3A_60 = tpu.memref_slice %arg2[%add3A_8] : memref<327680xi32, #tpu.memory_space<hbm>> -> memref<128xi32, #tpu.memory_space<hbm>>
      tpu.enqueue_dma source(%dma_start3A_60 : memref<128xi32, #tpu.memory_space<hbm>>) target(%dma_start3A_59 : memref<128xi32, #tpu.memory_space<vmem>>) target_semaphore(%run_scoped3A_52 : memref<!tpu.dma_semaphore, #tpu.memory_space<semaphore_mem>>)
      %dma_wait3A = arith.constant 0 : i32
      %dma_wait3A_61 = tpu.memref_slice %arg6[%run_scoped3A, %dma_wait3A] : memref<4x128xi32, #tpu.memory_space<vmem>> -> memref<1x128xi32, #tpu.memory_space<vmem>>
      %dma_wait3A_62 = tpu.memref_squeeze %dma_wait3A_61 : memref<1x128xi32, #tpu.memory_space<vmem>> -> memref<128xi32, #tpu.memory_space<vmem>>
      %dma_wait3A_63 = tpu.memref_slice %arg2[%add3A_8] : memref<327680xi32, #tpu.memory_space<hbm>> -> memref<128xi32, #tpu.memory_space<hbm>>
      %dma_wait3A_64 = arith.constant 0 : i32
      %dma_wait3A_65 = tpu.memref_slice %arg6[%run_scoped3A, %dma_wait3A_64] : memref<4x128xi32, #tpu.memory_space<vmem>> -> memref<1x128xi32, #tpu.memory_space<vmem>>
      %dma_wait3A_66 = tpu.memref_squeeze %dma_wait3A_65 : memref<1x128xi32, #tpu.memory_space<vmem>> -> memref<128xi32, #tpu.memory_space<vmem>>
      %dma_wait3A_67 = tpu.memref_slice %arg2[%add3A_8] : memref<327680xi32, #tpu.memory_space<hbm>> -> memref<128xi32, #tpu.memory_space<hbm>>
      tpu.wait_dma2 semaphore(%run_scoped3A_52 : memref<!tpu.dma_semaphore, #tpu.memory_space<semaphore_mem>>) src(%dma_wait3A_67 : memref<128xi32, #tpu.memory_space<hbm>>) dst(%dma_wait3A_66 : memref<128xi32, #tpu.memory_space<vmem>>)
      tpu.yield
    }) : () -> ()
    %add3A_9 = arith.constant 0 : i32
    %add3A_10 = arith.addi %mul3A_6, %add3A_9 : i32
    %run_scoped3A_11 = arith.constant 0 : i32
    "tpu.region"() ({
      %run_scoped3A_52 = tpu.sem_alloc : memref<!tpu.dma_semaphore, #tpu.memory_space<semaphore_mem>>
      %dma_start3A_53 = arith.constant 0 : i32
      %dma_start3A_54 = tpu.memref_slice %arg7[%run_scoped3A_11, %dma_start3A_53] : memref<4x128xi32, #tpu.memory_space<vmem>> -> memref<1x128xi32, #tpu.memory_space<vmem>>
      %dma_start3A_55 = tpu.memref_squeeze %dma_start3A_54 : memref<1x128xi32, #tpu.memory_space<vmem>> -> memref<128xi32, #tpu.memory_space<vmem>>
      %dma_start3A_56 = tpu.memref_slice %arg3[%add3A_10] : memref<163840xi32, #tpu.memory_space<hbm>> -> memref<128xi32, #tpu.memory_space<hbm>>
      %dma_start3A_57 = arith.constant 0 : i32
      %dma_start3A_58 = tpu.memref_slice %arg7[%run_scoped3A_11, %dma_start3A_57] : memref<4x128xi32, #tpu.memory_space<vmem>> -> memref<1x128xi32, #tpu.memory_space<vmem>>
      %dma_start3A_59 = tpu.memref_squeeze %dma_start3A_58 : memref<1x128xi32, #tpu.memory_space<vmem>> -> memref<128xi32, #tpu.memory_space<vmem>>
      %dma_start3A_60 = tpu.memref_slice %arg3[%add3A_10] : memref<163840xi32, #tpu.memory_space<hbm>> -> memref<128xi32, #tpu.memory_space<hbm>>
      tpu.enqueue_dma source(%dma_start3A_60 : memref<128xi32, #tpu.memory_space<hbm>>) target(%dma_start3A_59 : memref<128xi32, #tpu.memory_space<vmem>>) target_semaphore(%run_scoped3A_52 : memref<!tpu.dma_semaphore, #tpu.memory_space<semaphore_mem>>)
      %dma_wait3A = arith.constant 0 : i32
      %dma_wait3A_61 = tpu.memref_slice %arg7[%run_scoped3A_11, %dma_wait3A] : memref<4x128xi32, #tpu.memory_space<vmem>> -> memref<1x128xi32, #tpu.memory_space<vmem>>
      %dma_wait3A_62 = tpu.memref_squeeze %dma_wait3A_61 : memref<1x128xi32, #tpu.memory_space<vmem>> -> memref<128xi32, #tpu.memory_space<vmem>>
      %dma_wait3A_63 = tpu.memref_slice %arg3[%add3A_10] : memref<163840xi32, #tpu.memory_space<hbm>> -> memref<128xi32, #tpu.memory_space<hbm>>
      %dma_wait3A_64 = arith.constant 0 : i32
      %dma_wait3A_65 = tpu.memref_slice %arg7[%run_scoped3A_11, %dma_wait3A_64] : memref<4x128xi32, #tpu.memory_space<vmem>> -> memref<1x128xi32, #tpu.memory_space<vmem>>
      %dma_wait3A_66 = tpu.memref_squeeze %dma_wait3A_65 : memref<1x128xi32, #tpu.memory_space<vmem>> -> memref<128xi32, #tpu.memory_space<vmem>>
      %dma_wait3A_67 = tpu.memref_slice %arg3[%add3A_10] : memref<163840xi32, #tpu.memory_space<hbm>> -> memref<128xi32, #tpu.memory_space<hbm>>
      tpu.wait_dma2 semaphore(%run_scoped3A_52 : memref<!tpu.dma_semaphore, #tpu.memory_space<semaphore_mem>>) src(%dma_wait3A_67 : memref<128xi32, #tpu.memory_space<hbm>>) dst(%dma_wait3A_66 : memref<128xi32, #tpu.memory_space<vmem>>)
      tpu.yield
    }) : () -> ()
    %add3A_12 = arith.constant 128 : i32
    %add3A_13 = arith.addi %add3A, %add3A_12 : i32
    %run_scoped3A_14 = arith.constant 1 : i32
    "tpu.region"() ({
      %run_scoped3A_52 = tpu.sem_alloc : memref<!tpu.dma_semaphore, #tpu.memory_space<semaphore_mem>>
      %dma_start3A_53 = arith.constant 0 : i32
      %dma_start3A_54 = tpu.memref_slice %arg6[%run_scoped3A_14, %dma_start3A_53] : memref<4x128xi32, #tpu.memory_space<vmem>> -> memref<1x128xi32, #tpu.memory_space<vmem>>
      %dma_start3A_55 = tpu.memref_squeeze %dma_start3A_54 : memref<1x128xi32, #tpu.memory_space<vmem>> -> memref<128xi32, #tpu.memory_space<vmem>>
      %dma_start3A_56 = tpu.memref_slice %arg2[%add3A_13] : memref<327680xi32, #tpu.memory_space<hbm>> -> memref<128xi32, #tpu.memory_space<hbm>>
      %dma_start3A_57 = arith.constant 0 : i32
      %dma_start3A_58 = tpu.memref_slice %arg6[%run_scoped3A_14, %dma_start3A_57] : memref<4x128xi32, #tpu.memory_space<vmem>> -> memref<1x128xi32, #tpu.memory_space<vmem>>
      %dma_start3A_59 = tpu.memref_squeeze %dma_start3A_58 : memref<1x128xi32, #tpu.memory_space<vmem>> -> memref<128xi32, #tpu.memory_space<vmem>>
      %dma_start3A_60 = tpu.memref_slice %arg2[%add3A_13] : memref<327680xi32, #tpu.memory_space<hbm>> -> memref<128xi32, #tpu.memory_space<hbm>>
      tpu.enqueue_dma source(%dma_start3A_60 : memref<128xi32, #tpu.memory_space<hbm>>) target(%dma_start3A_59 : memref<128xi32, #tpu.memory_space<vmem>>) target_semaphore(%run_scoped3A_52 : memref<!tpu.dma_semaphore, #tpu.memory_space<semaphore_mem>>)
      %dma_wait3A = arith.constant 0 : i32
      %dma_wait3A_61 = tpu.memref_slice %arg6[%run_scoped3A_14, %dma_wait3A] : memref<4x128xi32, #tpu.memory_space<vmem>> -> memref<1x128xi32, #tpu.memory_space<vmem>>
      %dma_wait3A_62 = tpu.memref_squeeze %dma_wait3A_61 : memref<1x128xi32, #tpu.memory_space<vmem>> -> memref<128xi32, #tpu.memory_space<vmem>>
      %dma_wait3A_63 = tpu.memref_slice %arg2[%add3A_13] : memref<327680xi32, #tpu.memory_space<hbm>> -> memref<128xi32, #tpu.memory_space<hbm>>
      %dma_wait3A_64 = arith.constant 0 : i32
      %dma_wait3A_65 = tpu.memref_slice %arg6[%run_scoped3A_14, %dma_wait3A_64] : memref<4x128xi32, #tpu.memory_space<vmem>> -> memref<1x128xi32, #tpu.memory_space<vmem>>
      %dma_wait3A_66 = tpu.memref_squeeze %dma_wait3A_65 : memref<1x128xi32, #tpu.memory_space<vmem>> -> memref<128xi32, #tpu.memory_space<vmem>>
      %dma_wait3A_67 = tpu.memref_slice %arg2[%add3A_13] : memref<327680xi32, #tpu.memory_space<hbm>> -> memref<128xi32, #tpu.memory_space<hbm>>
      tpu.wait_dma2 semaphore(%run_scoped3A_52 : memref<!tpu.dma_semaphore, #tpu.memory_space<semaphore_mem>>) src(%dma_wait3A_67 : memref<128xi32, #tpu.memory_space<hbm>>) dst(%dma_wait3A_66 : memref<128xi32, #tpu.memory_space<vmem>>)
      tpu.yield
    }) : () -> ()
    %add3A_15 = arith.constant 128 : i32
    %add3A_16 = arith.addi %mul3A_6, %add3A_15 : i32
    %run_scoped3A_17 = arith.constant 1 : i32
    "tpu.region"() ({
      %run_scoped3A_52 = tpu.sem_alloc : memref<!tpu.dma_semaphore, #tpu.memory_space<semaphore_mem>>
      %dma_start3A_53 = arith.constant 0 : i32
      %dma_start3A_54 = tpu.memref_slice %arg7[%run_scoped3A_17, %dma_start3A_53] : memref<4x128xi32, #tpu.memory_space<vmem>> -> memref<1x128xi32, #tpu.memory_space<vmem>>
      %dma_start3A_55 = tpu.memref_squeeze %dma_start3A_54 : memref<1x128xi32, #tpu.memory_space<vmem>> -> memref<128xi32, #tpu.memory_space<vmem>>
      %dma_start3A_56 = tpu.memref_slice %arg3[%add3A_16] : memref<163840xi32, #tpu.memory_space<hbm>> -> memref<128xi32, #tpu.memory_space<hbm>>
      %dma_start3A_57 = arith.constant 0 : i32
      %dma_start3A_58 = tpu.memref_slice %arg7[%run_scoped3A_17, %dma_start3A_57] : memref<4x128xi32, #tpu.memory_space<vmem>> -> memref<1x128xi32, #tpu.memory_space<vmem>>
      %dma_start3A_59 = tpu.memref_squeeze %dma_start3A_58 : memref<1x128xi32, #tpu.memory_space<vmem>> -> memref<128xi32, #tpu.memory_space<vmem>>
      %dma_start3A_60 = tpu.memref_slice %arg3[%add3A_16] : memref<163840xi32, #tpu.memory_space<hbm>> -> memref<128xi32, #tpu.memory_space<hbm>>
      tpu.enqueue_dma source(%dma_start3A_60 : memref<128xi32, #tpu.memory_space<hbm>>) target(%dma_start3A_59 : memref<128xi32, #tpu.memory_space<vmem>>) target_semaphore(%run_scoped3A_52 : memref<!tpu.dma_semaphore, #tpu.memory_space<semaphore_mem>>)
      %dma_wait3A = arith.constant 0 : i32
      %dma_wait3A_61 = tpu.memref_slice %arg7[%run_scoped3A_17, %dma_wait3A] : memref<4x128xi32, #tpu.memory_space<vmem>> -> memref<1x128xi32, #tpu.memory_space<vmem>>
      %dma_wait3A_62 = tpu.memref_squeeze %dma_wait3A_61 : memref<1x128xi32, #tpu.memory_space<vmem>> -> memref<128xi32, #tpu.memory_space<vmem>>
      %dma_wait3A_63 = tpu.memref_slice %arg3[%add3A_16] : memref<163840xi32, #tpu.memory_space<hbm>> -> memref<128xi32, #tpu.memory_space<hbm>>
      %dma_wait3A_64 = arith.constant 0 : i32
      %dma_wait3A_65 = tpu.memref_slice %arg7[%run_scoped3A_17, %dma_wait3A_64] : memref<4x128xi32, #tpu.memory_space<vmem>> -> memref<1x128xi32, #tpu.memory_space<vmem>>
      %dma_wait3A_66 = tpu.memref_squeeze %dma_wait3A_65 : memref<1x128xi32, #tpu.memory_space<vmem>> -> memref<128xi32, #tpu.memory_space<vmem>>
      %dma_wait3A_67 = tpu.memref_slice %arg3[%add3A_16] : memref<163840xi32, #tpu.memory_space<hbm>> -> memref<128xi32, #tpu.memory_space<hbm>>
      tpu.wait_dma2 semaphore(%run_scoped3A_52 : memref<!tpu.dma_semaphore, #tpu.memory_space<semaphore_mem>>) src(%dma_wait3A_67 : memref<128xi32, #tpu.memory_space<hbm>>) dst(%dma_wait3A_66 : memref<128xi32, #tpu.memory_space<vmem>>)
      tpu.yield
    }) : () -> ()
    %dma_start3A = arith.constant 0 : i32
    %dma_start3A_18 = arith.constant 0 : i32
    %dma_start3A_19 = arith.constant 0 : i32
    %dma_start3A_20 = arith.constant 0 : i32
    %dma_start3A_21 = tpu.memref_slice %arg8[%dma_start3A_18, %dma_start3A_19, %dma_start3A_20] : memref<2x128x128xf32, #tpu.memory_space<vmem>> -> memref<1x128x128xf32, #tpu.memory_space<vmem>>
    %dma_start3A_22 = tpu.memref_squeeze %dma_start3A_21 : memref<1x128x128xf32, #tpu.memory_space<vmem>> -> memref<128x128xf32, #tpu.memory_space<vmem>>
    %dma_start3A_23 = arith.constant 0 : i32
    %dma_start3A_24 = tpu.memref_slice %arg6[%dma_start3A, %dma_start3A_23] : memref<4x128xi32, #tpu.memory_space<vmem>> -> memref<1x128xi32, #tpu.memory_space<vmem>>
    %dma_start3A_25 = tpu.memref_squeeze %dma_start3A_24 : memref<1x128xi32, #tpu.memory_space<vmem>> -> memref<128xi32, #tpu.memory_space<vmem>>
    %dma_start3A_26 = arith.constant 0 : i32
    %dma_start3A_27 = arith.constant 0 : i32
    %dma_start3A_28 = tpu.memref_slice %arg4[%dma_start3A_26, %dma_start3A_27] : memref<20000x128xf32, #tpu.memory_space<hbm>> -> memref<20000x128xf32, #tpu.memory_space<hbm>>
    tpu.enqueue_indirect_dma source(%dma_start3A_28 : memref<20000x128xf32, #tpu.memory_space<hbm>>) target(%dma_start3A_22 : memref<128x128xf32, #tpu.memory_space<vmem>>) offsets(%dma_start3A_25 : memref<128xi32, #tpu.memory_space<vmem>>) semaphore(%arg10 : memref<!tpu.dma_semaphore, #tpu.memory_space<semaphore_mem>>)
    %dma_start3A_29 = arith.constant 1 : i32
    %dma_start3A_30 = arith.constant 1 : i32
    %dma_start3A_31 = arith.constant 0 : i32
    %dma_start3A_32 = arith.constant 0 : i32
    %dma_start3A_33 = tpu.memref_slice %arg8[%dma_start3A_30, %dma_start3A_31, %dma_start3A_32] : memref<2x128x128xf32, #tpu.memory_space<vmem>> -> memref<1x128x128xf32, #tpu.memory_space<vmem>>
    %dma_start3A_34 = tpu.memref_squeeze %dma_start3A_33 : memref<1x128x128xf32, #tpu.memory_space<vmem>> -> memref<128x128xf32, #tpu.memory_space<vmem>>
    %dma_start3A_35 = arith.constant 0 : i32
    %dma_start3A_36 = tpu.memref_slice %arg6[%dma_start3A_29, %dma_start3A_35] : memref<4x128xi32, #tpu.memory_space<vmem>> -> memref<1x128xi32, #tpu.memory_space<vmem>>
    %dma_start3A_37 = tpu.memref_squeeze %dma_start3A_36 : memref<1x128xi32, #tpu.memory_space<vmem>> -> memref<128xi32, #tpu.memory_space<vmem>>
    %dma_start3A_38 = arith.constant 0 : i32
    %dma_start3A_39 = arith.constant 0 : i32
    %dma_start3A_40 = tpu.memref_slice %arg4[%dma_start3A_38, %dma_start3A_39] : memref<20000x128xf32, #tpu.memory_space<hbm>> -> memref<20000x128xf32, #tpu.memory_space<hbm>>
    tpu.enqueue_indirect_dma source(%dma_start3A_40 : memref<20000x128xf32, #tpu.memory_space<hbm>>) target(%dma_start3A_34 : memref<128x128xf32, #tpu.memory_space<vmem>>) offsets(%dma_start3A_37 : memref<128xi32, #tpu.memory_space<vmem>>) semaphore(%arg11 : memref<!tpu.dma_semaphore, #tpu.memory_space<semaphore_mem>>)
    %scan3A = arith.constant 0 : i32
    %scan3A_41 = arith.constant 0 : i32
    %scan3A_42 = arith.constant 20 : i32
    %scan3A_43 = arith.addi %scan3A_41, %scan3A_42 : i32
    %scan3A_44 = arith.constant 1 : i32
    scf.for %scan3A_52 = %scan3A_41 to %scan3A_43 step %scan3A_44  : i32 {
      %mul3A_53 = arith.constant 4 : i32
      %mul3A_54 = arith.muli %mul3A_53, %scan3A_52 : i32
      %add3A_55 = arith.constant 0 : i32
      %add3A_56 = arith.addi %mul3A_54, %add3A_55 : i32
      %dma_wait3A = arith.constant 0 : i32
      %dma_wait3A_57 = arith.constant 0 : i32
      %dma_wait3A_58 = arith.constant 0 : i32
      %dma_wait3A_59 = arith.constant 0 : i32
      %dma_wait3A_60 = tpu.memref_slice %arg8[%dma_wait3A_57, %dma_wait3A_58, %dma_wait3A_59] : memref<2x128x128xf32, #tpu.memory_space<vmem>> -> memref<1x128x128xf32, #tpu.memory_space<vmem>>
      %dma_wait3A_61 = tpu.memref_squeeze %dma_wait3A_60 : memref<1x128x128xf32, #tpu.memory_space<vmem>> -> memref<128x128xf32, #tpu.memory_space<vmem>>
      %dma_wait3A_62 = arith.constant 0 : i32
      %dma_wait3A_63 = tpu.memref_slice %arg6[%dma_wait3A, %dma_wait3A_62] : memref<4x128xi32, #tpu.memory_space<vmem>> -> memref<1x128xi32, #tpu.memory_space<vmem>>
      %dma_wait3A_64 = tpu.memref_squeeze %dma_wait3A_63 : memref<1x128xi32, #tpu.memory_space<vmem>> -> memref<128xi32, #tpu.memory_space<vmem>>
      %dma_wait3A_65 = arith.constant 0 : i32
      %dma_wait3A_66 = arith.constant 0 : i32
      %dma_wait3A_67 = tpu.memref_slice %arg4[%dma_wait3A_65, %dma_wait3A_66] : memref<20000x128xf32, #tpu.memory_space<hbm>> -> memref<20000x128xf32, #tpu.memory_space<hbm>>
      tpu.wait_indirect_dma semaphore(%arg10 : memref<!tpu.dma_semaphore, #tpu.memory_space<semaphore_mem>>) src(%dma_wait3A_67 : memref<20000x128xf32, #tpu.memory_space<hbm>>) dst(%dma_wait3A_61 : memref<128x128xf32, #tpu.memory_space<vmem>>)
      %dma_start3A_68 = arith.constant 0 : i32
      %dma_start3A_69 = arith.constant 0 : i32
      %dma_start3A_70 = arith.constant 0 : i32
      %dma_start3A_71 = arith.constant 0 : i32
      %dma_start3A_72 = tpu.memref_slice %arg8[%dma_start3A_68, %dma_start3A_70, %dma_start3A_71] : memref<2x128x128xf32, #tpu.memory_space<vmem>> -> memref<1x128x128xf32, #tpu.memory_space<vmem>>
      %dma_start3A_73 = tpu.memref_squeeze %dma_start3A_72 : memref<1x128x128xf32, #tpu.memory_space<vmem>> -> memref<128x128xf32, #tpu.memory_space<vmem>>
      %dma_start3A_74 = arith.constant 0 : i32
      %dma_start3A_75 = tpu.memref_slice %arg7[%dma_start3A_69, %dma_start3A_74] : memref<4x128xi32, #tpu.memory_space<vmem>> -> memref<1x128xi32, #tpu.memory_space<vmem>>
      %dma_start3A_76 = tpu.memref_squeeze %dma_start3A_75 : memref<1x128xi32, #tpu.memory_space<vmem>> -> memref<128xi32, #tpu.memory_space<vmem>>
      %dma_start3A_77 = arith.constant 0 : i32
      %dma_start3A_78 = arith.constant 0 : i32
      %dma_start3A_79 = tpu.memref_slice %arg9[%dma_start3A_77, %dma_start3A_78] : memref<10008x128xf32, #tpu.memory_space<vmem_shared>> -> memref<10008x128xf32, #tpu.memory_space<vmem_shared>>
      tpu.enqueue_indirect_dma source(%dma_start3A_73 : memref<128x128xf32, #tpu.memory_space<vmem>>) target(%dma_start3A_79 : memref<10008x128xf32, #tpu.memory_space<vmem_shared>>) offsets(%dma_start3A_76 : memref<128xi32, #tpu.memory_space<vmem>>) semaphore(%arg12 : memref<!tpu.dma_semaphore, #tpu.memory_space<semaphore_mem>>) {add = true}
      %add3A_80 = arith.constant 2 : i32
      %add3A_81 = arith.addi %add3A_56, %add3A_80 : i32
      %lt3A_82 = arith.constant 80 : i32
      %lt3A_83 = arith.cmpi slt, %add3A_81, %lt3A_82 : i32
      %convert_element_type3A_84 = arith.extui %lt3A_83 : i1 to i32
      %cond3A_85 = arith.constant 0 : i32
      %cond3A_86 = arith.cmpi ne, %convert_element_type3A_84, %cond3A_85 : i32
      scf.if %cond3A_86 {
        %add3A_268 = arith.constant 2 : i32
        %add3A_269 = arith.addi %add3A_56, %add3A_268 : i32
        %mul3A_270 = arith.constant 128 : i32
        %mul3A_271 = arith.muli %add3A_269, %mul3A_270 : i32
        %add3A_272 = arith.addi %add3A, %mul3A_271 : i32
        %run_scoped3A_273 = arith.constant 2 : i32
        "tpu.region"() ({
          %run_scoped3A_278 = tpu.sem_alloc : memref<!tpu.dma_semaphore, #tpu.memory_space<semaphore_mem>>
          %dma_start3A_279 = arith.constant 0 : i32
          %dma_start3A_280 = tpu.memref_slice %arg6[%run_scoped3A_273, %dma_start3A_279] : memref<4x128xi32, #tpu.memory_space<vmem>> -> memref<1x128xi32, #tpu.memory_space<vmem>>
          %dma_start3A_281 = tpu.memref_squeeze %dma_start3A_280 : memref<1x128xi32, #tpu.memory_space<vmem>> -> memref<128xi32, #tpu.memory_space<vmem>>
          %dma_start3A_282 = tpu.memref_slice %arg2[%add3A_272] : memref<327680xi32, #tpu.memory_space<hbm>> -> memref<128xi32, #tpu.memory_space<hbm>>
          %dma_start3A_283 = arith.constant 0 : i32
          %dma_start3A_284 = tpu.memref_slice %arg6[%run_scoped3A_273, %dma_start3A_283] : memref<4x128xi32, #tpu.memory_space<vmem>> -> memref<1x128xi32, #tpu.memory_space<vmem>>
          %dma_start3A_285 = tpu.memref_squeeze %dma_start3A_284 : memref<1x128xi32, #tpu.memory_space<vmem>> -> memref<128xi32, #tpu.memory_space<vmem>>
          %dma_start3A_286 = tpu.memref_slice %arg2[%add3A_272] : memref<327680xi32, #tpu.memory_space<hbm>> -> memref<128xi32, #tpu.memory_space<hbm>>
          tpu.enqueue_dma source(%dma_start3A_286 : memref<128xi32, #tpu.memory_space<hbm>>) target(%dma_start3A_285 : memref<128xi32, #tpu.memory_space<vmem>>) target_semaphore(%run_scoped3A_278 : memref<!tpu.dma_semaphore, #tpu.memory_space<semaphore_mem>>)
          %dma_wait3A_287 = arith.constant 0 : i32
          %dma_wait3A_288 = tpu.memref_slice %arg6[%run_scoped3A_273, %dma_wait3A_287] : memref<4x128xi32, #tpu.memory_space<vmem>> -> memref<1x128xi32, #tpu.memory_space<vmem>>
          %dma_wait3A_289 = tpu.memref_squeeze %dma_wait3A_288 : memref<1x128xi32, #tpu.memory_space<vmem>> -> memref<128xi32, #tpu.memory_space<vmem>>
          %dma_wait3A_290 = tpu.memref_slice %arg2[%add3A_272] : memref<327680xi32, #tpu.memory_space<hbm>> -> memref<128xi32, #tpu.memory_space<hbm>>
          %dma_wait3A_291 = arith.constant 0 : i32
          %dma_wait3A_292 = tpu.memref_slice %arg6[%run_scoped3A_273, %dma_wait3A_291] : memref<4x128xi32, #tpu.memory_space<vmem>> -> memref<1x128xi32, #tpu.memory_space<vmem>>
          %dma_wait3A_293 = tpu.memref_squeeze %dma_wait3A_292 : memref<1x128xi32, #tpu.memory_space<vmem>> -> memref<128xi32, #tpu.memory_space<vmem>>
          %dma_wait3A_294 = tpu.memref_slice %arg2[%add3A_272] : memref<327680xi32, #tpu.memory_space<hbm>> -> memref<128xi32, #tpu.memory_space<hbm>>
          tpu.wait_dma2 semaphore(%run_scoped3A_278 : memref<!tpu.dma_semaphore, #tpu.memory_space<semaphore_mem>>) src(%dma_wait3A_294 : memref<128xi32, #tpu.memory_space<hbm>>) dst(%dma_wait3A_293 : memref<128xi32, #tpu.memory_space<vmem>>)
          tpu.yield
        }) : () -> ()
        %mul3A_274 = arith.constant 128 : i32
        %mul3A_275 = arith.muli %add3A_269, %mul3A_274 : i32
        %add3A_276 = arith.addi %mul3A_6, %mul3A_275 : i32
        %run_scoped3A_277 = arith.constant 2 : i32
        "tpu.region"() ({
          %run_scoped3A_278 = tpu.sem_alloc : memref<!tpu.dma_semaphore, #tpu.memory_space<semaphore_mem>>
          %dma_start3A_279 = arith.constant 0 : i32
          %dma_start3A_280 = tpu.memref_slice %arg7[%run_scoped3A_277, %dma_start3A_279] : memref<4x128xi32, #tpu.memory_space<vmem>> -> memref<1x128xi32, #tpu.memory_space<vmem>>
          %dma_start3A_281 = tpu.memref_squeeze %dma_start3A_280 : memref<1x128xi32, #tpu.memory_space<vmem>> -> memref<128xi32, #tpu.memory_space<vmem>>
          %dma_start3A_282 = tpu.memref_slice %arg3[%add3A_276] : memref<163840xi32, #tpu.memory_space<hbm>> -> memref<128xi32, #tpu.memory_space<hbm>>
          %dma_start3A_283 = arith.constant 0 : i32
          %dma_start3A_284 = tpu.memref_slice %arg7[%run_scoped3A_277, %dma_start3A_283] : memref<4x128xi32, #tpu.memory_space<vmem>> -> memref<1x128xi32, #tpu.memory_space<vmem>>
          %dma_start3A_285 = tpu.memref_squeeze %dma_start3A_284 : memref<1x128xi32, #tpu.memory_space<vmem>> -> memref<128xi32, #tpu.memory_space<vmem>>
          %dma_start3A_286 = tpu.memref_slice %arg3[%add3A_276] : memref<163840xi32, #tpu.memory_space<hbm>> -> memref<128xi32, #tpu.memory_space<hbm>>
          tpu.enqueue_dma source(%dma_start3A_286 : memref<128xi32, #tpu.memory_space<hbm>>) target(%dma_start3A_285 : memref<128xi32, #tpu.memory_space<vmem>>) target_semaphore(%run_scoped3A_278 : memref<!tpu.dma_semaphore, #tpu.memory_space<semaphore_mem>>)
          %dma_wait3A_287 = arith.constant 0 : i32
          %dma_wait3A_288 = tpu.memref_slice %arg7[%run_scoped3A_277, %dma_wait3A_287] : memref<4x128xi32, #tpu.memory_space<vmem>> -> memref<1x128xi32, #tpu.memory_space<vmem>>
          %dma_wait3A_289 = tpu.memref_squeeze %dma_wait3A_288 : memref<1x128xi32, #tpu.memory_space<vmem>> -> memref<128xi32, #tpu.memory_space<vmem>>
          %dma_wait3A_290 = tpu.memref_slice %arg3[%add3A_276] : memref<163840xi32, #tpu.memory_space<hbm>> -> memref<128xi32, #tpu.memory_space<hbm>>
          %dma_wait3A_291 = arith.constant 0 : i32
          %dma_wait3A_292 = tpu.memref_slice %arg7[%run_scoped3A_277, %dma_wait3A_291] : memref<4x128xi32, #tpu.memory_space<vmem>> -> memref<1x128xi32, #tpu.memory_space<vmem>>
          %dma_wait3A_293 = tpu.memref_squeeze %dma_wait3A_292 : memref<1x128xi32, #tpu.memory_space<vmem>> -> memref<128xi32, #tpu.memory_space<vmem>>
          %dma_wait3A_294 = tpu.memref_slice %arg3[%add3A_276] : memref<163840xi32, #tpu.memory_space<hbm>> -> memref<128xi32, #tpu.memory_space<hbm>>
          tpu.wait_dma2 semaphore(%run_scoped3A_278 : memref<!tpu.dma_semaphore, #tpu.memory_space<semaphore_mem>>) src(%dma_wait3A_294 : memref<128xi32, #tpu.memory_space<hbm>>) dst(%dma_wait3A_293 : memref<128xi32, #tpu.memory_space<vmem>>)
          tpu.yield
        }) : () -> ()
      } else {
      }
      %dma_wait3A_87 = arith.constant 0 : i32
      %dma_wait3A_88 = arith.constant 0 : i32
      %dma_wait3A_89 = arith.constant 0 : i32
      %dma_wait3A_90 = arith.constant 0 : i32
      %dma_wait3A_91 = tpu.memref_slice %arg8[%dma_wait3A_87, %dma_wait3A_89, %dma_wait3A_90] : memref<2x128x128xf32, #tpu.memory_space<vmem>> -> memref<1x128x128xf32, #tpu.memory_space<vmem>>
      %dma_wait3A_92 = tpu.memref_squeeze %dma_wait3A_91 : memref<1x128x128xf32, #tpu.memory_space<vmem>> -> memref<128x128xf32, #tpu.memory_space<vmem>>
      %dma_wait3A_93 = arith.constant 0 : i32
      %dma_wait3A_94 = tpu.memref_slice %arg7[%dma_wait3A_88, %dma_wait3A_93] : memref<4x128xi32, #tpu.memory_space<vmem>> -> memref<1x128xi32, #tpu.memory_space<vmem>>
      %dma_wait3A_95 = tpu.memref_squeeze %dma_wait3A_94 : memref<1x128xi32, #tpu.memory_space<vmem>> -> memref<128xi32, #tpu.memory_space<vmem>>
      %dma_wait3A_96 = arith.constant 0 : i32
      %dma_wait3A_97 = arith.constant 0 : i32
      %dma_wait3A_98 = tpu.memref_slice %arg9[%dma_wait3A_96, %dma_wait3A_97] : memref<10008x128xf32, #tpu.memory_space<vmem_shared>> -> memref<10008x128xf32, #tpu.memory_space<vmem_shared>>
      tpu.wait_indirect_dma semaphore(%arg12 : memref<!tpu.dma_semaphore, #tpu.memory_space<semaphore_mem>>) src(%dma_wait3A_92 : memref<128x128xf32, #tpu.memory_space<vmem>>) dst(%dma_wait3A_98 : memref<10008x128xf32, #tpu.memory_space<vmem_shared>>)
      %add3A_99 = arith.constant 2 : i32
      %add3A_100 = arith.addi %add3A_56, %add3A_99 : i32
      %lt3A_101 = arith.constant 80 : i32
      %lt3A_102 = arith.cmpi slt, %add3A_100, %lt3A_101 : i32
      %convert_element_type3A_103 = arith.extui %lt3A_102 : i1 to i32
      %cond3A_104 = arith.constant 0 : i32
      %cond3A_105 = arith.cmpi ne, %convert_element_type3A_103, %cond3A_104 : i32
      scf.if %cond3A_105 {
        %dma_start3A_268 = arith.constant 2 : i32
        %dma_start3A_269 = arith.constant 0 : i32
        %dma_start3A_270 = arith.constant 0 : i32
        %dma_start3A_271 = arith.constant 0 : i32
        %dma_start3A_272 = tpu.memref_slice %arg8[%dma_start3A_269, %dma_start3A_270, %dma_start3A_271] : memref<2x128x128xf32, #tpu.memory_space<vmem>> -> memref<1x128x128xf32, #tpu.memory_space<vmem>>
        %dma_start3A_273 = tpu.memref_squeeze %dma_start3A_272 : memref<1x128x128xf32, #tpu.memory_space<vmem>> -> memref<128x128xf32, #tpu.memory_space<vmem>>
        %dma_start3A_274 = arith.constant 0 : i32
        %dma_start3A_275 = tpu.memref_slice %arg6[%dma_start3A_268, %dma_start3A_274] : memref<4x128xi32, #tpu.memory_space<vmem>> -> memref<1x128xi32, #tpu.memory_space<vmem>>
        %dma_start3A_276 = tpu.memref_squeeze %dma_start3A_275 : memref<1x128xi32, #tpu.memory_space<vmem>> -> memref<128xi32, #tpu.memory_space<vmem>>
        %dma_start3A_277 = arith.constant 0 : i32
        %dma_start3A_278 = arith.constant 0 : i32
        %dma_start3A_279 = tpu.memref_slice %arg4[%dma_start3A_277, %dma_start3A_278] : memref<20000x128xf32, #tpu.memory_space<hbm>> -> memref<20000x128xf32, #tpu.memory_space<hbm>>
        tpu.enqueue_indirect_dma source(%dma_start3A_279 : memref<20000x128xf32, #tpu.memory_space<hbm>>) target(%dma_start3A_273 : memref<128x128xf32, #tpu.memory_space<vmem>>) offsets(%dma_start3A_276 : memref<128xi32, #tpu.memory_space<vmem>>) semaphore(%arg10 : memref<!tpu.dma_semaphore, #tpu.memory_space<semaphore_mem>>)
      } else {
      }
      %mul3A_106 = arith.constant 4 : i32
      %mul3A_107 = arith.muli %mul3A_106, %scan3A_52 : i32
      %add3A_108 = arith.constant 1 : i32
      %add3A_109 = arith.addi %mul3A_107, %add3A_108 : i32
      %dma_wait3A_110 = arith.constant 1 : i32
      %dma_wait3A_111 = arith.constant 1 : i32
      %dma_wait3A_112 = arith.constant 0 : i32
      %dma_wait3A_113 = arith.constant 0 : i32
      %dma_wait3A_114 = tpu.memref_slice %arg8[%dma_wait3A_111, %dma_wait3A_112, %dma_wait3A_113] : memref<2x128x128xf32, #tpu.memory_space<vmem>> -> memref<1x128x128xf32, #tpu.memory_space<vmem>>
      %dma_wait3A_115 = tpu.memref_squeeze %dma_wait3A_114 : memref<1x128x128xf32, #tpu.memory_space<vmem>> -> memref<128x128xf32, #tpu.memory_space<vmem>>
      %dma_wait3A_116 = arith.constant 0 : i32
      %dma_wait3A_117 = tpu.memref_slice %arg6[%dma_wait3A_110, %dma_wait3A_116] : memref<4x128xi32, #tpu.memory_space<vmem>> -> memref<1x128xi32, #tpu.memory_space<vmem>>
      %dma_wait3A_118 = tpu.memref_squeeze %dma_wait3A_117 : memref<1x128xi32, #tpu.memory_space<vmem>> -> memref<128xi32, #tpu.memory_space<vmem>>
      %dma_wait3A_119 = arith.constant 0 : i32
      %dma_wait3A_120 = arith.constant 0 : i32
      %dma_wait3A_121 = tpu.memref_slice %arg4[%dma_wait3A_119, %dma_wait3A_120] : memref<20000x128xf32, #tpu.memory_space<hbm>> -> memref<20000x128xf32, #tpu.memory_space<hbm>>
      tpu.wait_indirect_dma semaphore(%arg11 : memref<!tpu.dma_semaphore, #tpu.memory_space<semaphore_mem>>) src(%dma_wait3A_121 : memref<20000x128xf32, #tpu.memory_space<hbm>>) dst(%dma_wait3A_115 : memref<128x128xf32, #tpu.memory_space<vmem>>)
      %dma_start3A_122 = arith.constant 1 : i32
      %dma_start3A_123 = arith.constant 1 : i32
      %dma_start3A_124 = arith.constant 0 : i32
      %dma_start3A_125 = arith.constant 0 : i32
      %dma_start3A_126 = tpu.memref_slice %arg8[%dma_start3A_122, %dma_start3A_124, %dma_start3A_125] : memref<2x128x128xf32, #tpu.memory_space<vmem>> -> memref<1x128x128xf32, #tpu.memory_space<vmem>>
      %dma_start3A_127 = tpu.memref_squeeze %dma_start3A_126 : memref<1x128x128xf32, #tpu.memory_space<vmem>> -> memref<128x128xf32, #tpu.memory_space<vmem>>
      %dma_start3A_128 = arith.constant 0 : i32
      %dma_start3A_129 = tpu.memref_slice %arg7[%dma_start3A_123, %dma_start3A_128] : memref<4x128xi32, #tpu.memory_space<vmem>> -> memref<1x128xi32, #tpu.memory_space<vmem>>
      %dma_start3A_130 = tpu.memref_squeeze %dma_start3A_129 : memref<1x128xi32, #tpu.memory_space<vmem>> -> memref<128xi32, #tpu.memory_space<vmem>>
      %dma_start3A_131 = arith.constant 0 : i32
      %dma_start3A_132 = arith.constant 0 : i32
      %dma_start3A_133 = tpu.memref_slice %arg9[%dma_start3A_131, %dma_start3A_132] : memref<10008x128xf32, #tpu.memory_space<vmem_shared>> -> memref<10008x128xf32, #tpu.memory_space<vmem_shared>>
      tpu.enqueue_indirect_dma source(%dma_start3A_127 : memref<128x128xf32, #tpu.memory_space<vmem>>) target(%dma_start3A_133 : memref<10008x128xf32, #tpu.memory_space<vmem_shared>>) offsets(%dma_start3A_130 : memref<128xi32, #tpu.memory_space<vmem>>) semaphore(%arg12 : memref<!tpu.dma_semaphore, #tpu.memory_space<semaphore_mem>>) {add = true}
      %add3A_134 = arith.constant 2 : i32
      %add3A_135 = arith.addi %add3A_109, %add3A_134 : i32
      %lt3A_136 = arith.constant 80 : i32
      %lt3A_137 = arith.cmpi slt, %add3A_135, %lt3A_136 : i32
      %convert_element_type3A_138 = arith.extui %lt3A_137 : i1 to i32
      %cond3A_139 = arith.constant 0 : i32
      %cond3A_140 = arith.cmpi ne, %convert_element_type3A_138, %cond3A_139 : i32
      scf.if %cond3A_140 {
        %add3A_268 = arith.constant 2 : i32
        %add3A_269 = arith.addi %add3A_109, %add3A_268 : i32
        %mul3A_270 = arith.constant 128 : i32
        %mul3A_271 = arith.muli %add3A_269, %mul3A_270 : i32
        %add3A_272 = arith.addi %add3A, %mul3A_271 : i32
        %run_scoped3A_273 = arith.constant 3 : i32
        "tpu.region"() ({
          %run_scoped3A_278 = tpu.sem_alloc : memref<!tpu.dma_semaphore, #tpu.memory_space<semaphore_mem>>
          %dma_start3A_279 = arith.constant 0 : i32
          %dma_start3A_280 = tpu.memref_slice %arg6[%run_scoped3A_273, %dma_start3A_279] : memref<4x128xi32, #tpu.memory_space<vmem>> -> memref<1x128xi32, #tpu.memory_space<vmem>>
          %dma_start3A_281 = tpu.memref_squeeze %dma_start3A_280 : memref<1x128xi32, #tpu.memory_space<vmem>> -> memref<128xi32, #tpu.memory_space<vmem>>
          %dma_start3A_282 = tpu.memref_slice %arg2[%add3A_272] : memref<327680xi32, #tpu.memory_space<hbm>> -> memref<128xi32, #tpu.memory_space<hbm>>
          %dma_start3A_283 = arith.constant 0 : i32
          %dma_start3A_284 = tpu.memref_slice %arg6[%run_scoped3A_273, %dma_start3A_283] : memref<4x128xi32, #tpu.memory_space<vmem>> -> memref<1x128xi32, #tpu.memory_space<vmem>>
          %dma_start3A_285 = tpu.memref_squeeze %dma_start3A_284 : memref<1x128xi32, #tpu.memory_space<vmem>> -> memref<128xi32, #tpu.memory_space<vmem>>
          %dma_start3A_286 = tpu.memref_slice %arg2[%add3A_272] : memref<327680xi32, #tpu.memory_space<hbm>> -> memref<128xi32, #tpu.memory_space<hbm>>
          tpu.enqueue_dma source(%dma_start3A_286 : memref<128xi32, #tpu.memory_space<hbm>>) target(%dma_start3A_285 : memref<128xi32, #tpu.memory_space<vmem>>) target_semaphore(%run_scoped3A_278 : memref<!tpu.dma_semaphore, #tpu.memory_space<semaphore_mem>>)
          %dma_wait3A_287 = arith.constant 0 : i32
          %dma_wait3A_288 = tpu.memref_slice %arg6[%run_scoped3A_273, %dma_wait3A_287] : memref<4x128xi32, #tpu.memory_space<vmem>> -> memref<1x128xi32, #tpu.memory_space<vmem>>
          %dma_wait3A_289 = tpu.memref_squeeze %dma_wait3A_288 : memref<1x128xi32, #tpu.memory_space<vmem>> -> memref<128xi32, #tpu.memory_space<vmem>>
          %dma_wait3A_290 = tpu.memref_slice %arg2[%add3A_272] : memref<327680xi32, #tpu.memory_space<hbm>> -> memref<128xi32, #tpu.memory_space<hbm>>
          %dma_wait3A_291 = arith.constant 0 : i32
          %dma_wait3A_292 = tpu.memref_slice %arg6[%run_scoped3A_273, %dma_wait3A_291] : memref<4x128xi32, #tpu.memory_space<vmem>> -> memref<1x128xi32, #tpu.memory_space<vmem>>
          %dma_wait3A_293 = tpu.memref_squeeze %dma_wait3A_292 : memref<1x128xi32, #tpu.memory_space<vmem>> -> memref<128xi32, #tpu.memory_space<vmem>>
          %dma_wait3A_294 = tpu.memref_slice %arg2[%add3A_272] : memref<327680xi32, #tpu.memory_space<hbm>> -> memref<128xi32, #tpu.memory_space<hbm>>
          tpu.wait_dma2 semaphore(%run_scoped3A_278 : memref<!tpu.dma_semaphore, #tpu.memory_space<semaphore_mem>>) src(%dma_wait3A_294 : memref<128xi32, #tpu.memory_space<hbm>>) dst(%dma_wait3A_293 : memref<128xi32, #tpu.memory_space<vmem>>)
          tpu.yield
        }) : () -> ()
        %mul3A_274 = arith.constant 128 : i32
        %mul3A_275 = arith.muli %add3A_269, %mul3A_274 : i32
        %add3A_276 = arith.addi %mul3A_6, %mul3A_275 : i32
        %run_scoped3A_277 = arith.constant 3 : i32
        "tpu.region"() ({
          %run_scoped3A_278 = tpu.sem_alloc : memref<!tpu.dma_semaphore, #tpu.memory_space<semaphore_mem>>
          %dma_start3A_279 = arith.constant 0 : i32
          %dma_start3A_280 = tpu.memref_slice %arg7[%run_scoped3A_277, %dma_start3A_279] : memref<4x128xi32, #tpu.memory_space<vmem>> -> memref<1x128xi32, #tpu.memory_space<vmem>>
          %dma_start3A_281 = tpu.memref_squeeze %dma_start3A_280 : memref<1x128xi32, #tpu.memory_space<vmem>> -> memref<128xi32, #tpu.memory_space<vmem>>
          %dma_start3A_282 = tpu.memref_slice %arg3[%add3A_276] : memref<163840xi32, #tpu.memory_space<hbm>> -> memref<128xi32, #tpu.memory_space<hbm>>
          %dma_start3A_283 = arith.constant 0 : i32
          %dma_start3A_284 = tpu.memref_slice %arg7[%run_scoped3A_277, %dma_start3A_283] : memref<4x128xi32, #tpu.memory_space<vmem>> -> memref<1x128xi32, #tpu.memory_space<vmem>>
          %dma_start3A_285 = tpu.memref_squeeze %dma_start3A_284 : memref<1x128xi32, #tpu.memory_space<vmem>> -> memref<128xi32, #tpu.memory_space<vmem>>
          %dma_start3A_286 = tpu.memref_slice %arg3[%add3A_276] : memref<163840xi32, #tpu.memory_space<hbm>> -> memref<128xi32, #tpu.memory_space<hbm>>
          tpu.enqueue_dma source(%dma_start3A_286 : memref<128xi32, #tpu.memory_space<hbm>>) target(%dma_start3A_285 : memref<128xi32, #tpu.memory_space<vmem>>) target_semaphore(%run_scoped3A_278 : memref<!tpu.dma_semaphore, #tpu.memory_space<semaphore_mem>>)
          %dma_wait3A_287 = arith.constant 0 : i32
          %dma_wait3A_288 = tpu.memref_slice %arg7[%run_scoped3A_277, %dma_wait3A_287] : memref<4x128xi32, #tpu.memory_space<vmem>> -> memref<1x128xi32, #tpu.memory_space<vmem>>
          %dma_wait3A_289 = tpu.memref_squeeze %dma_wait3A_288 : memref<1x128xi32, #tpu.memory_space<vmem>> -> memref<128xi32, #tpu.memory_space<vmem>>
          %dma_wait3A_290 = tpu.memref_slice %arg3[%add3A_276] : memref<163840xi32, #tpu.memory_space<hbm>> -> memref<128xi32, #tpu.memory_space<hbm>>
          %dma_wait3A_291 = arith.constant 0 : i32
          %dma_wait3A_292 = tpu.memref_slice %arg7[%run_scoped3A_277, %dma_wait3A_291] : memref<4x128xi32, #tpu.memory_space<vmem>> -> memref<1x128xi32, #tpu.memory_space<vmem>>
          %dma_wait3A_293 = tpu.memref_squeeze %dma_wait3A_292 : memref<1x128xi32, #tpu.memory_space<vmem>> -> memref<128xi32, #tpu.memory_space<vmem>>
          %dma_wait3A_294 = tpu.memref_slice %arg3[%add3A_276] : memref<163840xi32, #tpu.memory_space<hbm>> -> memref<128xi32, #tpu.memory_space<hbm>>
          tpu.wait_dma2 semaphore(%run_scoped3A_278 : memref<!tpu.dma_semaphore, #tpu.memory_space<semaphore_mem>>) src(%dma_wait3A_294 : memref<128xi32, #tpu.memory_space<hbm>>) dst(%dma_wait3A_293 : memref<128xi32, #tpu.memory_space<vmem>>)
          tpu.yield
        }) : () -> ()
      } else {
      }
      %dma_wait3A_141 = arith.constant 1 : i32
      %dma_wait3A_142 = arith.constant 1 : i32
      %dma_wait3A_143 = arith.constant 0 : i32
      %dma_wait3A_144 = arith.constant 0 : i32
      %dma_wait3A_145 = tpu.memref_slice %arg8[%dma_wait3A_141, %dma_wait3A_143, %dma_wait3A_144] : memref<2x128x128xf32, #tpu.memory_space<vmem>> -> memref<1x128x128xf32, #tpu.memory_space<vmem>>
      %dma_wait3A_146 = tpu.memref_squeeze %dma_wait3A_145 : memref<1x128x128xf32, #tpu.memory_space<vmem>> -> memref<128x128xf32, #tpu.memory_space<vmem>>
      %dma_wait3A_147 = arith.constant 0 : i32
      %dma_wait3A_148 = tpu.memref_slice %arg7[%dma_wait3A_142, %dma_wait3A_147] : memref<4x128xi32, #tpu.memory_space<vmem>> -> memref<1x128xi32, #tpu.memory_space<vmem>>
      %dma_wait3A_149 = tpu.memref_squeeze %dma_wait3A_148 : memref<1x128xi32, #tpu.memory_space<vmem>> -> memref<128xi32, #tpu.memory_space<vmem>>
      %dma_wait3A_150 = arith.constant 0 : i32
      %dma_wait3A_151 = arith.constant 0 : i32
      %dma_wait3A_152 = tpu.memref_slice %arg9[%dma_wait3A_150, %dma_wait3A_151] : memref<10008x128xf32, #tpu.memory_space<vmem_shared>> -> memref<10008x128xf32, #tpu.memory_space<vmem_shared>>
      tpu.wait_indirect_dma semaphore(%arg12 : memref<!tpu.dma_semaphore, #tpu.memory_space<semaphore_mem>>) src(%dma_wait3A_146 : memref<128x128xf32, #tpu.memory_space<vmem>>) dst(%dma_wait3A_152 : memref<10008x128xf32, #tpu.memory_space<vmem_shared>>)
      %add3A_153 = arith.constant 2 : i32
      %add3A_154 = arith.addi %add3A_109, %add3A_153 : i32
      %lt3A_155 = arith.constant 80 : i32
      %lt3A_156 = arith.cmpi slt, %add3A_154, %lt3A_155 : i32
      %convert_element_type3A_157 = arith.extui %lt3A_156 : i1 to i32
      %cond3A_158 = arith.constant 0 : i32
      %cond3A_159 = arith.cmpi ne, %convert_element_type3A_157, %cond3A_158 : i32
      scf.if %cond3A_159 {
        %dma_start3A_268 = arith.constant 3 : i32
        %dma_start3A_269 = arith.constant 1 : i32
        %dma_start3A_270 = arith.constant 0 : i32
        %dma_start3A_271 = arith.constant 0 : i32
        %dma_start3A_272 = tpu.memref_slice %arg8[%dma_start3A_269, %dma_start3A_270, %dma_start3A_271] : memref<2x128x128xf32, #tpu.memory_space<vmem>> -> memref<1x128x128xf32, #tpu.memory_space<vmem>>
        %dma_start3A_273 = tpu.memref_squeeze %dma_start3A_272 : memref<1x128x128xf32, #tpu.memory_space<vmem>> -> memref<128x128xf32, #tpu.memory_space<vmem>>
        %dma_start3A_274 = arith.constant 0 : i32
        %dma_start3A_275 = tpu.memref_slice %arg6[%dma_start3A_268, %dma_start3A_274] : memref<4x128xi32, #tpu.memory_space<vmem>> -> memref<1x128xi32, #tpu.memory_space<vmem>>
        %dma_start3A_276 = tpu.memref_squeeze %dma_start3A_275 : memref<1x128xi32, #tpu.memory_space<vmem>> -> memref<128xi32, #tpu.memory_space<vmem>>
        %dma_start3A_277 = arith.constant 0 : i32
        %dma_start3A_278 = arith.constant 0 : i32
        %dma_start3A_279 = tpu.memref_slice %arg4[%dma_start3A_277, %dma_start3A_278] : memref<20000x128xf32, #tpu.memory_space<hbm>> -> memref<20000x128xf32, #tpu.memory_space<hbm>>
        tpu.enqueue_indirect_dma source(%dma_start3A_279 : memref<20000x128xf32, #tpu.memory_space<hbm>>) target(%dma_start3A_273 : memref<128x128xf32, #tpu.memory_space<vmem>>) offsets(%dma_start3A_276 : memref<128xi32, #tpu.memory_space<vmem>>) semaphore(%arg11 : memref<!tpu.dma_semaphore, #tpu.memory_space<semaphore_mem>>)
      } else {
      }
      %mul3A_160 = arith.constant 4 : i32
      %mul3A_161 = arith.muli %mul3A_160, %scan3A_52 : i32
      %add3A_162 = arith.constant 2 : i32
      %add3A_163 = arith.addi %mul3A_161, %add3A_162 : i32
      %dma_wait3A_164 = arith.constant 2 : i32
      %dma_wait3A_165 = arith.constant 0 : i32
      %dma_wait3A_166 = arith.constant 0 : i32
      %dma_wait3A_167 = arith.constant 0 : i32
      %dma_wait3A_168 = tpu.memref_slice %arg8[%dma_wait3A_165, %dma_wait3A_166, %dma_wait3A_167] : memref<2x128x128xf32, #tpu.memory_space<vmem>> -> memref<1x128x128xf32, #tpu.memory_space<vmem>>
      %dma_wait3A_169 = tpu.memref_squeeze %dma_wait3A_168 : memref<1x128x128xf32, #tpu.memory_space<vmem>> -> memref<128x128xf32, #tpu.memory_space<vmem>>
      %dma_wait3A_170 = arith.constant 0 : i32
      %dma_wait3A_171 = tpu.memref_slice %arg6[%dma_wait3A_164, %dma_wait3A_170] : memref<4x128xi32, #tpu.memory_space<vmem>> -> memref<1x128xi32, #tpu.memory_space<vmem>>
      %dma_wait3A_172 = tpu.memref_squeeze %dma_wait3A_171 : memref<1x128xi32, #tpu.memory_space<vmem>> -> memref<128xi32, #tpu.memory_space<vmem>>
      %dma_wait3A_173 = arith.constant 0 : i32
      %dma_wait3A_174 = arith.constant 0 : i32
      %dma_wait3A_175 = tpu.memref_slice %arg4[%dma_wait3A_173, %dma_wait3A_174] : memref<20000x128xf32, #tpu.memory_space<hbm>> -> memref<20000x128xf32, #tpu.memory_space<hbm>>
      tpu.wait_indirect_dma semaphore(%arg10 : memref<!tpu.dma_semaphore, #tpu.memory_space<semaphore_mem>>) src(%dma_wait3A_175 : memref<20000x128xf32, #tpu.memory_space<hbm>>) dst(%dma_wait3A_169 : memref<128x128xf32, #tpu.memory_space<vmem>>)
      %dma_start3A_176 = arith.constant 0 : i32
      %dma_start3A_177 = arith.constant 2 : i32
      %dma_start3A_178 = arith.constant 0 : i32
      %dma_start3A_179 = arith.constant 0 : i32
      %dma_start3A_180 = tpu.memref_slice %arg8[%dma_start3A_176, %dma_start3A_178, %dma_start3A_179] : memref<2x128x128xf32, #tpu.memory_space<vmem>> -> memref<1x128x128xf32, #tpu.memory_space<vmem>>
      %dma_start3A_181 = tpu.memref_squeeze %dma_start3A_180 : memref<1x128x128xf32, #tpu.memory_space<vmem>> -> memref<128x128xf32, #tpu.memory_space<vmem>>
      %dma_start3A_182 = arith.constant 0 : i32
      %dma_start3A_183 = tpu.memref_slice %arg7[%dma_start3A_177, %dma_start3A_182] : memref<4x128xi32, #tpu.memory_space<vmem>> -> memref<1x128xi32, #tpu.memory_space<vmem>>
      %dma_start3A_184 = tpu.memref_squeeze %dma_start3A_183 : memref<1x128xi32, #tpu.memory_space<vmem>> -> memref<128xi32, #tpu.memory_space<vmem>>
      %dma_start3A_185 = arith.constant 0 : i32
      %dma_start3A_186 = arith.constant 0 : i32
      %dma_start3A_187 = tpu.memref_slice %arg9[%dma_start3A_185, %dma_start3A_186] : memref<10008x128xf32, #tpu.memory_space<vmem_shared>> -> memref<10008x128xf32, #tpu.memory_space<vmem_shared>>
      tpu.enqueue_indirect_dma source(%dma_start3A_181 : memref<128x128xf32, #tpu.memory_space<vmem>>) target(%dma_start3A_187 : memref<10008x128xf32, #tpu.memory_space<vmem_shared>>) offsets(%dma_start3A_184 : memref<128xi32, #tpu.memory_space<vmem>>) semaphore(%arg12 : memref<!tpu.dma_semaphore, #tpu.memory_space<semaphore_mem>>) {add = true}
      %add3A_188 = arith.constant 2 : i32
      %add3A_189 = arith.addi %add3A_163, %add3A_188 : i32
      %lt3A_190 = arith.constant 80 : i32
      %lt3A_191 = arith.cmpi slt, %add3A_189, %lt3A_190 : i32
      %convert_element_type3A_192 = arith.extui %lt3A_191 : i1 to i32
      %cond3A_193 = arith.constant 0 : i32
      %cond3A_194 = arith.cmpi ne, %convert_element_type3A_192, %cond3A_193 : i32
      scf.if %cond3A_194 {
        %add3A_268 = arith.constant 2 : i32
        %add3A_269 = arith.addi %add3A_163, %add3A_268 : i32
        %mul3A_270 = arith.constant 128 : i32
        %mul3A_271 = arith.muli %add3A_269, %mul3A_270 : i32
        %add3A_272 = arith.addi %add3A, %mul3A_271 : i32
        %run_scoped3A_273 = arith.constant 0 : i32
        "tpu.region"() ({
          %run_scoped3A_278 = tpu.sem_alloc : memref<!tpu.dma_semaphore, #tpu.memory_space<semaphore_mem>>
          %dma_start3A_279 = arith.constant 0 : i32
          %dma_start3A_280 = tpu.memref_slice %arg6[%run_scoped3A_273, %dma_start3A_279] : memref<4x128xi32, #tpu.memory_space<vmem>> -> memref<1x128xi32, #tpu.memory_space<vmem>>
          %dma_start3A_281 = tpu.memref_squeeze %dma_start3A_280 : memref<1x128xi32, #tpu.memory_space<vmem>> -> memref<128xi32, #tpu.memory_space<vmem>>
          %dma_start3A_282 = tpu.memref_slice %arg2[%add3A_272] : memref<327680xi32, #tpu.memory_space<hbm>> -> memref<128xi32, #tpu.memory_space<hbm>>
          %dma_start3A_283 = arith.constant 0 : i32
          %dma_start3A_284 = tpu.memref_slice %arg6[%run_scoped3A_273, %dma_start3A_283] : memref<4x128xi32, #tpu.memory_space<vmem>> -> memref<1x128xi32, #tpu.memory_space<vmem>>
          %dma_start3A_285 = tpu.memref_squeeze %dma_start3A_284 : memref<1x128xi32, #tpu.memory_space<vmem>> -> memref<128xi32, #tpu.memory_space<vmem>>
          %dma_start3A_286 = tpu.memref_slice %arg2[%add3A_272] : memref<327680xi32, #tpu.memory_space<hbm>> -> memref<128xi32, #tpu.memory_space<hbm>>
          tpu.enqueue_dma source(%dma_start3A_286 : memref<128xi32, #tpu.memory_space<hbm>>) target(%dma_start3A_285 : memref<128xi32, #tpu.memory_space<vmem>>) target_semaphore(%run_scoped3A_278 : memref<!tpu.dma_semaphore, #tpu.memory_space<semaphore_mem>>)
          %dma_wait3A_287 = arith.constant 0 : i32
          %dma_wait3A_288 = tpu.memref_slice %arg6[%run_scoped3A_273, %dma_wait3A_287] : memref<4x128xi32, #tpu.memory_space<vmem>> -> memref<1x128xi32, #tpu.memory_space<vmem>>
          %dma_wait3A_289 = tpu.memref_squeeze %dma_wait3A_288 : memref<1x128xi32, #tpu.memory_space<vmem>> -> memref<128xi32, #tpu.memory_space<vmem>>
          %dma_wait3A_290 = tpu.memref_slice %arg2[%add3A_272] : memref<327680xi32, #tpu.memory_space<hbm>> -> memref<128xi32, #tpu.memory_space<hbm>>
          %dma_wait3A_291 = arith.constant 0 : i32
          %dma_wait3A_292 = tpu.memref_slice %arg6[%run_scoped3A_273, %dma_wait3A_291] : memref<4x128xi32, #tpu.memory_space<vmem>> -> memref<1x128xi32, #tpu.memory_space<vmem>>
          %dma_wait3A_293 = tpu.memref_squeeze %dma_wait3A_292 : memref<1x128xi32, #tpu.memory_space<vmem>> -> memref<128xi32, #tpu.memory_space<vmem>>
          %dma_wait3A_294 = tpu.memref_slice %arg2[%add3A_272] : memref<327680xi32, #tpu.memory_space<hbm>> -> memref<128xi32, #tpu.memory_space<hbm>>
          tpu.wait_dma2 semaphore(%run_scoped3A_278 : memref<!tpu.dma_semaphore, #tpu.memory_space<semaphore_mem>>) src(%dma_wait3A_294 : memref<128xi32, #tpu.memory_space<hbm>>) dst(%dma_wait3A_293 : memref<128xi32, #tpu.memory_space<vmem>>)
          tpu.yield
        }) : () -> ()
        %mul3A_274 = arith.constant 128 : i32
        %mul3A_275 = arith.muli %add3A_269, %mul3A_274 : i32
        %add3A_276 = arith.addi %mul3A_6, %mul3A_275 : i32
        %run_scoped3A_277 = arith.constant 0 : i32
        "tpu.region"() ({
          %run_scoped3A_278 = tpu.sem_alloc : memref<!tpu.dma_semaphore, #tpu.memory_space<semaphore_mem>>
          %dma_start3A_279 = arith.constant 0 : i32
          %dma_start3A_280 = tpu.memref_slice %arg7[%run_scoped3A_277, %dma_start3A_279] : memref<4x128xi32, #tpu.memory_space<vmem>> -> memref<1x128xi32, #tpu.memory_space<vmem>>
          %dma_start3A_281 = tpu.memref_squeeze %dma_start3A_280 : memref<1x128xi32, #tpu.memory_space<vmem>> -> memref<128xi32, #tpu.memory_space<vmem>>
          %dma_start3A_282 = tpu.memref_slice %arg3[%add3A_276] : memref<163840xi32, #tpu.memory_space<hbm>> -> memref<128xi32, #tpu.memory_space<hbm>>
          %dma_start3A_283 = arith.constant 0 : i32
          %dma_start3A_284 = tpu.memref_slice %arg7[%run_scoped3A_277, %dma_start3A_283] : memref<4x128xi32, #tpu.memory_space<vmem>> -> memref<1x128xi32, #tpu.memory_space<vmem>>
          %dma_start3A_285 = tpu.memref_squeeze %dma_start3A_284 : memref<1x128xi32, #tpu.memory_space<vmem>> -> memref<128xi32, #tpu.memory_space<vmem>>
          %dma_start3A_286 = tpu.memref_slice %arg3[%add3A_276] : memref<163840xi32, #tpu.memory_space<hbm>> -> memref<128xi32, #tpu.memory_space<hbm>>
          tpu.enqueue_dma source(%dma_start3A_286 : memref<128xi32, #tpu.memory_space<hbm>>) target(%dma_start3A_285 : memref<128xi32, #tpu.memory_space<vmem>>) target_semaphore(%run_scoped3A_278 : memref<!tpu.dma_semaphore, #tpu.memory_space<semaphore_mem>>)
          %dma_wait3A_287 = arith.constant 0 : i32
          %dma_wait3A_288 = tpu.memref_slice %arg7[%run_scoped3A_277, %dma_wait3A_287] : memref<4x128xi32, #tpu.memory_space<vmem>> -> memref<1x128xi32, #tpu.memory_space<vmem>>
          %dma_wait3A_289 = tpu.memref_squeeze %dma_wait3A_288 : memref<1x128xi32, #tpu.memory_space<vmem>> -> memref<128xi32, #tpu.memory_space<vmem>>
          %dma_wait3A_290 = tpu.memref_slice %arg3[%add3A_276] : memref<163840xi32, #tpu.memory_space<hbm>> -> memref<128xi32, #tpu.memory_space<hbm>>
          %dma_wait3A_291 = arith.constant 0 : i32
          %dma_wait3A_292 = tpu.memref_slice %arg7[%run_scoped3A_277, %dma_wait3A_291] : memref<4x128xi32, #tpu.memory_space<vmem>> -> memref<1x128xi32, #tpu.memory_space<vmem>>
          %dma_wait3A_293 = tpu.memref_squeeze %dma_wait3A_292 : memref<1x128xi32, #tpu.memory_space<vmem>> -> memref<128xi32, #tpu.memory_space<vmem>>
          %dma_wait3A_294 = tpu.memref_slice %arg3[%add3A_276] : memref<163840xi32, #tpu.memory_space<hbm>> -> memref<128xi32, #tpu.memory_space<hbm>>
          tpu.wait_dma2 semaphore(%run_scoped3A_278 : memref<!tpu.dma_semaphore, #tpu.memory_space<semaphore_mem>>) src(%dma_wait3A_294 : memref<128xi32, #tpu.memory_space<hbm>>) dst(%dma_wait3A_293 : memref<128xi32, #tpu.memory_space<vmem>>)
          tpu.yield
        }) : () -> ()
      } else {
      }
      %dma_wait3A_195 = arith.constant 0 : i32
      %dma_wait3A_196 = arith.constant 2 : i32
      %dma_wait3A_197 = arith.constant 0 : i32
      %dma_wait3A_198 = arith.constant 0 : i32
      %dma_wait3A_199 = tpu.memref_slice %arg8[%dma_wait3A_195, %dma_wait3A_197, %dma_wait3A_198] : memref<2x128x128xf32, #tpu.memory_space<vmem>> -> memref<1x128x128xf32, #tpu.memory_space<vmem>>
      %dma_wait3A_200 = tpu.memref_squeeze %dma_wait3A_199 : memref<1x128x128xf32, #tpu.memory_space<vmem>> -> memref<128x128xf32, #tpu.memory_space<vmem>>
      %dma_wait3A_201 = arith.constant 0 : i32
      %dma_wait3A_202 = tpu.memref_slice %arg7[%dma_wait3A_196, %dma_wait3A_201] : memref<4x128xi32, #tpu.memory_space<vmem>> -> memref<1x128xi32, #tpu.memory_space<vmem>>
      %dma_wait3A_203 = tpu.memref_squeeze %dma_wait3A_202 : memref<1x128xi32, #tpu.memory_space<vmem>> -> memref<128xi32, #tpu.memory_space<vmem>>
      %dma_wait3A_204 = arith.constant 0 : i32
      %dma_wait3A_205 = arith.constant 0 : i32
      %dma_wait3A_206 = tpu.memref_slice %arg9[%dma_wait3A_204, %dma_wait3A_205] : memref<10008x128xf32, #tpu.memory_space<vmem_shared>> -> memref<10008x128xf32, #tpu.memory_space<vmem_shared>>
      tpu.wait_indirect_dma semaphore(%arg12 : memref<!tpu.dma_semaphore, #tpu.memory_space<semaphore_mem>>) src(%dma_wait3A_200 : memref<128x128xf32, #tpu.memory_space<vmem>>) dst(%dma_wait3A_206 : memref<10008x128xf32, #tpu.memory_space<vmem_shared>>)
      %add3A_207 = arith.constant 2 : i32
      %add3A_208 = arith.addi %add3A_163, %add3A_207 : i32
      %lt3A_209 = arith.constant 80 : i32
      %lt3A_210 = arith.cmpi slt, %add3A_208, %lt3A_209 : i32
      %convert_element_type3A_211 = arith.extui %lt3A_210 : i1 to i32
      %cond3A_212 = arith.constant 0 : i32
      %cond3A_213 = arith.cmpi ne, %convert_element_type3A_211, %cond3A_212 : i32
      scf.if %cond3A_213 {
        %dma_start3A_268 = arith.constant 0 : i32
        %dma_start3A_269 = arith.constant 0 : i32
        %dma_start3A_270 = arith.constant 0 : i32
        %dma_start3A_271 = arith.constant 0 : i32
        %dma_start3A_272 = tpu.memref_slice %arg8[%dma_start3A_269, %dma_start3A_270, %dma_start3A_271] : memref<2x128x128xf32, #tpu.memory_space<vmem>> -> memref<1x128x128xf32, #tpu.memory_space<vmem>>
        %dma_start3A_273 = tpu.memref_squeeze %dma_start3A_272 : memref<1x128x128xf32, #tpu.memory_space<vmem>> -> memref<128x128xf32, #tpu.memory_space<vmem>>
        %dma_start3A_274 = arith.constant 0 : i32
        %dma_start3A_275 = tpu.memref_slice %arg6[%dma_start3A_268, %dma_start3A_274] : memref<4x128xi32, #tpu.memory_space<vmem>> -> memref<1x128xi32, #tpu.memory_space<vmem>>
        %dma_start3A_276 = tpu.memref_squeeze %dma_start3A_275 : memref<1x128xi32, #tpu.memory_space<vmem>> -> memref<128xi32, #tpu.memory_space<vmem>>
        %dma_start3A_277 = arith.constant 0 : i32
        %dma_start3A_278 = arith.constant 0 : i32
        %dma_start3A_279 = tpu.memref_slice %arg4[%dma_start3A_277, %dma_start3A_278] : memref<20000x128xf32, #tpu.memory_space<hbm>> -> memref<20000x128xf32, #tpu.memory_space<hbm>>
        tpu.enqueue_indirect_dma source(%dma_start3A_279 : memref<20000x128xf32, #tpu.memory_space<hbm>>) target(%dma_start3A_273 : memref<128x128xf32, #tpu.memory_space<vmem>>) offsets(%dma_start3A_276 : memref<128xi32, #tpu.memory_space<vmem>>) semaphore(%arg10 : memref<!tpu.dma_semaphore, #tpu.memory_space<semaphore_mem>>)
      } else {
      }
      %mul3A_214 = arith.constant 4 : i32
      %mul3A_215 = arith.muli %mul3A_214, %scan3A_52 : i32
      %add3A_216 = arith.constant 3 : i32
      %add3A_217 = arith.addi %mul3A_215, %add3A_216 : i32
      %dma_wait3A_218 = arith.constant 3 : i32
      %dma_wait3A_219 = arith.constant 1 : i32
      %dma_wait3A_220 = arith.constant 0 : i32
      %dma_wait3A_221 = arith.constant 0 : i32
      %dma_wait3A_222 = tpu.memref_slice %arg8[%dma_wait3A_219, %dma_wait3A_220, %dma_wait3A_221] : memref<2x128x128xf32, #tpu.memory_space<vmem>> -> memref<1x128x128xf32, #tpu.memory_space<vmem>>
      %dma_wait3A_223 = tpu.memref_squeeze %dma_wait3A_222 : memref<1x128x128xf32, #tpu.memory_space<vmem>> -> memref<128x128xf32, #tpu.memory_space<vmem>>
      %dma_wait3A_224 = arith.constant 0 : i32
      %dma_wait3A_225 = tpu.memref_slice %arg6[%dma_wait3A_218, %dma_wait3A_224] : memref<4x128xi32, #tpu.memory_space<vmem>> -> memref<1x128xi32, #tpu.memory_space<vmem>>
      %dma_wait3A_226 = tpu.memref_squeeze %dma_wait3A_225 : memref<1x128xi32, #tpu.memory_space<vmem>> -> memref<128xi32, #tpu.memory_space<vmem>>
      %dma_wait3A_227 = arith.constant 0 : i32
      %dma_wait3A_228 = arith.constant 0 : i32
      %dma_wait3A_229 = tpu.memref_slice %arg4[%dma_wait3A_227, %dma_wait3A_228] : memref<20000x128xf32, #tpu.memory_space<hbm>> -> memref<20000x128xf32, #tpu.memory_space<hbm>>
      tpu.wait_indirect_dma semaphore(%arg11 : memref<!tpu.dma_semaphore, #tpu.memory_space<semaphore_mem>>) src(%dma_wait3A_229 : memref<20000x128xf32, #tpu.memory_space<hbm>>) dst(%dma_wait3A_223 : memref<128x128xf32, #tpu.memory_space<vmem>>)
      %dma_start3A_230 = arith.constant 1 : i32
      %dma_start3A_231 = arith.constant 3 : i32
      %dma_start3A_232 = arith.constant 0 : i32
      %dma_start3A_233 = arith.constant 0 : i32
      %dma_start3A_234 = tpu.memref_slice %arg8[%dma_start3A_230, %dma_start3A_232, %dma_start3A_233] : memref<2x128x128xf32, #tpu.memory_space<vmem>> -> memref<1x128x128xf32, #tpu.memory_space<vmem>>
      %dma_start3A_235 = tpu.memref_squeeze %dma_start3A_234 : memref<1x128x128xf32, #tpu.memory_space<vmem>> -> memref<128x128xf32, #tpu.memory_space<vmem>>
      %dma_start3A_236 = arith.constant 0 : i32
      %dma_start3A_237 = tpu.memref_slice %arg7[%dma_start3A_231, %dma_start3A_236] : memref<4x128xi32, #tpu.memory_space<vmem>> -> memref<1x128xi32, #tpu.memory_space<vmem>>
      %dma_start3A_238 = tpu.memref_squeeze %dma_start3A_237 : memref<1x128xi32, #tpu.memory_space<vmem>> -> memref<128xi32, #tpu.memory_space<vmem>>
      %dma_start3A_239 = arith.constant 0 : i32
      %dma_start3A_240 = arith.constant 0 : i32
      %dma_start3A_241 = tpu.memref_slice %arg9[%dma_start3A_239, %dma_start3A_240] : memref<10008x128xf32, #tpu.memory_space<vmem_shared>> -> memref<10008x128xf32, #tpu.memory_space<vmem_shared>>
      tpu.enqueue_indirect_dma source(%dma_start3A_235 : memref<128x128xf32, #tpu.memory_space<vmem>>) target(%dma_start3A_241 : memref<10008x128xf32, #tpu.memory_space<vmem_shared>>) offsets(%dma_start3A_238 : memref<128xi32, #tpu.memory_space<vmem>>) semaphore(%arg12 : memref<!tpu.dma_semaphore, #tpu.memory_space<semaphore_mem>>) {add = true}
      %add3A_242 = arith.constant 2 : i32
      %add3A_243 = arith.addi %add3A_217, %add3A_242 : i32
      %lt3A_244 = arith.constant 80 : i32
      %lt3A_245 = arith.cmpi slt, %add3A_243, %lt3A_244 : i32
      %convert_element_type3A_246 = arith.extui %lt3A_245 : i1 to i32
      %cond3A_247 = arith.constant 0 : i32
      %cond3A_248 = arith.cmpi ne, %convert_element_type3A_246, %cond3A_247 : i32
      scf.if %cond3A_248 {
        %add3A_268 = arith.constant 2 : i32
        %add3A_269 = arith.addi %add3A_217, %add3A_268 : i32
        %mul3A_270 = arith.constant 128 : i32
        %mul3A_271 = arith.muli %add3A_269, %mul3A_270 : i32
        %add3A_272 = arith.addi %add3A, %mul3A_271 : i32
        %run_scoped3A_273 = arith.constant 1 : i32
        "tpu.region"() ({
          %run_scoped3A_278 = tpu.sem_alloc : memref<!tpu.dma_semaphore, #tpu.memory_space<semaphore_mem>>
          %dma_start3A_279 = arith.constant 0 : i32
          %dma_start3A_280 = tpu.memref_slice %arg6[%run_scoped3A_273, %dma_start3A_279] : memref<4x128xi32, #tpu.memory_space<vmem>> -> memref<1x128xi32, #tpu.memory_space<vmem>>
          %dma_start3A_281 = tpu.memref_squeeze %dma_start3A_280 : memref<1x128xi32, #tpu.memory_space<vmem>> -> memref<128xi32, #tpu.memory_space<vmem>>
          %dma_start3A_282 = tpu.memref_slice %arg2[%add3A_272] : memref<327680xi32, #tpu.memory_space<hbm>> -> memref<128xi32, #tpu.memory_space<hbm>>
          %dma_start3A_283 = arith.constant 0 : i32
          %dma_start3A_284 = tpu.memref_slice %arg6[%run_scoped3A_273, %dma_start3A_283] : memref<4x128xi32, #tpu.memory_space<vmem>> -> memref<1x128xi32, #tpu.memory_space<vmem>>
          %dma_start3A_285 = tpu.memref_squeeze %dma_start3A_284 : memref<1x128xi32, #tpu.memory_space<vmem>> -> memref<128xi32, #tpu.memory_space<vmem>>
          %dma_start3A_286 = tpu.memref_slice %arg2[%add3A_272] : memref<327680xi32, #tpu.memory_space<hbm>> -> memref<128xi32, #tpu.memory_space<hbm>>
          tpu.enqueue_dma source(%dma_start3A_286 : memref<128xi32, #tpu.memory_space<hbm>>) target(%dma_start3A_285 : memref<128xi32, #tpu.memory_space<vmem>>) target_semaphore(%run_scoped3A_278 : memref<!tpu.dma_semaphore, #tpu.memory_space<semaphore_mem>>)
          %dma_wait3A_287 = arith.constant 0 : i32
          %dma_wait3A_288 = tpu.memref_slice %arg6[%run_scoped3A_273, %dma_wait3A_287] : memref<4x128xi32, #tpu.memory_space<vmem>> -> memref<1x128xi32, #tpu.memory_space<vmem>>
          %dma_wait3A_289 = tpu.memref_squeeze %dma_wait3A_288 : memref<1x128xi32, #tpu.memory_space<vmem>> -> memref<128xi32, #tpu.memory_space<vmem>>
          %dma_wait3A_290 = tpu.memref_slice %arg2[%add3A_272] : memref<327680xi32, #tpu.memory_space<hbm>> -> memref<128xi32, #tpu.memory_space<hbm>>
          %dma_wait3A_291 = arith.constant 0 : i32
          %dma_wait3A_292 = tpu.memref_slice %arg6[%run_scoped3A_273, %dma_wait3A_291] : memref<4x128xi32, #tpu.memory_space<vmem>> -> memref<1x128xi32, #tpu.memory_space<vmem>>
          %dma_wait3A_293 = tpu.memref_squeeze %dma_wait3A_292 : memref<1x128xi32, #tpu.memory_space<vmem>> -> memref<128xi32, #tpu.memory_space<vmem>>
          %dma_wait3A_294 = tpu.memref_slice %arg2[%add3A_272] : memref<327680xi32, #tpu.memory_space<hbm>> -> memref<128xi32, #tpu.memory_space<hbm>>
          tpu.wait_dma2 semaphore(%run_scoped3A_278 : memref<!tpu.dma_semaphore, #tpu.memory_space<semaphore_mem>>) src(%dma_wait3A_294 : memref<128xi32, #tpu.memory_space<hbm>>) dst(%dma_wait3A_293 : memref<128xi32, #tpu.memory_space<vmem>>)
          tpu.yield
        }) : () -> ()
        %mul3A_274 = arith.constant 128 : i32
        %mul3A_275 = arith.muli %add3A_269, %mul3A_274 : i32
        %add3A_276 = arith.addi %mul3A_6, %mul3A_275 : i32
        %run_scoped3A_277 = arith.constant 1 : i32
        "tpu.region"() ({
          %run_scoped3A_278 = tpu.sem_alloc : memref<!tpu.dma_semaphore, #tpu.memory_space<semaphore_mem>>
          %dma_start3A_279 = arith.constant 0 : i32
          %dma_start3A_280 = tpu.memref_slice %arg7[%run_scoped3A_277, %dma_start3A_279] : memref<4x128xi32, #tpu.memory_space<vmem>> -> memref<1x128xi32, #tpu.memory_space<vmem>>
          %dma_start3A_281 = tpu.memref_squeeze %dma_start3A_280 : memref<1x128xi32, #tpu.memory_space<vmem>> -> memref<128xi32, #tpu.memory_space<vmem>>
          %dma_start3A_282 = tpu.memref_slice %arg3[%add3A_276] : memref<163840xi32, #tpu.memory_space<hbm>> -> memref<128xi32, #tpu.memory_space<hbm>>
          %dma_start3A_283 = arith.constant 0 : i32
          %dma_start3A_284 = tpu.memref_slice %arg7[%run_scoped3A_277, %dma_start3A_283] : memref<4x128xi32, #tpu.memory_space<vmem>> -> memref<1x128xi32, #tpu.memory_space<vmem>>
          %dma_start3A_285 = tpu.memref_squeeze %dma_start3A_284 : memref<1x128xi32, #tpu.memory_space<vmem>> -> memref<128xi32, #tpu.memory_space<vmem>>
          %dma_start3A_286 = tpu.memref_slice %arg3[%add3A_276] : memref<163840xi32, #tpu.memory_space<hbm>> -> memref<128xi32, #tpu.memory_space<hbm>>
          tpu.enqueue_dma source(%dma_start3A_286 : memref<128xi32, #tpu.memory_space<hbm>>) target(%dma_start3A_285 : memref<128xi32, #tpu.memory_space<vmem>>) target_semaphore(%run_scoped3A_278 : memref<!tpu.dma_semaphore, #tpu.memory_space<semaphore_mem>>)
          %dma_wait3A_287 = arith.constant 0 : i32
          %dma_wait3A_288 = tpu.memref_slice %arg7[%run_scoped3A_277, %dma_wait3A_287] : memref<4x128xi32, #tpu.memory_space<vmem>> -> memref<1x128xi32, #tpu.memory_space<vmem>>
          %dma_wait3A_289 = tpu.memref_squeeze %dma_wait3A_288 : memref<1x128xi32, #tpu.memory_space<vmem>> -> memref<128xi32, #tpu.memory_space<vmem>>
          %dma_wait3A_290 = tpu.memref_slice %arg3[%add3A_276] : memref<163840xi32, #tpu.memory_space<hbm>> -> memref<128xi32, #tpu.memory_space<hbm>>
          %dma_wait3A_291 = arith.constant 0 : i32
          %dma_wait3A_292 = tpu.memref_slice %arg7[%run_scoped3A_277, %dma_wait3A_291] : memref<4x128xi32, #tpu.memory_space<vmem>> -> memref<1x128xi32, #tpu.memory_space<vmem>>
          %dma_wait3A_293 = tpu.memref_squeeze %dma_wait3A_292 : memref<1x128xi32, #tpu.memory_space<vmem>> -> memref<128xi32, #tpu.memory_space<vmem>>
          %dma_wait3A_294 = tpu.memref_slice %arg3[%add3A_276] : memref<163840xi32, #tpu.memory_space<hbm>> -> memref<128xi32, #tpu.memory_space<hbm>>
          tpu.wait_dma2 semaphore(%run_scoped3A_278 : memref<!tpu.dma_semaphore, #tpu.memory_space<semaphore_mem>>) src(%dma_wait3A_294 : memref<128xi32, #tpu.memory_space<hbm>>) dst(%dma_wait3A_293 : memref<128xi32, #tpu.memory_space<vmem>>)
          tpu.yield
        }) : () -> ()
      } else {
      }
      %dma_wait3A_249 = arith.constant 1 : i32
      %dma_wait3A_250 = arith.constant 3 : i32
      %dma_wait3A_251 = arith.constant 0 : i32
      %dma_wait3A_252 = arith.constant 0 : i32
      %dma_wait3A_253 = tpu.memref_slice %arg8[%dma_wait3A_249, %dma_wait3A_251, %dma_wait3A_252] : memref<2x128x128xf32, #tpu.memory_space<vmem>> -> memref<1x128x128xf32, #tpu.memory_space<vmem>>
      %dma_wait3A_254 = tpu.memref_squeeze %dma_wait3A_253 : memref<1x128x128xf32, #tpu.memory_space<vmem>> -> memref<128x128xf32, #tpu.memory_space<vmem>>
      %dma_wait3A_255 = arith.constant 0 : i32
      %dma_wait3A_256 = tpu.memref_slice %arg7[%dma_wait3A_250, %dma_wait3A_255] : memref<4x128xi32, #tpu.memory_space<vmem>> -> memref<1x128xi32, #tpu.memory_space<vmem>>
      %dma_wait3A_257 = tpu.memref_squeeze %dma_wait3A_256 : memref<1x128xi32, #tpu.memory_space<vmem>> -> memref<128xi32, #tpu.memory_space<vmem>>
      %dma_wait3A_258 = arith.constant 0 : i32
      %dma_wait3A_259 = arith.constant 0 : i32
      %dma_wait3A_260 = tpu.memref_slice %arg9[%dma_wait3A_258, %dma_wait3A_259] : memref<10008x128xf32, #tpu.memory_space<vmem_shared>> -> memref<10008x128xf32, #tpu.memory_space<vmem_shared>>
      tpu.wait_indirect_dma semaphore(%arg12 : memref<!tpu.dma_semaphore, #tpu.memory_space<semaphore_mem>>) src(%dma_wait3A_254 : memref<128x128xf32, #tpu.memory_space<vmem>>) dst(%dma_wait3A_260 : memref<10008x128xf32, #tpu.memory_space<vmem_shared>>)
      %add3A_261 = arith.constant 2 : i32
      %add3A_262 = arith.addi %add3A_217, %add3A_261 : i32
      %lt3A_263 = arith.constant 80 : i32
      %lt3A_264 = arith.cmpi slt, %add3A_262, %lt3A_263 : i32
      %convert_element_type3A_265 = arith.extui %lt3A_264 : i1 to i32
      %cond3A_266 = arith.constant 0 : i32
      %cond3A_267 = arith.cmpi ne, %convert_element_type3A_265, %cond3A_266 : i32
      scf.if %cond3A_267 {
        %dma_start3A_268 = arith.constant 1 : i32
        %dma_start3A_269 = arith.constant 1 : i32
        %dma_start3A_270 = arith.constant 0 : i32
        %dma_start3A_271 = arith.constant 0 : i32
        %dma_start3A_272 = tpu.memref_slice %arg8[%dma_start3A_269, %dma_start3A_270, %dma_start3A_271] : memref<2x128x128xf32, #tpu.memory_space<vmem>> -> memref<1x128x128xf32, #tpu.memory_space<vmem>>
        %dma_start3A_273 = tpu.memref_squeeze %dma_start3A_272 : memref<1x128x128xf32, #tpu.memory_space<vmem>> -> memref<128x128xf32, #tpu.memory_space<vmem>>
        %dma_start3A_274 = arith.constant 0 : i32
        %dma_start3A_275 = tpu.memref_slice %arg6[%dma_start3A_268, %dma_start3A_274] : memref<4x128xi32, #tpu.memory_space<vmem>> -> memref<1x128xi32, #tpu.memory_space<vmem>>
        %dma_start3A_276 = tpu.memref_squeeze %dma_start3A_275 : memref<1x128xi32, #tpu.memory_space<vmem>> -> memref<128xi32, #tpu.memory_space<vmem>>
        %dma_start3A_277 = arith.constant 0 : i32
        %dma_start3A_278 = arith.constant 0 : i32
        %dma_start3A_279 = tpu.memref_slice %arg4[%dma_start3A_277, %dma_start3A_278] : memref<20000x128xf32, #tpu.memory_space<hbm>> -> memref<20000x128xf32, #tpu.memory_space<hbm>>
        tpu.enqueue_indirect_dma source(%dma_start3A_279 : memref<20000x128xf32, #tpu.memory_space<hbm>>) target(%dma_start3A_273 : memref<128x128xf32, #tpu.memory_space<vmem>>) offsets(%dma_start3A_276 : memref<128xi32, #tpu.memory_space<vmem>>) semaphore(%arg11 : memref<!tpu.dma_semaphore, #tpu.memory_space<semaphore_mem>>)
      } else {
      }
    }
    %scan3A_45 = arith.constant 20 : i32
    %barrier3A_46 = arith.constant 0 : index
    tpu.barrier barrier_id(%barrier3A_46)
    %lt3A_47 = arith.constant 10 : i32
    %lt3A_48 = arith.cmpi slt, %arg1, %lt3A_47 : i32
    %convert_element_type3A_49 = arith.extui %lt3A_48 : i1 to i32
    %cond3A_50 = arith.constant 0 : i32
    %cond3A_51 = arith.cmpi ne, %convert_element_type3A_49, %cond3A_50 : i32
    scf.if %cond3A_51 {
      %mul3A_52 = arith.constant 1000 : i32
      %mul3A_53 = arith.muli %arg1, %mul3A_52 : i32
      %mul3A_54 = arith.constant 1000 : i32
      %mul3A_55 = arith.muli %arg1, %mul3A_54 : i32
      "tpu.region"() ({
        %run_scoped3A_56 = tpu.sem_alloc : memref<!tpu.dma_semaphore, #tpu.memory_space<semaphore_mem>>
        %dma_start3A_57 = arith.constant 0 : i32
        %dma_start3A_58 = tpu.memref_slice %arg5[%arg0, %mul3A_55, %dma_start3A_57] : memref<2x10000x128xf32, #tpu.memory_space<hbm>> -> memref<1x1000x128xf32, #tpu.memory_space<hbm>>
        %dma_start3A_59 = tpu.memref_squeeze %dma_start3A_58 : memref<1x1000x128xf32, #tpu.memory_space<hbm>> -> memref<1000x128xf32, #tpu.memory_space<hbm>>
        %dma_start3A_60 = arith.constant 0 : i32
        %dma_start3A_61 = tpu.memref_slice %arg9[%mul3A_53, %dma_start3A_60] : memref<10008x128xf32, #tpu.memory_space<vmem_shared>> -> memref<1000x128xf32, #tpu.memory_space<vmem_shared>>
        tpu.enqueue_dma source(%dma_start3A_61 : memref<1000x128xf32, #tpu.memory_space<vmem_shared>>) target(%dma_start3A_59 : memref<1000x128xf32, #tpu.memory_space<hbm>>) target_semaphore(%run_scoped3A_56 : memref<!tpu.dma_semaphore, #tpu.memory_space<semaphore_mem>>)
        %dma_wait3A = arith.constant 0 : i32
        %dma_wait3A_62 = tpu.memref_slice %arg5[%arg0, %mul3A_55, %dma_wait3A] : memref<2x10000x128xf32, #tpu.memory_space<hbm>> -> memref<1x1000x128xf32, #tpu.memory_space<hbm>>
        %dma_wait3A_63 = tpu.memref_squeeze %dma_wait3A_62 : memref<1x1000x128xf32, #tpu.memory_space<hbm>> -> memref<1000x128xf32, #tpu.memory_space<hbm>>
        %dma_wait3A_64 = arith.constant 0 : i32
        %dma_wait3A_65 = tpu.memref_slice %arg9[%mul3A_53, %dma_wait3A_64] : memref<10008x128xf32, #tpu.memory_space<vmem_shared>> -> memref<1000x128xf32, #tpu.memory_space<vmem_shared>>
        tpu.wait_dma2 semaphore(%run_scoped3A_56 : memref<!tpu.dma_semaphore, #tpu.memory_space<semaphore_mem>>) src(%dma_wait3A_65 : memref<1000x128xf32, #tpu.memory_space<vmem_shared>>) dst(%dma_wait3A_63 : memref<1000x128xf32, #tpu.memory_space<hbm>>)
        tpu.yield
      }) : () -> ()
    } else {
    }
    return
  }
}

module attributes {stable_mosaic.version = 14 : i64} {
  func.func @_k1_body(%arg0: i32, %arg1: memref<1000x256xf32, #tpu.memory_space<vmem>>, %arg2: memref<256x256xf32, #tpu.memory_space<vmem>>, %arg3: memref<2x1000x128xf32, #tpu.memory_space<vmem>>, %arg4: memref<2x1000x128xf32, #tpu.memory_space<vmem>>, %arg5: memref<1000x1xf32, #tpu.memory_space<vmem>>) attributes {dimension_semantics = [#tpu.dimension_semantics<arbitrary>], iteration_bounds = array<i64: 10>, scalar_prefetch = 0 : i64, scratch_operands = 0 : i64, tpu.core_type = #tpu.core_type<tc>, window_params = [{transform_indices = @transform_0, window_bounds = array<i64: 1000, 256>}, {pipeline_mode = #tpu.pipeline_mode<synchronous>, transform_indices = @transform_1, window_bounds = array<i64: 256, 256>}, {transform_indices = @transform_2, window_bounds = array<i64: 2, 1000, 128>}, {transform_indices = @transform_3, window_bounds = array<i64: 2, 1000, 128>}, {transform_indices = @transform_4, window_bounds = array<i64: 1000, 1>}]} {
    %get3A = arith.constant 0 : index
    %get3A_0 = arith.constant 0 : index
    %get3A_1 = arith.constant 0 : index
    %get3A_2 = vector.load %arg3[%get3A, %get3A_0, %get3A_1] : memref<2x1000x128xf32, #tpu.memory_space<vmem>>, vector<1x1000x1xf32>
    %get3A_3 = vector.shape_cast %get3A_2 : vector<1x1000x1xf32> to vector<1000x1xf32>
    %get3A_4 = arith.constant 1 : index
    %get3A_5 = arith.constant 0 : index
    %get3A_6 = arith.constant 0 : index
    %get3A_7 = vector.load %arg3[%get3A_4, %get3A_5, %get3A_6] : memref<2x1000x128xf32, #tpu.memory_space<vmem>>, vector<1x1000x1xf32>
    %get3A_8 = vector.shape_cast %get3A_7 : vector<1x1000x1xf32> to vector<1000x1xf32>
    %add3A = arith.addf %get3A_3, %get3A_8 : vector<1000x1xf32>
    %add3A_9 = arith.constant 1.000000e+00 : f32
    %add3A_10 = vector.broadcast %add3A_9 : f32 to vector<1000x1xf32>
    %add3A_11 = arith.addf %add3A, %add3A_10 : vector<1000x1xf32>
    %max3A = arith.constant 1.000000e+00 : f32
    %max3A_12 = vector.broadcast %max3A : f32 to vector<1000x1xf32>
    %max3A_13 = arith.maximumf %add3A_11, %max3A_12 : vector<1000x1xf32>
    %rsqrt3A = math.rsqrt %max3A_13 : vector<1000x1xf32>
    %get3A_14 = arith.constant 0 : index
    %get3A_15 = arith.constant 0 : index
    %get3A_16 = vector.load %arg1[%get3A_14, %get3A_15] : memref<1000x256xf32, #tpu.memory_space<vmem>>, vector<1000x256xf32>
    %get3A_17 = arith.constant 0 : index
    %get3A_18 = arith.constant 0 : index
    %get3A_19 = vector.load %arg2[%get3A_17, %get3A_18] : memref<256x256xf32, #tpu.memory_space<vmem>>, vector<256x256xf32>
    %dot_general3A = arith.constant dense<0.000000e+00> : vector<1000x256xf32>
    %dot_general3A_20 = tpu.matmul %get3A_16, %get3A_19, %dot_general3A {dimension_numbers = #tpu.dot_dimension_numbers<[1], [0], [0], [1], [0, 0, 1, 1], [], []>, transpose_lhs_hint = false} : vector<1000x256xf32>, vector<256x256xf32>, vector<1000x256xf32> -> vector<1000x256xf32>
    %mul3A = vector.broadcast %rsqrt3A : vector<1000x1xf32> to vector<1000x256xf32>
    %mul3A_21 = arith.mulf %dot_general3A_20, %mul3A : vector<1000x256xf32>
    %slice3A = vector.extract_strided_slice %mul3A_21 {offsets = [0, 0], sizes = [1000, 128], strides = [1, 1]} : vector<1000x256xf32> to vector<1000x128xf32>
    %swap3A = arith.constant 0 : index
    %swap3A_22 = arith.constant 0 : index
    %swap3A_23 = arith.constant 0 : index
    %swap3A_24 = vector.load %arg4[%swap3A, %swap3A_22, %swap3A_23] : memref<2x1000x128xf32, #tpu.memory_space<vmem>>, vector<1x1000x128xf32>
    %swap3A_25 = vector.shape_cast %swap3A_24 : vector<1x1000x128xf32> to vector<1000x128xf32>
    %swap3A_26 = vector.shape_cast %slice3A : vector<1000x128xf32> to vector<1x1000x128xf32>
    tpu.vector_store %arg4[%swap3A, %swap3A_22, %swap3A_23], %swap3A_26 {strides = array<i32>} : memref<2x1000x128xf32, #tpu.memory_space<vmem>>, vector<1x1000x128xf32>,
    %slice3A_27 = vector.extract_strided_slice %mul3A_21 {offsets = [0, 128], sizes = [1000, 128], strides = [1, 1]} : vector<1000x256xf32> to vector<1000x128xf32>
    %swap3A_28 = arith.constant 1 : index
    %swap3A_29 = arith.constant 0 : index
    %swap3A_30 = arith.constant 0 : index
    %swap3A_31 = vector.load %arg4[%swap3A_28, %swap3A_29, %swap3A_30] : memref<2x1000x128xf32, #tpu.memory_space<vmem>>, vector<1x1000x128xf32>
    %swap3A_32 = vector.shape_cast %swap3A_31 : vector<1x1000x128xf32> to vector<1000x128xf32>
    %swap3A_33 = vector.shape_cast %slice3A_27 : vector<1000x128xf32> to vector<1x1000x128xf32>
    tpu.vector_store %arg4[%swap3A_28, %swap3A_29, %swap3A_30], %swap3A_33 {strides = array<i32>} : memref<2x1000x128xf32, #tpu.memory_space<vmem>>, vector<1x1000x128xf32>,
    %swap3A_34 = arith.constant 0 : index
    %swap3A_35 = arith.constant 0 : index
    %swap3A_36 = vector.load %arg5[%swap3A_34, %swap3A_35] : memref<1000x1xf32, #tpu.memory_space<vmem>>, vector<1000x1xf32>
    tpu.vector_store %arg5[%swap3A_34, %swap3A_35], %rsqrt3A {strides = array<i32>} : memref<1000x1xf32, #tpu.memory_space<vmem>>, vector<1000x1xf32>,
    return
  }
  func.func @transform_0(%arg0: i32) -> (i32, i32) {
    %c0_i32 = arith.constant 0 : i32
    %c0_i32_0 = arith.constant 0 : i32
    return %arg0, %c0_i32 : i32, i32
  }
  func.func @transform_1(%arg0: i32) -> (i32, i32) {
    %c0_i32 = arith.constant 0 : i32
    %c0_i32_0 = arith.constant 0 : i32
    %c0_i32_1 = arith.constant 0 : i32
    return %c0_i32, %c0_i32_0 : i32, i32
  }
  func.func @transform_2(%arg0: i32) -> (i32, i32, i32) {
    %c0_i32 = arith.constant 0 : i32
    %c0_i32_0 = arith.constant 0 : i32
    %c0_i32_1 = arith.constant 0 : i32
    return %c0_i32, %arg0, %c0_i32_0 : i32, i32, i32
  }
  func.func @transform_3(%arg0: i32) -> (i32, i32, i32) {
    %c0_i32 = arith.constant 0 : i32
    %c0_i32_0 = arith.constant 0 : i32
    %c0_i32_1 = arith.constant 0 : i32
    return %c0_i32, %arg0, %c0_i32_0 : i32, i32, i32
  }
  func.func @transform_4(%arg0: i32) -> (i32, i32) {
    %c0_i32 = arith.constant 0 : i32
    %c0_i32_0 = arith.constant 0 : i32
    return %arg0, %c0_i32 : i32, i32
  }
}

module attributes {stable_mosaic.version = 14 : i64} {
  func.func @body(%arg0: i32, %arg1: memref<2x1000x128xf32, #tpu.memory_space<vmem>>, %arg2: memref<1000x1xf32, #tpu.memory_space<vmem>>, %arg3: memref<1x256xf32, #tpu.memory_space<vmem>>, %arg4: memref<1x256xf32, #tpu.memory_space<vmem>>, %arg5: memref<1x256xf32, #tpu.memory_space<vmem>>, %arg6: memref<256x256xf32, #tpu.memory_space<vmem>>, %arg7: memref<2x1000x128xf32, #tpu.memory_space<vmem>>) attributes {dimension_semantics = [#tpu.dimension_semantics<arbitrary>], iteration_bounds = array<i64: 10>, scalar_prefetch = 0 : i64, scratch_operands = 0 : i64, tpu.core_type = #tpu.core_type<tc>, window_params = [{transform_indices = @transform_0, window_bounds = array<i64: 2, 1000, 128>}, {transform_indices = @transform_1, window_bounds = array<i64: 1000, 1>}, {pipeline_mode = #tpu.pipeline_mode<synchronous>, transform_indices = @transform_2, window_bounds = array<i64: 1, 256>}, {pipeline_mode = #tpu.pipeline_mode<synchronous>, transform_indices = @transform_3, window_bounds = array<i64: 1, 256>}, {pipeline_mode = #tpu.pipeline_mode<synchronous>, transform_indices = @transform_4, window_bounds = array<i64: 1, 256>}, {pipeline_mode = #tpu.pipeline_mode<synchronous>, transform_indices = @transform_5, window_bounds = array<i64: 256, 256>}, {transform_indices = @transform_6, window_bounds = array<i64: 2, 1000, 128>}]} {
    %get3A = arith.constant 0 : index
    %get3A_0 = arith.constant 0 : index
    %get3A_1 = vector.load %arg2[%get3A, %get3A_0] : memref<1000x1xf32, #tpu.memory_space<vmem>>, vector<1000x1xf32>
    %get3A_2 = arith.constant 0 : index
    %get3A_3 = arith.constant 0 : index
    %get3A_4 = arith.constant 0 : index
    %get3A_5 = vector.load %arg1[%get3A_2, %get3A_3, %get3A_4] : memref<2x1000x128xf32, #tpu.memory_space<vmem>>, vector<1x1000x128xf32>
    %get3A_6 = vector.shape_cast %get3A_5 : vector<1x1000x128xf32> to vector<1000x128xf32>
    %get3A_7 = arith.constant 1 : index
    %get3A_8 = arith.constant 0 : index
    %get3A_9 = arith.constant 0 : index
    %get3A_10 = vector.load %arg1[%get3A_7, %get3A_8, %get3A_9] : memref<2x1000x128xf32, #tpu.memory_space<vmem>>, vector<1x1000x128xf32>
    %get3A_11 = vector.shape_cast %get3A_10 : vector<1x1000x128xf32> to vector<1000x128xf32>
    %concatenate3A = tpu.concatenate %get3A_6, %get3A_11 in 1 : vector<1000x128xf32>, vector<1000x128xf32> -> vector<1000x256xf32>
    %mul3A = vector.broadcast %get3A_1 : vector<1000x1xf32> to vector<1000x256xf32>
    %mul3A_12 = arith.mulf %concatenate3A, %mul3A : vector<1000x256xf32>
    %get3A_13 = arith.constant 0 : index
    %get3A_14 = arith.constant 0 : index
    %get3A_15 = vector.load %arg3[%get3A_13, %get3A_14] : memref<1x256xf32, #tpu.memory_space<vmem>>, vector<1x256xf32>
    %add3A = vector.broadcast %get3A_15 : vector<1x256xf32> to vector<1000x256xf32>
    %add3A_16 = arith.addf %mul3A_12, %add3A : vector<1000x256xf32>
    %get3A_17 = arith.constant 0 : index
    %get3A_18 = arith.constant 0 : index
    %get3A_19 = vector.load %arg4[%get3A_17, %get3A_18] : memref<1x256xf32, #tpu.memory_space<vmem>>, vector<1x256xf32>
    %mul3A_20 = arith.constant 0.999994993 : f32
    %mul3A_21 = vector.broadcast %mul3A_20 : f32 to vector<1x256xf32>
    %mul3A_22 = arith.mulf %get3A_19, %mul3A_21 : vector<1x256xf32>
    %mul3A_23 = vector.broadcast %mul3A_22 : vector<1x256xf32> to vector<1000x256xf32>
    %mul3A_24 = arith.mulf %add3A_16, %mul3A_23 : vector<1000x256xf32>
    %get3A_25 = arith.constant 0 : index
    %get3A_26 = arith.constant 0 : index
    %get3A_27 = vector.load %arg5[%get3A_25, %get3A_26] : memref<1x256xf32, #tpu.memory_space<vmem>>, vector<1x256xf32>
    %add3A_28 = vector.broadcast %get3A_27 : vector<1x256xf32> to vector<1000x256xf32>
    %add3A_29 = arith.addf %mul3A_24, %add3A_28 : vector<1000x256xf32>
    %max3A = arith.constant 0.000000e+00 : f32
    %max3A_30 = vector.broadcast %max3A : f32 to vector<1000x256xf32>
    %max3A_31 = arith.maximumf %add3A_29, %max3A_30 : vector<1000x256xf32>
    %get3A_32 = arith.constant 0 : index
    %get3A_33 = arith.constant 0 : index
    %get3A_34 = vector.load %arg6[%get3A_32, %get3A_33] : memref<256x256xf32, #tpu.memory_space<vmem>>, vector<256x256xf32>
    %dot_general3A = arith.constant dense<0.000000e+00> : vector<1000x256xf32>
    %dot_general3A_35 = tpu.matmul %max3A_31, %get3A_34, %dot_general3A {dimension_numbers = #tpu.dot_dimension_numbers<[1], [0], [0], [1], [0, 0, 1, 1], [], []>, transpose_lhs_hint = false} : vector<1000x256xf32>, vector<256x256xf32>, vector<1000x256xf32> -> vector<1000x256xf32>
    %mul3A_36 = vector.broadcast %get3A_1 : vector<1000x1xf32> to vector<1000x256xf32>
    %mul3A_37 = arith.mulf %dot_general3A_35, %mul3A_36 : vector<1000x256xf32>
    %slice3A = vector.extract_strided_slice %mul3A_37 {offsets = [0, 0], sizes = [1000, 128], strides = [1, 1]} : vector<1000x256xf32> to vector<1000x128xf32>
    %swap3A = arith.constant 0 : index
    %swap3A_38 = arith.constant 0 : index
    %swap3A_39 = arith.constant 0 : index
    %swap3A_40 = vector.load %arg7[%swap3A, %swap3A_38, %swap3A_39] : memref<2x1000x128xf32, #tpu.memory_space<vmem>>, vector<1x1000x128xf32>
    %swap3A_41 = vector.shape_cast %swap3A_40 : vector<1x1000x128xf32> to vector<1000x128xf32>
    %swap3A_42 = vector.shape_cast %slice3A : vector<1000x128xf32> to vector<1x1000x128xf32>
    tpu.vector_store %arg7[%swap3A, %swap3A_38, %swap3A_39], %swap3A_42 {strides = array<i32>} : memref<2x1000x128xf32, #tpu.memory_space<vmem>>, vector<1x1000x128xf32>,
    %slice3A_43 = vector.extract_strided_slice %mul3A_37 {offsets = [0, 128], sizes = [1000, 128], strides = [1, 1]} : vector<1000x256xf32> to vector<1000x128xf32>
    %swap3A_44 = arith.constant 1 : index
    %swap3A_45 = arith.constant 0 : index
    %swap3A_46 = arith.constant 0 : index
    %swap3A_47 = vector.load %arg7[%swap3A_44, %swap3A_45, %swap3A_46] : memref<2x1000x128xf32, #tpu.memory_space<vmem>>, vector<1x1000x128xf32>
    %swap3A_48 = vector.shape_cast %swap3A_47 : vector<1x1000x128xf32> to vector<1000x128xf32>
    %swap3A_49 = vector.shape_cast %slice3A_43 : vector<1000x128xf32> to vector<1x1000x128xf32>
    tpu.vector_store %arg7[%swap3A_44, %swap3A_45, %swap3A_46], %swap3A_49 {strides = array<i32>} : memref<2x1000x128xf32, #tpu.memory_space<vmem>>, vector<1x1000x128xf32>,
    return
  }
  func.func @transform_0(%arg0: i32) -> (i32, i32, i32) {
    %c0_i32 = arith.constant 0 : i32
    %c0_i32_0 = arith.constant 0 : i32
    %c0_i32_1 = arith.constant 0 : i32
    return %c0_i32, %arg0, %c0_i32_0 : i32, i32, i32
  }
  func.func @transform_1(%arg0: i32) -> (i32, i32) {
    %c0_i32 = arith.constant 0 : i32
    %c0_i32_0 = arith.constant 0 : i32
    return %arg0, %c0_i32 : i32, i32
  }
  func.func @transform_2(%arg0: i32) -> (i32, i32) {
    %c0_i32 = arith.constant 0 : i32
    %c0_i32_0 = arith.constant 0 : i32
    %c0_i32_1 = arith.constant 0 : i32
    return %c0_i32, %c0_i32_0 : i32, i32
  }
  func.func @transform_3(%arg0: i32) -> (i32, i32) {
    %c0_i32 = arith.constant 0 : i32
    %c0_i32_0 = arith.constant 0 : i32
    %c0_i32_1 = arith.constant 0 : i32
    return %c0_i32, %c0_i32_0 : i32, i32
  }
  func.func @transform_4(%arg0: i32) -> (i32, i32) {
    %c0_i32 = arith.constant 0 : i32
    %c0_i32_0 = arith.constant 0 : i32
    %c0_i32_1 = arith.constant 0 : i32
    return %c0_i32, %c0_i32_0 : i32, i32
  }
  func.func @transform_5(%arg0: i32) -> (i32, i32) {
    %c0_i32 = arith.constant 0 : i32
    %c0_i32_0 = arith.constant 0 : i32
    %c0_i32_1 = arith.constant 0 : i32
    return %c0_i32, %c0_i32_0 : i32, i32
  }
  func.func @transform_6(%arg0: i32) -> (i32, i32, i32) {
    %c0_i32 = arith.constant 0 : i32
    %c0_i32_0 = arith.constant 0 : i32
    %c0_i32_1 = arith.constant 0 : i32
    return %c0_i32, %arg0, %c0_i32_0 : i32, i32, i32
  }
}

module attributes {stable_mosaic.version = 14 : i64} {
  func.func @body(%arg0: i32, %arg1: memref<2x1000x128xf32, #tpu.memory_space<vmem>>, %arg2: memref<1000x1xf32, #tpu.memory_space<vmem>>, %arg3: memref<1x256xf32, #tpu.memory_space<vmem>>, %arg4: memref<1x256xf32, #tpu.memory_space<vmem>>, %arg5: memref<1x256xf32, #tpu.memory_space<vmem>>, %arg6: memref<256x128xf32, #tpu.memory_space<vmem>>, %arg7: memref<1000x128xf32, #tpu.memory_space<vmem>>) attributes {dimension_semantics = [#tpu.dimension_semantics<arbitrary>], iteration_bounds = array<i64: 10>, scalar_prefetch = 0 : i64, scratch_operands = 0 : i64, tpu.core_type = #tpu.core_type<tc>, window_params = [{transform_indices = @transform_0, window_bounds = array<i64: 2, 1000, 128>}, {transform_indices = @transform_1, window_bounds = array<i64: 1000, 1>}, {pipeline_mode = #tpu.pipeline_mode<synchronous>, transform_indices = @transform_2, window_bounds = array<i64: 1, 256>}, {pipeline_mode = #tpu.pipeline_mode<synchronous>, transform_indices = @transform_3, window_bounds = array<i64: 1, 256>}, {pipeline_mode = #tpu.pipeline_mode<synchronous>, transform_indices = @transform_4, window_bounds = array<i64: 1, 256>}, {pipeline_mode = #tpu.pipeline_mode<synchronous>, transform_indices = @transform_5, window_bounds = array<i64: 256, 128>}, {transform_indices = @transform_6, window_bounds = array<i64: 1000, 128>}]} {
    %get3A = arith.constant 0 : index
    %get3A_0 = arith.constant 0 : index
    %get3A_1 = vector.load %arg2[%get3A, %get3A_0] : memref<1000x1xf32, #tpu.memory_space<vmem>>, vector<1000x1xf32>
    %get3A_2 = arith.constant 0 : index
    %get3A_3 = arith.constant 0 : index
    %get3A_4 = arith.constant 0 : index
    %get3A_5 = vector.load %arg1[%get3A_2, %get3A_3, %get3A_4] : memref<2x1000x128xf32, #tpu.memory_space<vmem>>, vector<1x1000x128xf32>
    %get3A_6 = vector.shape_cast %get3A_5 : vector<1x1000x128xf32> to vector<1000x128xf32>
    %get3A_7 = arith.constant 1 : index
    %get3A_8 = arith.constant 0 : index
    %get3A_9 = arith.constant 0 : index
    %get3A_10 = vector.load %arg1[%get3A_7, %get3A_8, %get3A_9] : memref<2x1000x128xf32, #tpu.memory_space<vmem>>, vector<1x1000x128xf32>
    %get3A_11 = vector.shape_cast %get3A_10 : vector<1x1000x128xf32> to vector<1000x128xf32>
    %concatenate3A = tpu.concatenate %get3A_6, %get3A_11 in 1 : vector<1000x128xf32>, vector<1000x128xf32> -> vector<1000x256xf32>
    %mul3A = vector.broadcast %get3A_1 : vector<1000x1xf32> to vector<1000x256xf32>
    %mul3A_12 = arith.mulf %concatenate3A, %mul3A : vector<1000x256xf32>
    %get3A_13 = arith.constant 0 : index
    %get3A_14 = arith.constant 0 : index
    %get3A_15 = vector.load %arg3[%get3A_13, %get3A_14] : memref<1x256xf32, #tpu.memory_space<vmem>>, vector<1x256xf32>
    %add3A = vector.broadcast %get3A_15 : vector<1x256xf32> to vector<1000x256xf32>
    %add3A_16 = arith.addf %mul3A_12, %add3A : vector<1000x256xf32>
    %get3A_17 = arith.constant 0 : index
    %get3A_18 = arith.constant 0 : index
    %get3A_19 = vector.load %arg4[%get3A_17, %get3A_18] : memref<1x256xf32, #tpu.memory_space<vmem>>, vector<1x256xf32>
    %mul3A_20 = arith.constant 0.999994993 : f32
    %mul3A_21 = vector.broadcast %mul3A_20 : f32 to vector<1x256xf32>
    %mul3A_22 = arith.mulf %get3A_19, %mul3A_21 : vector<1x256xf32>
    %mul3A_23 = vector.broadcast %mul3A_22 : vector<1x256xf32> to vector<1000x256xf32>
    %mul3A_24 = arith.mulf %add3A_16, %mul3A_23 : vector<1000x256xf32>
    %get3A_25 = arith.constant 0 : index
    %get3A_26 = arith.constant 0 : index
    %get3A_27 = vector.load %arg5[%get3A_25, %get3A_26] : memref<1x256xf32, #tpu.memory_space<vmem>>, vector<1x256xf32>
    %add3A_28 = vector.broadcast %get3A_27 : vector<1x256xf32> to vector<1000x256xf32>
    %add3A_29 = arith.addf %mul3A_24, %add3A_28 : vector<1000x256xf32>
    %max3A = arith.constant 0.000000e+00 : f32
    %max3A_30 = vector.broadcast %max3A : f32 to vector<1000x256xf32>
    %max3A_31 = arith.maximumf %add3A_29, %max3A_30 : vector<1000x256xf32>
    %get3A_32 = arith.constant 0 : index
    %get3A_33 = arith.constant 0 : index
    %get3A_34 = vector.load %arg6[%get3A_32, %get3A_33] : memref<256x128xf32, #tpu.memory_space<vmem>>, vector<256x128xf32>
    %dot_general3A = arith.constant dense<0.000000e+00> : vector<1000x128xf32>
    %dot_general3A_35 = tpu.matmul %max3A_31, %get3A_34, %dot_general3A {dimension_numbers = #tpu.dot_dimension_numbers<[1], [0], [0], [1], [0, 0, 1, 1], [], []>, transpose_lhs_hint = false} : vector<1000x256xf32>, vector<256x128xf32>, vector<1000x128xf32> -> vector<1000x128xf32>
    %mul3A_36 = vector.broadcast %get3A_1 : vector<1000x1xf32> to vector<1000x128xf32>
    %mul3A_37 = arith.mulf %dot_general3A_35, %mul3A_36 : vector<1000x128xf32>
    %swap3A = arith.constant 0 : index
    %swap3A_38 = arith.constant 0 : index
    %swap3A_39 = vector.load %arg7[%swap3A, %swap3A_38] : memref<1000x128xf32, #tpu.memory_space<vmem>>, vector<1000x128xf32>
    tpu.vector_store %arg7[%swap3A, %swap3A_38], %mul3A_37 {strides = array<i32>} : memref<1000x128xf32, #tpu.memory_space<vmem>>, vector<1000x128xf32>,
    return
  }
  func.func @transform_0(%arg0: i32) -> (i32, i32, i32) {
    %c0_i32 = arith.constant 0 : i32
    %c0_i32_0 = arith.constant 0 : i32
    %c0_i32_1 = arith.constant 0 : i32
    return %c0_i32, %arg0, %c0_i32_0 : i32, i32, i32
  }
  func.func @transform_1(%arg0: i32) -> (i32, i32) {
    %c0_i32 = arith.constant 0 : i32
    %c0_i32_0 = arith.constant 0 : i32
    return %arg0, %c0_i32 : i32, i32
  }
  func.func @transform_2(%arg0: i32) -> (i32, i32) {
    %c0_i32 = arith.constant 0 : i32
    %c0_i32_0 = arith.constant 0 : i32
    %c0_i32_1 = arith.constant 0 : i32
    return %c0_i32, %c0_i32_0 : i32, i32
  }
  func.func @transform_3(%arg0: i32) -> (i32, i32) {
    %c0_i32 = arith.constant 0 : i32
    %c0_i32_0 = arith.constant 0 : i32
    %c0_i32_1 = arith.constant 0 : i32
    return %c0_i32, %c0_i32_0 : i32, i32
  }
  func.func @transform_4(%arg0: i32) -> (i32, i32) {
    %c0_i32 = arith.constant 0 : i32
    %c0_i32_0 = arith.constant 0 : i32
    %c0_i32_1 = arith.constant 0 : i32
    return %c0_i32, %c0_i32_0 : i32, i32
  }
  func.func @transform_5(%arg0: i32) -> (i32, i32) {
    %c0_i32 = arith.constant 0 : i32
    %c0_i32_0 = arith.constant 0 : i32
    %c0_i32_1 = arith.constant 0 : i32
    return %c0_i32, %c0_i32_0 : i32, i32
  }
  func.func @transform_6(%arg0: i32) -> (i32, i32) {
    %c0_i32 = arith.constant 0 : i32
    %c0_i32_0 = arith.constant 0 : i32
    return %arg0, %c0_i32 : i32, i32
  }
}

module attributes {stable_mosaic.version = 14 : i64} {
  func.func @_k4_body(%arg0: i32, %arg1: memref<2x1000x128xf32, #tpu.memory_space<vmem>>, %arg2: memref<1000x128xf32, #tpu.memory_space<vmem>>, %arg3: memref<1000x1xf32, #tpu.memory_space<vmem>>, %arg4: memref<1x128xf32, #tpu.memory_space<vmem>>, %arg5: memref<1000x128xf32, #tpu.memory_space<vmem>>) attributes {dimension_semantics = [#tpu.dimension_semantics<arbitrary>], iteration_bounds = array<i64: 10>, scalar_prefetch = 0 : i64, scratch_operands = 0 : i64, tpu.core_type = #tpu.core_type<tc>, window_params = [{transform_indices = @transform_0, window_bounds = array<i64: 2, 1000, 128>}, {transform_indices = @transform_1, window_bounds = array<i64: 1000, 128>}, {transform_indices = @transform_2, window_bounds = array<i64: 1000, 1>}, {pipeline_mode = #tpu.pipeline_mode<synchronous>, transform_indices = @transform_3, window_bounds = array<i64: 1, 128>}, {transform_indices = @transform_4, window_bounds = array<i64: 1000, 128>}]} {
    %get3A = arith.constant 0 : index
    %get3A_0 = arith.constant 0 : index
    %get3A_1 = arith.constant 0 : index
    %get3A_2 = vector.load %arg1[%get3A, %get3A_0, %get3A_1] : memref<2x1000x128xf32, #tpu.memory_space<vmem>>, vector<1x1000x128xf32>
    %get3A_3 = vector.shape_cast %get3A_2 : vector<1x1000x128xf32> to vector<1000x128xf32>
    %get3A_4 = arith.constant 1 : index
    %get3A_5 = arith.constant 0 : index
    %get3A_6 = arith.constant 0 : index
    %get3A_7 = vector.load %arg1[%get3A_4, %get3A_5, %get3A_6] : memref<2x1000x128xf32, #tpu.memory_space<vmem>>, vector<1x1000x128xf32>
    %get3A_8 = vector.shape_cast %get3A_7 : vector<1x1000x128xf32> to vector<1000x128xf32>
    %add3A = arith.addf %get3A_3, %get3A_8 : vector<1000x128xf32>
    %get3A_9 = arith.constant 0 : index
    %get3A_10 = arith.constant 0 : index
    %get3A_11 = vector.load %arg2[%get3A_9, %get3A_10] : memref<1000x128xf32, #tpu.memory_space<vmem>>, vector<1000x128xf32>
    %sub3A = arith.subf %add3A, %get3A_11 : vector<1000x128xf32>
    %get3A_12 = arith.constant 0 : index
    %get3A_13 = arith.constant 0 : index
    %get3A_14 = vector.load %arg3[%get3A_12, %get3A_13] : memref<1000x1xf32, #tpu.memory_space<vmem>>, vector<1000x1xf32>
    %mul3A = vector.broadcast %get3A_14 : vector<1000x1xf32> to vector<1000x128xf32>
    %mul3A_15 = arith.mulf %sub3A, %mul3A : vector<1000x128xf32>
    %get3A_16 = arith.constant 0 : index
    %get3A_17 = arith.constant 0 : index
    %get3A_18 = vector.load %arg4[%get3A_16, %get3A_17] : memref<1x128xf32, #tpu.memory_space<vmem>>, vector<1x128xf32>
    %add3A_19 = vector.broadcast %get3A_18 : vector<1x128xf32> to vector<1000x128xf32>
    %add3A_20 = arith.addf %mul3A_15, %add3A_19 : vector<1000x128xf32>
    %swap3A = arith.constant 0 : index
    %swap3A_21 = arith.constant 0 : index
    %swap3A_22 = vector.load %arg5[%swap3A, %swap3A_21] : memref<1000x128xf32, #tpu.memory_space<vmem>>, vector<1000x128xf32>
    tpu.vector_store %arg5[%swap3A, %swap3A_21], %add3A_20 {strides = array<i32>} : memref<1000x128xf32, #tpu.memory_space<vmem>>, vector<1000x128xf32>,
    return
  }
  func.func @transform_0(%arg0: i32) -> (i32, i32, i32) {
    %c0_i32 = arith.constant 0 : i32
    %c0_i32_0 = arith.constant 0 : i32
    %c0_i32_1 = arith.constant 0 : i32
    return %c0_i32, %arg0, %c0_i32_0 : i32, i32, i32
  }
  func.func @transform_1(%arg0: i32) -> (i32, i32) {
    %c0_i32 = arith.constant 0 : i32
    %c0_i32_0 = arith.constant 0 : i32
    return %arg0, %c0_i32 : i32, i32
  }
  func.func @transform_2(%arg0: i32) -> (i32, i32) {
    %c0_i32 = arith.constant 0 : i32
    %c0_i32_0 = arith.constant 0 : i32
    return %arg0, %c0_i32 : i32, i32
  }
  func.func @transform_3(%arg0: i32) -> (i32, i32) {
    %c0_i32 = arith.constant 0 : i32
    %c0_i32_0 = arith.constant 0 : i32
    %c0_i32_1 = arith.constant 0 : i32
    return %c0_i32, %c0_i32_0 : i32, i32
  }
  func.func @transform_4(%arg0: i32) -> (i32, i32) {
    %c0_i32 = arith.constant 0 : i32
    %c0_i32_0 = arith.constant 0 : i32
    return %arg0, %c0_i32 : i32, i32
  }
}

</mosaic_0001>

<sc_bundles>
// kernel: kernel.10.cloned.1.call-start
scs
__scs_entry_jumppad:
0x0: {  	(pc) =	sbr.rel $0x88, $3  }
0x1: {  	(tag) =	ssettag $0x0;
	lr =	simm.s32 $0x1  }
0x2: {  	[smem:$0x3F95] =	sst lr;
	_ =	strace $0xD0000000  }
0x3: {  	_ = 	snop  }
0x4: {  	_ = 	snop  }
0x5: {  	_ = 	snop  }
0x6: {  	_ = 	snop  }
0x7: {  	_ = 	snop  }
__scs_overlays_trampoline_lowered:
0x8: {  	[smem:$0x3FA4] =	sst s0  }
0x9: {  	[smem:$0x3FA5] =	sst s1  }
0xa: {  	[smem:$0x3FA6] =	sst s2  }
0xb: {  	[smem:$0x3FA7] =	sst s3  }
0xc: {  	[smem:$0x3FA8] =	sst s4  }
0xd: {  	[smem:$0x3FA9] =	sst s5  }
0xe: {  	[smem:$0x3FAA] =	sst s6  }
0xf: {  	[smem:$0x3FAB] =	sst s7  }
0x10: {  	[smem:$0x3FAC] =	sst s8  }
0x11: {  	[smem:$0x3FAD] =	sst s9;
	s0 =	simm.s32 @!p0 $0x0  }
0x12: {  	s1 =	sld [smem:$0x3F93];
	s0 =	simm.s32 @p0 $0x1  }
0x13: {  	[smem:$0x3FAE] =	sst s0;
	s0 =	simm.s32 @!p1 $0x0  }
0x14: {  	s2 =	sld [smem:$0x3F92];
	s0 =	simm.s32 @p1 $0x1  }
0x15: {  	[smem:$0x3FAF] =	sst s0;
	s0 =	simm.s32 @!p2 $0x0  }
0x16: {  	s3 =	sld [smem:$0x3FDB];
	s0 =	simm.s32 @p2 $0x1  }
0x17: {  	s4 =	simm.s32 $0x1BF5;
	[smem:$0x3FB1] =	sst s0  }
0x18: {  	s0 =	sld [smem:$0x3F94];
	_ =	swait.ge [sflag:s4], $0x0  }
0x19: {  	s7 =	sld [smem:$0x3F95]  }
0x1a: {  	s8 =	sadd.s32 $0xFFFFE003, lr  }
0x1b: {  	s9 =	sadd.s32 $0xFFFFFEF7, lr;
	s5 =	simm.s32 $0xFFFFFFFF;
	p2 =	slt.u32 s8, $0xFFFFF086  }
0x1c: {  	p1 =	slt.u32 s9, $0xF7A;
	s5 =	simm.s32 @!p2 $0x0  }
0x1d: {  	s5 =	simm.s32 @p1 $0x1;
	p0 =	seq.s32 s7, s2  }
0x1e: {  	s7 =	smul.u32 @!p0 $0xF7A, s2;
	p2 =	seq.s32 @!p0 s5, $0x0  }
0x1f: {  	s9 =	smul.u32 $0xF7A, s1;
	s8 =	simm.s32 @!p0 $0x1BF5;
	p2 =	por !p2, p0  }
0x20: {  	[sflag:s8] =	ssyncset.s32 @!p0 $0xFFFFF086;
	s6 =	sadd.s32 @!p0 s3, s7;
	s7 =	simm.s32 @!p0 $0x108  }
0x21: {  	s3 =	sadd.s32 s3, s9;
	s6 =	sadd.s32 @!p0 $0x88, s6;
	s7 =	simm.s32 @p2 $0x1082  }
0x22: {  	[simem:s7], [sflag:s8] =	dma.local @!p0 [hbm:s6], $0xF7A  }
0x23: {  	s9 =	sor.u32 $0xD0000000, s2;
	s6 =	simm.s32 $0x108;
	_ =	swait.ge @!p0 [sflag:s8], $0x0  }
0x24: {  	s3 =	sadd.s32 $0x88, s3;
	s6 =	simm.s32 @!p1 $0x1082;
	[sflag:s4] =	ssyncset.s32 $0xFFFFF086  }
0x25: {  	[simem:s6], [sflag:s4] =	dma.local [hbm:s3], $0xF7A  }
0x26: {  	[smem:$0x3F95] =	sst s1;
	(tag) =	ssettag s2;
	_ =	strace s9  }
0x27: {  	s1 =	sld [smem:$0x3FA5]  }
0x28: {  	s2 =	sld [smem:$0x3FA6]  }
0x29: {  	s4 =	sld [smem:$0x3FA8]  }
0x2a: {  	p0 =	seq.s32 s5, $0x0;
	s5 =	sld [smem:$0x3FA9]  }
0x2b: {  	s6 =	sld [smem:$0x3FAA]  }
0x2c: {  	s7 =	sld [smem:$0x3FAB]  }
0x2d: {  	s3 =	simm.s32 $0x108;
	s8 =	sld [smem:$0x3FAC]  }
0x2e: {  	s3 =	simm.s32 @!p0 $0x1082;
	s9 =	sld [smem:$0x3FAD]  }
0x2f: {  	lr =	sadd.s32 s0, s3;
	s0 =	sld [smem:$0x3FA4]  }
0x30: {  	s3 =	sld [smem:$0x3FA7]  }
0x31: {  	[smem:$0x3FB0] =	sst s10  }
0x32: {  	s10 =	sld [smem:$0x3FAE];
	_ =	sdelay $0x3  }
0x33: {  	p0 =	seq.s32 s10, $0x1;
	s10 =	sld [smem:$0x3FB0];
	_ =	sdelay $0x3  }
0x34: {  	[smem:$0x3FB0] =	sst s10  }
0x35: {  	s10 =	sld [smem:$0x3FAF];
	_ =	sdelay $0x3  }
0x36: {  	p1 =	seq.s32 s10, $0x1;
	s10 =	sld [smem:$0x3FB0];
	_ =	sdelay $0x3  }
0x37: {  	[smem:$0x3FB0] =	sst s10  }
0x38: {  	s10 =	sld [smem:$0x3FB1]  }
0x39: {  	_ = 	snop;
	(pc) =	sbr.ind lr, $3  }
0x3a: {  	_ = 	snop  }
0x3b: {  	_ = 	snop  }
0x3c: {  	p2 =	seq.s32 s10, $0x1;
	s10 =	sld [smem:$0x3FB0]  }
0x3d: {  	_ =	shalt  }
0x3e: {  	_ =	shalt  }
0x3f: {  	_ =	shalt  }
0x40: {  	_ =	shalt  }
0x41: {  	_ =	shalt  }
0x42: {  	_ =	shalt  }
0x43: {  	_ =	shalt  }
0x44: {  	_ =	shalt  }
0x45: {  	_ =	shalt  }
0x46: {  	_ =	shalt  }
0x47: {  	_ =	shalt  }
0x48: {  	_ =	shalt  }
0x49: {  	_ =	shalt  }
0x4a: {  	_ =	shalt  }
0x4b: {  	_ =	shalt  }
0x4c: {  	_ =	shalt  }
0x4d: {  	_ =	shalt  }
0x4e: {  	_ =	shalt  }
0x4f: {  	_ =	shalt  }
0x50: {  	_ =	shalt  }
0x51: {  	_ =	shalt  }
0x52: {  	_ =	shalt  }
0x53: {  	_ =	shalt  }
0x54: {  	_ =	shalt  }
0x55: {  	_ =	shalt  }
0x56: {  	_ =	shalt  }
0x57: {  	_ =	shalt  }
0x58: {  	_ =	shalt  }
0x59: {  	_ =	shalt  }
0x5a: {  	_ =	shalt  }
0x5b: {  	_ =	shalt  }
0x5c: {  	_ =	shalt  }
0x5d: {  	_ =	shalt  }
0x5e: {  	_ =	shalt  }
0x5f: {  	_ =	shalt  }
0x60: {  	_ =	shalt  }
0x61: {  	_ =	shalt  }
0x62: {  	_ =	shalt  }
0x63: {  	_ =	shalt  }
0x64: {  	_ =	shalt  }
0x65: {  	_ =	shalt  }
0x66: {  	_ =	shalt  }
0x67: {  	_ =	shalt  }
0x68: {  	_ =	shalt  }
0x69: {  	_ =	shalt  }
0x6a: {  	_ =	shalt  }
0x6b: {  	_ =	shalt  }
0x6c: {  	_ =	shalt  }
0x6d: {  	_ =	shalt  }
0x6e: {  	_ =	shalt  }
0x6f: {  	_ =	shalt  }
0x70: {  	_ =	shalt  }
0x71: {  	_ =	shalt  }
0x72: {  	_ =	shalt  }
0x73: {  	_ =	shalt  }
0x74: {  	_ =	shalt  }
0x75: {  	_ =	shalt  }
0x76: {  	_ =	shalt  }
0x77: {  	_ =	shalt  }
0x78: {  	_ =	shalt  }
0x79: {  	_ =	shalt  }
0x7a: {  	_ =	shalt  }
0x7b: {  	_ =	shalt  }
0x7c: {  	_ =	shalt  }
0x7d: {  	_ =	shalt  }
0x7e: {  	_ =	shalt  }
0x7f: {  	_ =	shalt  }
0x80: {  	_ =	shalt  }
0x81: {  	_ =	shalt  }
0x82: {  	_ =	shalt  }
0x83: {  	_ =	shalt  }
0x84: {  	_ =	shalt  }
0x85: {  	_ =	shalt  }
0x86: {  	_ =	shalt  }
0x87: {  	_ =	shalt  }
.Lfunc_end0:
.L_simem_size_0:
called_computation_lowered:
.L_overlay_start_0:
0x88: {  	s2 =	sld [smem:$0x3FD9]  }
0x89: {  	s3 =	sld [smem:$0x3FFE];
	_ =	sdelay $0x1  }
0x8a: {  	s1 =	srdreg.scid  }
0x8b: {  	s0 =	sand.u32 $0x1, s1  }
0x8c: {  	s17 =	sshll.u32 s0, $0xA;
	s2 =	sadd.s32 s3, s2  }
0x8d: {  	s2 =	sadd.s32 s2, s17  }
0x8e: {  	[smem:$0x3FBC] =	sst s2  }
0x8f: {  	_ = 	snop  }
0x90: {  	s2 =	sld [smem:$0x3FD0];
	(tm) =	ssettm $0x1  }
0x91: {  	s18 =	sld [smem:$0x3FFB];
	_ =	sdelay $0x3  }
0x92: {  	_ =	strace s18  }
0x93: {  	s3 =	sld [smem:$0x3FFC];
	_ =	sdelay $0x3  }
0x94: {  	_ =	strace s3  }
0x95: {  	s3 =	sld [smem:$0x3FFD];
	_ =	sdelay $0x3  }
0x96: {  	_ =	strace s3  }
0x97: {  	_ =	strace $0x8FFFFFFF  }
0x98: {  	s19 =	sld [smem:$0x3FDB];
	_ =	sdelay $0x1  }
0x99: {  	s4 =	simm.s32 $_scs_section_size  }
0x9a: {  	s5 =	simm.s32 $_size__tile_overlayer_lowered;
	s6 =	simm.s32 $_tile_overlayer_lowered  }
0x9b: {  	s22 =	simm.s32 $0x1BFF;
	s21 =	sshll.u32 s6, $0x1;
	s3 =	sadd.s32 s4, s19  }
0x9c: {  	s7 =	simm.s32 $0x0;
	s20 =	sshll.u32 s5, $0x1;
	s5 =	sadd.s32 s21, s3  }
0x9d: {  	[timem:s7], [sflag:s22] =	dma.local [hbm:s5], s20  }
0x9e: {  	_ =	swait.ge [sflag:s22], s20  }
0x9f: {  	s4 =	ssub.s32 $0x0, s20;
	[sflag:s22] =	ssyncset.done $0x0  }
0xa0: {  	[sflag:s22] =	ssyncadd.s32 s4;
	_ =	sdelay $0x1  }
0xa1: {  	s23 =	simm.s32 $0x1B8B  }
0xa2: {  	_ =	swait.ge [sflag:s23], $0x1  }
0xa3: {  	[sflag:s23] =	ssyncset.done $0x0  }
0xa4: {  	s25 =	simm.s32 $0x1B8E;
	s24 =	sld [smem:$0x3FFE];
	[sflag:s23] =	ssyncadd.s32 $0xFFFFFFFF  }
0xa5: {  	s26 =	simm.s32 $execute0_lowered;
	[smem:$0x3FD2] =	sst s25  }
0xa6: {  	s5 =	sshll.u32 s26, $0x1;
	_ =	strace $0x80000046;
	[dreg:$0x1] =	wrdreg $0xFFFFFFFF  }
0xa7: {  	s28 =	simm.s32 $_size_execute0_lowered;
	s3 =	sadd.s32 s3, s5;
	[dreg:$0x0] =	wrdreg $0x0  }
0xa8: {  	s5 =	sshll.u32 s28, $0x1;
	[dreg:$0x2] =	wrdreg s3  }
0xa9: {  	[dreg:$0x3] =	wrdreg s5  }
0xaa: {  	[dreg:$0x4] =	wrdreg $0xC0  }
0xab: {  	_ =	task [dreg:s7], $0x5FFFF  }
0xac: {  	[dreg:$0x1] =	wrdreg $0xFFFFFFFF  }
0xad: {  	[dreg:$0x0] =	wrdreg $0x60  }
0xae: {  	[dreg:$0x2] =	wrdreg s24  }
0xaf: {  	[dreg:$0x3] =	wrdreg s2  }
0xb0: {  	[dreg:$0x4] =	wrdreg $0x41000  }
0xb1: {  	[dreg:$0x5] =	wrdreg $0x9  }
0xb2: {  	_ =	task.clear_ibuf [dreg:s7], $0x6FFFF;
	_ =	strace $0x90000046  }
0xb3: {  	s29 =	simm.s32 $0x9;
	_ =	strace $0x80000048  }
0xb4: {  	_ =	swait.ge [sflag:s29], $0x1  }
0xb5: {  	[sflag:s29] =	ssyncadd.s32 $0xFFFFFFFF  }
0xb6: {  	_ =	strace $0x90000048  }
0xb7: {  	_ =	sfence  }
0xb8: {  	s30 =	sld [smem:$0x0];
	_ =	sdelay $0x2  }
0xb9: {  	s31 =	sshll.u32 s1, $0xD;
	s1 =	sshrl.u32 s1, $0x2  }
0xba: {  	s3 =	sand.u32 $0x4000, s31;
	s1 =	sadd.s32 s1, s30  }
0xbb: {  	s0 =	sor.u32 s3, s0;
	s1 =	sshll.u32 s1, $0x11  }
0xbc: {  	s0 =	sor.u32 s1, s0  }
0xbd: {  	s0 =	sadd.s32 $0x8F2B, s0  }
0xbe: {  	[sflag:s0] =	ssyncadd.remote.s32 $0x1  }
0xbf: {  	_ =	sfence.sel $0xFFFF  }
0xc0: {  	[dreg:$0x0] =	wrdreg $0xFFFFFFFF;
	(pc) =	sbr.abs _section_cstart, $3  }
0xc1: {  	[dreg:$0x1] =	wrdreg $0xFFFFFFFF  }
0xc2: {  	_ =	task.clear_ibuf [dreg:s7], $0x2FFFF;
	_ =	strace $0x9FFFFFFF  }
0xc3: {  	(tm) =	ssettm $0x7FFFFFFF  }
tec
execute0_lowered:
.L_overlay_start_1:
0x0: {  	(tag) =	ssettag $0x1  }
0x1: {  	s5 =	rddreg [dreg:$0x0]  }
0x2: {  	s6 =	rddreg [dreg:$0x1]  }
0x3: {  	s1 =	rddreg [dreg:$0x2];
	s2 =	srdreg.scid  }
0x4: {  	s0 =	rddreg [dreg:$0x3];
	s7 =	sand.u32 $0x1, s2  }
0x5: {  	s3 =	simm.s32 $0x0;
	s2 =	stileid.u32;
	s4 =	smul.u32 $0x138800, s7  }
0x6: {  	s16 =	simm.s32 $0x80;
	s17 =	simm.s32 $0x1;
	s8 =	smul.u32 $0x1F400, s2  }
0x7: {  	s18 =	simm.s32 $0x0;
	[smem:$0x7FF] =	sst s3;
	s9 =	smul.u32 $0x7D000, s2  }
0x8: {  	s11 =	sadd.s32 $0x2A00, s5;
	_ =	strace $0x80000047;
	s12 =	smul.u32 $0x3E80, s2  }
0x9: {  	s10 =	sshll.u32 s7, $0x4;
	s25 =	ssub.s32 $0x2, s7;
	s7 =	smul.u32 $0x14000, s7  }
0xa: {  	s14 =	smul.u32 $0x1400, s2;
	p0 =	sgt.u32 s2, $0x9;
	s10 =	sor.u32 s2, s10  }
0xb: {  	s13 =	sshrl.u32 s25, $0x1;
	s8 =	sadd.s32 s8, s4;
	s4 =	sadd.s32 $0x7A00, s5  }
0xc: {  	s10 =	smul.u32 $0x1400, s10;
	s9 =	sshrl.u32 s9, $0x2;
	s13 =	ssub.s32 s25, s13  }
0xd: {  	s28 =	sadd.s32 s14, s7;
	s14 =	sshll.u32 @!p0 s2, $0x6;
	s8 =	sshrl.u32 s8, $0x3  }
0xe: {  	s15 =	sadd.s32 s9, s1;
	s29 =	sor.u32 $0x100, s28;
	s30 =	sor.u32 $0x80, s28  }
0xf: {  	s14 =	sor.u32 @!p0 $0x1C02, s14;
	s8 =	sadd.s32 s8, s5;
	s26 =	sshrl.u32 s10, $0x3  }
0x10: {  	s5 =	sadd.s32 s6, s12;
	s12 =	sshrl.u32 s29, $0x3;
	s31 =	sshrl.u32 s30, $0x3  }
0x11: {  	s15 =	sshrl.u32 @!p0 s15, $0x3;
	s6 =	sadd.s32 s11, s26;
	s7 =	sadd.s32 $0x8200, s8  }
0x12: {  	s8 =	smax.u32 s13, $0x1;
	s10 =	sadd.s32 s12, s11;
	s11 =	sadd.s32 s31, s11  }
0x13: {  	s12 =	simm.s32 $0x100;
	s13 =	simm.s32 $0x2;
	s9 =	sadd.s32 $0x270, s6  }
.LBB2_1:
0x14: {  	[tilespmem:s12], [sflag:$0x2] =	stream.linear.gather [hbm4b:s4+s3], $0x4000, $0x38;
	[tilespmem:$0x179C0] =	vst v63  }
0x15: {  	_ =	swait.ge [sflag:s13], $0x4000  }
0x16: {  	[sflag:s13] =	ssyncset.done $0x0  }
0x17: {  	s19 =	simm.s32 @!p0 $0x2;
	[sflag:s13] =	ssyncadd.s32 $0xFFFFC000  }
0x18: {  	[spmem:s15], [sflag:s14] =	dma.local @!p0 [hbm:s5], $0x3E80  }
0x19: {  	_ =	swait.ge @!p0 [sflag:s19], $0x3E80  }
0x1a: {  	[sflag:s19] =	ssyncset.done @!p0 $0x0  }
0x1b: {  	[sflag:s19] =	ssyncadd.s32 @!p0 $0xFFFFC180  }
0x1c: {  	[bflag:$0x0] =	sbarrier.arrive $0xFFFF  }
0x1d: {  	[tilespmem:s3], [sflag:$0x2] =	stream.linear.gather [hbm4b:s6+s3], $0x80, $0x38;
	[tilespmem:$0x179C0] =	vst v63  }
0x1e: {  	_ =	swait.ge [sflag:s13], $0x80  }
0x1f: {  	[sflag:s13] =	ssyncset.done $0x0  }
0x20: {  	[sflag:s13] =	ssyncadd.s32 $0xFFFFFF80  }
0x21: {  	[spmem:s1] =	stream.indirect.scatter.add.f32 [tilespmem:s12], [sflag:$0x1], $0x80, s3, s16, $0xb8;
	[tilespmem:$0x179C0] =	vst v63  }
0x22: {  	s30 =	sadd.s32 $0x0, s11  }
0x23: {  	[tilespmem:s16], [sflag:$0x2] =	stream.linear.gather [hbm4b:s30+s3], $0x80, $0x38;
	[tilespmem:$0x179C0] =	vst v63  }
0x24: {  	_ =	swait.ge [sflag:s13], $0x80  }
0x25: {  	[sflag:s13] =	ssyncset.done $0x0  }
0x26: {  	[sflag:s13] =	ssyncadd.s32 $0xFFFFFF80  }
0x27: {  	_ =	swait.ge [sflag:s17], $0x4000  }
0x28: {  	[sflag:s17] =	ssyncset.done $0x0  }
0x29: {  	[sflag:s17] =	ssyncadd.s32 $0xFFFFC000  }
0x2a: {  	[spmem:s1] =	stream.indirect.scatter.add.f32 [tilespmem:s12], [sflag:$0x1], $0x80, s16, s16, $0xb8;
	[tilespmem:$0x179C0] =	vst v63  }
0x2b: {  	s31 =	sadd.s32 $0x0, s10  }
0x2c: {  	[tilespmem:s3], [sflag:$0x2] =	stream.linear.gather [hbm4b:s31+s3], $0x80, $0x38;
	[tilespmem:$0x179C0] =	vst v63  }
0x2d: {  	_ =	swait.ge [sflag:s13], $0x80  }
0x2e: {  	[sflag:s13] =	ssyncset.done $0x0  }
0x2f: {  	[sflag:s13] =	ssyncadd.s32 $0xFFFFFF80  }
0x30: {  	_ =	swait.ge [sflag:s17], $0x4000  }
0x31: {  	s19 =	simm.s32 $0x20;
	[sflag:s17] =	ssyncset.done $0x0  }
.LBB2_2:
0x32: {  	p1 =	sne.s32 s19, $0x240  }
0x33: {  	[sflag:s17] =	ssyncadd.s32 $0xFFFFC000;
	s20 =	smov.u32 s19;
	s19 =	sadd.s32 $0x20, s19  }
0x34: {  	[spmem:s1] =	stream.indirect.scatter.add.f32 [tilespmem:s12], [sflag:$0x1], $0x80, s3, s16, $0xb8;
	[tilespmem:$0x179C0] =	vst v63  }
0x35: {  	s21 =	sadd.s32 s20, s11  }
0x36: {  	[tilespmem:s16], [sflag:$0x2] =	stream.linear.gather [hbm4b:s21+s3], $0x80, $0x38;
	[tilespmem:$0x179C0] =	vst v63  }
0x37: {  	_ =	swait.ge [sflag:s13], $0x80  }
0x38: {  	[sflag:s13] =	ssyncset.done $0x0  }
0x39: {  	[sflag:s13] =	ssyncadd.s32 $0xFFFFFF80  }
0x3a: {  	_ =	swait.ge [sflag:s17], $0x4000  }
0x3b: {  	[sflag:s17] =	ssyncset.done $0x0  }
0x3c: {  	[sflag:s17] =	ssyncadd.s32 $0xFFFFC000  }
0x3d: {  	[spmem:s1] =	stream.indirect.scatter.add.f32 [tilespmem:s12], [sflag:$0x1], $0x80, s16, s16, $0xb8;
	[tilespmem:$0x179C0] =	vst v63  }
0x3e: {  	s20 =	sadd.s32 s20, s10  }
0x3f: {  	[tilespmem:s3], [sflag:$0x2] =	stream.linear.gather [hbm4b:s20+s3], $0x80, $0x38;
	[tilespmem:$0x179C0] =	vst v63  }
.Ltmp0:
0x40: {  	_ =	swait.ge [sflag:s13], $0x80;
	(pc) =	sbr.rel @p1 .LBB2_2-.Ltmp0, $4  }
0x41: {  	[sflag:s13] =	ssyncset.done $0x0  }
0x42: {  	[sflag:s13] =	ssyncadd.s32 $0xFFFFFF80  }
0x43: {  	_ =	swait.ge [sflag:s17], $0x4000  }
0x44: {  	[sflag:s17] =	ssyncset.done $0x0  }
0x45: {  	[sflag:s17] =	ssyncadd.s32 $0xFFFFC000  }
0x46: {  	[spmem:s1] =	stream.indirect.scatter.add.f32 [tilespmem:s12], [sflag:$0x1], $0x80, s3, s16, $0xb8;
	[tilespmem:$0x179C0] =	vst v63  }
0x47: {  	_ = 	snop  }
0x48: {  	[tilespmem:s16], [sflag:$0x2] =	stream.linear.gather [hbm4b:s9+s3], $0x80, $0x38;
	[tilespmem:$0x179C0] =	vst v63  }
0x49: {  	_ =	swait.ge [sflag:s13], $0x80  }
0x4a: {  	[sflag:s13] =	ssyncset.done $0x0  }
0x4b: {  	[sflag:s13] =	ssyncadd.s32 $0xFFFFFF80  }
0x4c: {  	_ =	swait.ge [sflag:s17], $0x4000  }
0x4d: {  	[sflag:s17] =	ssyncset.done $0x0  }
0x4e: {  	[sflag:s17] =	ssyncadd.s32 $0xFFFFC000  }
0x4f: {  	[spmem:s1] =	stream.indirect.scatter.add.f32 [tilespmem:s12], [sflag:$0x1], $0x80, s16, s16, $0xb8;
	[tilespmem:$0x179C0] =	vst v63  }
0x50: {  	_ =	swait.ge [sflag:s17], $0x4000  }
0x51: {  	s18 =	sadd.s32 $0x1, s18;
	[sflag:s17] =	ssyncset.done $0x0  }
0x52: {  	p1 =	sne.s32 s18, s8;
	[sflag:s17] =	ssyncadd.s32 $0xFFFFC000  }
.Ltmp1:
0x53: {  	s19 =	simm.s32 @!p0 $0x2;
	[bflag:$0x0] =	sbarrier.arrive $0xFFFF;
	(pc) =	sbr.rel @p1 .LBB2_1-.Ltmp1, $4  }
0x54: {  	[hbm:s7], [sflag:s14] =	dma.local @!p0 [spmem:s15], $0x3E80  }
0x55: {  	_ =	swait.ge @!p0 [sflag:s19], $0x3E80  }
0x56: {  	[sflag:s19] =	ssyncset.done @!p0 $0x0  }
0x57: {  	[sflag:s19] =	ssyncadd.s32 @!p0 $0xFFFFC180  }
0x58: {  	_ =	sfence.sel $0x180000  }
0x59: {  	[bflag:$0x0] =	sbarrier.arrive $0xFFFF  }
0x5a: {  	p0 =	sne.s32 s2, $0x0;
	_ =	strace $0x90000047  }
0x5b: {  	s0 =	sadd.s32 @!p0 $0x100000, s0;
	[bflag:$0x2] =	sbarrier.arrive $0xFFFF  }
0x5c: {  	[sflag:s0] =	ssyncadd.tile.s32 @!p0 $0x1;
	_ =	shalt  }
.Lfunc_end2:
_tile_overlayer_lowered:
.L_overlay_start_2:
0x5d: {  	(tag) =	ssettag $0x2  }
0x5e: {  	s0 =	rddreg [dreg:$0x0];
	s2 =	stileid.u32  }
0x5f: {  	s1 =	rddreg [dreg:$0x1];
	p0 =	sne.s32 s2, $0x0  }
0x60: {  	s3 =	rddreg [dreg:$0x2];
	[bflag:$0x3] =	sbarrier.arrive $0xFFFF;
	s2 =	simm.s32 @!p0 $0x1C02  }
0x61: {  	[timem:s3], [sflag:s2] =	dma.local @!p0 [hbm:s0], s1  }
0x62: {  	s0 =	simm.s32 @!p0 $0x2  }
0x63: {  	_ =	swait.ge @!p0 [sflag:s0], s1  }
0x64: {  	s1 =	ssub.s32 @!p0 $0x0, s1;
	[sflag:s0] =	ssyncset.done @!p0 $0x0  }
0x65: {  	[sflag:s0] =	ssyncadd.s32 @!p0 s1  }
0x66: {  	[bflag:$0x3] =	sbarrier.arrive $0xFFFF  }
0x67: {  	_ =	shalt  }

// kernel: kernel.13.cloned.1.call-start
scs
__scs_entry_jumppad:
0x0: {  	(pc) =	sbr.rel $0x88, $3  }
0x1: {  	(tag) =	ssettag $0x0;
	lr =	simm.s32 $0x1  }
0x2: {  	[smem:$0x3F95] =	sst lr;
	_ =	strace $0xD0000000  }
0x3: {  	_ = 	snop  }
0x4: {  	_ = 	snop  }
0x5: {  	_ = 	snop  }
0x6: {  	_ = 	snop  }
0x7: {  	_ = 	snop  }
__scs_overlays_trampoline_lowered:
0x8: {  	[smem:$0x3FA4] =	sst s0  }
0x9: {  	[smem:$0x3FA5] =	sst s1  }
0xa: {  	[smem:$0x3FA6] =	sst s2  }
0xb: {  	[smem:$0x3FA7] =	sst s3  }
0xc: {  	[smem:$0x3FA8] =	sst s4  }
0xd: {  	[smem:$0x3FA9] =	sst s5  }
0xe: {  	[smem:$0x3FAA] =	sst s6  }
0xf: {  	[smem:$0x3FAB] =	sst s7  }
0x10: {  	[smem:$0x3FAC] =	sst s8  }
0x11: {  	[smem:$0x3FAD] =	sst s9;
	s0 =	simm.s32 @!p0 $0x0  }
0x12: {  	s1 =	sld [smem:$0x3F93];
	s0 =	simm.s32 @p0 $0x1  }
0x13: {  	[smem:$0x3FAE] =	sst s0;
	s0 =	simm.s32 @!p1 $0x0  }
0x14: {  	s2 =	sld [smem:$0x3F92];
	s0 =	simm.s32 @p1 $0x1  }
0x15: {  	[smem:$0x3FAF] =	sst s0;
	s0 =	simm.s32 @!p2 $0x0  }
0x16: {  	s3 =	sld [smem:$0x3FDB];
	s0 =	simm.s32 @p2 $0x1  }
0x17: {  	s4 =	simm.s32 $0x1BF5;
	[smem:$0x3FB1] =	sst s0  }
0x18: {  	s0 =	sld [smem:$0x3F94];
	_ =	swait.ge [sflag:s4], $0x0  }
0x19: {  	s7 =	sld [smem:$0x3F95]  }
0x1a: {  	s8 =	sadd.s32 $0xFFFFE003, lr  }
0x1b: {  	s9 =	sadd.s32 $0xFFFFFEF7, lr;
	s5 =	simm.s32 $0xFFFFFFFF;
	p2 =	slt.u32 s8, $0xFFFFF086  }
0x1c: {  	p1 =	slt.u32 s9, $0xF7A;
	s5 =	simm.s32 @!p2 $0x0  }
0x1d: {  	s5 =	simm.s32 @p1 $0x1;
	p0 =	seq.s32 s7, s2  }
0x1e: {  	s7 =	smul.u32 @!p0 $0xF7A, s2;
	p2 =	seq.s32 @!p0 s5, $0x0  }
0x1f: {  	s9 =	smul.u32 $0xF7A, s1;
	s8 =	simm.s32 @!p0 $0x1BF5;
	p2 =	por !p2, p0  }
0x20: {  	[sflag:s8] =	ssyncset.s32 @!p0 $0xFFFFF086;
	s6 =	sadd.s32 @!p0 s3, s7;
	s7 =	simm.s32 @!p0 $0x108  }
0x21: {  	s3 =	sadd.s32 s3, s9;
	s6 =	sadd.s32 @!p0 $0x88, s6;
	s7 =	simm.s32 @p2 $0x1082  }
0x22: {  	[simem:s7], [sflag:s8] =	dma.local @!p0 [hbm:s6], $0xF7A  }
0x23: {  	s9 =	sor.u32 $0xD0000000, s2;
	s6 =	simm.s32 $0x108;
	_ =	swait.ge @!p0 [sflag:s8], $0x0  }
0x24: {  	s3 =	sadd.s32 $0x88, s3;
	s6 =	simm.s32 @!p1 $0x1082;
	[sflag:s4] =	ssyncset.s32 $0xFFFFF086  }
0x25: {  	[simem:s6], [sflag:s4] =	dma.local [hbm:s3], $0xF7A  }
0x26: {  	[smem:$0x3F95] =	sst s1;
	(tag) =	ssettag s2;
	_ =	strace s9  }
0x27: {  	s1 =	sld [smem:$0x3FA5]  }
0x28: {  	s2 =	sld [smem:$0x3FA6]  }
0x29: {  	s4 =	sld [smem:$0x3FA8]  }
0x2a: {  	p0 =	seq.s32 s5, $0x0;
	s5 =	sld [smem:$0x3FA9]  }
0x2b: {  	s6 =	sld [smem:$0x3FAA]  }
0x2c: {  	s7 =	sld [smem:$0x3FAB]  }
0x2d: {  	s3 =	simm.s32 $0x108;
	s8 =	sld [smem:$0x3FAC]  }
0x2e: {  	s3 =	simm.s32 @!p0 $0x1082;
	s9 =	sld [smem:$0x3FAD]  }
0x2f: {  	lr =	sadd.s32 s0, s3;
	s0 =	sld [smem:$0x3FA4]  }
0x30: {  	s3 =	sld [smem:$0x3FA7]  }
0x31: {  	[smem:$0x3FB0] =	sst s10  }
0x32: {  	s10 =	sld [smem:$0x3FAE];
	_ =	sdelay $0x3  }
0x33: {  	p0 =	seq.s32 s10, $0x1;
	s10 =	sld [smem:$0x3FB0];
	_ =	sdelay $0x3  }
0x34: {  	[smem:$0x3FB0] =	sst s10  }
0x35: {  	s10 =	sld [smem:$0x3FAF];
	_ =	sdelay $0x3  }
0x36: {  	p1 =	seq.s32 s10, $0x1;
	s10 =	sld [smem:$0x3FB0];
	_ =	sdelay $0x3  }
0x37: {  	[smem:$0x3FB0] =	sst s10  }
0x38: {  	s10 =	sld [smem:$0x3FB1]  }
0x39: {  	_ = 	snop;
	(pc) =	sbr.ind lr, $3  }
0x3a: {  	_ = 	snop  }
0x3b: {  	_ = 	snop  }
0x3c: {  	p2 =	seq.s32 s10, $0x1;
	s10 =	sld [smem:$0x3FB0]  }
0x3d: {  	_ =	shalt  }
0x3e: {  	_ =	shalt  }
0x3f: {  	_ =	shalt  }
0x40: {  	_ =	shalt  }
0x41: {  	_ =	shalt  }
0x42: {  	_ =	shalt  }
0x43: {  	_ =	shalt  }
0x44: {  	_ =	shalt  }
0x45: {  	_ =	shalt  }
0x46: {  	_ =	shalt  }
0x47: {  	_ =	shalt  }
0x48: {  	_ =	shalt  }
0x49: {  	_ =	shalt  }
0x4a: {  	_ =	shalt  }
0x4b: {  	_ =	shalt  }
0x4c: {  	_ =	shalt  }
0x4d: {  	_ =	shalt  }
0x4e: {  	_ =	shalt  }
0x4f: {  	_ =	shalt  }
0x50: {  	_ =	shalt  }
0x51: {  	_ =	shalt  }
0x52: {  	_ =	shalt  }
0x53: {  	_ =	shalt  }
0x54: {  	_ =	shalt  }
0x55: {  	_ =	shalt  }
0x56: {  	_ =	shalt  }
0x57: {  	_ =	shalt  }
0x58: {  	_ =	shalt  }
0x59: {  	_ =	shalt  }
0x5a: {  	_ =	shalt  }
0x5b: {  	_ =	shalt  }
0x5c: {  	_ =	shalt  }
0x5d: {  	_ =	shalt  }
0x5e: {  	_ =	shalt  }
0x5f: {  	_ =	shalt  }
0x60: {  	_ =	shalt  }
0x61: {  	_ =	shalt  }
0x62: {  	_ =	shalt  }
0x63: {  	_ =	shalt  }
0x64: {  	_ =	shalt  }
0x65: {  	_ =	shalt  }
0x66: {  	_ =	shalt  }
0x67: {  	_ =	shalt  }
0x68: {  	_ =	shalt  }
0x69: {  	_ =	shalt  }
0x6a: {  	_ =	shalt  }
0x6b: {  	_ =	shalt  }
0x6c: {  	_ =	shalt  }
0x6d: {  	_ =	shalt  }
0x6e: {  	_ =	shalt  }
0x6f: {  	_ =	shalt  }
0x70: {  	_ =	shalt  }
0x71: {  	_ =	shalt  }
0x72: {  	_ =	shalt  }
0x73: {  	_ =	shalt  }
0x74: {  	_ =	shalt  }
0x75: {  	_ =	shalt  }
0x76: {  	_ =	shalt  }
0x77: {  	_ =	shalt  }
0x78: {  	_ =	shalt  }
0x79: {  	_ =	shalt  }
0x7a: {  	_ =	shalt  }
0x7b: {  	_ =	shalt  }
0x7c: {  	_ =	shalt  }
0x7d: {  	_ =	shalt  }
0x7e: {  	_ =	shalt  }
0x7f: {  	_ =	shalt  }
0x80: {  	_ =	shalt  }
0x81: {  	_ =	shalt  }
0x82: {  	_ =	shalt  }
0x83: {  	_ =	shalt  }
0x84: {  	_ =	shalt  }
0x85: {  	_ =	shalt  }
0x86: {  	_ =	shalt  }
0x87: {  	_ =	shalt  }
.Lfunc_end0:
.L_simem_size_0:
called_computation.1_lowered:
.L_overlay_start_0:
0x88: {  	s2 =	sld [smem:$0x3FD9]  }
0x89: {  	s3 =	sld [smem:$0x3FFE];
	_ =	sdelay $0x1  }
0x8a: {  	s1 =	srdreg.scid  }
0x8b: {  	s0 =	sand.u32 $0x1, s1  }
0x8c: {  	s16 =	sshll.u32 s0, $0xA;
	s2 =	sadd.s32 s3, s2  }
0x8d: {  	s2 =	sadd.s32 s2, s16  }
0x8e: {  	[smem:$0x3FBC] =	sst s2  }
0x8f: {  	_ = 	snop  }
0x90: {  	(tm) =	ssettm $0x1  }
0x91: {  	s17 =	sld [smem:$0x3FFB];
	_ =	sdelay $0x3  }
0x92: {  	_ =	strace s17  }
0x93: {  	s2 =	sld [smem:$0x3FFC];
	_ =	sdelay $0x3  }
0x94: {  	_ =	strace s2  }
0x95: {  	s2 =	sld [smem:$0x3FFD];
	_ =	sdelay $0x3  }
0x96: {  	_ =	strace s2  }
0x97: {  	_ =	strace $0x8FFFFFFF  }
0x98: {  	s18 =	sld [smem:$0x3FDB];
	_ =	sdelay $0x1  }
0x99: {  	s19 =	simm.s32 $_scs_section_size  }
0x9a: {  	s4 =	simm.s32 $_size__tile_overlayer_lowered;
	s5 =	simm.s32 $_tile_overlayer_lowered  }
0x9b: {  	s22 =	simm.s32 $0x1BFF;
	s21 =	sshll.u32 s5, $0x1;
	s2 =	sadd.s32 s19, s18  }
0x9c: {  	s6 =	simm.s32 $0x0;
	s20 =	sshll.u32 s4, $0x1;
	s4 =	sadd.s32 s21, s2  }
0x9d: {  	[timem:s6], [sflag:s22] =	dma.local [hbm:s4], s20  }
0x9e: {  	_ =	swait.ge [sflag:s22], s20  }
0x9f: {  	s3 =	ssub.s32 $0x0, s20;
	[sflag:s22] =	ssyncset.done $0x0  }
0xa0: {  	[sflag:s22] =	ssyncadd.s32 s3;
	_ =	sdelay $0x1  }
0xa1: {  	s23 =	simm.s32 $0x1B8B  }
0xa2: {  	_ =	swait.ge [sflag:s23], $0x1  }
0xa3: {  	[sflag:s23] =	ssyncset.done $0x0  }
0xa4: {  	s25 =	simm.s32 $0x1B8E;
	s24 =	sld [smem:$0x3FFE];
	[sflag:s23] =	ssyncadd.s32 $0xFFFFFFFF  }
0xa5: {  	s26 =	simm.s32 $execute0_lowered;
	[smem:$0x3FD2] =	sst s25  }
0xa6: {  	s4 =	sshll.u32 s26, $0x1;
	_ =	strace $0x80000049;
	[dreg:$0x1] =	wrdreg $0xFFFFFFFF  }
0xa7: {  	s28 =	simm.s32 $_size_execute0_lowered;
	s2 =	sadd.s32 s2, s4;
	[dreg:$0x0] =	wrdreg $0x0  }
0xa8: {  	s4 =	sshll.u32 s28, $0x1;
	[dreg:$0x2] =	wrdreg s2  }
0xa9: {  	[dreg:$0x3] =	wrdreg s4  }
0xaa: {  	[dreg:$0x4] =	wrdreg $0xC0  }
0xab: {  	_ =	task [dreg:s6], $0x5FFFF  }
0xac: {  	[dreg:$0x1] =	wrdreg $0xFFFFFFFF  }
0xad: {  	[dreg:$0x0] =	wrdreg $0x60  }
0xae: {  	[dreg:$0x2] =	wrdreg s24  }
0xaf: {  	[dreg:$0x3] =	wrdreg $0x84000  }
0xb0: {  	[dreg:$0x4] =	wrdreg $0x9  }
0xb1: {  	_ =	task.clear_ibuf [dreg:s6], $0x5FFFF;
	_ =	strace $0x90000049  }
0xb2: {  	s29 =	simm.s32 $0x9;
	_ =	strace $0x8000004B  }
0xb3: {  	_ =	swait.ge [sflag:s29], $0x1  }
0xb4: {  	[sflag:s29] =	ssyncadd.s32 $0xFFFFFFFF  }
0xb5: {  	_ =	strace $0x9000004B  }
0xb6: {  	_ =	sfence  }
0xb7: {  	s30 =	sld [smem:$0x0];
	_ =	sdelay $0x2  }
0xb8: {  	s31 =	sshll.u32 s1, $0xD;
	s1 =	sshrl.u32 s1, $0x2  }
0xb9: {  	s3 =	sand.u32 $0x4000, s31;
	s1 =	sadd.s32 s1, s30  }
0xba: {  	s0 =	sor.u32 s3, s0;
	s1 =	sshll.u32 s1, $0x11  }
0xbb: {  	s0 =	sor.u32 s1, s0  }
0xbc: {  	s0 =	sadd.s32 $0x8F2B, s0  }
0xbd: {  	[sflag:s0] =	ssyncadd.remote.s32 $0x1  }
0xbe: {  	_ =	sfence.sel $0xFFFF  }
0xbf: {  	[dreg:$0x0] =	wrdreg $0xFFFFFFFF;
	(pc) =	sbr.abs _section_cstart, $3  }
0xc0: {  	[dreg:$0x1] =	wrdreg $0xFFFFFFFF  }
0xc1: {  	_ =	task.clear_ibuf [dreg:s6], $0x2FFFF;
	_ =	strace $0x9FFFFFFF  }
0xc2: {  	(tm) =	ssettm $0x7FFFFFFF  }
0xc3: {  	_ =	shalt  }
tec
execute0_lowered:
.L_overlay_start_1:
0x0: {  	(tag) =	ssettag $0x1  }
0x1: {  	s16 =	stileid.u32  }
0x2: {  	s0 =	rddreg [dreg:$0x0];
	s5 =	smul.u32 $0x1F400, s16  }
0x3: {  	s1 =	rddreg [dreg:$0x1];
	s6 =	smul.u32 $0x7D000, s16  }
0x4: {  	s2 =	srdreg.scid;
	s14 =	smul.u32 $0x2800, s16  }
0x5: {  	s3 =	simm.s32 $0x0;
	s28 =	simm.s32 $0x300;
	s11 =	smul.u32 $0x3E80, s16  }
0x6: {  	s29 =	simm.s32 $0x3;
	s2 =	sand.u32 $0x1, s2;
	s21 =	smul.u32 $0x500, s16  }
0x7: {  	s30 =	simm.s32 $0x2;
	s31 =	simm.s32 $0x180;
	s4 =	smul.u32 $0x138800, s2  }
0x8: {  	[smem:$0x7FF] =	sst s3;
	s8 =	sadd.s32 $0x5B400, s0;
	s7 =	smul.u32 $0x27100, s2  }
0x9: {  	s12 =	sadd.s32 $0x56400, s0;
	s9 =	smul.u32 $0x28000, s2;
	s2 =	ssub.s32 $0x2, s2  }
0xa: {  	p0 =	sgt.u32 s16, $0x9;
	_ =	strace $0x8000004A;
	s10 =	sshrl.u32 s2, $0x1  }
0xb: {  	s6 =	sshrl.u32 s6, $0x2;
	s5 =	sadd.s32 s5, s4;
	s4 =	sadd.s32 $0x7A00, s0  }
0xc: {  	s2 =	ssub.s32 s2, s10;
	s18 =	sadd.s32 s6, s1;
	s15 =	sadd.s32 s14, s9  }
0xd: {  	s17 =	sadd.s32 s11, s7;
	s5 =	sshrl.u32 s5, $0x3;
	s19 =	sshrl.u32 s15, $0x3  }
0xe: {  	s6 =	sadd.s32 s4, s17;
	s22 =	sor.u32 $0x200, s15;
	s13 =	sor.u32 $0x180, s15  }
0xf: {  	s11 =	smax.u32 s2, $0x1;
	s25 =	sor.u32 $0x100, s15;
	s26 =	sor.u32 $0x280, s15  }
0x10: {  	s18 =	sshrl.u32 @!p0 s18, $0x3;
	s0 =	sadd.s32 s5, s0;
	s5 =	sshrl.u32 s14, $0x3  }
0x11: {  	[dreg:$0x3] =	wrdreg s6;
	s20 =	sadd.s32 s8, s19;
	s23 =	sshrl.u32 s22, $0x3  }
0x12: {  	s24 =	sshrl.u32 s13, $0x3;
	s2 =	sshrl.u32 s26, $0x3;
	s19 =	simm.s32 $0x4  }
0x13: {  	s22 =	simm.s32 $0x280;
	s26 =	simm.s32 $0x100;
	s5 =	sadd.s32 s12, s5  }
0x14: {  	[dreg:$0x4] =	wrdreg s20;
	s6 =	sadd.s32 $0x10, s20;
	s0 =	sadd.s32 $0x65400, s0  }
0x15: {  	s12 =	sadd.s32 s21, s12;
	s13 =	sadd.s32 s23, s8;
	s14 =	sadd.s32 s24, s8  }
0x16: {  	s20 =	simm.s32 $0x200;
	s21 =	simm.s32 $0x80;
	[dreg:$0x6] =	wrdreg s6  }
.Ltmp0:
0x17: {  	s23 =	simm.s32 $0x400;
	[dreg:$0x5] =	wrdreg s5;
	(pc) =	sbr.rel .LBB2_1-.Ltmp0, $4  }
0x18: {  	s24 =	simm.s32 $0x4400;
	s5 =	sadd.s32 $0x10, s5;
	[dreg:$0x8] =	wrdreg s0  }
0x19: {  	s0 =	sshrl.u32 s25, $0x3;
	s25 =	simm.s32 $0x1;
	[dreg:$0x7] =	wrdreg s5  }
0x1a: {  	s5 =	sshll.u32 @!p0 s16, $0x6;
	s15 =	sadd.s32 s0, s8;
	s16 =	sadd.s32 s2, s8  }
0x1b: {  	s0 =	simm.s32 $0x380;
	s2 =	simm.s32 $0x0;
	s17 =	sor.u32 @!p0 $0x1C04, s5  }
.LBB2_4:
0x1c: {  	_ =	swait.ge [sflag:s29], $0x4000  }
0x1d: {  	[sflag:s29] =	ssyncset.done $0x0  }
0x1e: {  	[sflag:s29] =	ssyncadd.s32 $0xFFFFC000  }
0x1f: {  	s2 =	sadd.s32 $0x1, s2;
	[bflag:$0x0] =	sbarrier.arrive $0xFFFF  }
0x20: {  	p1 =	sne.s32 s2, s11;
	s5 =	rddreg [dreg:$0x8]  }
0x21: {  	[hbm:s5], [sflag:s17] =	dma.local @!p0 [spmem:s18], $0x3E80  }
.Ltmp1:
0x22: {  	_ = 	snop;
	(pc) =	sbr.rel @!p1 .LBB2_5-.Ltmp1, $4  }
0x23: {  	s5 =	simm.s32 @!p0 $0x4  }
0x24: {  	_ =	swait.ge @!p0 [sflag:s5], $0x3E80  }
0x25: {  	[sflag:s5] =	ssyncset.done @!p0 $0x0  }
0x26: {  	[sflag:s5] =	ssyncadd.s32 @!p0 $0xFFFFC180  }
.LBB2_1:
0x27: {  	s5 =	rddreg [dreg:$0x3]  }
0x28: {  	[spmem:s18], [sflag:s17] =	dma.local @!p0 [hbm:s5], $0x3E80  }
0x29: {  	s5 =	simm.s32 @!p0 $0x4  }
0x2a: {  	_ =	swait.ge @!p0 [sflag:s5], $0x3E80  }
0x2b: {  	[sflag:s5] =	ssyncset.done @!p0 $0x0  }
0x2c: {  	[sflag:s5] =	ssyncadd.s32 @!p0 $0xFFFFC180  }
0x2d: {  	[bflag:$0x0] =	sbarrier.arrive $0xFFFF  }
0x2e: {  	s7 =	rddreg [dreg:$0x4]  }
0x2f: {  	[tilespmem:s3], [sflag:$0x4] =	stream.linear.gather [hbm4b:s7+s3], $0x80, $0x38;
	[tilespmem:$0x1BCC0] =	vst v63  }
0x30: {  	_ =	swait.ge [sflag:s19], $0x80  }
0x31: {  	[sflag:s19] =	ssyncset.done $0x0  }
0x32: {  	s8 =	rddreg [dreg:$0x5];
	[sflag:s19] =	ssyncadd.s32 $0xFFFFFF80  }
0x33: {  	[tilespmem:s20], [sflag:$0x4] =	stream.linear.gather [hbm4b:s8+s3], $0x80, $0x38;
	[tilespmem:$0x1BCC0] =	vst v63  }
0x34: {  	_ =	swait.ge [sflag:s19], $0x80  }
0x35: {  	[sflag:s19] =	ssyncset.done $0x0  }
0x36: {  	s9 =	rddreg [dreg:$0x6];
	[sflag:s19] =	ssyncadd.s32 $0xFFFFFF80  }
0x37: {  	[tilespmem:s21], [sflag:$0x4] =	stream.linear.gather [hbm4b:s9+s3], $0x80, $0x38;
	[tilespmem:$0x1BCC0] =	vst v63  }
0x38: {  	_ =	swait.ge [sflag:s19], $0x80  }
0x39: {  	[sflag:s19] =	ssyncset.done $0x0  }
0x3a: {  	s10 =	rddreg [dreg:$0x7];
	[sflag:s19] =	ssyncadd.s32 $0xFFFFFF80  }
0x3b: {  	[tilespmem:s22], [sflag:$0x4] =	stream.linear.gather [hbm4b:s10+s3], $0x80, $0x38;
	[tilespmem:$0x1BCC0] =	vst v63  }
0x3c: {  	_ =	swait.ge [sflag:s19], $0x80  }
0x3d: {  	[sflag:s19] =	ssyncset.done $0x0  }
0x3e: {  	[sflag:s19] =	ssyncadd.s32 $0xFFFFFF80  }
0x3f: {  	[tilespmem:s23], [sflag:$0x1] =	stream.indirect.gather [hbm4b:s4+s21], $0x80, s3, s21, $0xb8;
	[tilespmem:$0x1BCC0] =	vst v63  }
0x40: {  	s5 =	simm.s32 $0x0  }
0x41: {  	[tilespmem:s24], [sflag:$0x2] =	stream.indirect.gather [hbm4b:s4+s21], $0x80, s21, s21, $0xb8;
	[tilespmem:$0x1BCC0] =	vst v63  }
.LBB2_2:
0x42: {  	_ =	swait.ge [sflag:s25], $0x4000  }
0x43: {  	[sflag:s25] =	ssyncset.done $0x0  }
0x44: {  	[sflag:s25] =	ssyncadd.s32 $0xFFFFC000  }
0x45: {  	[spmem:s1] =	stream.indirect.scatter.add.f32 [tilespmem:s23], [sflag:$0x3], $0x80, s20, s21, $0xb8;
	[tilespmem:$0x1BCC0] =	vst v63  }
0x46: {  	s8 =	sadd.s32 s5, s15  }
0x47: {  	[tilespmem:s26], [sflag:$0x4] =	stream.linear.gather [hbm4b:s8+s3], $0x80, $0x38;
	[tilespmem:$0x1BCC0] =	vst v63  }
0x48: {  	_ =	swait.ge [sflag:s19], $0x80  }
0x49: {  	s8 =	sadd.s32 s5, s12;
	[sflag:s19] =	ssyncset.done $0x0  }
0x4a: {  	s9 =	sadd.s32 $0x20, s8;
	[sflag:s19] =	ssyncadd.s32 $0xFFFFFF80  }
0x4b: {  	[tilespmem:s28], [sflag:$0x4] =	stream.linear.gather [hbm4b:s9+s3], $0x80, $0x38;
	[tilespmem:$0x1BCC0] =	vst v63  }
0x4c: {  	_ =	swait.ge [sflag:s19], $0x80  }
0x4d: {  	[sflag:s19] =	ssyncset.done $0x0  }
0x4e: {  	[sflag:s19] =	ssyncadd.s32 $0xFFFFFF80  }
0x4f: {  	_ =	swait.ge [sflag:s29], $0x4000  }
0x50: {  	[sflag:s29] =	ssyncset.done $0x0  }
0x51: {  	[sflag:s29] =	ssyncadd.s32 $0xFFFFC000  }
0x52: {  	[tilespmem:s23], [sflag:$0x1] =	stream.indirect.gather [hbm4b:s4+s21], $0x80, s26, s21, $0xb8;
	[tilespmem:$0x1BCC0] =	vst v63  }
0x53: {  	_ =	swait.ge [sflag:s30], $0x4000  }
0x54: {  	[sflag:s30] =	ssyncset.done $0x0  }
0x55: {  	[sflag:s30] =	ssyncadd.s32 $0xFFFFC000  }
0x56: {  	[spmem:s1] =	stream.indirect.scatter.add.f32 [tilespmem:s24], [sflag:$0x3], $0x80, s22, s21, $0xb8;
	[tilespmem:$0x1BCC0] =	vst v63  }
0x57: {  	s7 =	sadd.s32 s5, s14  }
0x58: {  	[tilespmem:s31], [sflag:$0x4] =	stream.linear.gather [hbm4b:s7+s3], $0x80, $0x38;
	[tilespmem:$0x1BCC0] =	vst v63  }
0x59: {  	_ =	swait.ge [sflag:s19], $0x80  }
0x5a: {  	[sflag:s19] =	ssyncset.done $0x0  }
0x5b: {  	s10 =	sadd.s32 $0x30, s8;
	[sflag:s19] =	ssyncadd.s32 $0xFFFFFF80  }
0x5c: {  	[tilespmem:s0], [sflag:$0x4] =	stream.linear.gather [hbm4b:s10+s3], $0x80, $0x38;
	[tilespmem:$0x1BCC0] =	vst v63  }
0x5d: {  	_ =	swait.ge [sflag:s19], $0x80  }
0x5e: {  	[sflag:s19] =	ssyncset.done $0x0  }
0x5f: {  	[sflag:s19] =	ssyncadd.s32 $0xFFFFFF80  }
0x60: {  	_ =	swait.ge [sflag:s29], $0x4000  }
0x61: {  	[sflag:s29] =	ssyncset.done $0x0  }
0x62: {  	[sflag:s29] =	ssyncadd.s32 $0xFFFFC000  }
0x63: {  	[tilespmem:s24], [sflag:$0x2] =	stream.indirect.gather [hbm4b:s4+s21], $0x80, s31, s21, $0xb8;
	[tilespmem:$0x1BCC0] =	vst v63  }
0x64: {  	_ =	swait.ge [sflag:s25], $0x4000  }
0x65: {  	p1 =	seq.s32 s5, $0x4C0;
	[sflag:s25] =	ssyncset.done $0x0  }
0x66: {  	s9 =	simm.s32 @p1 $0x3;
	[sflag:s25] =	ssyncadd.s32 $0xFFFFC000  }
0x67: {  	[spmem:s1] =	stream.indirect.scatter.add.f32 [tilespmem:s23], [sflag:$0x3], $0x80, s28, s21, $0xb8;
	[tilespmem:$0x1BCC0] =	vst v63  }
0x68: {  	_ =	swait.ge @p1 [sflag:s9], $0x4000  }
0x69: {  	[sflag:s9] =	ssyncset.done @p1 $0x0  }
0x6a: {  	s10 =	simm.s32 @!p1 $0x0;
	[sflag:s9] =	ssyncadd.s32 @p1 $0xFFFFC000;
	s9 =	sadd.s32 @!p1 s5, s13  }
0x6b: {  	[tilespmem:s10], [sflag:$0x4] =	stream.linear.gather @!p1 [hbm4b:s9+s10], $0x80, $0x38;
	[tilespmem:$0x1BCC0] =	vst v63  }
0x6c: {  	s9 =	simm.s32 @!p1 $0x4  }
0x6d: {  	_ =	swait.ge @!p1 [sflag:s9], $0x80  }
0x6e: {  	s6 =	sadd.s32 @!p1 s5, s12;
	[sflag:s9] =	ssyncset.done @!p1 $0x0  }
0x6f: {  	s6 =	sadd.s32 @!p1 $0x40, s6;
	s7 =	simm.s32 @!p1 $0x200;
	[sflag:s9] =	ssyncadd.s32 @!p1 $0xFFFFFF80  }
0x70: {  	[tilespmem:s7], [sflag:$0x4] =	stream.linear.gather @!p1 [hbm4b:s6+s10], $0x80, $0x38;
	[tilespmem:$0x1BCC0] =	vst v63  }
0x71: {  	_ =	swait.ge @!p1 [sflag:s9], $0x80  }
0x72: {  	[sflag:s9] =	ssyncset.done @!p1 $0x0  }
0x73: {  	s6 =	simm.s32 @!p1 $0x3;
	[sflag:s9] =	ssyncadd.s32 @!p1 $0xFFFFFF80  }
0x74: {  	_ =	swait.ge @!p1 [sflag:s6], $0x4000  }
0x75: {  	[sflag:s6] =	ssyncset.done @!p1 $0x0  }
0x76: {  	s7 =	simm.s32 @!p1 $0x400;
	[sflag:s6] =	ssyncadd.s32 @!p1 $0xFFFFC000;
	s6 =	simm.s32 @!p1 $0x80  }
0x77: {  	[tilespmem:s7], [sflag:$0x1] =	stream.indirect.gather @!p1 [hbm4b:s4+s6], $0x80, s10, s6, $0xb8;
	[tilespmem:$0x1BCC0] =	vst v63  }
.Ltmp2:
0x78: {  	_ = 	snop;
	(pc) =	sbr.rel @p1 .LBB2_4-.Ltmp2, $4  }
0x79: {  	_ =	swait.ge [sflag:s30], $0x4000  }
0x7a: {  	[sflag:s30] =	ssyncset.done $0x0  }
0x7b: {  	[sflag:s30] =	ssyncadd.s32 $0xFFFFC000  }
0x7c: {  	[spmem:s1] =	stream.indirect.scatter.add.f32 [tilespmem:s24], [sflag:$0x3], $0x80, s0, s21, $0xb8;
	[tilespmem:$0x1BCC0] =	vst v63  }
0x7d: {  	s6 =	sadd.s32 s5, s16  }
0x7e: {  	[tilespmem:s21], [sflag:$0x4] =	stream.linear.gather [hbm4b:s6+s3], $0x80, $0x38;
	[tilespmem:$0x1BCC0] =	vst v63  }
0x7f: {  	_ =	swait.ge [sflag:s19], $0x80  }
0x80: {  	[sflag:s19] =	ssyncset.done $0x0  }
0x81: {  	s10 =	sadd.s32 $0x50, s8;
	[sflag:s19] =	ssyncadd.s32 $0xFFFFFF80  }
0x82: {  	[tilespmem:s22], [sflag:$0x4] =	stream.linear.gather [hbm4b:s10+s3], $0x80, $0x38;
	[tilespmem:$0x1BCC0] =	vst v63  }
0x83: {  	_ =	swait.ge [sflag:s19], $0x80  }
0x84: {  	[sflag:s19] =	ssyncset.done $0x0  }
.Ltmp3:
0x85: {  	[sflag:s19] =	ssyncadd.s32 $0xFFFFFF80;
	(pc) =	sbr.rel .LBB2_2-.Ltmp3, $4  }
0x86: {  	_ =	swait.ge [sflag:s29], $0x4000  }
0x87: {  	[sflag:s29] =	ssyncset.done $0x0  }
0x88: {  	s5 =	sadd.s32 $0x40, s5;
	[sflag:s29] =	ssyncadd.s32 $0xFFFFC000  }
0x89: {  	[tilespmem:s24], [sflag:$0x2] =	stream.indirect.gather [hbm4b:s4+s21], $0x80, s21, s21, $0xb8;
	[tilespmem:$0x1BCC0] =	vst v63  }
.LBB2_5:
0x8a: {  	_ =	sfence.sel $0x180000  }
0x8b: {  	[bflag:$0x0] =	sbarrier.arrive $0xFFFF  }
0x8c: {  	_ =	strace $0x9000004A  }
0x8d: {  	s0 =	stileid.u32;
	[bflag:$0x2] =	sbarrier.arrive $0xFFFF  }
0x8e: {  	p0 =	sne.s32 s0, $0x0;
	s0 =	rddreg [dreg:$0x2]  }
0x8f: {  	s0 =	sadd.s32 @!p0 $0x100000, s0  }
0x90: {  	[sflag:s0] =	ssyncadd.tile.s32 @!p0 $0x1;
	_ =	shalt  }
.Lfunc_end2:
_tile_overlayer_lowered:
.L_overlay_start_2:
0x91: {  	(tag) =	ssettag $0x2  }
0x92: {  	s0 =	rddreg [dreg:$0x0];
	s2 =	stileid.u32  }
0x93: {  	s1 =	rddreg [dreg:$0x1];
	p0 =	sne.s32 s2, $0x0  }
0x94: {  	s3 =	rddreg [dreg:$0x2];
	[bflag:$0x3] =	sbarrier.arrive $0xFFFF;
	s2 =	simm.s32 @!p0 $0x1C04  }
0x95: {  	[timem:s3], [sflag:s2] =	dma.local @!p0 [hbm:s0], s1  }
0x96: {  	s0 =	simm.s32 @!p0 $0x4  }
0x97: {  	_ =	swait.ge @!p0 [sflag:s0], s1  }
0x98: {  	s1 =	ssub.s32 @!p0 $0x0, s1;
	[sflag:s0] =	ssyncset.done @!p0 $0x0  }
0x99: {  	[sflag:s0] =	ssyncadd.s32 @!p0 s1  }
0x9a: {  	[bflag:$0x3] =	sbarrier.arrive $0xFFFF  }
0x9b: {  	_ =	shalt  }

// kernel: kernel.16.cloned.1.call-start
scs
__scs_entry_jumppad:
0x0: {  	(pc) =	sbr.rel $0x88, $3  }
0x1: {  	(tag) =	ssettag $0x0;
	lr =	simm.s32 $0x1  }
0x2: {  	[smem:$0x3F95] =	sst lr;
	_ =	strace $0xD0000000  }
0x3: {  	_ = 	snop  }
0x4: {  	_ = 	snop  }
0x5: {  	_ = 	snop  }
0x6: {  	_ = 	snop  }
0x7: {  	_ = 	snop  }
__scs_overlays_trampoline_lowered:
0x8: {  	[smem:$0x3FA4] =	sst s0  }
0x9: {  	[smem:$0x3FA5] =	sst s1  }
0xa: {  	[smem:$0x3FA6] =	sst s2  }
0xb: {  	[smem:$0x3FA7] =	sst s3  }
0xc: {  	[smem:$0x3FA8] =	sst s4  }
0xd: {  	[smem:$0x3FA9] =	sst s5  }
0xe: {  	[smem:$0x3FAA] =	sst s6  }
0xf: {  	[smem:$0x3FAB] =	sst s7  }
0x10: {  	[smem:$0x3FAC] =	sst s8  }
0x11: {  	[smem:$0x3FAD] =	sst s9;
	s0 =	simm.s32 @!p0 $0x0  }
0x12: {  	s1 =	sld [smem:$0x3F93];
	s0 =	simm.s32 @p0 $0x1  }
0x13: {  	[smem:$0x3FAE] =	sst s0;
	s0 =	simm.s32 @!p1 $0x0  }
0x14: {  	s2 =	sld [smem:$0x3F92];
	s0 =	simm.s32 @p1 $0x1  }
0x15: {  	[smem:$0x3FAF] =	sst s0;
	s0 =	simm.s32 @!p2 $0x0  }
0x16: {  	s3 =	sld [smem:$0x3FDB];
	s0 =	simm.s32 @p2 $0x1  }
0x17: {  	s4 =	simm.s32 $0x1BF5;
	[smem:$0x3FB1] =	sst s0  }
0x18: {  	s0 =	sld [smem:$0x3F94];
	_ =	swait.ge [sflag:s4], $0x0  }
0x19: {  	s7 =	sld [smem:$0x3F95]  }
0x1a: {  	s8 =	sadd.s32 $0xFFFFE003, lr  }
0x1b: {  	s9 =	sadd.s32 $0xFFFFFEF7, lr;
	s5 =	simm.s32 $0xFFFFFFFF;
	p2 =	slt.u32 s8, $0xFFFFF086  }
0x1c: {  	p1 =	slt.u32 s9, $0xF7A;
	s5 =	simm.s32 @!p2 $0x0  }
0x1d: {  	s5 =	simm.s32 @p1 $0x1;
	p0 =	seq.s32 s7, s2  }
0x1e: {  	s7 =	smul.u32 @!p0 $0xF7A, s2;
	p2 =	seq.s32 @!p0 s5, $0x0  }
0x1f: {  	s9 =	smul.u32 $0xF7A, s1;
	s8 =	simm.s32 @!p0 $0x1BF5;
	p2 =	por !p2, p0  }
0x20: {  	[sflag:s8] =	ssyncset.s32 @!p0 $0xFFFFF086;
	s6 =	sadd.s32 @!p0 s3, s7;
	s7 =	simm.s32 @!p0 $0x108  }
0x21: {  	s3 =	sadd.s32 s3, s9;
	s6 =	sadd.s32 @!p0 $0x88, s6;
	s7 =	simm.s32 @p2 $0x1082  }
0x22: {  	[simem:s7], [sflag:s8] =	dma.local @!p0 [hbm:s6], $0xF7A  }
0x23: {  	s9 =	sor.u32 $0xD0000000, s2;
	s6 =	simm.s32 $0x108;
	_ =	swait.ge @!p0 [sflag:s8], $0x0  }
0x24: {  	s3 =	sadd.s32 $0x88, s3;
	s6 =	simm.s32 @!p1 $0x1082;
	[sflag:s4] =	ssyncset.s32 $0xFFFFF086  }
0x25: {  	[simem:s6], [sflag:s4] =	dma.local [hbm:s3], $0xF7A  }
0x26: {  	[smem:$0x3F95] =	sst s1;
	(tag) =	ssettag s2;
	_ =	strace s9  }
0x27: {  	s1 =	sld [smem:$0x3FA5]  }
0x28: {  	s2 =	sld [smem:$0x3FA6]  }
0x29: {  	s4 =	sld [smem:$0x3FA8]  }
0x2a: {  	p0 =	seq.s32 s5, $0x0;
	s5 =	sld [smem:$0x3FA9]  }
0x2b: {  	s6 =	sld [smem:$0x3FAA]  }
0x2c: {  	s7 =	sld [smem:$0x3FAB]  }
0x2d: {  	s3 =	simm.s32 $0x108;
	s8 =	sld [smem:$0x3FAC]  }
0x2e: {  	s3 =	simm.s32 @!p0 $0x1082;
	s9 =	sld [smem:$0x3FAD]  }
0x2f: {  	lr =	sadd.s32 s0, s3;
	s0 =	sld [smem:$0x3FA4]  }
0x30: {  	s3 =	sld [smem:$0x3FA7]  }
0x31: {  	[smem:$0x3FB0] =	sst s10  }
0x32: {  	s10 =	sld [smem:$0x3FAE];
	_ =	sdelay $0x3  }
0x33: {  	p0 =	seq.s32 s10, $0x1;
	s10 =	sld [smem:$0x3FB0];
	_ =	sdelay $0x3  }
0x34: {  	[smem:$0x3FB0] =	sst s10  }
0x35: {  	s10 =	sld [smem:$0x3FAF];
	_ =	sdelay $0x3  }
0x36: {  	p1 =	seq.s32 s10, $0x1;
	s10 =	sld [smem:$0x3FB0];
	_ =	sdelay $0x3  }
0x37: {  	[smem:$0x3FB0] =	sst s10  }
0x38: {  	s10 =	sld [smem:$0x3FB1]  }
0x39: {  	_ = 	snop;
	(pc) =	sbr.ind lr, $3  }
0x3a: {  	_ = 	snop  }
0x3b: {  	_ = 	snop  }
0x3c: {  	p2 =	seq.s32 s10, $0x1;
	s10 =	sld [smem:$0x3FB0]  }
0x3d: {  	_ =	shalt  }
0x3e: {  	_ =	shalt  }
0x3f: {  	_ =	shalt  }
0x40: {  	_ =	shalt  }
0x41: {  	_ =	shalt  }
0x42: {  	_ =	shalt  }
0x43: {  	_ =	shalt  }
0x44: {  	_ =	shalt  }
0x45: {  	_ =	shalt  }
0x46: {  	_ =	shalt  }
0x47: {  	_ =	shalt  }
0x48: {  	_ =	shalt  }
0x49: {  	_ =	shalt  }
0x4a: {  	_ =	shalt  }
0x4b: {  	_ =	shalt  }
0x4c: {  	_ =	shalt  }
0x4d: {  	_ =	shalt  }
0x4e: {  	_ =	shalt  }
0x4f: {  	_ =	shalt  }
0x50: {  	_ =	shalt  }
0x51: {  	_ =	shalt  }
0x52: {  	_ =	shalt  }
0x53: {  	_ =	shalt  }
0x54: {  	_ =	shalt  }
0x55: {  	_ =	shalt  }
0x56: {  	_ =	shalt  }
0x57: {  	_ =	shalt  }
0x58: {  	_ =	shalt  }
0x59: {  	_ =	shalt  }
0x5a: {  	_ =	shalt  }
0x5b: {  	_ =	shalt  }
0x5c: {  	_ =	shalt  }
0x5d: {  	_ =	shalt  }
0x5e: {  	_ =	shalt  }
0x5f: {  	_ =	shalt  }
0x60: {  	_ =	shalt  }
0x61: {  	_ =	shalt  }
0x62: {  	_ =	shalt  }
0x63: {  	_ =	shalt  }
0x64: {  	_ =	shalt  }
0x65: {  	_ =	shalt  }
0x66: {  	_ =	shalt  }
0x67: {  	_ =	shalt  }
0x68: {  	_ =	shalt  }
0x69: {  	_ =	shalt  }
0x6a: {  	_ =	shalt  }
0x6b: {  	_ =	shalt  }
0x6c: {  	_ =	shalt  }
0x6d: {  	_ =	shalt  }
0x6e: {  	_ =	shalt  }
0x6f: {  	_ =	shalt  }
0x70: {  	_ =	shalt  }
0x71: {  	_ =	shalt  }
0x72: {  	_ =	shalt  }
0x73: {  	_ =	shalt  }
0x74: {  	_ =	shalt  }
0x75: {  	_ =	shalt  }
0x76: {  	_ =	shalt  }
0x77: {  	_ =	shalt  }
0x78: {  	_ =	shalt  }
0x79: {  	_ =	shalt  }
0x7a: {  	_ =	shalt  }
0x7b: {  	_ =	shalt  }
0x7c: {  	_ =	shalt  }
0x7d: {  	_ =	shalt  }
0x7e: {  	_ =	shalt  }
0x7f: {  	_ =	shalt  }
0x80: {  	_ =	shalt  }
0x81: {  	_ =	shalt  }
0x82: {  	_ =	shalt  }
0x83: {  	_ =	shalt  }
0x84: {  	_ =	shalt  }
0x85: {  	_ =	shalt  }
0x86: {  	_ =	shalt  }
0x87: {  	_ =	shalt  }
.Lfunc_end0:
.L_simem_size_0:
called_computation.2_lowered:
.L_overlay_start_0:
0x88: {  	s2 =	sld [smem:$0x3FD9]  }
0x89: {  	s3 =	sld [smem:$0x3FFE];
	_ =	sdelay $0x1  }
0x8a: {  	s1 =	srdreg.scid  }
0x8b: {  	s0 =	sand.u32 $0x1, s1  }
0x8c: {  	s16 =	sshll.u32 s0, $0xA;
	s2 =	sadd.s32 s3, s2  }
0x8d: {  	s2 =	sadd.s32 s2, s16  }
0x8e: {  	[smem:$0x3FBC] =	sst s2  }
0x8f: {  	_ = 	snop  }
0x90: {  	(tm) =	ssettm $0x1  }
0x91: {  	s17 =	sld [smem:$0x3FFB];
	_ =	sdelay $0x3  }
0x92: {  	_ =	strace s17  }
0x93: {  	s2 =	sld [smem:$0x3FFC];
	_ =	sdelay $0x3  }
0x94: {  	_ =	strace s2  }
0x95: {  	s2 =	sld [smem:$0x3FFD];
	_ =	sdelay $0x3  }
0x96: {  	_ =	strace s2  }
0x97: {  	_ =	strace $0x8FFFFFFF  }
0x98: {  	s18 =	sld [smem:$0x3FDB];
	_ =	sdelay $0x1  }
0x99: {  	s19 =	simm.s32 $_scs_section_size  }
0x9a: {  	s4 =	simm.s32 $_size__tile_overlayer_lowered;
	s5 =	simm.s32 $_tile_overlayer_lowered  }
0x9b: {  	s22 =	simm.s32 $0x1BFF;
	s21 =	sshll.u32 s5, $0x1;
	s2 =	sadd.s32 s19, s18  }
0x9c: {  	s6 =	simm.s32 $0x0;
	s20 =	sshll.u32 s4, $0x1;
	s4 =	sadd.s32 s21, s2  }
0x9d: {  	[timem:s6], [sflag:s22] =	dma.local [hbm:s4], s20  }
0x9e: {  	_ =	swait.ge [sflag:s22], s20  }
0x9f: {  	s3 =	ssub.s32 $0x0, s20;
	[sflag:s22] =	ssyncset.done $0x0  }
0xa0: {  	[sflag:s22] =	ssyncadd.s32 s3;
	_ =	sdelay $0x1  }
0xa1: {  	s23 =	simm.s32 $0x1B8B  }
0xa2: {  	_ =	swait.ge [sflag:s23], $0x1  }
0xa3: {  	[sflag:s23] =	ssyncset.done $0x0  }
0xa4: {  	s25 =	simm.s32 $0x1B8E;
	s24 =	sld [smem:$0x3FFE];
	[sflag:s23] =	ssyncadd.s32 $0xFFFFFFFF  }
0xa5: {  	s26 =	simm.s32 $execute0_lowered;
	[smem:$0x3FD2] =	sst s25  }
0xa6: {  	s4 =	sshll.u32 s26, $0x1;
	_ =	strace $0x8000004C;
	[dreg:$0x1] =	wrdreg $0xFFFFFFFF  }
0xa7: {  	s28 =	simm.s32 $_size_execute0_lowered;
	s2 =	sadd.s32 s2, s4;
	[dreg:$0x0] =	wrdreg $0x0  }
0xa8: {  	s4 =	sshll.u32 s28, $0x1;
	[dreg:$0x2] =	wrdreg s2  }
0xa9: {  	[dreg:$0x3] =	wrdreg s4  }
0xaa: {  	[dreg:$0x4] =	wrdreg $0xC0  }
0xab: {  	_ =	task [dreg:s6], $0x5FFFF  }
0xac: {  	[dreg:$0x1] =	wrdreg $0xFFFFFFFF  }
0xad: {  	[dreg:$0x0] =	wrdreg $0x60  }
0xae: {  	[dreg:$0x2] =	wrdreg s24  }
0xaf: {  	[dreg:$0x3] =	wrdreg $0x84000  }
0xb0: {  	[dreg:$0x4] =	wrdreg $0x9  }
0xb1: {  	_ =	task.clear_ibuf [dreg:s6], $0x5FFFF;
	_ =	strace $0x9000004C  }
0xb2: {  	s29 =	simm.s32 $0x9;
	_ =	strace $0x8000004E  }
0xb3: {  	_ =	swait.ge [sflag:s29], $0x1  }
0xb4: {  	[sflag:s29] =	ssyncadd.s32 $0xFFFFFFFF  }
0xb5: {  	_ =	strace $0x9000004E  }
0xb6: {  	_ =	sfence  }
0xb7: {  	s30 =	sld [smem:$0x0];
	_ =	sdelay $0x2  }
0xb8: {  	s31 =	sshll.u32 s1, $0xD;
	s1 =	sshrl.u32 s1, $0x2  }
0xb9: {  	s3 =	sand.u32 $0x4000, s31;
	s1 =	sadd.s32 s1, s30  }
0xba: {  	s0 =	sor.u32 s3, s0;
	s1 =	sshll.u32 s1, $0x11  }
0xbb: {  	s0 =	sor.u32 s1, s0  }
0xbc: {  	s0 =	sadd.s32 $0x8F2B, s0  }
0xbd: {  	[sflag:s0] =	ssyncadd.remote.s32 $0x1  }
0xbe: {  	_ =	sfence.sel $0xFFFF  }
0xbf: {  	[dreg:$0x0] =	wrdreg $0xFFFFFFFF;
	(pc) =	sbr.abs _section_cstart, $3  }
0xc0: {  	[dreg:$0x1] =	wrdreg $0xFFFFFFFF  }
0xc1: {  	_ =	task.clear_ibuf [dreg:s6], $0x2FFFF;
	_ =	strace $0x9FFFFFFF  }
0xc2: {  	(tm) =	ssettm $0x7FFFFFFF  }
0xc3: {  	_ =	shalt  }
tec
execute0_lowered:
.L_overlay_start_1:
0x0: {  	(tag) =	ssettag $0x1  }
0x1: {  	s16 =	stileid.u32  }
0x2: {  	s0 =	rddreg [dreg:$0x0];
	s5 =	smul.u32 $0x1F400, s16  }
0x3: {  	s1 =	rddreg [dreg:$0x1];
	s6 =	smul.u32 $0x7D000, s16  }
0x4: {  	s2 =	srdreg.scid;
	s14 =	smul.u32 $0x2800, s16  }
0x5: {  	s3 =	simm.s32 $0x0;
	s28 =	simm.s32 $0x300;
	s11 =	smul.u32 $0x3E80, s16  }
0x6: {  	s29 =	simm.s32 $0x3;
	s2 =	sand.u32 $0x1, s2;
	s21 =	smul.u32 $0x500, s16  }
0x7: {  	s30 =	simm.s32 $0x2;
	s31 =	simm.s32 $0x180;
	s4 =	smul.u32 $0x138800, s2  }
0x8: {  	[smem:$0x7FF] =	sst s3;
	s8 =	sadd.s32 $0x5B400, s0;
	s7 =	smul.u32 $0x27100, s2  }
0x9: {  	s12 =	sadd.s32 $0x56400, s0;
	s9 =	smul.u32 $0x28000, s2;
	s2 =	ssub.s32 $0x2, s2  }
0xa: {  	p0 =	sgt.u32 s16, $0x9;
	_ =	strace $0x8000004D;
	s10 =	sshrl.u32 s2, $0x1  }
0xb: {  	s6 =	sshrl.u32 s6, $0x2;
	s5 =	sadd.s32 s5, s4;
	s4 =	sadd.s32 $0x7A00, s0  }
0xc: {  	s2 =	ssub.s32 s2, s10;
	s18 =	sadd.s32 s6, s1;
	s15 =	sadd.s32 s14, s9  }
0xd: {  	s17 =	sadd.s32 s11, s7;
	s5 =	sshrl.u32 s5, $0x3;
	s19 =	sshrl.u32 s15, $0x3  }
0xe: {  	s6 =	sadd.s32 s4, s17;
	s22 =	sor.u32 $0x200, s15;
	s13 =	sor.u32 $0x180, s15  }
0xf: {  	s11 =	smax.u32 s2, $0x1;
	s25 =	sor.u32 $0x100, s15;
	s26 =	sor.u32 $0x280, s15  }
0x10: {  	s18 =	sshrl.u32 @!p0 s18, $0x3;
	s0 =	sadd.s32 s5, s0;
	s5 =	sshrl.u32 s14, $0x3  }
0x11: {  	[dreg:$0x3] =	wrdreg s6;
	s20 =	sadd.s32 s8, s19;
	s23 =	sshrl.u32 s22, $0x3  }
0x12: {  	s24 =	sshrl.u32 s13, $0x3;
	s2 =	sshrl.u32 s26, $0x3;
	s19 =	simm.s32 $0x4  }
0x13: {  	s22 =	simm.s32 $0x280;
	s26 =	simm.s32 $0x100;
	s5 =	sadd.s32 s12, s5  }
0x14: {  	[dreg:$0x4] =	wrdreg s20;
	s6 =	sadd.s32 $0x10, s20;
	s0 =	sadd.s32 $0x65400, s0  }
0x15: {  	s12 =	sadd.s32 s21, s12;
	s13 =	sadd.s32 s23, s8;
	s14 =	sadd.s32 s24, s8  }
0x16: {  	s20 =	simm.s32 $0x200;
	s21 =	simm.s32 $0x80;
	[dreg:$0x6] =	wrdreg s6  }
.Ltmp0:
0x17: {  	s23 =	simm.s32 $0x400;
	[dreg:$0x5] =	wrdreg s5;
	(pc) =	sbr.rel .LBB2_1-.Ltmp0, $4  }
0x18: {  	s24 =	simm.s32 $0x4400;
	s5 =	sadd.s32 $0x10, s5;
	[dreg:$0x8] =	wrdreg s0  }
0x19: {  	s0 =	sshrl.u32 s25, $0x3;
	s25 =	simm.s32 $0x1;
	[dreg:$0x7] =	wrdreg s5  }
0x1a: {  	s5 =	sshll.u32 @!p0 s16, $0x6;
	s15 =	sadd.s32 s0, s8;
	s16 =	sadd.s32 s2, s8  }
0x1b: {  	s0 =	simm.s32 $0x380;
	s2 =	simm.s32 $0x0;
	s17 =	sor.u32 @!p0 $0x1C04, s5  }
.LBB2_4:
0x1c: {  	_ =	swait.ge [sflag:s29], $0x4000  }
0x1d: {  	[sflag:s29] =	ssyncset.done $0x0  }
0x1e: {  	[sflag:s29] =	ssyncadd.s32 $0xFFFFC000  }
0x1f: {  	s2 =	sadd.s32 $0x1, s2;
	[bflag:$0x0] =	sbarrier.arrive $0xFFFF  }
0x20: {  	p1 =	sne.s32 s2, s11;
	s5 =	rddreg [dreg:$0x8]  }
0x21: {  	[hbm:s5], [sflag:s17] =	dma.local @!p0 [spmem:s18], $0x3E80  }
.Ltmp1:
0x22: {  	_ = 	snop;
	(pc) =	sbr.rel @!p1 .LBB2_5-.Ltmp1, $4  }
0x23: {  	s5 =	simm.s32 @!p0 $0x4  }
0x24: {  	_ =	swait.ge @!p0 [sflag:s5], $0x3E80  }
0x25: {  	[sflag:s5] =	ssyncset.done @!p0 $0x0  }
0x26: {  	[sflag:s5] =	ssyncadd.s32 @!p0 $0xFFFFC180  }
.LBB2_1:
0x27: {  	s5 =	rddreg [dreg:$0x3]  }
0x28: {  	[spmem:s18], [sflag:s17] =	dma.local @!p0 [hbm:s5], $0x3E80  }
0x29: {  	s5 =	simm.s32 @!p0 $0x4  }
0x2a: {  	_ =	swait.ge @!p0 [sflag:s5], $0x3E80  }
0x2b: {  	[sflag:s5] =	ssyncset.done @!p0 $0x0  }
0x2c: {  	[sflag:s5] =	ssyncadd.s32 @!p0 $0xFFFFC180  }
0x2d: {  	[bflag:$0x0] =	sbarrier.arrive $0xFFFF  }
0x2e: {  	s7 =	rddreg [dreg:$0x4]  }
0x2f: {  	[tilespmem:s3], [sflag:$0x4] =	stream.linear.gather [hbm4b:s7+s3], $0x80, $0x38;
	[tilespmem:$0x1BCC0] =	vst v63  }
0x30: {  	_ =	swait.ge [sflag:s19], $0x80  }
0x31: {  	[sflag:s19] =	ssyncset.done $0x0  }
0x32: {  	s8 =	rddreg [dreg:$0x5];
	[sflag:s19] =	ssyncadd.s32 $0xFFFFFF80  }
0x33: {  	[tilespmem:s20], [sflag:$0x4] =	stream.linear.gather [hbm4b:s8+s3], $0x80, $0x38;
	[tilespmem:$0x1BCC0] =	vst v63  }
0x34: {  	_ =	swait.ge [sflag:s19], $0x80  }
0x35: {  	[sflag:s19] =	ssyncset.done $0x0  }
0x36: {  	s9 =	rddreg [dreg:$0x6];
	[sflag:s19] =	ssyncadd.s32 $0xFFFFFF80  }
0x37: {  	[tilespmem:s21], [sflag:$0x4] =	stream.linear.gather [hbm4b:s9+s3], $0x80, $0x38;
	[tilespmem:$0x1BCC0] =	vst v63  }
0x38: {  	_ =	swait.ge [sflag:s19], $0x80  }
0x39: {  	[sflag:s19] =	ssyncset.done $0x0  }
0x3a: {  	s10 =	rddreg [dreg:$0x7];
	[sflag:s19] =	ssyncadd.s32 $0xFFFFFF80  }
0x3b: {  	[tilespmem:s22], [sflag:$0x4] =	stream.linear.gather [hbm4b:s10+s3], $0x80, $0x38;
	[tilespmem:$0x1BCC0] =	vst v63  }
0x3c: {  	_ =	swait.ge [sflag:s19], $0x80  }
0x3d: {  	[sflag:s19] =	ssyncset.done $0x0  }
0x3e: {  	[sflag:s19] =	ssyncadd.s32 $0xFFFFFF80  }
0x3f: {  	[tilespmem:s23], [sflag:$0x1] =	stream.indirect.gather [hbm4b:s4+s21], $0x80, s3, s21, $0xb8;
	[tilespmem:$0x1BCC0] =	vst v63  }
0x40: {  	s5 =	simm.s32 $0x0  }
0x41: {  	[tilespmem:s24], [sflag:$0x2] =	stream.indirect.gather [hbm4b:s4+s21], $0x80, s21, s21, $0xb8;
	[tilespmem:$0x1BCC0] =	vst v63  }
.LBB2_2:
0x42: {  	_ =	swait.ge [sflag:s25], $0x4000  }
0x43: {  	[sflag:s25] =	ssyncset.done $0x0  }
0x44: {  	[sflag:s25] =	ssyncadd.s32 $0xFFFFC000  }
0x45: {  	[spmem:s1] =	stream.indirect.scatter.add.f32 [tilespmem:s23], [sflag:$0x3], $0x80, s20, s21, $0xb8;
	[tilespmem:$0x1BCC0] =	vst v63  }
0x46: {  	s8 =	sadd.s32 s5, s15  }
0x47: {  	[tilespmem:s26], [sflag:$0x4] =	stream.linear.gather [hbm4b:s8+s3], $0x80, $0x38;
	[tilespmem:$0x1BCC0] =	vst v63  }
0x48: {  	_ =	swait.ge [sflag:s19], $0x80  }
0x49: {  	s8 =	sadd.s32 s5, s12;
	[sflag:s19] =	ssyncset.done $0x0  }
0x4a: {  	s9 =	sadd.s32 $0x20, s8;
	[sflag:s19] =	ssyncadd.s32 $0xFFFFFF80  }
0x4b: {  	[tilespmem:s28], [sflag:$0x4] =	stream.linear.gather [hbm4b:s9+s3], $0x80, $0x38;
	[tilespmem:$0x1BCC0] =	vst v63  }
0x4c: {  	_ =	swait.ge [sflag:s19], $0x80  }
0x4d: {  	[sflag:s19] =	ssyncset.done $0x0  }
0x4e: {  	[sflag:s19] =	ssyncadd.s32 $0xFFFFFF80  }
0x4f: {  	_ =	swait.ge [sflag:s29], $0x4000  }
0x50: {  	[sflag:s29] =	ssyncset.done $0x0  }
0x51: {  	[sflag:s29] =	ssyncadd.s32 $0xFFFFC000  }
0x52: {  	[tilespmem:s23], [sflag:$0x1] =	stream.indirect.gather [hbm4b:s4+s21], $0x80, s26, s21, $0xb8;
	[tilespmem:$0x1BCC0] =	vst v63  }
0x53: {  	_ =	swait.ge [sflag:s30], $0x4000  }
0x54: {  	[sflag:s30] =	ssyncset.done $0x0  }
0x55: {  	[sflag:s30] =	ssyncadd.s32 $0xFFFFC000  }
0x56: {  	[spmem:s1] =	stream.indirect.scatter.add.f32 [tilespmem:s24], [sflag:$0x3], $0x80, s22, s21, $0xb8;
	[tilespmem:$0x1BCC0] =	vst v63  }
0x57: {  	s7 =	sadd.s32 s5, s14  }
0x58: {  	[tilespmem:s31], [sflag:$0x4] =	stream.linear.gather [hbm4b:s7+s3], $0x80, $0x38;
	[tilespmem:$0x1BCC0] =	vst v63  }
0x59: {  	_ =	swait.ge [sflag:s19], $0x80  }
0x5a: {  	[sflag:s19] =	ssyncset.done $0x0  }
0x5b: {  	s10 =	sadd.s32 $0x30, s8;
	[sflag:s19] =	ssyncadd.s32 $0xFFFFFF80  }
0x5c: {  	[tilespmem:s0], [sflag:$0x4] =	stream.linear.gather [hbm4b:s10+s3], $0x80, $0x38;
	[tilespmem:$0x1BCC0] =	vst v63  }
0x5d: {  	_ =	swait.ge [sflag:s19], $0x80  }
0x5e: {  	[sflag:s19] =	ssyncset.done $0x0  }
0x5f: {  	[sflag:s19] =	ssyncadd.s32 $0xFFFFFF80  }
0x60: {  	_ =	swait.ge [sflag:s29], $0x4000  }
0x61: {  	[sflag:s29] =	ssyncset.done $0x0  }
0x62: {  	[sflag:s29] =	ssyncadd.s32 $0xFFFFC000  }
0x63: {  	[tilespmem:s24], [sflag:$0x2] =	stream.indirect.gather [hbm4b:s4+s21], $0x80, s31, s21, $0xb8;
	[tilespmem:$0x1BCC0] =	vst v63  }
0x64: {  	_ =	swait.ge [sflag:s25], $0x4000  }
0x65: {  	p1 =	seq.s32 s5, $0x4C0;
	[sflag:s25] =	ssyncset.done $0x0  }
0x66: {  	s9 =	simm.s32 @p1 $0x3;
	[sflag:s25] =	ssyncadd.s32 $0xFFFFC000  }
0x67: {  	[spmem:s1] =	stream.indirect.scatter.add.f32 [tilespmem:s23], [sflag:$0x3], $0x80, s28, s21, $0xb8;
	[tilespmem:$0x1BCC0] =	vst v63  }
0x68: {  	_ =	swait.ge @p1 [sflag:s9], $0x4000  }
0x69: {  	[sflag:s9] =	ssyncset.done @p1 $0x0  }
0x6a: {  	s10 =	simm.s32 @!p1 $0x0;
	[sflag:s9] =	ssyncadd.s32 @p1 $0xFFFFC000;
	s9 =	sadd.s32 @!p1 s5, s13  }
0x6b: {  	[tilespmem:s10], [sflag:$0x4] =	stream.linear.gather @!p1 [hbm4b:s9+s10], $0x80, $0x38;
	[tilespmem:$0x1BCC0] =	vst v63  }
0x6c: {  	s9 =	simm.s32 @!p1 $0x4  }
0x6d: {  	_ =	swait.ge @!p1 [sflag:s9], $0x80  }
0x6e: {  	s6 =	sadd.s32 @!p1 s5, s12;
	[sflag:s9] =	ssyncset.done @!p1 $0x0  }
0x6f: {  	s6 =	sadd.s32 @!p1 $0x40, s6;
	s7 =	simm.s32 @!p1 $0x200;
	[sflag:s9] =	ssyncadd.s32 @!p1 $0xFFFFFF80  }
0x70: {  	[tilespmem:s7], [sflag:$0x4] =	stream.linear.gather @!p1 [hbm4b:s6+s10], $0x80, $0x38;
	[tilespmem:$0x1BCC0] =	vst v63  }
0x71: {  	_ =	swait.ge @!p1 [sflag:s9], $0x80  }
0x72: {  	[sflag:s9] =	ssyncset.done @!p1 $0x0  }
0x73: {  	s6 =	simm.s32 @!p1 $0x3;
	[sflag:s9] =	ssyncadd.s32 @!p1 $0xFFFFFF80  }
0x74: {  	_ =	swait.ge @!p1 [sflag:s6], $0x4000  }
0x75: {  	[sflag:s6] =	ssyncset.done @!p1 $0x0  }
0x76: {  	s7 =	simm.s32 @!p1 $0x400;
	[sflag:s6] =	ssyncadd.s32 @!p1 $0xFFFFC000;
	s6 =	simm.s32 @!p1 $0x80  }
0x77: {  	[tilespmem:s7], [sflag:$0x1] =	stream.indirect.gather @!p1 [hbm4b:s4+s6], $0x80, s10, s6, $0xb8;
	[tilespmem:$0x1BCC0] =	vst v63  }
.Ltmp2:
0x78: {  	_ = 	snop;
	(pc) =	sbr.rel @p1 .LBB2_4-.Ltmp2, $4  }
0x79: {  	_ =	swait.ge [sflag:s30], $0x4000  }
0x7a: {  	[sflag:s30] =	ssyncset.done $0x0  }
0x7b: {  	[sflag:s30] =	ssyncadd.s32 $0xFFFFC000  }
0x7c: {  	[spmem:s1] =	stream.indirect.scatter.add.f32 [tilespmem:s24], [sflag:$0x3], $0x80, s0, s21, $0xb8;
	[tilespmem:$0x1BCC0] =	vst v63  }
0x7d: {  	s6 =	sadd.s32 s5, s16  }
0x7e: {  	[tilespmem:s21], [sflag:$0x4] =	stream.linear.gather [hbm4b:s6+s3], $0x80, $0x38;
	[tilespmem:$0x1BCC0] =	vst v63  }
0x7f: {  	_ =	swait.ge [sflag:s19], $0x80  }
0x80: {  	[sflag:s19] =	ssyncset.done $0x0  }
0x81: {  	s10 =	sadd.s32 $0x50, s8;
	[sflag:s19] =	ssyncadd.s32 $0xFFFFFF80  }
0x82: {  	[tilespmem:s22], [sflag:$0x4] =	stream.linear.gather [hbm4b:s10+s3], $0x80, $0x38;
	[tilespmem:$0x1BCC0] =	vst v63  }
0x83: {  	_ =	swait.ge [sflag:s19], $0x80  }
0x84: {  	[sflag:s19] =	ssyncset.done $0x0  }
.Ltmp3:
0x85: {  	[sflag:s19] =	ssyncadd.s32 $0xFFFFFF80;
	(pc) =	sbr.rel .LBB2_2-.Ltmp3, $4  }
0x86: {  	_ =	swait.ge [sflag:s29], $0x4000  }
0x87: {  	[sflag:s29] =	ssyncset.done $0x0  }
0x88: {  	s5 =	sadd.s32 $0x40, s5;
	[sflag:s29] =	ssyncadd.s32 $0xFFFFC000  }
0x89: {  	[tilespmem:s24], [sflag:$0x2] =	stream.indirect.gather [hbm4b:s4+s21], $0x80, s21, s21, $0xb8;
	[tilespmem:$0x1BCC0] =	vst v63  }
.LBB2_5:
0x8a: {  	_ =	sfence.sel $0x180000  }
0x8b: {  	[bflag:$0x0] =	sbarrier.arrive $0xFFFF  }
0x8c: {  	_ =	strace $0x9000004D  }
0x8d: {  	s0 =	stileid.u32;
	[bflag:$0x2] =	sbarrier.arrive $0xFFFF  }
0x8e: {  	p0 =	sne.s32 s0, $0x0;
	s0 =	rddreg [dreg:$0x2]  }
0x8f: {  	s0 =	sadd.s32 @!p0 $0x100000, s0  }
0x90: {  	[sflag:s0] =	ssyncadd.tile.s32 @!p0 $0x1;
	_ =	shalt  }
.Lfunc_end2:
_tile_overlayer_lowered:
.L_overlay_start_2:
0x91: {  	(tag) =	ssettag $0x2  }
0x92: {  	s0 =	rddreg [dreg:$0x0];
	s2 =	stileid.u32  }
0x93: {  	s1 =	rddreg [dreg:$0x1];
	p0 =	sne.s32 s2, $0x0  }
0x94: {  	s3 =	rddreg [dreg:$0x2];
	[bflag:$0x3] =	sbarrier.arrive $0xFFFF;
	s2 =	simm.s32 @!p0 $0x1C04  }
0x95: {  	[timem:s3], [sflag:s2] =	dma.local @!p0 [hbm:s0], s1  }
0x96: {  	s0 =	simm.s32 @!p0 $0x4  }
0x97: {  	_ =	swait.ge @!p0 [sflag:s0], s1  }
0x98: {  	s1 =	ssub.s32 @!p0 $0x0, s1;
	[sflag:s0] =	ssyncset.done @!p0 $0x0  }
0x99: {  	[sflag:s0] =	ssyncadd.s32 @!p0 s1  }
0x9a: {  	[bflag:$0x3] =	sbarrier.arrive $0xFFFF  }
0x9b: {  	_ =	shalt  }

// kernel: kernel.19.cloned.1.call-start
scs
__scs_entry_jumppad:
0x0: {  	(pc) =	sbr.rel $0x88, $3  }
0x1: {  	(tag) =	ssettag $0x0;
	lr =	simm.s32 $0x1  }
0x2: {  	[smem:$0x3F95] =	sst lr;
	_ =	strace $0xD0000000  }
0x3: {  	_ = 	snop  }
0x4: {  	_ = 	snop  }
0x5: {  	_ = 	snop  }
0x6: {  	_ = 	snop  }
0x7: {  	_ = 	snop  }
__scs_overlays_trampoline_lowered:
0x8: {  	[smem:$0x3FA4] =	sst s0  }
0x9: {  	[smem:$0x3FA5] =	sst s1  }
0xa: {  	[smem:$0x3FA6] =	sst s2  }
0xb: {  	[smem:$0x3FA7] =	sst s3  }
0xc: {  	[smem:$0x3FA8] =	sst s4  }
0xd: {  	[smem:$0x3FA9] =	sst s5  }
0xe: {  	[smem:$0x3FAA] =	sst s6  }
0xf: {  	[smem:$0x3FAB] =	sst s7  }
0x10: {  	[smem:$0x3FAC] =	sst s8  }
0x11: {  	[smem:$0x3FAD] =	sst s9;
	s0 =	simm.s32 @!p0 $0x0  }
0x12: {  	s1 =	sld [smem:$0x3F93];
	s0 =	simm.s32 @p0 $0x1  }
0x13: {  	[smem:$0x3FAE] =	sst s0;
	s0 =	simm.s32 @!p1 $0x0  }
0x14: {  	s2 =	sld [smem:$0x3F92];
	s0 =	simm.s32 @p1 $0x1  }
0x15: {  	[smem:$0x3FAF] =	sst s0;
	s0 =	simm.s32 @!p2 $0x0  }
0x16: {  	s3 =	sld [smem:$0x3FDB];
	s0 =	simm.s32 @p2 $0x1  }
0x17: {  	s4 =	simm.s32 $0x1BF5;
	[smem:$0x3FB1] =	sst s0  }
0x18: {  	s0 =	sld [smem:$0x3F94];
	_ =	swait.ge [sflag:s4], $0x0  }
0x19: {  	s7 =	sld [smem:$0x3F95]  }
0x1a: {  	s8 =	sadd.s32 $0xFFFFE003, lr  }
0x1b: {  	s9 =	sadd.s32 $0xFFFFFEF7, lr;
	s5 =	simm.s32 $0xFFFFFFFF;
	p2 =	slt.u32 s8, $0xFFFFF086  }
0x1c: {  	p1 =	slt.u32 s9, $0xF7A;
	s5 =	simm.s32 @!p2 $0x0  }
0x1d: {  	s5 =	simm.s32 @p1 $0x1;
	p0 =	seq.s32 s7, s2  }
0x1e: {  	s7 =	smul.u32 @!p0 $0xF7A, s2;
	p2 =	seq.s32 @!p0 s5, $0x0  }
0x1f: {  	s9 =	smul.u32 $0xF7A, s1;
	s8 =	simm.s32 @!p0 $0x1BF5;
	p2 =	por !p2, p0  }
0x20: {  	[sflag:s8] =	ssyncset.s32 @!p0 $0xFFFFF086;
	s6 =	sadd.s32 @!p0 s3, s7;
	s7 =	simm.s32 @!p0 $0x108  }
0x21: {  	s3 =	sadd.s32 s3, s9;
	s6 =	sadd.s32 @!p0 $0x88, s6;
	s7 =	simm.s32 @p2 $0x1082  }
0x22: {  	[simem:s7], [sflag:s8] =	dma.local @!p0 [hbm:s6], $0xF7A  }
0x23: {  	s9 =	sor.u32 $0xD0000000, s2;
	s6 =	simm.s32 $0x108;
	_ =	swait.ge @!p0 [sflag:s8], $0x0  }
0x24: {  	s3 =	sadd.s32 $0x88, s3;
	s6 =	simm.s32 @!p1 $0x1082;
	[sflag:s4] =	ssyncset.s32 $0xFFFFF086  }
0x25: {  	[simem:s6], [sflag:s4] =	dma.local [hbm:s3], $0xF7A  }
0x26: {  	[smem:$0x3F95] =	sst s1;
	(tag) =	ssettag s2;
	_ =	strace s9  }
0x27: {  	s1 =	sld [smem:$0x3FA5]  }
0x28: {  	s2 =	sld [smem:$0x3FA6]  }
0x29: {  	s4 =	sld [smem:$0x3FA8]  }
0x2a: {  	p0 =	seq.s32 s5, $0x0;
	s5 =	sld [smem:$0x3FA9]  }
0x2b: {  	s6 =	sld [smem:$0x3FAA]  }
0x2c: {  	s7 =	sld [smem:$0x3FAB]  }
0x2d: {  	s3 =	simm.s32 $0x108;
	s8 =	sld [smem:$0x3FAC]  }
0x2e: {  	s3 =	simm.s32 @!p0 $0x1082;
	s9 =	sld [smem:$0x3FAD]  }
0x2f: {  	lr =	sadd.s32 s0, s3;
	s0 =	sld [smem:$0x3FA4]  }
0x30: {  	s3 =	sld [smem:$0x3FA7]  }
0x31: {  	[smem:$0x3FB0] =	sst s10  }
0x32: {  	s10 =	sld [smem:$0x3FAE];
	_ =	sdelay $0x3  }
0x33: {  	p0 =	seq.s32 s10, $0x1;
	s10 =	sld [smem:$0x3FB0];
	_ =	sdelay $0x3  }
0x34: {  	[smem:$0x3FB0] =	sst s10  }
0x35: {  	s10 =	sld [smem:$0x3FAF];
	_ =	sdelay $0x3  }
0x36: {  	p1 =	seq.s32 s10, $0x1;
	s10 =	sld [smem:$0x3FB0];
	_ =	sdelay $0x3  }
0x37: {  	[smem:$0x3FB0] =	sst s10  }
0x38: {  	s10 =	sld [smem:$0x3FB1]  }
0x39: {  	_ = 	snop;
	(pc) =	sbr.ind lr, $3  }
0x3a: {  	_ = 	snop  }
0x3b: {  	_ = 	snop  }
0x3c: {  	p2 =	seq.s32 s10, $0x1;
	s10 =	sld [smem:$0x3FB0]  }
0x3d: {  	_ =	shalt  }
0x3e: {  	_ =	shalt  }
0x3f: {  	_ =	shalt  }
0x40: {  	_ =	shalt  }
0x41: {  	_ =	shalt  }
0x42: {  	_ =	shalt  }
0x43: {  	_ =	shalt  }
0x44: {  	_ =	shalt  }
0x45: {  	_ =	shalt  }
0x46: {  	_ =	shalt  }
0x47: {  	_ =	shalt  }
0x48: {  	_ =	shalt  }
0x49: {  	_ =	shalt  }
0x4a: {  	_ =	shalt  }
0x4b: {  	_ =	shalt  }
0x4c: {  	_ =	shalt  }
0x4d: {  	_ =	shalt  }
0x4e: {  	_ =	shalt  }
0x4f: {  	_ =	shalt  }
0x50: {  	_ =	shalt  }
0x51: {  	_ =	shalt  }
0x52: {  	_ =	shalt  }
0x53: {  	_ =	shalt  }
0x54: {  	_ =	shalt  }
0x55: {  	_ =	shalt  }
0x56: {  	_ =	shalt  }
0x57: {  	_ =	shalt  }
0x58: {  	_ =	shalt  }
0x59: {  	_ =	shalt  }
0x5a: {  	_ =	shalt  }
0x5b: {  	_ =	shalt  }
0x5c: {  	_ =	shalt  }
0x5d: {  	_ =	shalt  }
0x5e: {  	_ =	shalt  }
0x5f: {  	_ =	shalt  }
0x60: {  	_ =	shalt  }
0x61: {  	_ =	shalt  }
0x62: {  	_ =	shalt  }
0x63: {  	_ =	shalt  }
0x64: {  	_ =	shalt  }
0x65: {  	_ =	shalt  }
0x66: {  	_ =	shalt  }
0x67: {  	_ =	shalt  }
0x68: {  	_ =	shalt  }
0x69: {  	_ =	shalt  }
0x6a: {  	_ =	shalt  }
0x6b: {  	_ =	shalt  }
0x6c: {  	_ =	shalt  }
0x6d: {  	_ =	shalt  }
0x6e: {  	_ =	shalt  }
0x6f: {  	_ =	shalt  }
0x70: {  	_ =	shalt  }
0x71: {  	_ =	shalt  }
0x72: {  	_ =	shalt  }
0x73: {  	_ =	shalt  }
0x74: {  	_ =	shalt  }
0x75: {  	_ =	shalt  }
0x76: {  	_ =	shalt  }
0x77: {  	_ =	shalt  }
0x78: {  	_ =	shalt  }
0x79: {  	_ =	shalt  }
0x7a: {  	_ =	shalt  }
0x7b: {  	_ =	shalt  }
0x7c: {  	_ =	shalt  }
0x7d: {  	_ =	shalt  }
0x7e: {  	_ =	shalt  }
0x7f: {  	_ =	shalt  }
0x80: {  	_ =	shalt  }
0x81: {  	_ =	shalt  }
0x82: {  	_ =	shalt  }
0x83: {  	_ =	shalt  }
0x84: {  	_ =	shalt  }
0x85: {  	_ =	shalt  }
0x86: {  	_ =	shalt  }
0x87: {  	_ =	shalt  }
.Lfunc_end0:
.L_simem_size_0:
called_computation.3_lowered:
.L_overlay_start_0:
0x88: {  	s2 =	sld [smem:$0x3FD9]  }
0x89: {  	s3 =	sld [smem:$0x3FFE];
	_ =	sdelay $0x1  }
0x8a: {  	s1 =	srdreg.scid  }
0x8b: {  	s0 =	sand.u32 $0x1, s1  }
0x8c: {  	s17 =	sshll.u32 s0, $0xA;
	s2 =	sadd.s32 s3, s2  }
0x8d: {  	s2 =	sadd.s32 s2, s17  }
0x8e: {  	[smem:$0x3FBC] =	sst s2  }
0x8f: {  	_ = 	snop  }
0x90: {  	s2 =	sld [smem:$0x3FD0];
	(tm) =	ssettm $0x1  }
0x91: {  	s18 =	sld [smem:$0x3FFB];
	_ =	sdelay $0x3  }
0x92: {  	_ =	strace s18  }
0x93: {  	s3 =	sld [smem:$0x3FFC];
	_ =	sdelay $0x3  }
0x94: {  	_ =	strace s3  }
0x95: {  	s3 =	sld [smem:$0x3FFD];
	_ =	sdelay $0x3  }
0x96: {  	_ =	strace s3  }
0x97: {  	_ =	strace $0x8FFFFFFF  }
0x98: {  	s19 =	sld [smem:$0x3FDB];
	_ =	sdelay $0x1  }
0x99: {  	s4 =	simm.s32 $_scs_section_size  }
0x9a: {  	s5 =	simm.s32 $_size__tile_overlayer_lowered;
	s6 =	simm.s32 $_tile_overlayer_lowered  }
0x9b: {  	s22 =	simm.s32 $0x1BFF;
	s21 =	sshll.u32 s6, $0x1;
	s3 =	sadd.s32 s4, s19  }
0x9c: {  	s7 =	simm.s32 $0x0;
	s20 =	sshll.u32 s5, $0x1;
	s5 =	sadd.s32 s21, s3  }
0x9d: {  	[timem:s7], [sflag:s22] =	dma.local [hbm:s5], s20  }
0x9e: {  	_ =	swait.ge [sflag:s22], s20  }
0x9f: {  	s4 =	ssub.s32 $0x0, s20;
	[sflag:s22] =	ssyncset.done $0x0  }
0xa0: {  	[sflag:s22] =	ssyncadd.s32 s4;
	_ =	sdelay $0x1  }
0xa1: {  	s23 =	simm.s32 $0x1B8B  }
0xa2: {  	_ =	swait.ge [sflag:s23], $0x1  }
0xa3: {  	[sflag:s23] =	ssyncset.done $0x0  }
0xa4: {  	s25 =	simm.s32 $0x1B8E;
	s24 =	sld [smem:$0x3FFE];
	[sflag:s23] =	ssyncadd.s32 $0xFFFFFFFF  }
0xa5: {  	s26 =	simm.s32 $execute0_lowered;
	[smem:$0x3FD2] =	sst s25  }
0xa6: {  	s5 =	sshll.u32 s26, $0x1;
	_ =	strace $0x8000004F;
	[dreg:$0x1] =	wrdreg $0xFFFFFFFF  }
0xa7: {  	s28 =	simm.s32 $_size_execute0_lowered;
	s3 =	sadd.s32 s3, s5;
	[dreg:$0x0] =	wrdreg $0x0  }
0xa8: {  	s5 =	sshll.u32 s28, $0x1;
	[dreg:$0x2] =	wrdreg s3  }
0xa9: {  	[dreg:$0x3] =	wrdreg s5  }
0xaa: {  	[dreg:$0x4] =	wrdreg $0xC0  }
0xab: {  	_ =	task [dreg:s7], $0x5FFFF  }
0xac: {  	[dreg:$0x1] =	wrdreg $0xFFFFFFFF  }
0xad: {  	[dreg:$0x0] =	wrdreg $0x60  }
0xae: {  	[dreg:$0x2] =	wrdreg s24  }
0xaf: {  	[dreg:$0x3] =	wrdreg s2  }
0xb0: {  	[dreg:$0x4] =	wrdreg $0x84000  }
0xb1: {  	[dreg:$0x5] =	wrdreg $0x9  }
0xb2: {  	_ =	task.clear_ibuf [dreg:s7], $0x6FFFF;
	_ =	strace $0x9000004F  }
0xb3: {  	s29 =	simm.s32 $0x9;
	_ =	strace $0x80000051  }
0xb4: {  	_ =	swait.ge [sflag:s29], $0x1  }
0xb5: {  	[sflag:s29] =	ssyncadd.s32 $0xFFFFFFFF  }
0xb6: {  	_ =	strace $0x90000051  }
0xb7: {  	_ =	sfence  }
0xb8: {  	s30 =	sld [smem:$0x0];
	_ =	sdelay $0x2  }
0xb9: {  	s31 =	sshll.u32 s1, $0xD;
	s1 =	sshrl.u32 s1, $0x2  }
0xba: {  	s3 =	sand.u32 $0x4000, s31;
	s1 =	sadd.s32 s1, s30  }
0xbb: {  	s0 =	sor.u32 s3, s0;
	s1 =	sshll.u32 s1, $0x11  }
0xbc: {  	s0 =	sor.u32 s1, s0  }
0xbd: {  	s0 =	sadd.s32 $0x8F2B, s0  }
0xbe: {  	[sflag:s0] =	ssyncadd.remote.s32 $0x1  }
0xbf: {  	_ =	sfence.sel $0xFFFF  }
0xc0: {  	[dreg:$0x0] =	wrdreg $0xFFFFFFFF;
	(pc) =	sbr.abs _section_cstart, $3  }
0xc1: {  	[dreg:$0x1] =	wrdreg $0xFFFFFFFF  }
0xc2: {  	_ =	task.clear_ibuf [dreg:s7], $0x2FFFF;
	_ =	strace $0x9FFFFFFF  }
0xc3: {  	(tm) =	ssettm $0x7FFFFFFF  }
tec
execute0_lowered:
.L_overlay_start_1:
0x0: {  	(tag) =	ssettag $0x1  }
0x1: {  	s0 =	rddreg [dreg:$0x0]  }
0x2: {  	s1 =	rddreg [dreg:$0x1]  }
0x3: {  	s2 =	rddreg [dreg:$0x2]  }
0x4: {  	s4 =	simm.s32 $0x0;
	s3 =	srdreg.scid;
	s12 =	stileid.u32  }
0x5: {  	s28 =	simm.s32 $0x1;
	s29 =	simm.s32 $0x100;
	s7 =	smul.u32 $0x1F400, s12  }
0x6: {  	s30 =	simm.s32 $0x300;
	[smem:$0x7FF] =	sst s4;
	s9 =	smul.u32 $0x7D000, s12  }
0x7: {  	s3 =	sand.u32 $0x1, s3;
	s6 =	sadd.s32 $0xB3600, s0;
	s14 =	smul.u32 $0x3E80, s12  }
0x8: {  	s8 =	sadd.s32 $0x2A00, s0;
	s16 =	smul.u32 $0x1400, s12;
	p0 =	sgt.u32 s12, $0x9  }
0x9: {  	s31 =	simm.s32 $0x3;
	s5 =	smul.u32 $0x138800, s3;
	_ =	strace $0x80000050  }
0xa: {  	s10 =	sshll.u32 s3, $0x4;
	s11 =	ssub.s32 $0x2, s3;
	s3 =	smul.u32 $0x14000, s3  }
0xb: {  	s10 =	sor.u32 s12, s10;
	s15 =	sshrl.u32 s11, $0x1;
	s9 =	sshrl.u32 s9, $0x2  }
0xc: {  	s5 =	sadd.s32 s7, s5;
	s10 =	smul.u32 $0x1400, s10;
	s9 =	sadd.s32 s9, s2  }
0xd: {  	s7 =	sadd.s32 s1, s14;
	s3 =	sadd.s32 s16, s3;
	[dreg:$0x4] =	wrdreg s9  }
0xe: {  	s5 =	sshrl.u32 s5, $0x3;
	[dreg:$0x5] =	wrdreg s7;
	s21 =	sor.u32 $0x280, s3  }
0xf: {  	s23 =	sor.u32 $0x200, s3;
	s25 =	sor.u32 $0x180, s3;
	s3 =	sor.u32 $0x100, s3  }
0x10: {  	s0 =	sadd.s32 s5, s0;
	s5 =	ssub.s32 s11, s15;
	s17 =	sshrl.u32 s10, $0x3  }
0x11: {  	s22 =	sshrl.u32 s21, $0x3;
	s24 =	sshrl.u32 s23, $0x3;
	s26 =	sshrl.u32 s3, $0x3  }
0x12: {  	s21 =	simm.s32 $0x4;
	s23 =	simm.s32 $0x80;
	s3 =	simm.s32 $0x180  }
0x13: {  	s18 =	sadd.s32 s6, s17;
	s19 =	sor.u32 $0x10, s17;
	s7 =	sadd.s32 s8, s17  }
0x14: {  	s0 =	sadd.s32 $0x7A00, s0;
	s5 =	smax.u32 s5, $0x1;
	s13 =	sadd.s32 s22, s8  }
0x15: {  	s14 =	sadd.s32 s22, s6;
	s15 =	sadd.s32 s24, s8;
	[dreg:$0x6] =	wrdreg s18  }
0x16: {  	s16 =	sadd.s32 s24, s6;
	s22 =	simm.s32 $0x200;
	[dreg:$0x7] =	wrdreg s7  }
0x17: {  	s24 =	simm.s32 $0x280;
	s20 =	sadd.s32 s6, s19;
	[dreg:$0xa] =	wrdreg s0  }
.Ltmp0:
0x18: {  	s9 =	sadd.s32 s8, s19;
	[dreg:$0xb] =	wrdreg s5;
	(pc) =	sbr.rel .LBB2_1-.Ltmp0, $4  }
0x19: {  	s5 =	sshrl.u32 s25, $0x3;
	s19 =	sadd.s32 s26, s8;
	[dreg:$0x8] =	wrdreg s20  }
0x1a: {  	s25 =	simm.s32 $0x400;
	s0 =	simm.s32 $0x2;
	[dreg:$0x9] =	wrdreg s9  }
0x1b: {  	s17 =	sadd.s32 s5, s8;
	s18 =	sadd.s32 s5, s6;
	s20 =	sadd.s32 s26, s6  }
0x1c: {  	s26 =	simm.s32 $0x4400;
	s5 =	simm.s32 $0x380;
	s6 =	simm.s32 $0x0  }
.LBB2_4:
0x1d: {  	_ =	swait.ge [sflag:s31], $0x4000  }
0x1e: {  	[sflag:s31] =	ssyncset.done $0x0  }
0x1f: {  	[sflag:s31] =	ssyncadd.s32 $0xFFFFC000  }
0x20: {  	[bflag:$0x0] =	sbarrier.arrive $0xFFFF  }
0x21: {  	s7 =	rddreg [dreg:$0xa]  }
0x22: {  	s9 =	rddreg [dreg:$0xc]  }
0x23: {  	[hbm:s7], [sflag:s9] =	dma.local @!p0 [spmem:s8], $0x3E80  }
0x24: {  	s7 =	simm.s32 @!p0 $0x4  }
0x25: {  	_ =	swait.ge @!p0 [sflag:s7], $0x3E80  }
0x26: {  	s6 =	sadd.s32 $0x1, s6;
	s12 =	rddreg [dreg:$0xb]  }
0x27: {  	p1 =	sne.s32 s6, s12  }
.Ltmp1:
0x28: {  	_ = 	snop;
	(pc) =	sbr.rel @!p1 .LBB2_5-.Ltmp1, $3  }
0x29: {  	_ =	sdelay $0x1  }
0x2a: {  	[sflag:s7] =	ssyncset.done @!p0 $0x0  }
0x2b: {  	[sflag:s7] =	ssyncadd.s32 @!p0 $0xFFFFC180  }
.LBB2_1:
0x2c: {  	s7 =	stileid.u32  }
0x2d: {  	s7 =	sshll.u32 @!p0 s7, $0x6  }
0x2e: {  	s9 =	sor.u32 @!p0 $0x1C04, s7;
	s7 =	rddreg [dreg:$0x4]  }
0x2f: {  	s8 =	sshrl.u32 @!p0 s7, $0x3;
	s7 =	rddreg [dreg:$0x5]  }
0x30: {  	[dreg:$0xc] =	wrdreg s9  }
0x31: {  	[spmem:s8], [sflag:s9] =	dma.local @!p0 [hbm:s7], $0x3E80  }
0x32: {  	s9 =	simm.s32 @!p0 $0x4  }
0x33: {  	_ =	swait.ge @!p0 [sflag:s9], $0x3E80  }
0x34: {  	[sflag:s9] =	ssyncset.done @!p0 $0x0  }
0x35: {  	[sflag:s9] =	ssyncadd.s32 @!p0 $0xFFFFC180  }
0x36: {  	[bflag:$0x0] =	sbarrier.arrive $0xFFFF  }
0x37: {  	s9 =	rddreg [dreg:$0x6]  }
0x38: {  	[tilespmem:s4], [sflag:$0x4] =	stream.linear.gather [hbm4b:s9+s4], $0x80, $0x38;
	[tilespmem:$0x1BCC0] =	vst v63  }
0x39: {  	_ =	swait.ge [sflag:s21], $0x80  }
0x3a: {  	[sflag:s21] =	ssyncset.done $0x0  }
0x3b: {  	s10 =	rddreg [dreg:$0x7];
	[sflag:s21] =	ssyncadd.s32 $0xFFFFFF80  }
0x3c: {  	[tilespmem:s22], [sflag:$0x4] =	stream.linear.gather [hbm4b:s10+s4], $0x80, $0x38;
	[tilespmem:$0x1BCC0] =	vst v63  }
0x3d: {  	_ =	swait.ge [sflag:s21], $0x80  }
0x3e: {  	[sflag:s21] =	ssyncset.done $0x0  }
0x3f: {  	s11 =	rddreg [dreg:$0x8];
	[sflag:s21] =	ssyncadd.s32 $0xFFFFFF80  }
0x40: {  	[tilespmem:s23], [sflag:$0x4] =	stream.linear.gather [hbm4b:s11+s4], $0x80, $0x38;
	[tilespmem:$0x1BCC0] =	vst v63  }
0x41: {  	_ =	swait.ge [sflag:s21], $0x80  }
0x42: {  	[sflag:s21] =	ssyncset.done $0x0  }
0x43: {  	s12 =	rddreg [dreg:$0x9];
	[sflag:s21] =	ssyncadd.s32 $0xFFFFFF80  }
0x44: {  	[tilespmem:s24], [sflag:$0x4] =	stream.linear.gather [hbm4b:s12+s4], $0x80, $0x38;
	[tilespmem:$0x1BCC0] =	vst v63  }
0x45: {  	_ =	swait.ge [sflag:s21], $0x80  }
0x46: {  	[sflag:s21] =	ssyncset.done $0x0  }
0x47: {  	[sflag:s21] =	ssyncadd.s32 $0xFFFFFF80  }
0x48: {  	[tilespmem:s25], [sflag:$0x1] =	stream.indirect.gather [hbm4b:s1+s23], $0x80, s4, s23, $0xb8;
	[tilespmem:$0x1BCC0] =	vst v63  }
0x49: {  	s9 =	simm.s32 $0x0  }
0x4a: {  	[tilespmem:s26], [sflag:$0x2] =	stream.indirect.gather [hbm4b:s1+s23], $0x80, s23, s23, $0xb8;
	[tilespmem:$0x1BCC0] =	vst v63  }
.LBB2_2:
0x4b: {  	_ =	swait.ge [sflag:s28], $0x4000  }
0x4c: {  	[sflag:s28] =	ssyncset.done $0x0  }
0x4d: {  	[sflag:s28] =	ssyncadd.s32 $0xFFFFC000  }
0x4e: {  	[spmem:s2] =	stream.indirect.scatter.add.f32 [tilespmem:s25], [sflag:$0x3], $0x80, s22, s23, $0xb8;
	[tilespmem:$0x1BCC0] =	vst v63  }
0x4f: {  	s10 =	sadd.s32 s9, s20  }
0x50: {  	[tilespmem:s29], [sflag:$0x4] =	stream.linear.gather [hbm4b:s10+s4], $0x80, $0x38;
	[tilespmem:$0x1BCC0] =	vst v63  }
0x51: {  	_ =	swait.ge [sflag:s21], $0x80  }
0x52: {  	[sflag:s21] =	ssyncset.done $0x0  }
0x53: {  	s7 =	sadd.s32 s9, s19;
	[sflag:s21] =	ssyncadd.s32 $0xFFFFFF80  }
0x54: {  	[tilespmem:s30], [sflag:$0x4] =	stream.linear.gather [hbm4b:s7+s4], $0x80, $0x38;
	[tilespmem:$0x1BCC0] =	vst v63  }
0x55: {  	_ =	swait.ge [sflag:s21], $0x80  }
0x56: {  	[sflag:s21] =	ssyncset.done $0x0  }
0x57: {  	[sflag:s21] =	ssyncadd.s32 $0xFFFFFF80  }
0x58: {  	_ =	swait.ge [sflag:s31], $0x4000  }
0x59: {  	[sflag:s31] =	ssyncset.done $0x0  }
0x5a: {  	[sflag:s31] =	ssyncadd.s32 $0xFFFFC000  }
0x5b: {  	[tilespmem:s25], [sflag:$0x1] =	stream.indirect.gather [hbm4b:s1+s23], $0x80, s29, s23, $0xb8;
	[tilespmem:$0x1BCC0] =	vst v63  }
0x5c: {  	_ =	swait.ge [sflag:s0], $0x4000  }
0x5d: {  	[sflag:s0] =	ssyncset.done $0x0  }
0x5e: {  	[sflag:s0] =	ssyncadd.s32 $0xFFFFC000  }
0x5f: {  	[spmem:s2] =	stream.indirect.scatter.add.f32 [tilespmem:s26], [sflag:$0x3], $0x80, s24, s23, $0xb8;
	[tilespmem:$0x1BCC0] =	vst v63  }
0x60: {  	s11 =	sadd.s32 s9, s18  }
0x61: {  	[tilespmem:s3], [sflag:$0x4] =	stream.linear.gather [hbm4b:s11+s4], $0x80, $0x38;
	[tilespmem:$0x1BCC0] =	vst v63  }
0x62: {  	_ =	swait.ge [sflag:s21], $0x80  }
0x63: {  	[sflag:s21] =	ssyncset.done $0x0  }
0x64: {  	s12 =	sadd.s32 s9, s17;
	[sflag:s21] =	ssyncadd.s32 $0xFFFFFF80  }
0x65: {  	[tilespmem:s5], [sflag:$0x4] =	stream.linear.gather [hbm4b:s12+s4], $0x80, $0x38;
	[tilespmem:$0x1BCC0] =	vst v63  }
0x66: {  	_ =	swait.ge [sflag:s21], $0x80  }
0x67: {  	[sflag:s21] =	ssyncset.done $0x0  }
0x68: {  	[sflag:s21] =	ssyncadd.s32 $0xFFFFFF80  }
0x69: {  	_ =	swait.ge [sflag:s31], $0x4000  }
0x6a: {  	[sflag:s31] =	ssyncset.done $0x0  }
0x6b: {  	[sflag:s31] =	ssyncadd.s32 $0xFFFFC000  }
0x6c: {  	[tilespmem:s26], [sflag:$0x2] =	stream.indirect.gather [hbm4b:s1+s23], $0x80, s3, s23, $0xb8;
	[tilespmem:$0x1BCC0] =	vst v63  }
0x6d: {  	_ =	swait.ge [sflag:s28], $0x4000  }
0x6e: {  	p1 =	seq.s32 s9, $0x240;
	[sflag:s28] =	ssyncset.done $0x0  }
0x6f: {  	s10 =	simm.s32 @p1 $0x3;
	[sflag:s28] =	ssyncadd.s32 $0xFFFFC000  }
0x70: {  	[spmem:s2] =	stream.indirect.scatter.add.f32 [tilespmem:s25], [sflag:$0x3], $0x80, s30, s23, $0xb8;
	[tilespmem:$0x1BCC0] =	vst v63  }
0x71: {  	_ =	swait.ge @p1 [sflag:s10], $0x4000  }
0x72: {  	[sflag:s10] =	ssyncset.done @p1 $0x0  }
0x73: {  	s11 =	simm.s32 @!p1 $0x0;
	[sflag:s10] =	ssyncadd.s32 @p1 $0xFFFFC000;
	s10 =	sadd.s32 @!p1 s9, s16  }
0x74: {  	[tilespmem:s11], [sflag:$0x4] =	stream.linear.gather @!p1 [hbm4b:s10+s11], $0x80, $0x38;
	[tilespmem:$0x1BCC0] =	vst v63  }
0x75: {  	s10 =	simm.s32 @!p1 $0x4  }
0x76: {  	_ =	swait.ge @!p1 [sflag:s10], $0x80  }
0x77: {  	[sflag:s10] =	ssyncset.done @!p1 $0x0  }
0x78: {  	s7 =	simm.s32 @!p1 $0x200;
	s12 =	sadd.s32 @!p1 s9, s15;
	[sflag:s10] =	ssyncadd.s32 @!p1 $0xFFFFFF80  }
0x79: {  	[tilespmem:s7], [sflag:$0x4] =	stream.linear.gather @!p1 [hbm4b:s12+s11], $0x80, $0x38;
	[tilespmem:$0x1BCC0] =	vst v63  }
0x7a: {  	_ =	swait.ge @!p1 [sflag:s10], $0x80  }
0x7b: {  	[sflag:s10] =	ssyncset.done @!p1 $0x0  }
0x7c: {  	s7 =	simm.s32 @!p1 $0x3;
	[sflag:s10] =	ssyncadd.s32 @!p1 $0xFFFFFF80  }
0x7d: {  	_ =	swait.ge @!p1 [sflag:s7], $0x4000  }
0x7e: {  	[sflag:s7] =	ssyncset.done @!p1 $0x0  }
0x7f: {  	s10 =	simm.s32 @!p1 $0x400;
	[sflag:s7] =	ssyncadd.s32 @!p1 $0xFFFFC000;
	s7 =	simm.s32 @!p1 $0x80  }
0x80: {  	[tilespmem:s10], [sflag:$0x1] =	stream.indirect.gather @!p1 [hbm4b:s1+s7], $0x80, s11, s7, $0xb8;
	[tilespmem:$0x1BCC0] =	vst v63  }
.Ltmp2:
0x81: {  	_ = 	snop;
	(pc) =	sbr.rel @p1 .LBB2_4-.Ltmp2, $4  }
0x82: {  	_ =	swait.ge [sflag:s0], $0x4000  }
0x83: {  	[sflag:s0] =	ssyncset.done $0x0  }
0x84: {  	[sflag:s0] =	ssyncadd.s32 $0xFFFFC000  }
0x85: {  	[spmem:s2] =	stream.indirect.scatter.add.f32 [tilespmem:s26], [sflag:$0x3], $0x80, s5, s23, $0xb8;
	[tilespmem:$0x1BCC0] =	vst v63  }
0x86: {  	s7 =	sadd.s32 s9, s14  }
0x87: {  	[tilespmem:s23], [sflag:$0x4] =	stream.linear.gather [hbm4b:s7+s4], $0x80, $0x38;
	[tilespmem:$0x1BCC0] =	vst v63  }
0x88: {  	_ =	swait.ge [sflag:s21], $0x80  }
0x89: {  	[sflag:s21] =	ssyncset.done $0x0  }
0x8a: {  	s12 =	sadd.s32 s9, s13;
	[sflag:s21] =	ssyncadd.s32 $0xFFFFFF80  }
0x8b: {  	[tilespmem:s24], [sflag:$0x4] =	stream.linear.gather [hbm4b:s12+s4], $0x80, $0x38;
	[tilespmem:$0x1BCC0] =	vst v63  }
0x8c: {  	_ =	swait.ge [sflag:s21], $0x80  }
0x8d: {  	[sflag:s21] =	ssyncset.done $0x0  }
.Ltmp3:
0x8e: {  	[sflag:s21] =	ssyncadd.s32 $0xFFFFFF80;
	(pc) =	sbr.rel .LBB2_2-.Ltmp3, $4  }
0x8f: {  	_ =	swait.ge [sflag:s31], $0x4000  }
0x90: {  	[sflag:s31] =	ssyncset.done $0x0  }
0x91: {  	s9 =	sadd.s32 $0x40, s9;
	[sflag:s31] =	ssyncadd.s32 $0xFFFFC000  }
0x92: {  	[tilespmem:s26], [sflag:$0x2] =	stream.indirect.gather [hbm4b:s1+s23], $0x80, s23, s23, $0xb8;
	[tilespmem:$0x1BCC0] =	vst v63  }
.LBB2_5:
0x93: {  	_ =	sfence.sel $0x180000  }
0x94: {  	[bflag:$0x0] =	sbarrier.arrive $0xFFFF  }
0x95: {  	_ =	strace $0x90000050  }
0x96: {  	s0 =	stileid.u32;
	[bflag:$0x2] =	sbarrier.arrive $0xFFFF  }
0x97: {  	p0 =	sne.s32 s0, $0x0;
	s0 =	rddreg [dreg:$0x3]  }
0x98: {  	s0 =	sadd.s32 @!p0 $0x100000, s0  }
0x99: {  	[sflag:s0] =	ssyncadd.tile.s32 @!p0 $0x1;
	_ =	shalt  }
.Lfunc_end2:
_tile_overlayer_lowered:
.L_overlay_start_2:
0x9a: {  	(tag) =	ssettag $0x2  }
0x9b: {  	s0 =	rddreg [dreg:$0x0];
	s2 =	stileid.u32  }
0x9c: {  	s1 =	rddreg [dreg:$0x1];
	p0 =	sne.s32 s2, $0x0  }
0x9d: {  	s3 =	rddreg [dreg:$0x2];
	[bflag:$0x3] =	sbarrier.arrive $0xFFFF;
	s2 =	simm.s32 @!p0 $0x1C04  }
0x9e: {  	[timem:s3], [sflag:s2] =	dma.local @!p0 [hbm:s0], s1  }
0x9f: {  	s0 =	simm.s32 @!p0 $0x4  }
0xa0: {  	_ =	swait.ge @!p0 [sflag:s0], s1  }
0xa1: {  	s1 =	ssub.s32 @!p0 $0x0, s1;
	[sflag:s0] =	ssyncset.done @!p0 $0x0  }
0xa2: {  	[sflag:s0] =	ssyncadd.s32 @!p0 s1  }
0xa3: {  	[bflag:$0x3] =	sbarrier.arrive $0xFFFF  }
0xa4: {  	_ =	shalt  }

</sc_bundles>
